<compile_context>
chip_gen: v7x
topology: tpu7x:2x2x1
jax: 0.10.2.dev20260603
libtpu: 0.0.44.dev20260713+nightly
codegen_flags: <defaults>
</compile_context>

<pallas_src>
import functools

import jax
import jax.numpy as jnp
from jax import lax
from jax.experimental import pallas as pl
from jax.experimental.pallas import tpu as pltpu
from jax.experimental.pallas import tpu_sc as plsc

B = 16384
NUMF = 13
L = 20
NFIELDS = 26
VOCAB = 100000
RC = 64

NC = 2
NS = 16
NW = NC * NS
BPW = B // NW
CB = 32
NCHUNK = BPW // CB


def _sc_emb_sum_t(flat_table, flat_idx):
    mesh = plsc.VectorSubcoreMesh(core_axis_name="c", subcore_axis_name="s")

    @functools.partial(
        pl.kernel,
        mesh=mesh,
        out_type=jax.ShapeDtypeStruct((RC, B), jnp.float32),
        scratch_types=[
            pltpu.VMEM((NFIELDS, CB), jnp.int32),
            pltpu.VMEM((NFIELDS, CB), jnp.int32),
            pltpu.VMEM((NFIELDS * CB, RC), jnp.float32),
            pltpu.VMEM((NFIELDS * CB, RC), jnp.float32),
            pltpu.VMEM((RC, CB), jnp.float32),
            pltpu.SemaphoreType.DMA,
            pltpu.SemaphoreType.DMA,
        ],
        compiler_params=pltpu.CompilerParams(use_tc_tiling_on_sc=False,
                                             needs_layout_passes=False),
    )
    def k(table_hbm, idx_hbm, out_hbm, idx0, idx1, rows0, rows1, acc,
          sem0, sem1):
        wid = lax.axis_index("s") * NC + lax.axis_index("c")
        b00 = wid * BPW
        idxs = (idx0, idx1)
        rowss = (rows0, rows1)
        sems = (sem0, sem1)

        def stage_and_fire(c, ib, rb, sb):
            pltpu.sync_copy(idx_hbm.at[:, pl.ds(b00 + c * CB, CB)], ib)
            for f in range(NFIELDS):
                pltpu.async_copy(table_hbm.at[ib.at[f]],
                                 rb.at[pl.ds(f * CB, CB)], sb)

        def drain(ib, rb, sb):
            for f in range(NFIELDS):
                pltpu.make_async_copy(table_hbm.at[ib.at[f]],
                                      rb.at[pl.ds(f * CB, CB)], sb).wait()

        stage_and_fire(0, idx0, rows0, sem0)
        o_lanes = [lax.iota(jnp.int32, 16) + kk * 16
                   for kk in range(RC // 16)]

        def pair_body(i, _):
            for p in range(2):
                c = 2 * i + p
                nc = c + 1
                ib, rb, sb = idxs[p], rowss[p], sems[p]
                ob, rob, sob = idxs[1 - p], rowss[1 - p], sems[1 - p]

                @pl.when(nc < NCHUNK)
                def _():
                    stage_and_fire(nc, ob, rob, sob)

                drain(ib, rb, sb)

                def red_body(b, _):
                    b_lane = jnp.full((16,), b, dtype=jnp.int32)
                    for kk in range(RC // 16):
                        vs = [rb[f * CB + b, pl.ds(kk * 16, 16)]
                              for f in range(NFIELDS)]
                        while len(vs) > 1:
                            nxt = [vs[j] + vs[j + 1]
                                   for j in range(0, len(vs) - 1, 2)]
                            if len(vs) % 2:
                                nxt.append(vs[-1])
                            vs = nxt
                        plsc.store_scatter(acc, [o_lanes[kk], b_lane], vs[0])
                    return 0

                lax.fori_loop(0, CB, red_body, 0)
                pltpu.sync_copy(acc, out_hbm.at[:, pl.ds(b00 + c * CB, CB)])
            return 0

        lax.fori_loop(0, NCHUNK // 2, pair_body, 0)

    return k(flat_table, flat_idx)


def _tc_stats(xt):
    def body(x_ref, s_ref):
        x = x_ref[...]
        s_ref[0, :] = jnp.sum(jnp.sum(x, axis=1), axis=1)
        s_ref[1, :] = jnp.sum(jnp.sum(x * x, axis=1), axis=1)

    return pl.pallas_call(
        body,
        out_shape=jax.ShapeDtypeStruct((2, NUMF), jnp.float32),
    )(xt)


def _tc_main(xt, emb_t, weff, bias_c):
    BBK = 2048
    grid = (B // BBK,)

    def body(w_ref, b_ref, x_ref, e_ref, o_ref):
        w = w_ref[...]
        e = e_ref[...] + b_ref[...]
        for l in range(L):
            o_ref[l] = jnp.dot(w, x_ref[:, l, :],
                               preferred_element_type=jnp.float32) + e

    return pl.pallas_call(
        body,
        grid=grid,
        in_specs=[
            pl.BlockSpec((RC, NUMF), lambda j: (0, 0)),
            pl.BlockSpec((RC, 1), lambda j: (0, 0)),
            pl.BlockSpec((NUMF, L, BBK), lambda j: (0, 0, j)),
            pl.BlockSpec((RC, BBK), lambda j: (0, j)),
        ],
        out_specs=pl.BlockSpec((L, RC, BBK), lambda j: (0, 0, j)),
        out_shape=jax.ShapeDtypeStruct((L, RC, B), jnp.float32),
    )(weff, bias_c, xt, emb_t)


def kernel(num_feat, emb_feat, bn_gamma, bn_beta, conv_w, conv_b, emb_tables):
    xt = jnp.transpose(num_feat, (1, 2, 0))
    femb = jnp.transpose(emb_feat, (1, 0))

    flat_table = emb_tables.reshape(NFIELDS * VOCAB, RC)
    flat_idx = femb + (jnp.arange(NFIELDS, dtype=jnp.int32) * VOCAB)[:, None]
    emb_t = _sc_emb_sum_t(flat_table, flat_idx)

    stats = _tc_stats(xt)

    n = float(B * L)
    mean = stats[0] / n
    var = stats[1] / n - mean * mean
    scale = bn_gamma / jnp.sqrt(var + 1e-5)
    shift = bn_beta - mean * scale
    w = conv_w[:, :, 0]
    weff = w * scale[None, :]
    bias_c = (w @ shift + conv_b)[:, None]

    out_t = _tc_main(xt, emb_t, weff, bias_c)
    return jnp.transpose(out_t, (2, 1, 0))

# --- scband reference (transcript-rebuilt; emitter-appended) ---
"""Pipeline reference for scband-net-46282567581707 (READ-ONLY COPY).

The authoritative reference and input builder live on the scoring server;
editing this copy changes nothing except your own understanding.
"""

import jax, jax.numpy as jnp
import numpy as np

B = 16384
NUMF = 13
L = 20
NFIELDS = 26
VOCAB = 100000
RC = 64


def setup_inputs(seed: int = 0) -> dict:
    key = jax.random.key(seed)
    k0, k1, k2, k3 = jax.random.split(key, 4)
    num_feat = jax.random.normal(k0, (B, NUMF, L), dtype=jnp.float32)
    emb_feat = jax.random.randint(k1, (B, NFIELDS), 0, VOCAB, dtype=jnp.int32)
    # BatchNorm1d params (training-mode batch stats are computed in forward)
    bn_gamma = jnp.ones((NUMF,), dtype=jnp.float32)
    bn_beta = jnp.zeros((NUMF,), dtype=jnp.float32)
    # Conv1d(kernel_size=1) params
    conv_w = jax.random.normal(k2, (RC, NUMF, 1), dtype=jnp.float32) * (1.0 / np.sqrt(NUMF))
    conv_b = jnp.zeros((RC,), dtype=jnp.float32)
    # 26 embedding tables, all [VOCAB, RC], stacked for convenience
    emb_tables = jax.random.normal(k3, (NFIELDS, VOCAB, RC), dtype=jnp.float32) * 0.05
    return {
        "num_feat": num_feat,
        "emb_feat": emb_feat,
        "bn_gamma": bn_gamma,
        "bn_beta": bn_beta,
        "conv_w": conv_w,
        "conv_b": conv_b,
        "emb_tables": emb_tables,
    }


def reference(num_feat, emb_feat, bn_gamma, bn_beta, conv_w, conv_b, emb_tables):
    # BatchNorm1d over [B, C, L]: normalize per-channel over (B, L) (training mode)
    mean = jnp.mean(num_feat, axis=(0, 2), keepdims=True)
    var = jnp.var(num_feat, axis=(0, 2), keepdims=True)
    xn = (num_feat - mean) / jnp.sqrt(var + 1e-5)
    xn = xn * bn_gamma[None, :, None] + bn_beta[None, :, None]
    # Conv1d with kernel_size=1 == per-position linear over channel dim
    out = jnp.einsum('bcl,oc->bol', xn, conv_w[:, :, 0]) + conv_b[None, :, None]
    # sum of per-field embedding lookups, broadcast over length dim
    gathered = jax.vmap(lambda tbl, idx: jnp.take(tbl, idx, axis=0), in_axes=(0, 1))(emb_tables, emb_feat)  # [NFIELDS, B, RC]
    out = out + jnp.sum(gathered, axis=0)[:, :, None]
    return out

if __name__ == "__main__":
    import jax
    _d = setup_inputs()
    print(jax.jit(kernel)(*tuple(_d.values())))

</pallas_src>

<mosaic_0001>
#map = affine_map<(d0, d1) -> (0, 0)>
module attributes {stable_mosaic.version = 14 : i64} {
  func.func @k(%arg0: i32, %arg1: i32, %arg2: memref<2600000x64xf32, #tpu.memory_space<hbm>>, %arg3: memref<26x16384xi32, #tpu.memory_space<hbm>>, %arg4: memref<64x16384xf32, #tpu.memory_space<hbm>>, %arg5: memref<26x32xi32, #tpu.memory_space<vmem>>, %arg6: memref<26x32xi32, #tpu.memory_space<vmem>>, %arg7: memref<832x64xf32, #tpu.memory_space<vmem>>, %arg8: memref<832x64xf32, #tpu.memory_space<vmem>>, %arg9: memref<64x32xf32, #tpu.memory_space<vmem>>, %arg10: memref<!tpu.dma_semaphore, #tpu.memory_space<semaphore_mem>>, %arg11: memref<!tpu.dma_semaphore, #tpu.memory_space<semaphore_mem>>) attributes {dimension_semantics = [#tpu.dimension_semantics<core_parallel>, #tpu.dimension_semantics<subcore_parallel>], iteration_bounds = array<i64: 2, 16>, scalar_prefetch = 0 : i64, scratch_operands = 7 : i64, tpu.core_type = #tpu.core_type<sc_vector_subcore>, window_params = [{transform_indices = #map}, {transform_indices = #map}, {transform_indices = #map}]} {
    %mul3A = arith.constant 2 : i32
    %mul3A_0 = arith.muli %arg1, %mul3A : i32
    %add3A = arith.addi %mul3A_0, %arg0 : i32
    %mul3A_1 = arith.constant 512 : i32
    %mul3A_2 = arith.muli %add3A, %mul3A_1 : i32
    %add3A_3 = arith.constant 0 : i32
    %add3A_4 = arith.addi %mul3A_2, %add3A_3 : i32
    "tpu.region"() ({
      %run_scoped3A = tpu.sem_alloc : memref<!tpu.dma_semaphore, #tpu.memory_space<semaphore_mem>>
      %dma_start3A_285 = arith.constant 0 : i32
      %dma_start3A_286 = tpu.memref_slice %arg3[%dma_start3A_285, %add3A_4] : memref<26x16384xi32, #tpu.memory_space<hbm>> -> memref<26x32xi32, #tpu.memory_space<hbm>>
      %dma_start3A_287 = arith.constant 0 : i32
      %dma_start3A_288 = tpu.memref_slice %arg3[%dma_start3A_287, %add3A_4] : memref<26x16384xi32, #tpu.memory_space<hbm>> -> memref<26x32xi32, #tpu.memory_space<hbm>>
      tpu.enqueue_dma source(%dma_start3A_288 : memref<26x32xi32, #tpu.memory_space<hbm>>) target(%arg5 : memref<26x32xi32, #tpu.memory_space<vmem>>) target_semaphore(%run_scoped3A : memref<!tpu.dma_semaphore, #tpu.memory_space<semaphore_mem>>)
      %dma_wait3A = arith.constant 0 : i32
      %dma_wait3A_289 = tpu.memref_slice %arg3[%dma_wait3A, %add3A_4] : memref<26x16384xi32, #tpu.memory_space<hbm>> -> memref<26x32xi32, #tpu.memory_space<hbm>>
      %dma_wait3A_290 = arith.constant 0 : i32
      %dma_wait3A_291 = tpu.memref_slice %arg3[%dma_wait3A_290, %add3A_4] : memref<26x16384xi32, #tpu.memory_space<hbm>> -> memref<26x32xi32, #tpu.memory_space<hbm>>
      tpu.wait_dma2 semaphore(%run_scoped3A : memref<!tpu.dma_semaphore, #tpu.memory_space<semaphore_mem>>) src(%dma_wait3A_291 : memref<26x32xi32, #tpu.memory_space<hbm>>) dst(%arg5 : memref<26x32xi32, #tpu.memory_space<vmem>>)
      tpu.yield
    }) : () -> ()
    %dma_start3A = arith.constant 0 : i32
    %dma_start3A_5 = arith.constant 0 : i32
    %dma_start3A_6 = arith.constant 0 : i32
    %dma_start3A_7 = tpu.memref_slice %arg7[%dma_start3A_5, %dma_start3A_6] : memref<832x64xf32, #tpu.memory_space<vmem>> -> memref<32x64xf32, #tpu.memory_space<vmem>>
    %dma_start3A_8 = arith.constant 0 : i32
    %dma_start3A_9 = tpu.memref_slice %arg5[%dma_start3A, %dma_start3A_8] : memref<26x32xi32, #tpu.memory_space<vmem>> -> memref<1x32xi32, #tpu.memory_space<vmem>>
    %dma_start3A_10 = tpu.memref_squeeze %dma_start3A_9 : memref<1x32xi32, #tpu.memory_space<vmem>> -> memref<32xi32, #tpu.memory_space<vmem>>
    %dma_start3A_11 = arith.constant 0 : i32
    %dma_start3A_12 = arith.constant 0 : i32
    %dma_start3A_13 = tpu.memref_slice %arg2[%dma_start3A_11, %dma_start3A_12] : memref<2600000x64xf32, #tpu.memory_space<hbm>> -> memref<2600000x64xf32, #tpu.memory_space<hbm>>
    tpu.enqueue_indirect_dma source(%dma_start3A_13 : memref<2600000x64xf32, #tpu.memory_space<hbm>>) target(%dma_start3A_7 : memref<32x64xf32, #tpu.memory_space<vmem>>) offsets(%dma_start3A_10 : memref<32xi32, #tpu.memory_space<vmem>>) semaphore(%arg10 : memref<!tpu.dma_semaphore, #tpu.memory_space<semaphore_mem>>)
    %dma_start3A_14 = arith.constant 1 : i32
    %dma_start3A_15 = arith.constant 32 : i32
    %dma_start3A_16 = arith.constant 0 : i32
    %dma_start3A_17 = tpu.memref_slice %arg7[%dma_start3A_15, %dma_start3A_16] : memref<832x64xf32, #tpu.memory_space<vmem>> -> memref<32x64xf32, #tpu.memory_space<vmem>>
    %dma_start3A_18 = arith.constant 0 : i32
    %dma_start3A_19 = tpu.memref_slice %arg5[%dma_start3A_14, %dma_start3A_18] : memref<26x32xi32, #tpu.memory_space<vmem>> -> memref<1x32xi32, #tpu.memory_space<vmem>>
    %dma_start3A_20 = tpu.memref_squeeze %dma_start3A_19 : memref<1x32xi32, #tpu.memory_space<vmem>> -> memref<32xi32, #tpu.memory_space<vmem>>
    %dma_start3A_21 = arith.constant 0 : i32
    %dma_start3A_22 = arith.constant 0 : i32
    %dma_start3A_23 = tpu.memref_slice %arg2[%dma_start3A_21, %dma_start3A_22] : memref<2600000x64xf32, #tpu.memory_space<hbm>> -> memref<2600000x64xf32, #tpu.memory_space<hbm>>
    tpu.enqueue_indirect_dma source(%dma_start3A_23 : memref<2600000x64xf32, #tpu.memory_space<hbm>>) target(%dma_start3A_17 : memref<32x64xf32, #tpu.memory_space<vmem>>) offsets(%dma_start3A_20 : memref<32xi32, #tpu.memory_space<vmem>>) semaphore(%arg10 : memref<!tpu.dma_semaphore, #tpu.memory_space<semaphore_mem>>)
    %dma_start3A_24 = arith.constant 2 : i32
    %dma_start3A_25 = arith.constant 64 : i32
    %dma_start3A_26 = arith.constant 0 : i32
    %dma_start3A_27 = tpu.memref_slice %arg7[%dma_start3A_25, %dma_start3A_26] : memref<832x64xf32, #tpu.memory_space<vmem>> -> memref<32x64xf32, #tpu.memory_space<vmem>>
    %dma_start3A_28 = arith.constant 0 : i32
    %dma_start3A_29 = tpu.memref_slice %arg5[%dma_start3A_24, %dma_start3A_28] : memref<26x32xi32, #tpu.memory_space<vmem>> -> memref<1x32xi32, #tpu.memory_space<vmem>>
    %dma_start3A_30 = tpu.memref_squeeze %dma_start3A_29 : memref<1x32xi32, #tpu.memory_space<vmem>> -> memref<32xi32, #tpu.memory_space<vmem>>
    %dma_start3A_31 = arith.constant 0 : i32
    %dma_start3A_32 = arith.constant 0 : i32
    %dma_start3A_33 = tpu.memref_slice %arg2[%dma_start3A_31, %dma_start3A_32] : memref<2600000x64xf32, #tpu.memory_space<hbm>> -> memref<2600000x64xf32, #tpu.memory_space<hbm>>
    tpu.enqueue_indirect_dma source(%dma_start3A_33 : memref<2600000x64xf32, #tpu.memory_space<hbm>>) target(%dma_start3A_27 : memref<32x64xf32, #tpu.memory_space<vmem>>) offsets(%dma_start3A_30 : memref<32xi32, #tpu.memory_space<vmem>>) semaphore(%arg10 : memref<!tpu.dma_semaphore, #tpu.memory_space<semaphore_mem>>)
    %dma_start3A_34 = arith.constant 3 : i32
    %dma_start3A_35 = arith.constant 96 : i32
    %dma_start3A_36 = arith.constant 0 : i32
    %dma_start3A_37 = tpu.memref_slice %arg7[%dma_start3A_35, %dma_start3A_36] : memref<832x64xf32, #tpu.memory_space<vmem>> -> memref<32x64xf32, #tpu.memory_space<vmem>>
    %dma_start3A_38 = arith.constant 0 : i32
    %dma_start3A_39 = tpu.memref_slice %arg5[%dma_start3A_34, %dma_start3A_38] : memref<26x32xi32, #tpu.memory_space<vmem>> -> memref<1x32xi32, #tpu.memory_space<vmem>>
    %dma_start3A_40 = tpu.memref_squeeze %dma_start3A_39 : memref<1x32xi32, #tpu.memory_space<vmem>> -> memref<32xi32, #tpu.memory_space<vmem>>
    %dma_start3A_41 = arith.constant 0 : i32
    %dma_start3A_42 = arith.constant 0 : i32
    %dma_start3A_43 = tpu.memref_slice %arg2[%dma_start3A_41, %dma_start3A_42] : memref<2600000x64xf32, #tpu.memory_space<hbm>> -> memref<2600000x64xf32, #tpu.memory_space<hbm>>
    tpu.enqueue_indirect_dma source(%dma_start3A_43 : memref<2600000x64xf32, #tpu.memory_space<hbm>>) target(%dma_start3A_37 : memref<32x64xf32, #tpu.memory_space<vmem>>) offsets(%dma_start3A_40 : memref<32xi32, #tpu.memory_space<vmem>>) semaphore(%arg10 : memref<!tpu.dma_semaphore, #tpu.memory_space<semaphore_mem>>)
    %dma_start3A_44 = arith.constant 4 : i32
    %dma_start3A_45 = arith.constant 128 : i32
    %dma_start3A_46 = arith.constant 0 : i32
    %dma_start3A_47 = tpu.memref_slice %arg7[%dma_start3A_45, %dma_start3A_46] : memref<832x64xf32, #tpu.memory_space<vmem>> -> memref<32x64xf32, #tpu.memory_space<vmem>>
    %dma_start3A_48 = arith.constant 0 : i32
    %dma_start3A_49 = tpu.memref_slice %arg5[%dma_start3A_44, %dma_start3A_48] : memref<26x32xi32, #tpu.memory_space<vmem>> -> memref<1x32xi32, #tpu.memory_space<vmem>>
    %dma_start3A_50 = tpu.memref_squeeze %dma_start3A_49 : memref<1x32xi32, #tpu.memory_space<vmem>> -> memref<32xi32, #tpu.memory_space<vmem>>
    %dma_start3A_51 = arith.constant 0 : i32
    %dma_start3A_52 = arith.constant 0 : i32
    %dma_start3A_53 = tpu.memref_slice %arg2[%dma_start3A_51, %dma_start3A_52] : memref<2600000x64xf32, #tpu.memory_space<hbm>> -> memref<2600000x64xf32, #tpu.memory_space<hbm>>
    tpu.enqueue_indirect_dma source(%dma_start3A_53 : memref<2600000x64xf32, #tpu.memory_space<hbm>>) target(%dma_start3A_47 : memref<32x64xf32, #tpu.memory_space<vmem>>) offsets(%dma_start3A_50 : memref<32xi32, #tpu.memory_space<vmem>>) semaphore(%arg10 : memref<!tpu.dma_semaphore, #tpu.memory_space<semaphore_mem>>)
    %dma_start3A_54 = arith.constant 5 : i32
    %dma_start3A_55 = arith.constant 160 : i32
    %dma_start3A_56 = arith.constant 0 : i32
    %dma_start3A_57 = tpu.memref_slice %arg7[%dma_start3A_55, %dma_start3A_56] : memref<832x64xf32, #tpu.memory_space<vmem>> -> memref<32x64xf32, #tpu.memory_space<vmem>>
    %dma_start3A_58 = arith.constant 0 : i32
    %dma_start3A_59 = tpu.memref_slice %arg5[%dma_start3A_54, %dma_start3A_58] : memref<26x32xi32, #tpu.memory_space<vmem>> -> memref<1x32xi32, #tpu.memory_space<vmem>>
    %dma_start3A_60 = tpu.memref_squeeze %dma_start3A_59 : memref<1x32xi32, #tpu.memory_space<vmem>> -> memref<32xi32, #tpu.memory_space<vmem>>
    %dma_start3A_61 = arith.constant 0 : i32
    %dma_start3A_62 = arith.constant 0 : i32
    %dma_start3A_63 = tpu.memref_slice %arg2[%dma_start3A_61, %dma_start3A_62] : memref<2600000x64xf32, #tpu.memory_space<hbm>> -> memref<2600000x64xf32, #tpu.memory_space<hbm>>
    tpu.enqueue_indirect_dma source(%dma_start3A_63 : memref<2600000x64xf32, #tpu.memory_space<hbm>>) target(%dma_start3A_57 : memref<32x64xf32, #tpu.memory_space<vmem>>) offsets(%dma_start3A_60 : memref<32xi32, #tpu.memory_space<vmem>>) semaphore(%arg10 : memref<!tpu.dma_semaphore, #tpu.memory_space<semaphore_mem>>)
    %dma_start3A_64 = arith.constant 6 : i32
    %dma_start3A_65 = arith.constant 192 : i32
    %dma_start3A_66 = arith.constant 0 : i32
    %dma_start3A_67 = tpu.memref_slice %arg7[%dma_start3A_65, %dma_start3A_66] : memref<832x64xf32, #tpu.memory_space<vmem>> -> memref<32x64xf32, #tpu.memory_space<vmem>>
    %dma_start3A_68 = arith.constant 0 : i32
    %dma_start3A_69 = tpu.memref_slice %arg5[%dma_start3A_64, %dma_start3A_68] : memref<26x32xi32, #tpu.memory_space<vmem>> -> memref<1x32xi32, #tpu.memory_space<vmem>>
    %dma_start3A_70 = tpu.memref_squeeze %dma_start3A_69 : memref<1x32xi32, #tpu.memory_space<vmem>> -> memref<32xi32, #tpu.memory_space<vmem>>
    %dma_start3A_71 = arith.constant 0 : i32
    %dma_start3A_72 = arith.constant 0 : i32
    %dma_start3A_73 = tpu.memref_slice %arg2[%dma_start3A_71, %dma_start3A_72] : memref<2600000x64xf32, #tpu.memory_space<hbm>> -> memref<2600000x64xf32, #tpu.memory_space<hbm>>
    tpu.enqueue_indirect_dma source(%dma_start3A_73 : memref<2600000x64xf32, #tpu.memory_space<hbm>>) target(%dma_start3A_67 : memref<32x64xf32, #tpu.memory_space<vmem>>) offsets(%dma_start3A_70 : memref<32xi32, #tpu.memory_space<vmem>>) semaphore(%arg10 : memref<!tpu.dma_semaphore, #tpu.memory_space<semaphore_mem>>)
    %dma_start3A_74 = arith.constant 7 : i32
    %dma_start3A_75 = arith.constant 224 : i32
    %dma_start3A_76 = arith.constant 0 : i32
    %dma_start3A_77 = tpu.memref_slice %arg7[%dma_start3A_75, %dma_start3A_76] : memref<832x64xf32, #tpu.memory_space<vmem>> -> memref<32x64xf32, #tpu.memory_space<vmem>>
    %dma_start3A_78 = arith.constant 0 : i32
    %dma_start3A_79 = tpu.memref_slice %arg5[%dma_start3A_74, %dma_start3A_78] : memref<26x32xi32, #tpu.memory_space<vmem>> -> memref<1x32xi32, #tpu.memory_space<vmem>>
    %dma_start3A_80 = tpu.memref_squeeze %dma_start3A_79 : memref<1x32xi32, #tpu.memory_space<vmem>> -> memref<32xi32, #tpu.memory_space<vmem>>
    %dma_start3A_81 = arith.constant 0 : i32
    %dma_start3A_82 = arith.constant 0 : i32
    %dma_start3A_83 = tpu.memref_slice %arg2[%dma_start3A_81, %dma_start3A_82] : memref<2600000x64xf32, #tpu.memory_space<hbm>> -> memref<2600000x64xf32, #tpu.memory_space<hbm>>
    tpu.enqueue_indirect_dma source(%dma_start3A_83 : memref<2600000x64xf32, #tpu.memory_space<hbm>>) target(%dma_start3A_77 : memref<32x64xf32, #tpu.memory_space<vmem>>) offsets(%dma_start3A_80 : memref<32xi32, #tpu.memory_space<vmem>>) semaphore(%arg10 : memref<!tpu.dma_semaphore, #tpu.memory_space<semaphore_mem>>)
    %dma_start3A_84 = arith.constant 8 : i32
    %dma_start3A_85 = arith.constant 256 : i32
    %dma_start3A_86 = arith.constant 0 : i32
    %dma_start3A_87 = tpu.memref_slice %arg7[%dma_start3A_85, %dma_start3A_86] : memref<832x64xf32, #tpu.memory_space<vmem>> -> memref<32x64xf32, #tpu.memory_space<vmem>>
    %dma_start3A_88 = arith.constant 0 : i32
    %dma_start3A_89 = tpu.memref_slice %arg5[%dma_start3A_84, %dma_start3A_88] : memref<26x32xi32, #tpu.memory_space<vmem>> -> memref<1x32xi32, #tpu.memory_space<vmem>>
    %dma_start3A_90 = tpu.memref_squeeze %dma_start3A_89 : memref<1x32xi32, #tpu.memory_space<vmem>> -> memref<32xi32, #tpu.memory_space<vmem>>
    %dma_start3A_91 = arith.constant 0 : i32
    %dma_start3A_92 = arith.constant 0 : i32
    %dma_start3A_93 = tpu.memref_slice %arg2[%dma_start3A_91, %dma_start3A_92] : memref<2600000x64xf32, #tpu.memory_space<hbm>> -> memref<2600000x64xf32, #tpu.memory_space<hbm>>
    tpu.enqueue_indirect_dma source(%dma_start3A_93 : memref<2600000x64xf32, #tpu.memory_space<hbm>>) target(%dma_start3A_87 : memref<32x64xf32, #tpu.memory_space<vmem>>) offsets(%dma_start3A_90 : memref<32xi32, #tpu.memory_space<vmem>>) semaphore(%arg10 : memref<!tpu.dma_semaphore, #tpu.memory_space<semaphore_mem>>)
    %dma_start3A_94 = arith.constant 9 : i32
    %dma_start3A_95 = arith.constant 288 : i32
    %dma_start3A_96 = arith.constant 0 : i32
    %dma_start3A_97 = tpu.memref_slice %arg7[%dma_start3A_95, %dma_start3A_96] : memref<832x64xf32, #tpu.memory_space<vmem>> -> memref<32x64xf32, #tpu.memory_space<vmem>>
    %dma_start3A_98 = arith.constant 0 : i32
    %dma_start3A_99 = tpu.memref_slice %arg5[%dma_start3A_94, %dma_start3A_98] : memref<26x32xi32, #tpu.memory_space<vmem>> -> memref<1x32xi32, #tpu.memory_space<vmem>>
    %dma_start3A_100 = tpu.memref_squeeze %dma_start3A_99 : memref<1x32xi32, #tpu.memory_space<vmem>> -> memref<32xi32, #tpu.memory_space<vmem>>
    %dma_start3A_101 = arith.constant 0 : i32
    %dma_start3A_102 = arith.constant 0 : i32
    %dma_start3A_103 = tpu.memref_slice %arg2[%dma_start3A_101, %dma_start3A_102] : memref<2600000x64xf32, #tpu.memory_space<hbm>> -> memref<2600000x64xf32, #tpu.memory_space<hbm>>
    tpu.enqueue_indirect_dma source(%dma_start3A_103 : memref<2600000x64xf32, #tpu.memory_space<hbm>>) target(%dma_start3A_97 : memref<32x64xf32, #tpu.memory_space<vmem>>) offsets(%dma_start3A_100 : memref<32xi32, #tpu.memory_space<vmem>>) semaphore(%arg10 : memref<!tpu.dma_semaphore, #tpu.memory_space<semaphore_mem>>)
    %dma_start3A_104 = arith.constant 10 : i32
    %dma_start3A_105 = arith.constant 320 : i32
    %dma_start3A_106 = arith.constant 0 : i32
    %dma_start3A_107 = tpu.memref_slice %arg7[%dma_start3A_105, %dma_start3A_106] : memref<832x64xf32, #tpu.memory_space<vmem>> -> memref<32x64xf32, #tpu.memory_space<vmem>>
    %dma_start3A_108 = arith.constant 0 : i32
    %dma_start3A_109 = tpu.memref_slice %arg5[%dma_start3A_104, %dma_start3A_108] : memref<26x32xi32, #tpu.memory_space<vmem>> -> memref<1x32xi32, #tpu.memory_space<vmem>>
    %dma_start3A_110 = tpu.memref_squeeze %dma_start3A_109 : memref<1x32xi32, #tpu.memory_space<vmem>> -> memref<32xi32, #tpu.memory_space<vmem>>
    %dma_start3A_111 = arith.constant 0 : i32
    %dma_start3A_112 = arith.constant 0 : i32
    %dma_start3A_113 = tpu.memref_slice %arg2[%dma_start3A_111, %dma_start3A_112] : memref<2600000x64xf32, #tpu.memory_space<hbm>> -> memref<2600000x64xf32, #tpu.memory_space<hbm>>
    tpu.enqueue_indirect_dma source(%dma_start3A_113 : memref<2600000x64xf32, #tpu.memory_space<hbm>>) target(%dma_start3A_107 : memref<32x64xf32, #tpu.memory_space<vmem>>) offsets(%dma_start3A_110 : memref<32xi32, #tpu.memory_space<vmem>>) semaphore(%arg10 : memref<!tpu.dma_semaphore, #tpu.memory_space<semaphore_mem>>)
    %dma_start3A_114 = arith.constant 11 : i32
    %dma_start3A_115 = arith.constant 352 : i32
    %dma_start3A_116 = arith.constant 0 : i32
    %dma_start3A_117 = tpu.memref_slice %arg7[%dma_start3A_115, %dma_start3A_116] : memref<832x64xf32, #tpu.memory_space<vmem>> -> memref<32x64xf32, #tpu.memory_space<vmem>>
    %dma_start3A_118 = arith.constant 0 : i32
    %dma_start3A_119 = tpu.memref_slice %arg5[%dma_start3A_114, %dma_start3A_118] : memref<26x32xi32, #tpu.memory_space<vmem>> -> memref<1x32xi32, #tpu.memory_space<vmem>>
    %dma_start3A_120 = tpu.memref_squeeze %dma_start3A_119 : memref<1x32xi32, #tpu.memory_space<vmem>> -> memref<32xi32, #tpu.memory_space<vmem>>
    %dma_start3A_121 = arith.constant 0 : i32
    %dma_start3A_122 = arith.constant 0 : i32
    %dma_start3A_123 = tpu.memref_slice %arg2[%dma_start3A_121, %dma_start3A_122] : memref<2600000x64xf32, #tpu.memory_space<hbm>> -> memref<2600000x64xf32, #tpu.memory_space<hbm>>
    tpu.enqueue_indirect_dma source(%dma_start3A_123 : memref<2600000x64xf32, #tpu.memory_space<hbm>>) target(%dma_start3A_117 : memref<32x64xf32, #tpu.memory_space<vmem>>) offsets(%dma_start3A_120 : memref<32xi32, #tpu.memory_space<vmem>>) semaphore(%arg10 : memref<!tpu.dma_semaphore, #tpu.memory_space<semaphore_mem>>)
    %dma_start3A_124 = arith.constant 12 : i32
    %dma_start3A_125 = arith.constant 384 : i32
    %dma_start3A_126 = arith.constant 0 : i32
    %dma_start3A_127 = tpu.memref_slice %arg7[%dma_start3A_125, %dma_start3A_126] : memref<832x64xf32, #tpu.memory_space<vmem>> -> memref<32x64xf32, #tpu.memory_space<vmem>>
    %dma_start3A_128 = arith.constant 0 : i32
    %dma_start3A_129 = tpu.memref_slice %arg5[%dma_start3A_124, %dma_start3A_128] : memref<26x32xi32, #tpu.memory_space<vmem>> -> memref<1x32xi32, #tpu.memory_space<vmem>>
    %dma_start3A_130 = tpu.memref_squeeze %dma_start3A_129 : memref<1x32xi32, #tpu.memory_space<vmem>> -> memref<32xi32, #tpu.memory_space<vmem>>
    %dma_start3A_131 = arith.constant 0 : i32
    %dma_start3A_132 = arith.constant 0 : i32
    %dma_start3A_133 = tpu.memref_slice %arg2[%dma_start3A_131, %dma_start3A_132] : memref<2600000x64xf32, #tpu.memory_space<hbm>> -> memref<2600000x64xf32, #tpu.memory_space<hbm>>
    tpu.enqueue_indirect_dma source(%dma_start3A_133 : memref<2600000x64xf32, #tpu.memory_space<hbm>>) target(%dma_start3A_127 : memref<32x64xf32, #tpu.memory_space<vmem>>) offsets(%dma_start3A_130 : memref<32xi32, #tpu.memory_space<vmem>>) semaphore(%arg10 : memref<!tpu.dma_semaphore, #tpu.memory_space<semaphore_mem>>)
    %dma_start3A_134 = arith.constant 13 : i32
    %dma_start3A_135 = arith.constant 416 : i32
    %dma_start3A_136 = arith.constant 0 : i32
    %dma_start3A_137 = tpu.memref_slice %arg7[%dma_start3A_135, %dma_start3A_136] : memref<832x64xf32, #tpu.memory_space<vmem>> -> memref<32x64xf32, #tpu.memory_space<vmem>>
    %dma_start3A_138 = arith.constant 0 : i32
    %dma_start3A_139 = tpu.memref_slice %arg5[%dma_start3A_134, %dma_start3A_138] : memref<26x32xi32, #tpu.memory_space<vmem>> -> memref<1x32xi32, #tpu.memory_space<vmem>>
    %dma_start3A_140 = tpu.memref_squeeze %dma_start3A_139 : memref<1x32xi32, #tpu.memory_space<vmem>> -> memref<32xi32, #tpu.memory_space<vmem>>
    %dma_start3A_141 = arith.constant 0 : i32
    %dma_start3A_142 = arith.constant 0 : i32
    %dma_start3A_143 = tpu.memref_slice %arg2[%dma_start3A_141, %dma_start3A_142] : memref<2600000x64xf32, #tpu.memory_space<hbm>> -> memref<2600000x64xf32, #tpu.memory_space<hbm>>
    tpu.enqueue_indirect_dma source(%dma_start3A_143 : memref<2600000x64xf32, #tpu.memory_space<hbm>>) target(%dma_start3A_137 : memref<32x64xf32, #tpu.memory_space<vmem>>) offsets(%dma_start3A_140 : memref<32xi32, #tpu.memory_space<vmem>>) semaphore(%arg10 : memref<!tpu.dma_semaphore, #tpu.memory_space<semaphore_mem>>)
    %dma_start3A_144 = arith.constant 14 : i32
    %dma_start3A_145 = arith.constant 448 : i32
    %dma_start3A_146 = arith.constant 0 : i32
    %dma_start3A_147 = tpu.memref_slice %arg7[%dma_start3A_145, %dma_start3A_146] : memref<832x64xf32, #tpu.memory_space<vmem>> -> memref<32x64xf32, #tpu.memory_space<vmem>>
    %dma_start3A_148 = arith.constant 0 : i32
    %dma_start3A_149 = tpu.memref_slice %arg5[%dma_start3A_144, %dma_start3A_148] : memref<26x32xi32, #tpu.memory_space<vmem>> -> memref<1x32xi32, #tpu.memory_space<vmem>>
    %dma_start3A_150 = tpu.memref_squeeze %dma_start3A_149 : memref<1x32xi32, #tpu.memory_space<vmem>> -> memref<32xi32, #tpu.memory_space<vmem>>
    %dma_start3A_151 = arith.constant 0 : i32
    %dma_start3A_152 = arith.constant 0 : i32
    %dma_start3A_153 = tpu.memref_slice %arg2[%dma_start3A_151, %dma_start3A_152] : memref<2600000x64xf32, #tpu.memory_space<hbm>> -> memref<2600000x64xf32, #tpu.memory_space<hbm>>
    tpu.enqueue_indirect_dma source(%dma_start3A_153 : memref<2600000x64xf32, #tpu.memory_space<hbm>>) target(%dma_start3A_147 : memref<32x64xf32, #tpu.memory_space<vmem>>) offsets(%dma_start3A_150 : memref<32xi32, #tpu.memory_space<vmem>>) semaphore(%arg10 : memref<!tpu.dma_semaphore, #tpu.memory_space<semaphore_mem>>)
    %dma_start3A_154 = arith.constant 15 : i32
    %dma_start3A_155 = arith.constant 480 : i32
    %dma_start3A_156 = arith.constant 0 : i32
    %dma_start3A_157 = tpu.memref_slice %arg7[%dma_start3A_155, %dma_start3A_156] : memref<832x64xf32, #tpu.memory_space<vmem>> -> memref<32x64xf32, #tpu.memory_space<vmem>>
    %dma_start3A_158 = arith.constant 0 : i32
    %dma_start3A_159 = tpu.memref_slice %arg5[%dma_start3A_154, %dma_start3A_158] : memref<26x32xi32, #tpu.memory_space<vmem>> -> memref<1x32xi32, #tpu.memory_space<vmem>>
    %dma_start3A_160 = tpu.memref_squeeze %dma_start3A_159 : memref<1x32xi32, #tpu.memory_space<vmem>> -> memref<32xi32, #tpu.memory_space<vmem>>
    %dma_start3A_161 = arith.constant 0 : i32
    %dma_start3A_162 = arith.constant 0 : i32
    %dma_start3A_163 = tpu.memref_slice %arg2[%dma_start3A_161, %dma_start3A_162] : memref<2600000x64xf32, #tpu.memory_space<hbm>> -> memref<2600000x64xf32, #tpu.memory_space<hbm>>
    tpu.enqueue_indirect_dma source(%dma_start3A_163 : memref<2600000x64xf32, #tpu.memory_space<hbm>>) target(%dma_start3A_157 : memref<32x64xf32, #tpu.memory_space<vmem>>) offsets(%dma_start3A_160 : memref<32xi32, #tpu.memory_space<vmem>>) semaphore(%arg10 : memref<!tpu.dma_semaphore, #tpu.memory_space<semaphore_mem>>)
    %dma_start3A_164 = arith.constant 16 : i32
    %dma_start3A_165 = arith.constant 512 : i32
    %dma_start3A_166 = arith.constant 0 : i32
    %dma_start3A_167 = tpu.memref_slice %arg7[%dma_start3A_165, %dma_start3A_166] : memref<832x64xf32, #tpu.memory_space<vmem>> -> memref<32x64xf32, #tpu.memory_space<vmem>>
    %dma_start3A_168 = arith.constant 0 : i32
    %dma_start3A_169 = tpu.memref_slice %arg5[%dma_start3A_164, %dma_start3A_168] : memref<26x32xi32, #tpu.memory_space<vmem>> -> memref<1x32xi32, #tpu.memory_space<vmem>>
    %dma_start3A_170 = tpu.memref_squeeze %dma_start3A_169 : memref<1x32xi32, #tpu.memory_space<vmem>> -> memref<32xi32, #tpu.memory_space<vmem>>
    %dma_start3A_171 = arith.constant 0 : i32
    %dma_start3A_172 = arith.constant 0 : i32
    %dma_start3A_173 = tpu.memref_slice %arg2[%dma_start3A_171, %dma_start3A_172] : memref<2600000x64xf32, #tpu.memory_space<hbm>> -> memref<2600000x64xf32, #tpu.memory_space<hbm>>
    tpu.enqueue_indirect_dma source(%dma_start3A_173 : memref<2600000x64xf32, #tpu.memory_space<hbm>>) target(%dma_start3A_167 : memref<32x64xf32, #tpu.memory_space<vmem>>) offsets(%dma_start3A_170 : memref<32xi32, #tpu.memory_space<vmem>>) semaphore(%arg10 : memref<!tpu.dma_semaphore, #tpu.memory_space<semaphore_mem>>)
    %dma_start3A_174 = arith.constant 17 : i32
    %dma_start3A_175 = arith.constant 544 : i32
    %dma_start3A_176 = arith.constant 0 : i32
    %dma_start3A_177 = tpu.memref_slice %arg7[%dma_start3A_175, %dma_start3A_176] : memref<832x64xf32, #tpu.memory_space<vmem>> -> memref<32x64xf32, #tpu.memory_space<vmem>>
    %dma_start3A_178 = arith.constant 0 : i32
    %dma_start3A_179 = tpu.memref_slice %arg5[%dma_start3A_174, %dma_start3A_178] : memref<26x32xi32, #tpu.memory_space<vmem>> -> memref<1x32xi32, #tpu.memory_space<vmem>>
    %dma_start3A_180 = tpu.memref_squeeze %dma_start3A_179 : memref<1x32xi32, #tpu.memory_space<vmem>> -> memref<32xi32, #tpu.memory_space<vmem>>
    %dma_start3A_181 = arith.constant 0 : i32
    %dma_start3A_182 = arith.constant 0 : i32
    %dma_start3A_183 = tpu.memref_slice %arg2[%dma_start3A_181, %dma_start3A_182] : memref<2600000x64xf32, #tpu.memory_space<hbm>> -> memref<2600000x64xf32, #tpu.memory_space<hbm>>
    tpu.enqueue_indirect_dma source(%dma_start3A_183 : memref<2600000x64xf32, #tpu.memory_space<hbm>>) target(%dma_start3A_177 : memref<32x64xf32, #tpu.memory_space<vmem>>) offsets(%dma_start3A_180 : memref<32xi32, #tpu.memory_space<vmem>>) semaphore(%arg10 : memref<!tpu.dma_semaphore, #tpu.memory_space<semaphore_mem>>)
    %dma_start3A_184 = arith.constant 18 : i32
    %dma_start3A_185 = arith.constant 576 : i32
    %dma_start3A_186 = arith.constant 0 : i32
    %dma_start3A_187 = tpu.memref_slice %arg7[%dma_start3A_185, %dma_start3A_186] : memref<832x64xf32, #tpu.memory_space<vmem>> -> memref<32x64xf32, #tpu.memory_space<vmem>>
    %dma_start3A_188 = arith.constant 0 : i32
    %dma_start3A_189 = tpu.memref_slice %arg5[%dma_start3A_184, %dma_start3A_188] : memref<26x32xi32, #tpu.memory_space<vmem>> -> memref<1x32xi32, #tpu.memory_space<vmem>>
    %dma_start3A_190 = tpu.memref_squeeze %dma_start3A_189 : memref<1x32xi32, #tpu.memory_space<vmem>> -> memref<32xi32, #tpu.memory_space<vmem>>
    %dma_start3A_191 = arith.constant 0 : i32
    %dma_start3A_192 = arith.constant 0 : i32
    %dma_start3A_193 = tpu.memref_slice %arg2[%dma_start3A_191, %dma_start3A_192] : memref<2600000x64xf32, #tpu.memory_space<hbm>> -> memref<2600000x64xf32, #tpu.memory_space<hbm>>
    tpu.enqueue_indirect_dma source(%dma_start3A_193 : memref<2600000x64xf32, #tpu.memory_space<hbm>>) target(%dma_start3A_187 : memref<32x64xf32, #tpu.memory_space<vmem>>) offsets(%dma_start3A_190 : memref<32xi32, #tpu.memory_space<vmem>>) semaphore(%arg10 : memref<!tpu.dma_semaphore, #tpu.memory_space<semaphore_mem>>)
    %dma_start3A_194 = arith.constant 19 : i32
    %dma_start3A_195 = arith.constant 608 : i32
    %dma_start3A_196 = arith.constant 0 : i32
    %dma_start3A_197 = tpu.memref_slice %arg7[%dma_start3A_195, %dma_start3A_196] : memref<832x64xf32, #tpu.memory_space<vmem>> -> memref<32x64xf32, #tpu.memory_space<vmem>>
    %dma_start3A_198 = arith.constant 0 : i32
    %dma_start3A_199 = tpu.memref_slice %arg5[%dma_start3A_194, %dma_start3A_198] : memref<26x32xi32, #tpu.memory_space<vmem>> -> memref<1x32xi32, #tpu.memory_space<vmem>>
    %dma_start3A_200 = tpu.memref_squeeze %dma_start3A_199 : memref<1x32xi32, #tpu.memory_space<vmem>> -> memref<32xi32, #tpu.memory_space<vmem>>
    %dma_start3A_201 = arith.constant 0 : i32
    %dma_start3A_202 = arith.constant 0 : i32
    %dma_start3A_203 = tpu.memref_slice %arg2[%dma_start3A_201, %dma_start3A_202] : memref<2600000x64xf32, #tpu.memory_space<hbm>> -> memref<2600000x64xf32, #tpu.memory_space<hbm>>
    tpu.enqueue_indirect_dma source(%dma_start3A_203 : memref<2600000x64xf32, #tpu.memory_space<hbm>>) target(%dma_start3A_197 : memref<32x64xf32, #tpu.memory_space<vmem>>) offsets(%dma_start3A_200 : memref<32xi32, #tpu.memory_space<vmem>>) semaphore(%arg10 : memref<!tpu.dma_semaphore, #tpu.memory_space<semaphore_mem>>)
    %dma_start3A_204 = arith.constant 20 : i32
    %dma_start3A_205 = arith.constant 640 : i32
    %dma_start3A_206 = arith.constant 0 : i32
    %dma_start3A_207 = tpu.memref_slice %arg7[%dma_start3A_205, %dma_start3A_206] : memref<832x64xf32, #tpu.memory_space<vmem>> -> memref<32x64xf32, #tpu.memory_space<vmem>>
    %dma_start3A_208 = arith.constant 0 : i32
    %dma_start3A_209 = tpu.memref_slice %arg5[%dma_start3A_204, %dma_start3A_208] : memref<26x32xi32, #tpu.memory_space<vmem>> -> memref<1x32xi32, #tpu.memory_space<vmem>>
    %dma_start3A_210 = tpu.memref_squeeze %dma_start3A_209 : memref<1x32xi32, #tpu.memory_space<vmem>> -> memref<32xi32, #tpu.memory_space<vmem>>
    %dma_start3A_211 = arith.constant 0 : i32
    %dma_start3A_212 = arith.constant 0 : i32
    %dma_start3A_213 = tpu.memref_slice %arg2[%dma_start3A_211, %dma_start3A_212] : memref<2600000x64xf32, #tpu.memory_space<hbm>> -> memref<2600000x64xf32, #tpu.memory_space<hbm>>
    tpu.enqueue_indirect_dma source(%dma_start3A_213 : memref<2600000x64xf32, #tpu.memory_space<hbm>>) target(%dma_start3A_207 : memref<32x64xf32, #tpu.memory_space<vmem>>) offsets(%dma_start3A_210 : memref<32xi32, #tpu.memory_space<vmem>>) semaphore(%arg10 : memref<!tpu.dma_semaphore, #tpu.memory_space<semaphore_mem>>)
    %dma_start3A_214 = arith.constant 21 : i32
    %dma_start3A_215 = arith.constant 672 : i32
    %dma_start3A_216 = arith.constant 0 : i32
    %dma_start3A_217 = tpu.memref_slice %arg7[%dma_start3A_215, %dma_start3A_216] : memref<832x64xf32, #tpu.memory_space<vmem>> -> memref<32x64xf32, #tpu.memory_space<vmem>>
    %dma_start3A_218 = arith.constant 0 : i32
    %dma_start3A_219 = tpu.memref_slice %arg5[%dma_start3A_214, %dma_start3A_218] : memref<26x32xi32, #tpu.memory_space<vmem>> -> memref<1x32xi32, #tpu.memory_space<vmem>>
    %dma_start3A_220 = tpu.memref_squeeze %dma_start3A_219 : memref<1x32xi32, #tpu.memory_space<vmem>> -> memref<32xi32, #tpu.memory_space<vmem>>
    %dma_start3A_221 = arith.constant 0 : i32
    %dma_start3A_222 = arith.constant 0 : i32
    %dma_start3A_223 = tpu.memref_slice %arg2[%dma_start3A_221, %dma_start3A_222] : memref<2600000x64xf32, #tpu.memory_space<hbm>> -> memref<2600000x64xf32, #tpu.memory_space<hbm>>
    tpu.enqueue_indirect_dma source(%dma_start3A_223 : memref<2600000x64xf32, #tpu.memory_space<hbm>>) target(%dma_start3A_217 : memref<32x64xf32, #tpu.memory_space<vmem>>) offsets(%dma_start3A_220 : memref<32xi32, #tpu.memory_space<vmem>>) semaphore(%arg10 : memref<!tpu.dma_semaphore, #tpu.memory_space<semaphore_mem>>)
    %dma_start3A_224 = arith.constant 22 : i32
    %dma_start3A_225 = arith.constant 704 : i32
    %dma_start3A_226 = arith.constant 0 : i32
    %dma_start3A_227 = tpu.memref_slice %arg7[%dma_start3A_225, %dma_start3A_226] : memref<832x64xf32, #tpu.memory_space<vmem>> -> memref<32x64xf32, #tpu.memory_space<vmem>>
    %dma_start3A_228 = arith.constant 0 : i32
    %dma_start3A_229 = tpu.memref_slice %arg5[%dma_start3A_224, %dma_start3A_228] : memref<26x32xi32, #tpu.memory_space<vmem>> -> memref<1x32xi32, #tpu.memory_space<vmem>>
    %dma_start3A_230 = tpu.memref_squeeze %dma_start3A_229 : memref<1x32xi32, #tpu.memory_space<vmem>> -> memref<32xi32, #tpu.memory_space<vmem>>
    %dma_start3A_231 = arith.constant 0 : i32
    %dma_start3A_232 = arith.constant 0 : i32
    %dma_start3A_233 = tpu.memref_slice %arg2[%dma_start3A_231, %dma_start3A_232] : memref<2600000x64xf32, #tpu.memory_space<hbm>> -> memref<2600000x64xf32, #tpu.memory_space<hbm>>
    tpu.enqueue_indirect_dma source(%dma_start3A_233 : memref<2600000x64xf32, #tpu.memory_space<hbm>>) target(%dma_start3A_227 : memref<32x64xf32, #tpu.memory_space<vmem>>) offsets(%dma_start3A_230 : memref<32xi32, #tpu.memory_space<vmem>>) semaphore(%arg10 : memref<!tpu.dma_semaphore, #tpu.memory_space<semaphore_mem>>)
    %dma_start3A_234 = arith.constant 23 : i32
    %dma_start3A_235 = arith.constant 736 : i32
    %dma_start3A_236 = arith.constant 0 : i32
    %dma_start3A_237 = tpu.memref_slice %arg7[%dma_start3A_235, %dma_start3A_236] : memref<832x64xf32, #tpu.memory_space<vmem>> -> memref<32x64xf32, #tpu.memory_space<vmem>>
    %dma_start3A_238 = arith.constant 0 : i32
    %dma_start3A_239 = tpu.memref_slice %arg5[%dma_start3A_234, %dma_start3A_238] : memref<26x32xi32, #tpu.memory_space<vmem>> -> memref<1x32xi32, #tpu.memory_space<vmem>>
    %dma_start3A_240 = tpu.memref_squeeze %dma_start3A_239 : memref<1x32xi32, #tpu.memory_space<vmem>> -> memref<32xi32, #tpu.memory_space<vmem>>
    %dma_start3A_241 = arith.constant 0 : i32
    %dma_start3A_242 = arith.constant 0 : i32
    %dma_start3A_243 = tpu.memref_slice %arg2[%dma_start3A_241, %dma_start3A_242] : memref<2600000x64xf32, #tpu.memory_space<hbm>> -> memref<2600000x64xf32, #tpu.memory_space<hbm>>
    tpu.enqueue_indirect_dma source(%dma_start3A_243 : memref<2600000x64xf32, #tpu.memory_space<hbm>>) target(%dma_start3A_237 : memref<32x64xf32, #tpu.memory_space<vmem>>) offsets(%dma_start3A_240 : memref<32xi32, #tpu.memory_space<vmem>>) semaphore(%arg10 : memref<!tpu.dma_semaphore, #tpu.memory_space<semaphore_mem>>)
    %dma_start3A_244 = arith.constant 24 : i32
    %dma_start3A_245 = arith.constant 768 : i32
    %dma_start3A_246 = arith.constant 0 : i32
    %dma_start3A_247 = tpu.memref_slice %arg7[%dma_start3A_245, %dma_start3A_246] : memref<832x64xf32, #tpu.memory_space<vmem>> -> memref<32x64xf32, #tpu.memory_space<vmem>>
    %dma_start3A_248 = arith.constant 0 : i32
    %dma_start3A_249 = tpu.memref_slice %arg5[%dma_start3A_244, %dma_start3A_248] : memref<26x32xi32, #tpu.memory_space<vmem>> -> memref<1x32xi32, #tpu.memory_space<vmem>>
    %dma_start3A_250 = tpu.memref_squeeze %dma_start3A_249 : memref<1x32xi32, #tpu.memory_space<vmem>> -> memref<32xi32, #tpu.memory_space<vmem>>
    %dma_start3A_251 = arith.constant 0 : i32
    %dma_start3A_252 = arith.constant 0 : i32
    %dma_start3A_253 = tpu.memref_slice %arg2[%dma_start3A_251, %dma_start3A_252] : memref<2600000x64xf32, #tpu.memory_space<hbm>> -> memref<2600000x64xf32, #tpu.memory_space<hbm>>
    tpu.enqueue_indirect_dma source(%dma_start3A_253 : memref<2600000x64xf32, #tpu.memory_space<hbm>>) target(%dma_start3A_247 : memref<32x64xf32, #tpu.memory_space<vmem>>) offsets(%dma_start3A_250 : memref<32xi32, #tpu.memory_space<vmem>>) semaphore(%arg10 : memref<!tpu.dma_semaphore, #tpu.memory_space<semaphore_mem>>)
    %dma_start3A_254 = arith.constant 25 : i32
    %dma_start3A_255 = arith.constant 800 : i32
    %dma_start3A_256 = arith.constant 0 : i32
    %dma_start3A_257 = tpu.memref_slice %arg7[%dma_start3A_255, %dma_start3A_256] : memref<832x64xf32, #tpu.memory_space<vmem>> -> memref<32x64xf32, #tpu.memory_space<vmem>>
    %dma_start3A_258 = arith.constant 0 : i32
    %dma_start3A_259 = tpu.memref_slice %arg5[%dma_start3A_254, %dma_start3A_258] : memref<26x32xi32, #tpu.memory_space<vmem>> -> memref<1x32xi32, #tpu.memory_space<vmem>>
    %dma_start3A_260 = tpu.memref_squeeze %dma_start3A_259 : memref<1x32xi32, #tpu.memory_space<vmem>> -> memref<32xi32, #tpu.memory_space<vmem>>
    %dma_start3A_261 = arith.constant 0 : i32
    %dma_start3A_262 = arith.constant 0 : i32
    %dma_start3A_263 = tpu.memref_slice %arg2[%dma_start3A_261, %dma_start3A_262] : memref<2600000x64xf32, #tpu.memory_space<hbm>> -> memref<2600000x64xf32, #tpu.memory_space<hbm>>
    tpu.enqueue_indirect_dma source(%dma_start3A_263 : memref<2600000x64xf32, #tpu.memory_space<hbm>>) target(%dma_start3A_257 : memref<32x64xf32, #tpu.memory_space<vmem>>) offsets(%dma_start3A_260 : memref<32xi32, #tpu.memory_space<vmem>>) semaphore(%arg10 : memref<!tpu.dma_semaphore, #tpu.memory_space<semaphore_mem>>)
    %iota3A = tpu.iota {dimensions = array<i32: 0>} : vector<16xi32>
    %add3A_264 = arith.constant 0 : i32
    %add3A_265 = vector.broadcast %add3A_264 : i32 to vector<16xi32>
    %add3A_266 = arith.addi %iota3A, %add3A_265 : vector<16xi32>
    %iota3A_267 = tpu.iota {dimensions = array<i32: 0>} : vector<16xi32>
    %add3A_268 = arith.constant 16 : i32
    %add3A_269 = vector.broadcast %add3A_268 : i32 to vector<16xi32>
    %add3A_270 = arith.addi %iota3A_267, %add3A_269 : vector<16xi32>
    %iota3A_271 = tpu.iota {dimensions = array<i32: 0>} : vector<16xi32>
    %add3A_272 = arith.constant 32 : i32
    %add3A_273 = vector.broadcast %add3A_272 : i32 to vector<16xi32>
    %add3A_274 = arith.addi %iota3A_271, %add3A_273 : vector<16xi32>
    %iota3A_275 = tpu.iota {dimensions = array<i32: 0>} : vector<16xi32>
    %add3A_276 = arith.constant 48 : i32
    %add3A_277 = vector.broadcast %add3A_276 : i32 to vector<16xi32>
    %add3A_278 = arith.addi %iota3A_275, %add3A_277 : vector<16xi32>
    %scan3A = arith.constant 0 : i32
    %scan3A_279 = arith.constant 0 : i32
    %scan3A_280 = arith.constant 8 : i32
    %scan3A_281 = arith.addi %scan3A_279, %scan3A_280 : i32
    %scan3A_282 = arith.constant 1 : i32
    %scan3A_283 = scf.for %scan3A_285 = %scan3A_279 to %scan3A_281 step %scan3A_282 iter_args(%scan3A_286 = %scan3A) -> (i32)  : i32 {
      %mul3A_287 = arith.constant 2 : i32
      %mul3A_288 = arith.muli %mul3A_287, %scan3A_285 : i32
      %add3A_289 = arith.constant 0 : i32
      %add3A_290 = arith.addi %mul3A_288, %add3A_289 : i32
      %add3A_291 = arith.constant 1 : i32
      %add3A_292 = arith.addi %add3A_290, %add3A_291 : i32
      %lt3A = arith.constant 16 : i32
      %lt3A_293 = arith.cmpi slt, %add3A_292, %lt3A : i32
      %convert_element_type3A = arith.extui %lt3A_293 : i1 to i32
      %cond3A = arith.constant 0 : i32
      %cond3A_294 = arith.cmpi ne, %convert_element_type3A, %cond3A : i32
      scf.if %cond3A_294 {
        %mul3A_846 = arith.constant 32 : i32
        %mul3A_847 = arith.muli %add3A_292, %mul3A_846 : i32
        %add3A_848 = arith.addi %mul3A_2, %mul3A_847 : i32
        "tpu.region"() ({
          %run_scoped3A = tpu.sem_alloc : memref<!tpu.dma_semaphore, #tpu.memory_space<semaphore_mem>>
          %dma_start3A_1109 = arith.constant 0 : i32
          %dma_start3A_1110 = tpu.memref_slice %arg3[%dma_start3A_1109, %add3A_848] : memref<26x16384xi32, #tpu.memory_space<hbm>> -> memref<26x32xi32, #tpu.memory_space<hbm>>
          %dma_start3A_1111 = arith.constant 0 : i32
          %dma_start3A_1112 = tpu.memref_slice %arg3[%dma_start3A_1111, %add3A_848] : memref<26x16384xi32, #tpu.memory_space<hbm>> -> memref<26x32xi32, #tpu.memory_space<hbm>>
          tpu.enqueue_dma source(%dma_start3A_1112 : memref<26x32xi32, #tpu.memory_space<hbm>>) target(%arg6 : memref<26x32xi32, #tpu.memory_space<vmem>>) target_semaphore(%run_scoped3A : memref<!tpu.dma_semaphore, #tpu.memory_space<semaphore_mem>>)
          %dma_wait3A_1113 = arith.constant 0 : i32
          %dma_wait3A_1114 = tpu.memref_slice %arg3[%dma_wait3A_1113, %add3A_848] : memref<26x16384xi32, #tpu.memory_space<hbm>> -> memref<26x32xi32, #tpu.memory_space<hbm>>
          %dma_wait3A_1115 = arith.constant 0 : i32
          %dma_wait3A_1116 = tpu.memref_slice %arg3[%dma_wait3A_1115, %add3A_848] : memref<26x16384xi32, #tpu.memory_space<hbm>> -> memref<26x32xi32, #tpu.memory_space<hbm>>
          tpu.wait_dma2 semaphore(%run_scoped3A : memref<!tpu.dma_semaphore, #tpu.memory_space<semaphore_mem>>) src(%dma_wait3A_1116 : memref<26x32xi32, #tpu.memory_space<hbm>>) dst(%arg6 : memref<26x32xi32, #tpu.memory_space<vmem>>)
          tpu.yield
        }) : () -> ()
        %dma_start3A_849 = arith.constant 0 : i32
        %dma_start3A_850 = arith.constant 0 : i32
        %dma_start3A_851 = arith.constant 0 : i32
        %dma_start3A_852 = tpu.memref_slice %arg8[%dma_start3A_850, %dma_start3A_851] : memref<832x64xf32, #tpu.memory_space<vmem>> -> memref<32x64xf32, #tpu.memory_space<vmem>>
        %dma_start3A_853 = arith.constant 0 : i32
        %dma_start3A_854 = tpu.memref_slice %arg6[%dma_start3A_849, %dma_start3A_853] : memref<26x32xi32, #tpu.memory_space<vmem>> -> memref<1x32xi32, #tpu.memory_space<vmem>>
        %dma_start3A_855 = tpu.memref_squeeze %dma_start3A_854 : memref<1x32xi32, #tpu.memory_space<vmem>> -> memref<32xi32, #tpu.memory_space<vmem>>
        %dma_start3A_856 = arith.constant 0 : i32
        %dma_start3A_857 = arith.constant 0 : i32
        %dma_start3A_858 = tpu.memref_slice %arg2[%dma_start3A_856, %dma_start3A_857] : memref<2600000x64xf32, #tpu.memory_space<hbm>> -> memref<2600000x64xf32, #tpu.memory_space<hbm>>
        tpu.enqueue_indirect_dma source(%dma_start3A_858 : memref<2600000x64xf32, #tpu.memory_space<hbm>>) target(%dma_start3A_852 : memref<32x64xf32, #tpu.memory_space<vmem>>) offsets(%dma_start3A_855 : memref<32xi32, #tpu.memory_space<vmem>>) semaphore(%arg11 : memref<!tpu.dma_semaphore, #tpu.memory_space<semaphore_mem>>)
        %dma_start3A_859 = arith.constant 1 : i32
        %dma_start3A_860 = arith.constant 32 : i32
        %dma_start3A_861 = arith.constant 0 : i32
        %dma_start3A_862 = tpu.memref_slice %arg8[%dma_start3A_860, %dma_start3A_861] : memref<832x64xf32, #tpu.memory_space<vmem>> -> memref<32x64xf32, #tpu.memory_space<vmem>>
        %dma_start3A_863 = arith.constant 0 : i32
        %dma_start3A_864 = tpu.memref_slice %arg6[%dma_start3A_859, %dma_start3A_863] : memref<26x32xi32, #tpu.memory_space<vmem>> -> memref<1x32xi32, #tpu.memory_space<vmem>>
        %dma_start3A_865 = tpu.memref_squeeze %dma_start3A_864 : memref<1x32xi32, #tpu.memory_space<vmem>> -> memref<32xi32, #tpu.memory_space<vmem>>
        %dma_start3A_866 = arith.constant 0 : i32
        %dma_start3A_867 = arith.constant 0 : i32
        %dma_start3A_868 = tpu.memref_slice %arg2[%dma_start3A_866, %dma_start3A_867] : memref<2600000x64xf32, #tpu.memory_space<hbm>> -> memref<2600000x64xf32, #tpu.memory_space<hbm>>
        tpu.enqueue_indirect_dma source(%dma_start3A_868 : memref<2600000x64xf32, #tpu.memory_space<hbm>>) target(%dma_start3A_862 : memref<32x64xf32, #tpu.memory_space<vmem>>) offsets(%dma_start3A_865 : memref<32xi32, #tpu.memory_space<vmem>>) semaphore(%arg11 : memref<!tpu.dma_semaphore, #tpu.memory_space<semaphore_mem>>)
        %dma_start3A_869 = arith.constant 2 : i32
        %dma_start3A_870 = arith.constant 64 : i32
        %dma_start3A_871 = arith.constant 0 : i32
        %dma_start3A_872 = tpu.memref_slice %arg8[%dma_start3A_870, %dma_start3A_871] : memref<832x64xf32, #tpu.memory_space<vmem>> -> memref<32x64xf32, #tpu.memory_space<vmem>>
        %dma_start3A_873 = arith.constant 0 : i32
        %dma_start3A_874 = tpu.memref_slice %arg6[%dma_start3A_869, %dma_start3A_873] : memref<26x32xi32, #tpu.memory_space<vmem>> -> memref<1x32xi32, #tpu.memory_space<vmem>>
        %dma_start3A_875 = tpu.memref_squeeze %dma_start3A_874 : memref<1x32xi32, #tpu.memory_space<vmem>> -> memref<32xi32, #tpu.memory_space<vmem>>
        %dma_start3A_876 = arith.constant 0 : i32
        %dma_start3A_877 = arith.constant 0 : i32
        %dma_start3A_878 = tpu.memref_slice %arg2[%dma_start3A_876, %dma_start3A_877] : memref<2600000x64xf32, #tpu.memory_space<hbm>> -> memref<2600000x64xf32, #tpu.memory_space<hbm>>
        tpu.enqueue_indirect_dma source(%dma_start3A_878 : memref<2600000x64xf32, #tpu.memory_space<hbm>>) target(%dma_start3A_872 : memref<32x64xf32, #tpu.memory_space<vmem>>) offsets(%dma_start3A_875 : memref<32xi32, #tpu.memory_space<vmem>>) semaphore(%arg11 : memref<!tpu.dma_semaphore, #tpu.memory_space<semaphore_mem>>)
        %dma_start3A_879 = arith.constant 3 : i32
        %dma_start3A_880 = arith.constant 96 : i32
        %dma_start3A_881 = arith.constant 0 : i32
        %dma_start3A_882 = tpu.memref_slice %arg8[%dma_start3A_880, %dma_start3A_881] : memref<832x64xf32, #tpu.memory_space<vmem>> -> memref<32x64xf32, #tpu.memory_space<vmem>>
        %dma_start3A_883 = arith.constant 0 : i32
        %dma_start3A_884 = tpu.memref_slice %arg6[%dma_start3A_879, %dma_start3A_883] : memref<26x32xi32, #tpu.memory_space<vmem>> -> memref<1x32xi32, #tpu.memory_space<vmem>>
        %dma_start3A_885 = tpu.memref_squeeze %dma_start3A_884 : memref<1x32xi32, #tpu.memory_space<vmem>> -> memref<32xi32, #tpu.memory_space<vmem>>
        %dma_start3A_886 = arith.constant 0 : i32
        %dma_start3A_887 = arith.constant 0 : i32
        %dma_start3A_888 = tpu.memref_slice %arg2[%dma_start3A_886, %dma_start3A_887] : memref<2600000x64xf32, #tpu.memory_space<hbm>> -> memref<2600000x64xf32, #tpu.memory_space<hbm>>
        tpu.enqueue_indirect_dma source(%dma_start3A_888 : memref<2600000x64xf32, #tpu.memory_space<hbm>>) target(%dma_start3A_882 : memref<32x64xf32, #tpu.memory_space<vmem>>) offsets(%dma_start3A_885 : memref<32xi32, #tpu.memory_space<vmem>>) semaphore(%arg11 : memref<!tpu.dma_semaphore, #tpu.memory_space<semaphore_mem>>)
        %dma_start3A_889 = arith.constant 4 : i32
        %dma_start3A_890 = arith.constant 128 : i32
        %dma_start3A_891 = arith.constant 0 : i32
        %dma_start3A_892 = tpu.memref_slice %arg8[%dma_start3A_890, %dma_start3A_891] : memref<832x64xf32, #tpu.memory_space<vmem>> -> memref<32x64xf32, #tpu.memory_space<vmem>>
        %dma_start3A_893 = arith.constant 0 : i32
        %dma_start3A_894 = tpu.memref_slice %arg6[%dma_start3A_889, %dma_start3A_893] : memref<26x32xi32, #tpu.memory_space<vmem>> -> memref<1x32xi32, #tpu.memory_space<vmem>>
        %dma_start3A_895 = tpu.memref_squeeze %dma_start3A_894 : memref<1x32xi32, #tpu.memory_space<vmem>> -> memref<32xi32, #tpu.memory_space<vmem>>
        %dma_start3A_896 = arith.constant 0 : i32
        %dma_start3A_897 = arith.constant 0 : i32
        %dma_start3A_898 = tpu.memref_slice %arg2[%dma_start3A_896, %dma_start3A_897] : memref<2600000x64xf32, #tpu.memory_space<hbm>> -> memref<2600000x64xf32, #tpu.memory_space<hbm>>
        tpu.enqueue_indirect_dma source(%dma_start3A_898 : memref<2600000x64xf32, #tpu.memory_space<hbm>>) target(%dma_start3A_892 : memref<32x64xf32, #tpu.memory_space<vmem>>) offsets(%dma_start3A_895 : memref<32xi32, #tpu.memory_space<vmem>>) semaphore(%arg11 : memref<!tpu.dma_semaphore, #tpu.memory_space<semaphore_mem>>)
        %dma_start3A_899 = arith.constant 5 : i32
        %dma_start3A_900 = arith.constant 160 : i32
        %dma_start3A_901 = arith.constant 0 : i32
        %dma_start3A_902 = tpu.memref_slice %arg8[%dma_start3A_900, %dma_start3A_901] : memref<832x64xf32, #tpu.memory_space<vmem>> -> memref<32x64xf32, #tpu.memory_space<vmem>>
        %dma_start3A_903 = arith.constant 0 : i32
        %dma_start3A_904 = tpu.memref_slice %arg6[%dma_start3A_899, %dma_start3A_903] : memref<26x32xi32, #tpu.memory_space<vmem>> -> memref<1x32xi32, #tpu.memory_space<vmem>>
        %dma_start3A_905 = tpu.memref_squeeze %dma_start3A_904 : memref<1x32xi32, #tpu.memory_space<vmem>> -> memref<32xi32, #tpu.memory_space<vmem>>
        %dma_start3A_906 = arith.constant 0 : i32
        %dma_start3A_907 = arith.constant 0 : i32
        %dma_start3A_908 = tpu.memref_slice %arg2[%dma_start3A_906, %dma_start3A_907] : memref<2600000x64xf32, #tpu.memory_space<hbm>> -> memref<2600000x64xf32, #tpu.memory_space<hbm>>
        tpu.enqueue_indirect_dma source(%dma_start3A_908 : memref<2600000x64xf32, #tpu.memory_space<hbm>>) target(%dma_start3A_902 : memref<32x64xf32, #tpu.memory_space<vmem>>) offsets(%dma_start3A_905 : memref<32xi32, #tpu.memory_space<vmem>>) semaphore(%arg11 : memref<!tpu.dma_semaphore, #tpu.memory_space<semaphore_mem>>)
        %dma_start3A_909 = arith.constant 6 : i32
        %dma_start3A_910 = arith.constant 192 : i32
        %dma_start3A_911 = arith.constant 0 : i32
        %dma_start3A_912 = tpu.memref_slice %arg8[%dma_start3A_910, %dma_start3A_911] : memref<832x64xf32, #tpu.memory_space<vmem>> -> memref<32x64xf32, #tpu.memory_space<vmem>>
        %dma_start3A_913 = arith.constant 0 : i32
        %dma_start3A_914 = tpu.memref_slice %arg6[%dma_start3A_909, %dma_start3A_913] : memref<26x32xi32, #tpu.memory_space<vmem>> -> memref<1x32xi32, #tpu.memory_space<vmem>>
        %dma_start3A_915 = tpu.memref_squeeze %dma_start3A_914 : memref<1x32xi32, #tpu.memory_space<vmem>> -> memref<32xi32, #tpu.memory_space<vmem>>
        %dma_start3A_916 = arith.constant 0 : i32
        %dma_start3A_917 = arith.constant 0 : i32
        %dma_start3A_918 = tpu.memref_slice %arg2[%dma_start3A_916, %dma_start3A_917] : memref<2600000x64xf32, #tpu.memory_space<hbm>> -> memref<2600000x64xf32, #tpu.memory_space<hbm>>
        tpu.enqueue_indirect_dma source(%dma_start3A_918 : memref<2600000x64xf32, #tpu.memory_space<hbm>>) target(%dma_start3A_912 : memref<32x64xf32, #tpu.memory_space<vmem>>) offsets(%dma_start3A_915 : memref<32xi32, #tpu.memory_space<vmem>>) semaphore(%arg11 : memref<!tpu.dma_semaphore, #tpu.memory_space<semaphore_mem>>)
        %dma_start3A_919 = arith.constant 7 : i32
        %dma_start3A_920 = arith.constant 224 : i32
        %dma_start3A_921 = arith.constant 0 : i32
        %dma_start3A_922 = tpu.memref_slice %arg8[%dma_start3A_920, %dma_start3A_921] : memref<832x64xf32, #tpu.memory_space<vmem>> -> memref<32x64xf32, #tpu.memory_space<vmem>>
        %dma_start3A_923 = arith.constant 0 : i32
        %dma_start3A_924 = tpu.memref_slice %arg6[%dma_start3A_919, %dma_start3A_923] : memref<26x32xi32, #tpu.memory_space<vmem>> -> memref<1x32xi32, #tpu.memory_space<vmem>>
        %dma_start3A_925 = tpu.memref_squeeze %dma_start3A_924 : memref<1x32xi32, #tpu.memory_space<vmem>> -> memref<32xi32, #tpu.memory_space<vmem>>
        %dma_start3A_926 = arith.constant 0 : i32
        %dma_start3A_927 = arith.constant 0 : i32
        %dma_start3A_928 = tpu.memref_slice %arg2[%dma_start3A_926, %dma_start3A_927] : memref<2600000x64xf32, #tpu.memory_space<hbm>> -> memref<2600000x64xf32, #tpu.memory_space<hbm>>
        tpu.enqueue_indirect_dma source(%dma_start3A_928 : memref<2600000x64xf32, #tpu.memory_space<hbm>>) target(%dma_start3A_922 : memref<32x64xf32, #tpu.memory_space<vmem>>) offsets(%dma_start3A_925 : memref<32xi32, #tpu.memory_space<vmem>>) semaphore(%arg11 : memref<!tpu.dma_semaphore, #tpu.memory_space<semaphore_mem>>)
        %dma_start3A_929 = arith.constant 8 : i32
        %dma_start3A_930 = arith.constant 256 : i32
        %dma_start3A_931 = arith.constant 0 : i32
        %dma_start3A_932 = tpu.memref_slice %arg8[%dma_start3A_930, %dma_start3A_931] : memref<832x64xf32, #tpu.memory_space<vmem>> -> memref<32x64xf32, #tpu.memory_space<vmem>>
        %dma_start3A_933 = arith.constant 0 : i32
        %dma_start3A_934 = tpu.memref_slice %arg6[%dma_start3A_929, %dma_start3A_933] : memref<26x32xi32, #tpu.memory_space<vmem>> -> memref<1x32xi32, #tpu.memory_space<vmem>>
        %dma_start3A_935 = tpu.memref_squeeze %dma_start3A_934 : memref<1x32xi32, #tpu.memory_space<vmem>> -> memref<32xi32, #tpu.memory_space<vmem>>
        %dma_start3A_936 = arith.constant 0 : i32
        %dma_start3A_937 = arith.constant 0 : i32
        %dma_start3A_938 = tpu.memref_slice %arg2[%dma_start3A_936, %dma_start3A_937] : memref<2600000x64xf32, #tpu.memory_space<hbm>> -> memref<2600000x64xf32, #tpu.memory_space<hbm>>
        tpu.enqueue_indirect_dma source(%dma_start3A_938 : memref<2600000x64xf32, #tpu.memory_space<hbm>>) target(%dma_start3A_932 : memref<32x64xf32, #tpu.memory_space<vmem>>) offsets(%dma_start3A_935 : memref<32xi32, #tpu.memory_space<vmem>>) semaphore(%arg11 : memref<!tpu.dma_semaphore, #tpu.memory_space<semaphore_mem>>)
        %dma_start3A_939 = arith.constant 9 : i32
        %dma_start3A_940 = arith.constant 288 : i32
        %dma_start3A_941 = arith.constant 0 : i32
        %dma_start3A_942 = tpu.memref_slice %arg8[%dma_start3A_940, %dma_start3A_941] : memref<832x64xf32, #tpu.memory_space<vmem>> -> memref<32x64xf32, #tpu.memory_space<vmem>>
        %dma_start3A_943 = arith.constant 0 : i32
        %dma_start3A_944 = tpu.memref_slice %arg6[%dma_start3A_939, %dma_start3A_943] : memref<26x32xi32, #tpu.memory_space<vmem>> -> memref<1x32xi32, #tpu.memory_space<vmem>>
        %dma_start3A_945 = tpu.memref_squeeze %dma_start3A_944 : memref<1x32xi32, #tpu.memory_space<vmem>> -> memref<32xi32, #tpu.memory_space<vmem>>
        %dma_start3A_946 = arith.constant 0 : i32
        %dma_start3A_947 = arith.constant 0 : i32
        %dma_start3A_948 = tpu.memref_slice %arg2[%dma_start3A_946, %dma_start3A_947] : memref<2600000x64xf32, #tpu.memory_space<hbm>> -> memref<2600000x64xf32, #tpu.memory_space<hbm>>
        tpu.enqueue_indirect_dma source(%dma_start3A_948 : memref<2600000x64xf32, #tpu.memory_space<hbm>>) target(%dma_start3A_942 : memref<32x64xf32, #tpu.memory_space<vmem>>) offsets(%dma_start3A_945 : memref<32xi32, #tpu.memory_space<vmem>>) semaphore(%arg11 : memref<!tpu.dma_semaphore, #tpu.memory_space<semaphore_mem>>)
        %dma_start3A_949 = arith.constant 10 : i32
        %dma_start3A_950 = arith.constant 320 : i32
        %dma_start3A_951 = arith.constant 0 : i32
        %dma_start3A_952 = tpu.memref_slice %arg8[%dma_start3A_950, %dma_start3A_951] : memref<832x64xf32, #tpu.memory_space<vmem>> -> memref<32x64xf32, #tpu.memory_space<vmem>>
        %dma_start3A_953 = arith.constant 0 : i32
        %dma_start3A_954 = tpu.memref_slice %arg6[%dma_start3A_949, %dma_start3A_953] : memref<26x32xi32, #tpu.memory_space<vmem>> -> memref<1x32xi32, #tpu.memory_space<vmem>>
        %dma_start3A_955 = tpu.memref_squeeze %dma_start3A_954 : memref<1x32xi32, #tpu.memory_space<vmem>> -> memref<32xi32, #tpu.memory_space<vmem>>
        %dma_start3A_956 = arith.constant 0 : i32
        %dma_start3A_957 = arith.constant 0 : i32
        %dma_start3A_958 = tpu.memref_slice %arg2[%dma_start3A_956, %dma_start3A_957] : memref<2600000x64xf32, #tpu.memory_space<hbm>> -> memref<2600000x64xf32, #tpu.memory_space<hbm>>
        tpu.enqueue_indirect_dma source(%dma_start3A_958 : memref<2600000x64xf32, #tpu.memory_space<hbm>>) target(%dma_start3A_952 : memref<32x64xf32, #tpu.memory_space<vmem>>) offsets(%dma_start3A_955 : memref<32xi32, #tpu.memory_space<vmem>>) semaphore(%arg11 : memref<!tpu.dma_semaphore, #tpu.memory_space<semaphore_mem>>)
        %dma_start3A_959 = arith.constant 11 : i32
        %dma_start3A_960 = arith.constant 352 : i32
        %dma_start3A_961 = arith.constant 0 : i32
        %dma_start3A_962 = tpu.memref_slice %arg8[%dma_start3A_960, %dma_start3A_961] : memref<832x64xf32, #tpu.memory_space<vmem>> -> memref<32x64xf32, #tpu.memory_space<vmem>>
        %dma_start3A_963 = arith.constant 0 : i32
        %dma_start3A_964 = tpu.memref_slice %arg6[%dma_start3A_959, %dma_start3A_963] : memref<26x32xi32, #tpu.memory_space<vmem>> -> memref<1x32xi32, #tpu.memory_space<vmem>>
        %dma_start3A_965 = tpu.memref_squeeze %dma_start3A_964 : memref<1x32xi32, #tpu.memory_space<vmem>> -> memref<32xi32, #tpu.memory_space<vmem>>
        %dma_start3A_966 = arith.constant 0 : i32
        %dma_start3A_967 = arith.constant 0 : i32
        %dma_start3A_968 = tpu.memref_slice %arg2[%dma_start3A_966, %dma_start3A_967] : memref<2600000x64xf32, #tpu.memory_space<hbm>> -> memref<2600000x64xf32, #tpu.memory_space<hbm>>
        tpu.enqueue_indirect_dma source(%dma_start3A_968 : memref<2600000x64xf32, #tpu.memory_space<hbm>>) target(%dma_start3A_962 : memref<32x64xf32, #tpu.memory_space<vmem>>) offsets(%dma_start3A_965 : memref<32xi32, #tpu.memory_space<vmem>>) semaphore(%arg11 : memref<!tpu.dma_semaphore, #tpu.memory_space<semaphore_mem>>)
        %dma_start3A_969 = arith.constant 12 : i32
        %dma_start3A_970 = arith.constant 384 : i32
        %dma_start3A_971 = arith.constant 0 : i32
        %dma_start3A_972 = tpu.memref_slice %arg8[%dma_start3A_970, %dma_start3A_971] : memref<832x64xf32, #tpu.memory_space<vmem>> -> memref<32x64xf32, #tpu.memory_space<vmem>>
        %dma_start3A_973 = arith.constant 0 : i32
        %dma_start3A_974 = tpu.memref_slice %arg6[%dma_start3A_969, %dma_start3A_973] : memref<26x32xi32, #tpu.memory_space<vmem>> -> memref<1x32xi32, #tpu.memory_space<vmem>>
        %dma_start3A_975 = tpu.memref_squeeze %dma_start3A_974 : memref<1x32xi32, #tpu.memory_space<vmem>> -> memref<32xi32, #tpu.memory_space<vmem>>
        %dma_start3A_976 = arith.constant 0 : i32
        %dma_start3A_977 = arith.constant 0 : i32
        %dma_start3A_978 = tpu.memref_slice %arg2[%dma_start3A_976, %dma_start3A_977] : memref<2600000x64xf32, #tpu.memory_space<hbm>> -> memref<2600000x64xf32, #tpu.memory_space<hbm>>
        tpu.enqueue_indirect_dma source(%dma_start3A_978 : memref<2600000x64xf32, #tpu.memory_space<hbm>>) target(%dma_start3A_972 : memref<32x64xf32, #tpu.memory_space<vmem>>) offsets(%dma_start3A_975 : memref<32xi32, #tpu.memory_space<vmem>>) semaphore(%arg11 : memref<!tpu.dma_semaphore, #tpu.memory_space<semaphore_mem>>)
        %dma_start3A_979 = arith.constant 13 : i32
        %dma_start3A_980 = arith.constant 416 : i32
        %dma_start3A_981 = arith.constant 0 : i32
        %dma_start3A_982 = tpu.memref_slice %arg8[%dma_start3A_980, %dma_start3A_981] : memref<832x64xf32, #tpu.memory_space<vmem>> -> memref<32x64xf32, #tpu.memory_space<vmem>>
        %dma_start3A_983 = arith.constant 0 : i32
        %dma_start3A_984 = tpu.memref_slice %arg6[%dma_start3A_979, %dma_start3A_983] : memref<26x32xi32, #tpu.memory_space<vmem>> -> memref<1x32xi32, #tpu.memory_space<vmem>>
        %dma_start3A_985 = tpu.memref_squeeze %dma_start3A_984 : memref<1x32xi32, #tpu.memory_space<vmem>> -> memref<32xi32, #tpu.memory_space<vmem>>
        %dma_start3A_986 = arith.constant 0 : i32
        %dma_start3A_987 = arith.constant 0 : i32
        %dma_start3A_988 = tpu.memref_slice %arg2[%dma_start3A_986, %dma_start3A_987] : memref<2600000x64xf32, #tpu.memory_space<hbm>> -> memref<2600000x64xf32, #tpu.memory_space<hbm>>
        tpu.enqueue_indirect_dma source(%dma_start3A_988 : memref<2600000x64xf32, #tpu.memory_space<hbm>>) target(%dma_start3A_982 : memref<32x64xf32, #tpu.memory_space<vmem>>) offsets(%dma_start3A_985 : memref<32xi32, #tpu.memory_space<vmem>>) semaphore(%arg11 : memref<!tpu.dma_semaphore, #tpu.memory_space<semaphore_mem>>)
        %dma_start3A_989 = arith.constant 14 : i32
        %dma_start3A_990 = arith.constant 448 : i32
        %dma_start3A_991 = arith.constant 0 : i32
        %dma_start3A_992 = tpu.memref_slice %arg8[%dma_start3A_990, %dma_start3A_991] : memref<832x64xf32, #tpu.memory_space<vmem>> -> memref<32x64xf32, #tpu.memory_space<vmem>>
        %dma_start3A_993 = arith.constant 0 : i32
        %dma_start3A_994 = tpu.memref_slice %arg6[%dma_start3A_989, %dma_start3A_993] : memref<26x32xi32, #tpu.memory_space<vmem>> -> memref<1x32xi32, #tpu.memory_space<vmem>>
        %dma_start3A_995 = tpu.memref_squeeze %dma_start3A_994 : memref<1x32xi32, #tpu.memory_space<vmem>> -> memref<32xi32, #tpu.memory_space<vmem>>
        %dma_start3A_996 = arith.constant 0 : i32
        %dma_start3A_997 = arith.constant 0 : i32
        %dma_start3A_998 = tpu.memref_slice %arg2[%dma_start3A_996, %dma_start3A_997] : memref<2600000x64xf32, #tpu.memory_space<hbm>> -> memref<2600000x64xf32, #tpu.memory_space<hbm>>
        tpu.enqueue_indirect_dma source(%dma_start3A_998 : memref<2600000x64xf32, #tpu.memory_space<hbm>>) target(%dma_start3A_992 : memref<32x64xf32, #tpu.memory_space<vmem>>) offsets(%dma_start3A_995 : memref<32xi32, #tpu.memory_space<vmem>>) semaphore(%arg11 : memref<!tpu.dma_semaphore, #tpu.memory_space<semaphore_mem>>)
        %dma_start3A_999 = arith.constant 15 : i32
        %dma_start3A_1000 = arith.constant 480 : i32
        %dma_start3A_1001 = arith.constant 0 : i32
        %dma_start3A_1002 = tpu.memref_slice %arg8[%dma_start3A_1000, %dma_start3A_1001] : memref<832x64xf32, #tpu.memory_space<vmem>> -> memref<32x64xf32, #tpu.memory_space<vmem>>
        %dma_start3A_1003 = arith.constant 0 : i32
        %dma_start3A_1004 = tpu.memref_slice %arg6[%dma_start3A_999, %dma_start3A_1003] : memref<26x32xi32, #tpu.memory_space<vmem>> -> memref<1x32xi32, #tpu.memory_space<vmem>>
        %dma_start3A_1005 = tpu.memref_squeeze %dma_start3A_1004 : memref<1x32xi32, #tpu.memory_space<vmem>> -> memref<32xi32, #tpu.memory_space<vmem>>
        %dma_start3A_1006 = arith.constant 0 : i32
        %dma_start3A_1007 = arith.constant 0 : i32
        %dma_start3A_1008 = tpu.memref_slice %arg2[%dma_start3A_1006, %dma_start3A_1007] : memref<2600000x64xf32, #tpu.memory_space<hbm>> -> memref<2600000x64xf32, #tpu.memory_space<hbm>>
        tpu.enqueue_indirect_dma source(%dma_start3A_1008 : memref<2600000x64xf32, #tpu.memory_space<hbm>>) target(%dma_start3A_1002 : memref<32x64xf32, #tpu.memory_space<vmem>>) offsets(%dma_start3A_1005 : memref<32xi32, #tpu.memory_space<vmem>>) semaphore(%arg11 : memref<!tpu.dma_semaphore, #tpu.memory_space<semaphore_mem>>)
        %dma_start3A_1009 = arith.constant 16 : i32
        %dma_start3A_1010 = arith.constant 512 : i32
        %dma_start3A_1011 = arith.constant 0 : i32
        %dma_start3A_1012 = tpu.memref_slice %arg8[%dma_start3A_1010, %dma_start3A_1011] : memref<832x64xf32, #tpu.memory_space<vmem>> -> memref<32x64xf32, #tpu.memory_space<vmem>>
        %dma_start3A_1013 = arith.constant 0 : i32
        %dma_start3A_1014 = tpu.memref_slice %arg6[%dma_start3A_1009, %dma_start3A_1013] : memref<26x32xi32, #tpu.memory_space<vmem>> -> memref<1x32xi32, #tpu.memory_space<vmem>>
        %dma_start3A_1015 = tpu.memref_squeeze %dma_start3A_1014 : memref<1x32xi32, #tpu.memory_space<vmem>> -> memref<32xi32, #tpu.memory_space<vmem>>
        %dma_start3A_1016 = arith.constant 0 : i32
        %dma_start3A_1017 = arith.constant 0 : i32
        %dma_start3A_1018 = tpu.memref_slice %arg2[%dma_start3A_1016, %dma_start3A_1017] : memref<2600000x64xf32, #tpu.memory_space<hbm>> -> memref<2600000x64xf32, #tpu.memory_space<hbm>>
        tpu.enqueue_indirect_dma source(%dma_start3A_1018 : memref<2600000x64xf32, #tpu.memory_space<hbm>>) target(%dma_start3A_1012 : memref<32x64xf32, #tpu.memory_space<vmem>>) offsets(%dma_start3A_1015 : memref<32xi32, #tpu.memory_space<vmem>>) semaphore(%arg11 : memref<!tpu.dma_semaphore, #tpu.memory_space<semaphore_mem>>)
        %dma_start3A_1019 = arith.constant 17 : i32
        %dma_start3A_1020 = arith.constant 544 : i32
        %dma_start3A_1021 = arith.constant 0 : i32
        %dma_start3A_1022 = tpu.memref_slice %arg8[%dma_start3A_1020, %dma_start3A_1021] : memref<832x64xf32, #tpu.memory_space<vmem>> -> memref<32x64xf32, #tpu.memory_space<vmem>>
        %dma_start3A_1023 = arith.constant 0 : i32
        %dma_start3A_1024 = tpu.memref_slice %arg6[%dma_start3A_1019, %dma_start3A_1023] : memref<26x32xi32, #tpu.memory_space<vmem>> -> memref<1x32xi32, #tpu.memory_space<vmem>>
        %dma_start3A_1025 = tpu.memref_squeeze %dma_start3A_1024 : memref<1x32xi32, #tpu.memory_space<vmem>> -> memref<32xi32, #tpu.memory_space<vmem>>
        %dma_start3A_1026 = arith.constant 0 : i32
        %dma_start3A_1027 = arith.constant 0 : i32
        %dma_start3A_1028 = tpu.memref_slice %arg2[%dma_start3A_1026, %dma_start3A_1027] : memref<2600000x64xf32, #tpu.memory_space<hbm>> -> memref<2600000x64xf32, #tpu.memory_space<hbm>>
        tpu.enqueue_indirect_dma source(%dma_start3A_1028 : memref<2600000x64xf32, #tpu.memory_space<hbm>>) target(%dma_start3A_1022 : memref<32x64xf32, #tpu.memory_space<vmem>>) offsets(%dma_start3A_1025 : memref<32xi32, #tpu.memory_space<vmem>>) semaphore(%arg11 : memref<!tpu.dma_semaphore, #tpu.memory_space<semaphore_mem>>)
        %dma_start3A_1029 = arith.constant 18 : i32
        %dma_start3A_1030 = arith.constant 576 : i32
        %dma_start3A_1031 = arith.constant 0 : i32
        %dma_start3A_1032 = tpu.memref_slice %arg8[%dma_start3A_1030, %dma_start3A_1031] : memref<832x64xf32, #tpu.memory_space<vmem>> -> memref<32x64xf32, #tpu.memory_space<vmem>>
        %dma_start3A_1033 = arith.constant 0 : i32
        %dma_start3A_1034 = tpu.memref_slice %arg6[%dma_start3A_1029, %dma_start3A_1033] : memref<26x32xi32, #tpu.memory_space<vmem>> -> memref<1x32xi32, #tpu.memory_space<vmem>>
        %dma_start3A_1035 = tpu.memref_squeeze %dma_start3A_1034 : memref<1x32xi32, #tpu.memory_space<vmem>> -> memref<32xi32, #tpu.memory_space<vmem>>
        %dma_start3A_1036 = arith.constant 0 : i32
        %dma_start3A_1037 = arith.constant 0 : i32
        %dma_start3A_1038 = tpu.memref_slice %arg2[%dma_start3A_1036, %dma_start3A_1037] : memref<2600000x64xf32, #tpu.memory_space<hbm>> -> memref<2600000x64xf32, #tpu.memory_space<hbm>>
        tpu.enqueue_indirect_dma source(%dma_start3A_1038 : memref<2600000x64xf32, #tpu.memory_space<hbm>>) target(%dma_start3A_1032 : memref<32x64xf32, #tpu.memory_space<vmem>>) offsets(%dma_start3A_1035 : memref<32xi32, #tpu.memory_space<vmem>>) semaphore(%arg11 : memref<!tpu.dma_semaphore, #tpu.memory_space<semaphore_mem>>)
        %dma_start3A_1039 = arith.constant 19 : i32
        %dma_start3A_1040 = arith.constant 608 : i32
        %dma_start3A_1041 = arith.constant 0 : i32
        %dma_start3A_1042 = tpu.memref_slice %arg8[%dma_start3A_1040, %dma_start3A_1041] : memref<832x64xf32, #tpu.memory_space<vmem>> -> memref<32x64xf32, #tpu.memory_space<vmem>>
        %dma_start3A_1043 = arith.constant 0 : i32
        %dma_start3A_1044 = tpu.memref_slice %arg6[%dma_start3A_1039, %dma_start3A_1043] : memref<26x32xi32, #tpu.memory_space<vmem>> -> memref<1x32xi32, #tpu.memory_space<vmem>>
        %dma_start3A_1045 = tpu.memref_squeeze %dma_start3A_1044 : memref<1x32xi32, #tpu.memory_space<vmem>> -> memref<32xi32, #tpu.memory_space<vmem>>
        %dma_start3A_1046 = arith.constant 0 : i32
        %dma_start3A_1047 = arith.constant 0 : i32
        %dma_start3A_1048 = tpu.memref_slice %arg2[%dma_start3A_1046, %dma_start3A_1047] : memref<2600000x64xf32, #tpu.memory_space<hbm>> -> memref<2600000x64xf32, #tpu.memory_space<hbm>>
        tpu.enqueue_indirect_dma source(%dma_start3A_1048 : memref<2600000x64xf32, #tpu.memory_space<hbm>>) target(%dma_start3A_1042 : memref<32x64xf32, #tpu.memory_space<vmem>>) offsets(%dma_start3A_1045 : memref<32xi32, #tpu.memory_space<vmem>>) semaphore(%arg11 : memref<!tpu.dma_semaphore, #tpu.memory_space<semaphore_mem>>)
        %dma_start3A_1049 = arith.constant 20 : i32
        %dma_start3A_1050 = arith.constant 640 : i32
        %dma_start3A_1051 = arith.constant 0 : i32
        %dma_start3A_1052 = tpu.memref_slice %arg8[%dma_start3A_1050, %dma_start3A_1051] : memref<832x64xf32, #tpu.memory_space<vmem>> -> memref<32x64xf32, #tpu.memory_space<vmem>>
        %dma_start3A_1053 = arith.constant 0 : i32
        %dma_start3A_1054 = tpu.memref_slice %arg6[%dma_start3A_1049, %dma_start3A_1053] : memref<26x32xi32, #tpu.memory_space<vmem>> -> memref<1x32xi32, #tpu.memory_space<vmem>>
        %dma_start3A_1055 = tpu.memref_squeeze %dma_start3A_1054 : memref<1x32xi32, #tpu.memory_space<vmem>> -> memref<32xi32, #tpu.memory_space<vmem>>
        %dma_start3A_1056 = arith.constant 0 : i32
        %dma_start3A_1057 = arith.constant 0 : i32
        %dma_start3A_1058 = tpu.memref_slice %arg2[%dma_start3A_1056, %dma_start3A_1057] : memref<2600000x64xf32, #tpu.memory_space<hbm>> -> memref<2600000x64xf32, #tpu.memory_space<hbm>>
        tpu.enqueue_indirect_dma source(%dma_start3A_1058 : memref<2600000x64xf32, #tpu.memory_space<hbm>>) target(%dma_start3A_1052 : memref<32x64xf32, #tpu.memory_space<vmem>>) offsets(%dma_start3A_1055 : memref<32xi32, #tpu.memory_space<vmem>>) semaphore(%arg11 : memref<!tpu.dma_semaphore, #tpu.memory_space<semaphore_mem>>)
        %dma_start3A_1059 = arith.constant 21 : i32
        %dma_start3A_1060 = arith.constant 672 : i32
        %dma_start3A_1061 = arith.constant 0 : i32
        %dma_start3A_1062 = tpu.memref_slice %arg8[%dma_start3A_1060, %dma_start3A_1061] : memref<832x64xf32, #tpu.memory_space<vmem>> -> memref<32x64xf32, #tpu.memory_space<vmem>>
        %dma_start3A_1063 = arith.constant 0 : i32
        %dma_start3A_1064 = tpu.memref_slice %arg6[%dma_start3A_1059, %dma_start3A_1063] : memref<26x32xi32, #tpu.memory_space<vmem>> -> memref<1x32xi32, #tpu.memory_space<vmem>>
        %dma_start3A_1065 = tpu.memref_squeeze %dma_start3A_1064 : memref<1x32xi32, #tpu.memory_space<vmem>> -> memref<32xi32, #tpu.memory_space<vmem>>
        %dma_start3A_1066 = arith.constant 0 : i32
        %dma_start3A_1067 = arith.constant 0 : i32
        %dma_start3A_1068 = tpu.memref_slice %arg2[%dma_start3A_1066, %dma_start3A_1067] : memref<2600000x64xf32, #tpu.memory_space<hbm>> -> memref<2600000x64xf32, #tpu.memory_space<hbm>>
        tpu.enqueue_indirect_dma source(%dma_start3A_1068 : memref<2600000x64xf32, #tpu.memory_space<hbm>>) target(%dma_start3A_1062 : memref<32x64xf32, #tpu.memory_space<vmem>>) offsets(%dma_start3A_1065 : memref<32xi32, #tpu.memory_space<vmem>>) semaphore(%arg11 : memref<!tpu.dma_semaphore, #tpu.memory_space<semaphore_mem>>)
        %dma_start3A_1069 = arith.constant 22 : i32
        %dma_start3A_1070 = arith.constant 704 : i32
        %dma_start3A_1071 = arith.constant 0 : i32
        %dma_start3A_1072 = tpu.memref_slice %arg8[%dma_start3A_1070, %dma_start3A_1071] : memref<832x64xf32, #tpu.memory_space<vmem>> -> memref<32x64xf32, #tpu.memory_space<vmem>>
        %dma_start3A_1073 = arith.constant 0 : i32
        %dma_start3A_1074 = tpu.memref_slice %arg6[%dma_start3A_1069, %dma_start3A_1073] : memref<26x32xi32, #tpu.memory_space<vmem>> -> memref<1x32xi32, #tpu.memory_space<vmem>>
        %dma_start3A_1075 = tpu.memref_squeeze %dma_start3A_1074 : memref<1x32xi32, #tpu.memory_space<vmem>> -> memref<32xi32, #tpu.memory_space<vmem>>
        %dma_start3A_1076 = arith.constant 0 : i32
        %dma_start3A_1077 = arith.constant 0 : i32
        %dma_start3A_1078 = tpu.memref_slice %arg2[%dma_start3A_1076, %dma_start3A_1077] : memref<2600000x64xf32, #tpu.memory_space<hbm>> -> memref<2600000x64xf32, #tpu.memory_space<hbm>>
        tpu.enqueue_indirect_dma source(%dma_start3A_1078 : memref<2600000x64xf32, #tpu.memory_space<hbm>>) target(%dma_start3A_1072 : memref<32x64xf32, #tpu.memory_space<vmem>>) offsets(%dma_start3A_1075 : memref<32xi32, #tpu.memory_space<vmem>>) semaphore(%arg11 : memref<!tpu.dma_semaphore, #tpu.memory_space<semaphore_mem>>)
        %dma_start3A_1079 = arith.constant 23 : i32
        %dma_start3A_1080 = arith.constant 736 : i32
        %dma_start3A_1081 = arith.constant 0 : i32
        %dma_start3A_1082 = tpu.memref_slice %arg8[%dma_start3A_1080, %dma_start3A_1081] : memref<832x64xf32, #tpu.memory_space<vmem>> -> memref<32x64xf32, #tpu.memory_space<vmem>>
        %dma_start3A_1083 = arith.constant 0 : i32
        %dma_start3A_1084 = tpu.memref_slice %arg6[%dma_start3A_1079, %dma_start3A_1083] : memref<26x32xi32, #tpu.memory_space<vmem>> -> memref<1x32xi32, #tpu.memory_space<vmem>>
        %dma_start3A_1085 = tpu.memref_squeeze %dma_start3A_1084 : memref<1x32xi32, #tpu.memory_space<vmem>> -> memref<32xi32, #tpu.memory_space<vmem>>
        %dma_start3A_1086 = arith.constant 0 : i32
        %dma_start3A_1087 = arith.constant 0 : i32
        %dma_start3A_1088 = tpu.memref_slice %arg2[%dma_start3A_1086, %dma_start3A_1087] : memref<2600000x64xf32, #tpu.memory_space<hbm>> -> memref<2600000x64xf32, #tpu.memory_space<hbm>>
        tpu.enqueue_indirect_dma source(%dma_start3A_1088 : memref<2600000x64xf32, #tpu.memory_space<hbm>>) target(%dma_start3A_1082 : memref<32x64xf32, #tpu.memory_space<vmem>>) offsets(%dma_start3A_1085 : memref<32xi32, #tpu.memory_space<vmem>>) semaphore(%arg11 : memref<!tpu.dma_semaphore, #tpu.memory_space<semaphore_mem>>)
        %dma_start3A_1089 = arith.constant 24 : i32
        %dma_start3A_1090 = arith.constant 768 : i32
        %dma_start3A_1091 = arith.constant 0 : i32
        %dma_start3A_1092 = tpu.memref_slice %arg8[%dma_start3A_1090, %dma_start3A_1091] : memref<832x64xf32, #tpu.memory_space<vmem>> -> memref<32x64xf32, #tpu.memory_space<vmem>>
        %dma_start3A_1093 = arith.constant 0 : i32
        %dma_start3A_1094 = tpu.memref_slice %arg6[%dma_start3A_1089, %dma_start3A_1093] : memref<26x32xi32, #tpu.memory_space<vmem>> -> memref<1x32xi32, #tpu.memory_space<vmem>>
        %dma_start3A_1095 = tpu.memref_squeeze %dma_start3A_1094 : memref<1x32xi32, #tpu.memory_space<vmem>> -> memref<32xi32, #tpu.memory_space<vmem>>
        %dma_start3A_1096 = arith.constant 0 : i32
        %dma_start3A_1097 = arith.constant 0 : i32
        %dma_start3A_1098 = tpu.memref_slice %arg2[%dma_start3A_1096, %dma_start3A_1097] : memref<2600000x64xf32, #tpu.memory_space<hbm>> -> memref<2600000x64xf32, #tpu.memory_space<hbm>>
        tpu.enqueue_indirect_dma source(%dma_start3A_1098 : memref<2600000x64xf32, #tpu.memory_space<hbm>>) target(%dma_start3A_1092 : memref<32x64xf32, #tpu.memory_space<vmem>>) offsets(%dma_start3A_1095 : memref<32xi32, #tpu.memory_space<vmem>>) semaphore(%arg11 : memref<!tpu.dma_semaphore, #tpu.memory_space<semaphore_mem>>)
        %dma_start3A_1099 = arith.constant 25 : i32
        %dma_start3A_1100 = arith.constant 800 : i32
        %dma_start3A_1101 = arith.constant 0 : i32
        %dma_start3A_1102 = tpu.memref_slice %arg8[%dma_start3A_1100, %dma_start3A_1101] : memref<832x64xf32, #tpu.memory_space<vmem>> -> memref<32x64xf32, #tpu.memory_space<vmem>>
        %dma_start3A_1103 = arith.constant 0 : i32
        %dma_start3A_1104 = tpu.memref_slice %arg6[%dma_start3A_1099, %dma_start3A_1103] : memref<26x32xi32, #tpu.memory_space<vmem>> -> memref<1x32xi32, #tpu.memory_space<vmem>>
        %dma_start3A_1105 = tpu.memref_squeeze %dma_start3A_1104 : memref<1x32xi32, #tpu.memory_space<vmem>> -> memref<32xi32, #tpu.memory_space<vmem>>
        %dma_start3A_1106 = arith.constant 0 : i32
        %dma_start3A_1107 = arith.constant 0 : i32
        %dma_start3A_1108 = tpu.memref_slice %arg2[%dma_start3A_1106, %dma_start3A_1107] : memref<2600000x64xf32, #tpu.memory_space<hbm>> -> memref<2600000x64xf32, #tpu.memory_space<hbm>>
        tpu.enqueue_indirect_dma source(%dma_start3A_1108 : memref<2600000x64xf32, #tpu.memory_space<hbm>>) target(%dma_start3A_1102 : memref<32x64xf32, #tpu.memory_space<vmem>>) offsets(%dma_start3A_1105 : memref<32xi32, #tpu.memory_space<vmem>>) semaphore(%arg11 : memref<!tpu.dma_semaphore, #tpu.memory_space<semaphore_mem>>)
      } else {
      }
      %dma_wait3A = arith.constant 0 : i32
      %dma_wait3A_295 = arith.constant 0 : i32
      %dma_wait3A_296 = arith.constant 0 : i32
      %dma_wait3A_297 = tpu.memref_slice %arg7[%dma_wait3A_295, %dma_wait3A_296] : memref<832x64xf32, #tpu.memory_space<vmem>> -> memref<32x64xf32, #tpu.memory_space<vmem>>
      %dma_wait3A_298 = arith.constant 0 : i32
      %dma_wait3A_299 = tpu.memref_slice %arg5[%dma_wait3A, %dma_wait3A_298] : memref<26x32xi32, #tpu.memory_space<vmem>> -> memref<1x32xi32, #tpu.memory_space<vmem>>
      %dma_wait3A_300 = tpu.memref_squeeze %dma_wait3A_299 : memref<1x32xi32, #tpu.memory_space<vmem>> -> memref<32xi32, #tpu.memory_space<vmem>>
      %dma_wait3A_301 = arith.constant 0 : i32
      %dma_wait3A_302 = arith.constant 0 : i32
      %dma_wait3A_303 = tpu.memref_slice %arg2[%dma_wait3A_301, %dma_wait3A_302] : memref<2600000x64xf32, #tpu.memory_space<hbm>> -> memref<2600000x64xf32, #tpu.memory_space<hbm>>
      tpu.wait_indirect_dma semaphore(%arg10 : memref<!tpu.dma_semaphore, #tpu.memory_space<semaphore_mem>>) src(%dma_wait3A_303 : memref<2600000x64xf32, #tpu.memory_space<hbm>>) dst(%dma_wait3A_297 : memref<32x64xf32, #tpu.memory_space<vmem>>)
      %dma_wait3A_304 = arith.constant 1 : i32
      %dma_wait3A_305 = arith.constant 32 : i32
      %dma_wait3A_306 = arith.constant 0 : i32
      %dma_wait3A_307 = tpu.memref_slice %arg7[%dma_wait3A_305, %dma_wait3A_306] : memref<832x64xf32, #tpu.memory_space<vmem>> -> memref<32x64xf32, #tpu.memory_space<vmem>>
      %dma_wait3A_308 = arith.constant 0 : i32
      %dma_wait3A_309 = tpu.memref_slice %arg5[%dma_wait3A_304, %dma_wait3A_308] : memref<26x32xi32, #tpu.memory_space<vmem>> -> memref<1x32xi32, #tpu.memory_space<vmem>>
      %dma_wait3A_310 = tpu.memref_squeeze %dma_wait3A_309 : memref<1x32xi32, #tpu.memory_space<vmem>> -> memref<32xi32, #tpu.memory_space<vmem>>
      %dma_wait3A_311 = arith.constant 0 : i32
      %dma_wait3A_312 = arith.constant 0 : i32
      %dma_wait3A_313 = tpu.memref_slice %arg2[%dma_wait3A_311, %dma_wait3A_312] : memref<2600000x64xf32, #tpu.memory_space<hbm>> -> memref<2600000x64xf32, #tpu.memory_space<hbm>>
      tpu.wait_indirect_dma semaphore(%arg10 : memref<!tpu.dma_semaphore, #tpu.memory_space<semaphore_mem>>) src(%dma_wait3A_313 : memref<2600000x64xf32, #tpu.memory_space<hbm>>) dst(%dma_wait3A_307 : memref<32x64xf32, #tpu.memory_space<vmem>>)
      %dma_wait3A_314 = arith.constant 2 : i32
      %dma_wait3A_315 = arith.constant 64 : i32
      %dma_wait3A_316 = arith.constant 0 : i32
      %dma_wait3A_317 = tpu.memref_slice %arg7[%dma_wait3A_315, %dma_wait3A_316] : memref<832x64xf32, #tpu.memory_space<vmem>> -> memref<32x64xf32, #tpu.memory_space<vmem>>
      %dma_wait3A_318 = arith.constant 0 : i32
      %dma_wait3A_319 = tpu.memref_slice %arg5[%dma_wait3A_314, %dma_wait3A_318] : memref<26x32xi32, #tpu.memory_space<vmem>> -> memref<1x32xi32, #tpu.memory_space<vmem>>
      %dma_wait3A_320 = tpu.memref_squeeze %dma_wait3A_319 : memref<1x32xi32, #tpu.memory_space<vmem>> -> memref<32xi32, #tpu.memory_space<vmem>>
      %dma_wait3A_321 = arith.constant 0 : i32
      %dma_wait3A_322 = arith.constant 0 : i32
      %dma_wait3A_323 = tpu.memref_slice %arg2[%dma_wait3A_321, %dma_wait3A_322] : memref<2600000x64xf32, #tpu.memory_space<hbm>> -> memref<2600000x64xf32, #tpu.memory_space<hbm>>
      tpu.wait_indirect_dma semaphore(%arg10 : memref<!tpu.dma_semaphore, #tpu.memory_space<semaphore_mem>>) src(%dma_wait3A_323 : memref<2600000x64xf32, #tpu.memory_space<hbm>>) dst(%dma_wait3A_317 : memref<32x64xf32, #tpu.memory_space<vmem>>)
      %dma_wait3A_324 = arith.constant 3 : i32
      %dma_wait3A_325 = arith.constant 96 : i32
      %dma_wait3A_326 = arith.constant 0 : i32
      %dma_wait3A_327 = tpu.memref_slice %arg7[%dma_wait3A_325, %dma_wait3A_326] : memref<832x64xf32, #tpu.memory_space<vmem>> -> memref<32x64xf32, #tpu.memory_space<vmem>>
      %dma_wait3A_328 = arith.constant 0 : i32
      %dma_wait3A_329 = tpu.memref_slice %arg5[%dma_wait3A_324, %dma_wait3A_328] : memref<26x32xi32, #tpu.memory_space<vmem>> -> memref<1x32xi32, #tpu.memory_space<vmem>>
      %dma_wait3A_330 = tpu.memref_squeeze %dma_wait3A_329 : memref<1x32xi32, #tpu.memory_space<vmem>> -> memref<32xi32, #tpu.memory_space<vmem>>
      %dma_wait3A_331 = arith.constant 0 : i32
      %dma_wait3A_332 = arith.constant 0 : i32
      %dma_wait3A_333 = tpu.memref_slice %arg2[%dma_wait3A_331, %dma_wait3A_332] : memref<2600000x64xf32, #tpu.memory_space<hbm>> -> memref<2600000x64xf32, #tpu.memory_space<hbm>>
      tpu.wait_indirect_dma semaphore(%arg10 : memref<!tpu.dma_semaphore, #tpu.memory_space<semaphore_mem>>) src(%dma_wait3A_333 : memref<2600000x64xf32, #tpu.memory_space<hbm>>) dst(%dma_wait3A_327 : memref<32x64xf32, #tpu.memory_space<vmem>>)
      %dma_wait3A_334 = arith.constant 4 : i32
      %dma_wait3A_335 = arith.constant 128 : i32
      %dma_wait3A_336 = arith.constant 0 : i32
      %dma_wait3A_337 = tpu.memref_slice %arg7[%dma_wait3A_335, %dma_wait3A_336] : memref<832x64xf32, #tpu.memory_space<vmem>> -> memref<32x64xf32, #tpu.memory_space<vmem>>
      %dma_wait3A_338 = arith.constant 0 : i32
      %dma_wait3A_339 = tpu.memref_slice %arg5[%dma_wait3A_334, %dma_wait3A_338] : memref<26x32xi32, #tpu.memory_space<vmem>> -> memref<1x32xi32, #tpu.memory_space<vmem>>
      %dma_wait3A_340 = tpu.memref_squeeze %dma_wait3A_339 : memref<1x32xi32, #tpu.memory_space<vmem>> -> memref<32xi32, #tpu.memory_space<vmem>>
      %dma_wait3A_341 = arith.constant 0 : i32
      %dma_wait3A_342 = arith.constant 0 : i32
      %dma_wait3A_343 = tpu.memref_slice %arg2[%dma_wait3A_341, %dma_wait3A_342] : memref<2600000x64xf32, #tpu.memory_space<hbm>> -> memref<2600000x64xf32, #tpu.memory_space<hbm>>
      tpu.wait_indirect_dma semaphore(%arg10 : memref<!tpu.dma_semaphore, #tpu.memory_space<semaphore_mem>>) src(%dma_wait3A_343 : memref<2600000x64xf32, #tpu.memory_space<hbm>>) dst(%dma_wait3A_337 : memref<32x64xf32, #tpu.memory_space<vmem>>)
      %dma_wait3A_344 = arith.constant 5 : i32
      %dma_wait3A_345 = arith.constant 160 : i32
      %dma_wait3A_346 = arith.constant 0 : i32
      %dma_wait3A_347 = tpu.memref_slice %arg7[%dma_wait3A_345, %dma_wait3A_346] : memref<832x64xf32, #tpu.memory_space<vmem>> -> memref<32x64xf32, #tpu.memory_space<vmem>>
      %dma_wait3A_348 = arith.constant 0 : i32
      %dma_wait3A_349 = tpu.memref_slice %arg5[%dma_wait3A_344, %dma_wait3A_348] : memref<26x32xi32, #tpu.memory_space<vmem>> -> memref<1x32xi32, #tpu.memory_space<vmem>>
      %dma_wait3A_350 = tpu.memref_squeeze %dma_wait3A_349 : memref<1x32xi32, #tpu.memory_space<vmem>> -> memref<32xi32, #tpu.memory_space<vmem>>
      %dma_wait3A_351 = arith.constant 0 : i32
      %dma_wait3A_352 = arith.constant 0 : i32
      %dma_wait3A_353 = tpu.memref_slice %arg2[%dma_wait3A_351, %dma_wait3A_352] : memref<2600000x64xf32, #tpu.memory_space<hbm>> -> memref<2600000x64xf32, #tpu.memory_space<hbm>>
      tpu.wait_indirect_dma semaphore(%arg10 : memref<!tpu.dma_semaphore, #tpu.memory_space<semaphore_mem>>) src(%dma_wait3A_353 : memref<2600000x64xf32, #tpu.memory_space<hbm>>) dst(%dma_wait3A_347 : memref<32x64xf32, #tpu.memory_space<vmem>>)
      %dma_wait3A_354 = arith.constant 6 : i32
      %dma_wait3A_355 = arith.constant 192 : i32
      %dma_wait3A_356 = arith.constant 0 : i32
      %dma_wait3A_357 = tpu.memref_slice %arg7[%dma_wait3A_355, %dma_wait3A_356] : memref<832x64xf32, #tpu.memory_space<vmem>> -> memref<32x64xf32, #tpu.memory_space<vmem>>
      %dma_wait3A_358 = arith.constant 0 : i32
      %dma_wait3A_359 = tpu.memref_slice %arg5[%dma_wait3A_354, %dma_wait3A_358] : memref<26x32xi32, #tpu.memory_space<vmem>> -> memref<1x32xi32, #tpu.memory_space<vmem>>
      %dma_wait3A_360 = tpu.memref_squeeze %dma_wait3A_359 : memref<1x32xi32, #tpu.memory_space<vmem>> -> memref<32xi32, #tpu.memory_space<vmem>>
      %dma_wait3A_361 = arith.constant 0 : i32
      %dma_wait3A_362 = arith.constant 0 : i32
      %dma_wait3A_363 = tpu.memref_slice %arg2[%dma_wait3A_361, %dma_wait3A_362] : memref<2600000x64xf32, #tpu.memory_space<hbm>> -> memref<2600000x64xf32, #tpu.memory_space<hbm>>
      tpu.wait_indirect_dma semaphore(%arg10 : memref<!tpu.dma_semaphore, #tpu.memory_space<semaphore_mem>>) src(%dma_wait3A_363 : memref<2600000x64xf32, #tpu.memory_space<hbm>>) dst(%dma_wait3A_357 : memref<32x64xf32, #tpu.memory_space<vmem>>)
      %dma_wait3A_364 = arith.constant 7 : i32
      %dma_wait3A_365 = arith.constant 224 : i32
      %dma_wait3A_366 = arith.constant 0 : i32
      %dma_wait3A_367 = tpu.memref_slice %arg7[%dma_wait3A_365, %dma_wait3A_366] : memref<832x64xf32, #tpu.memory_space<vmem>> -> memref<32x64xf32, #tpu.memory_space<vmem>>
      %dma_wait3A_368 = arith.constant 0 : i32
      %dma_wait3A_369 = tpu.memref_slice %arg5[%dma_wait3A_364, %dma_wait3A_368] : memref<26x32xi32, #tpu.memory_space<vmem>> -> memref<1x32xi32, #tpu.memory_space<vmem>>
      %dma_wait3A_370 = tpu.memref_squeeze %dma_wait3A_369 : memref<1x32xi32, #tpu.memory_space<vmem>> -> memref<32xi32, #tpu.memory_space<vmem>>
      %dma_wait3A_371 = arith.constant 0 : i32
      %dma_wait3A_372 = arith.constant 0 : i32
      %dma_wait3A_373 = tpu.memref_slice %arg2[%dma_wait3A_371, %dma_wait3A_372] : memref<2600000x64xf32, #tpu.memory_space<hbm>> -> memref<2600000x64xf32, #tpu.memory_space<hbm>>
      tpu.wait_indirect_dma semaphore(%arg10 : memref<!tpu.dma_semaphore, #tpu.memory_space<semaphore_mem>>) src(%dma_wait3A_373 : memref<2600000x64xf32, #tpu.memory_space<hbm>>) dst(%dma_wait3A_367 : memref<32x64xf32, #tpu.memory_space<vmem>>)
      %dma_wait3A_374 = arith.constant 8 : i32
      %dma_wait3A_375 = arith.constant 256 : i32
      %dma_wait3A_376 = arith.constant 0 : i32
      %dma_wait3A_377 = tpu.memref_slice %arg7[%dma_wait3A_375, %dma_wait3A_376] : memref<832x64xf32, #tpu.memory_space<vmem>> -> memref<32x64xf32, #tpu.memory_space<vmem>>
      %dma_wait3A_378 = arith.constant 0 : i32
      %dma_wait3A_379 = tpu.memref_slice %arg5[%dma_wait3A_374, %dma_wait3A_378] : memref<26x32xi32, #tpu.memory_space<vmem>> -> memref<1x32xi32, #tpu.memory_space<vmem>>
      %dma_wait3A_380 = tpu.memref_squeeze %dma_wait3A_379 : memref<1x32xi32, #tpu.memory_space<vmem>> -> memref<32xi32, #tpu.memory_space<vmem>>
      %dma_wait3A_381 = arith.constant 0 : i32
      %dma_wait3A_382 = arith.constant 0 : i32
      %dma_wait3A_383 = tpu.memref_slice %arg2[%dma_wait3A_381, %dma_wait3A_382] : memref<2600000x64xf32, #tpu.memory_space<hbm>> -> memref<2600000x64xf32, #tpu.memory_space<hbm>>
      tpu.wait_indirect_dma semaphore(%arg10 : memref<!tpu.dma_semaphore, #tpu.memory_space<semaphore_mem>>) src(%dma_wait3A_383 : memref<2600000x64xf32, #tpu.memory_space<hbm>>) dst(%dma_wait3A_377 : memref<32x64xf32, #tpu.memory_space<vmem>>)
      %dma_wait3A_384 = arith.constant 9 : i32
      %dma_wait3A_385 = arith.constant 288 : i32
      %dma_wait3A_386 = arith.constant 0 : i32
      %dma_wait3A_387 = tpu.memref_slice %arg7[%dma_wait3A_385, %dma_wait3A_386] : memref<832x64xf32, #tpu.memory_space<vmem>> -> memref<32x64xf32, #tpu.memory_space<vmem>>
      %dma_wait3A_388 = arith.constant 0 : i32
      %dma_wait3A_389 = tpu.memref_slice %arg5[%dma_wait3A_384, %dma_wait3A_388] : memref<26x32xi32, #tpu.memory_space<vmem>> -> memref<1x32xi32, #tpu.memory_space<vmem>>
      %dma_wait3A_390 = tpu.memref_squeeze %dma_wait3A_389 : memref<1x32xi32, #tpu.memory_space<vmem>> -> memref<32xi32, #tpu.memory_space<vmem>>
      %dma_wait3A_391 = arith.constant 0 : i32
      %dma_wait3A_392 = arith.constant 0 : i32
      %dma_wait3A_393 = tpu.memref_slice %arg2[%dma_wait3A_391, %dma_wait3A_392] : memref<2600000x64xf32, #tpu.memory_space<hbm>> -> memref<2600000x64xf32, #tpu.memory_space<hbm>>
      tpu.wait_indirect_dma semaphore(%arg10 : memref<!tpu.dma_semaphore, #tpu.memory_space<semaphore_mem>>) src(%dma_wait3A_393 : memref<2600000x64xf32, #tpu.memory_space<hbm>>) dst(%dma_wait3A_387 : memref<32x64xf32, #tpu.memory_space<vmem>>)
      %dma_wait3A_394 = arith.constant 10 : i32
      %dma_wait3A_395 = arith.constant 320 : i32
      %dma_wait3A_396 = arith.constant 0 : i32
      %dma_wait3A_397 = tpu.memref_slice %arg7[%dma_wait3A_395, %dma_wait3A_396] : memref<832x64xf32, #tpu.memory_space<vmem>> -> memref<32x64xf32, #tpu.memory_space<vmem>>
      %dma_wait3A_398 = arith.constant 0 : i32
      %dma_wait3A_399 = tpu.memref_slice %arg5[%dma_wait3A_394, %dma_wait3A_398] : memref<26x32xi32, #tpu.memory_space<vmem>> -> memref<1x32xi32, #tpu.memory_space<vmem>>
      %dma_wait3A_400 = tpu.memref_squeeze %dma_wait3A_399 : memref<1x32xi32, #tpu.memory_space<vmem>> -> memref<32xi32, #tpu.memory_space<vmem>>
      %dma_wait3A_401 = arith.constant 0 : i32
      %dma_wait3A_402 = arith.constant 0 : i32
      %dma_wait3A_403 = tpu.memref_slice %arg2[%dma_wait3A_401, %dma_wait3A_402] : memref<2600000x64xf32, #tpu.memory_space<hbm>> -> memref<2600000x64xf32, #tpu.memory_space<hbm>>
      tpu.wait_indirect_dma semaphore(%arg10 : memref<!tpu.dma_semaphore, #tpu.memory_space<semaphore_mem>>) src(%dma_wait3A_403 : memref<2600000x64xf32, #tpu.memory_space<hbm>>) dst(%dma_wait3A_397 : memref<32x64xf32, #tpu.memory_space<vmem>>)
      %dma_wait3A_404 = arith.constant 11 : i32
      %dma_wait3A_405 = arith.constant 352 : i32
      %dma_wait3A_406 = arith.constant 0 : i32
      %dma_wait3A_407 = tpu.memref_slice %arg7[%dma_wait3A_405, %dma_wait3A_406] : memref<832x64xf32, #tpu.memory_space<vmem>> -> memref<32x64xf32, #tpu.memory_space<vmem>>
      %dma_wait3A_408 = arith.constant 0 : i32
      %dma_wait3A_409 = tpu.memref_slice %arg5[%dma_wait3A_404, %dma_wait3A_408] : memref<26x32xi32, #tpu.memory_space<vmem>> -> memref<1x32xi32, #tpu.memory_space<vmem>>
      %dma_wait3A_410 = tpu.memref_squeeze %dma_wait3A_409 : memref<1x32xi32, #tpu.memory_space<vmem>> -> memref<32xi32, #tpu.memory_space<vmem>>
      %dma_wait3A_411 = arith.constant 0 : i32
      %dma_wait3A_412 = arith.constant 0 : i32
      %dma_wait3A_413 = tpu.memref_slice %arg2[%dma_wait3A_411, %dma_wait3A_412] : memref<2600000x64xf32, #tpu.memory_space<hbm>> -> memref<2600000x64xf32, #tpu.memory_space<hbm>>
      tpu.wait_indirect_dma semaphore(%arg10 : memref<!tpu.dma_semaphore, #tpu.memory_space<semaphore_mem>>) src(%dma_wait3A_413 : memref<2600000x64xf32, #tpu.memory_space<hbm>>) dst(%dma_wait3A_407 : memref<32x64xf32, #tpu.memory_space<vmem>>)
      %dma_wait3A_414 = arith.constant 12 : i32
      %dma_wait3A_415 = arith.constant 384 : i32
      %dma_wait3A_416 = arith.constant 0 : i32
      %dma_wait3A_417 = tpu.memref_slice %arg7[%dma_wait3A_415, %dma_wait3A_416] : memref<832x64xf32, #tpu.memory_space<vmem>> -> memref<32x64xf32, #tpu.memory_space<vmem>>
      %dma_wait3A_418 = arith.constant 0 : i32
      %dma_wait3A_419 = tpu.memref_slice %arg5[%dma_wait3A_414, %dma_wait3A_418] : memref<26x32xi32, #tpu.memory_space<vmem>> -> memref<1x32xi32, #tpu.memory_space<vmem>>
      %dma_wait3A_420 = tpu.memref_squeeze %dma_wait3A_419 : memref<1x32xi32, #tpu.memory_space<vmem>> -> memref<32xi32, #tpu.memory_space<vmem>>
      %dma_wait3A_421 = arith.constant 0 : i32
      %dma_wait3A_422 = arith.constant 0 : i32
      %dma_wait3A_423 = tpu.memref_slice %arg2[%dma_wait3A_421, %dma_wait3A_422] : memref<2600000x64xf32, #tpu.memory_space<hbm>> -> memref<2600000x64xf32, #tpu.memory_space<hbm>>
      tpu.wait_indirect_dma semaphore(%arg10 : memref<!tpu.dma_semaphore, #tpu.memory_space<semaphore_mem>>) src(%dma_wait3A_423 : memref<2600000x64xf32, #tpu.memory_space<hbm>>) dst(%dma_wait3A_417 : memref<32x64xf32, #tpu.memory_space<vmem>>)
      %dma_wait3A_424 = arith.constant 13 : i32
      %dma_wait3A_425 = arith.constant 416 : i32
      %dma_wait3A_426 = arith.constant 0 : i32
      %dma_wait3A_427 = tpu.memref_slice %arg7[%dma_wait3A_425, %dma_wait3A_426] : memref<832x64xf32, #tpu.memory_space<vmem>> -> memref<32x64xf32, #tpu.memory_space<vmem>>
      %dma_wait3A_428 = arith.constant 0 : i32
      %dma_wait3A_429 = tpu.memref_slice %arg5[%dma_wait3A_424, %dma_wait3A_428] : memref<26x32xi32, #tpu.memory_space<vmem>> -> memref<1x32xi32, #tpu.memory_space<vmem>>
      %dma_wait3A_430 = tpu.memref_squeeze %dma_wait3A_429 : memref<1x32xi32, #tpu.memory_space<vmem>> -> memref<32xi32, #tpu.memory_space<vmem>>
      %dma_wait3A_431 = arith.constant 0 : i32
      %dma_wait3A_432 = arith.constant 0 : i32
      %dma_wait3A_433 = tpu.memref_slice %arg2[%dma_wait3A_431, %dma_wait3A_432] : memref<2600000x64xf32, #tpu.memory_space<hbm>> -> memref<2600000x64xf32, #tpu.memory_space<hbm>>
      tpu.wait_indirect_dma semaphore(%arg10 : memref<!tpu.dma_semaphore, #tpu.memory_space<semaphore_mem>>) src(%dma_wait3A_433 : memref<2600000x64xf32, #tpu.memory_space<hbm>>) dst(%dma_wait3A_427 : memref<32x64xf32, #tpu.memory_space<vmem>>)
      %dma_wait3A_434 = arith.constant 14 : i32
      %dma_wait3A_435 = arith.constant 448 : i32
      %dma_wait3A_436 = arith.constant 0 : i32
      %dma_wait3A_437 = tpu.memref_slice %arg7[%dma_wait3A_435, %dma_wait3A_436] : memref<832x64xf32, #tpu.memory_space<vmem>> -> memref<32x64xf32, #tpu.memory_space<vmem>>
      %dma_wait3A_438 = arith.constant 0 : i32
      %dma_wait3A_439 = tpu.memref_slice %arg5[%dma_wait3A_434, %dma_wait3A_438] : memref<26x32xi32, #tpu.memory_space<vmem>> -> memref<1x32xi32, #tpu.memory_space<vmem>>
      %dma_wait3A_440 = tpu.memref_squeeze %dma_wait3A_439 : memref<1x32xi32, #tpu.memory_space<vmem>> -> memref<32xi32, #tpu.memory_space<vmem>>
      %dma_wait3A_441 = arith.constant 0 : i32
      %dma_wait3A_442 = arith.constant 0 : i32
      %dma_wait3A_443 = tpu.memref_slice %arg2[%dma_wait3A_441, %dma_wait3A_442] : memref<2600000x64xf32, #tpu.memory_space<hbm>> -> memref<2600000x64xf32, #tpu.memory_space<hbm>>
      tpu.wait_indirect_dma semaphore(%arg10 : memref<!tpu.dma_semaphore, #tpu.memory_space<semaphore_mem>>) src(%dma_wait3A_443 : memref<2600000x64xf32, #tpu.memory_space<hbm>>) dst(%dma_wait3A_437 : memref<32x64xf32, #tpu.memory_space<vmem>>)
      %dma_wait3A_444 = arith.constant 15 : i32
      %dma_wait3A_445 = arith.constant 480 : i32
      %dma_wait3A_446 = arith.constant 0 : i32
      %dma_wait3A_447 = tpu.memref_slice %arg7[%dma_wait3A_445, %dma_wait3A_446] : memref<832x64xf32, #tpu.memory_space<vmem>> -> memref<32x64xf32, #tpu.memory_space<vmem>>
      %dma_wait3A_448 = arith.constant 0 : i32
      %dma_wait3A_449 = tpu.memref_slice %arg5[%dma_wait3A_444, %dma_wait3A_448] : memref<26x32xi32, #tpu.memory_space<vmem>> -> memref<1x32xi32, #tpu.memory_space<vmem>>
      %dma_wait3A_450 = tpu.memref_squeeze %dma_wait3A_449 : memref<1x32xi32, #tpu.memory_space<vmem>> -> memref<32xi32, #tpu.memory_space<vmem>>
      %dma_wait3A_451 = arith.constant 0 : i32
      %dma_wait3A_452 = arith.constant 0 : i32
      %dma_wait3A_453 = tpu.memref_slice %arg2[%dma_wait3A_451, %dma_wait3A_452] : memref<2600000x64xf32, #tpu.memory_space<hbm>> -> memref<2600000x64xf32, #tpu.memory_space<hbm>>
      tpu.wait_indirect_dma semaphore(%arg10 : memref<!tpu.dma_semaphore, #tpu.memory_space<semaphore_mem>>) src(%dma_wait3A_453 : memref<2600000x64xf32, #tpu.memory_space<hbm>>) dst(%dma_wait3A_447 : memref<32x64xf32, #tpu.memory_space<vmem>>)
      %dma_wait3A_454 = arith.constant 16 : i32
      %dma_wait3A_455 = arith.constant 512 : i32
      %dma_wait3A_456 = arith.constant 0 : i32
      %dma_wait3A_457 = tpu.memref_slice %arg7[%dma_wait3A_455, %dma_wait3A_456] : memref<832x64xf32, #tpu.memory_space<vmem>> -> memref<32x64xf32, #tpu.memory_space<vmem>>
      %dma_wait3A_458 = arith.constant 0 : i32
      %dma_wait3A_459 = tpu.memref_slice %arg5[%dma_wait3A_454, %dma_wait3A_458] : memref<26x32xi32, #tpu.memory_space<vmem>> -> memref<1x32xi32, #tpu.memory_space<vmem>>
      %dma_wait3A_460 = tpu.memref_squeeze %dma_wait3A_459 : memref<1x32xi32, #tpu.memory_space<vmem>> -> memref<32xi32, #tpu.memory_space<vmem>>
      %dma_wait3A_461 = arith.constant 0 : i32
      %dma_wait3A_462 = arith.constant 0 : i32
      %dma_wait3A_463 = tpu.memref_slice %arg2[%dma_wait3A_461, %dma_wait3A_462] : memref<2600000x64xf32, #tpu.memory_space<hbm>> -> memref<2600000x64xf32, #tpu.memory_space<hbm>>
      tpu.wait_indirect_dma semaphore(%arg10 : memref<!tpu.dma_semaphore, #tpu.memory_space<semaphore_mem>>) src(%dma_wait3A_463 : memref<2600000x64xf32, #tpu.memory_space<hbm>>) dst(%dma_wait3A_457 : memref<32x64xf32, #tpu.memory_space<vmem>>)
      %dma_wait3A_464 = arith.constant 17 : i32
      %dma_wait3A_465 = arith.constant 544 : i32
      %dma_wait3A_466 = arith.constant 0 : i32
      %dma_wait3A_467 = tpu.memref_slice %arg7[%dma_wait3A_465, %dma_wait3A_466] : memref<832x64xf32, #tpu.memory_space<vmem>> -> memref<32x64xf32, #tpu.memory_space<vmem>>
      %dma_wait3A_468 = arith.constant 0 : i32
      %dma_wait3A_469 = tpu.memref_slice %arg5[%dma_wait3A_464, %dma_wait3A_468] : memref<26x32xi32, #tpu.memory_space<vmem>> -> memref<1x32xi32, #tpu.memory_space<vmem>>
      %dma_wait3A_470 = tpu.memref_squeeze %dma_wait3A_469 : memref<1x32xi32, #tpu.memory_space<vmem>> -> memref<32xi32, #tpu.memory_space<vmem>>
      %dma_wait3A_471 = arith.constant 0 : i32
      %dma_wait3A_472 = arith.constant 0 : i32
      %dma_wait3A_473 = tpu.memref_slice %arg2[%dma_wait3A_471, %dma_wait3A_472] : memref<2600000x64xf32, #tpu.memory_space<hbm>> -> memref<2600000x64xf32, #tpu.memory_space<hbm>>
      tpu.wait_indirect_dma semaphore(%arg10 : memref<!tpu.dma_semaphore, #tpu.memory_space<semaphore_mem>>) src(%dma_wait3A_473 : memref<2600000x64xf32, #tpu.memory_space<hbm>>) dst(%dma_wait3A_467 : memref<32x64xf32, #tpu.memory_space<vmem>>)
      %dma_wait3A_474 = arith.constant 18 : i32
      %dma_wait3A_475 = arith.constant 576 : i32
      %dma_wait3A_476 = arith.constant 0 : i32
      %dma_wait3A_477 = tpu.memref_slice %arg7[%dma_wait3A_475, %dma_wait3A_476] : memref<832x64xf32, #tpu.memory_space<vmem>> -> memref<32x64xf32, #tpu.memory_space<vmem>>
      %dma_wait3A_478 = arith.constant 0 : i32
      %dma_wait3A_479 = tpu.memref_slice %arg5[%dma_wait3A_474, %dma_wait3A_478] : memref<26x32xi32, #tpu.memory_space<vmem>> -> memref<1x32xi32, #tpu.memory_space<vmem>>
      %dma_wait3A_480 = tpu.memref_squeeze %dma_wait3A_479 : memref<1x32xi32, #tpu.memory_space<vmem>> -> memref<32xi32, #tpu.memory_space<vmem>>
      %dma_wait3A_481 = arith.constant 0 : i32
      %dma_wait3A_482 = arith.constant 0 : i32
      %dma_wait3A_483 = tpu.memref_slice %arg2[%dma_wait3A_481, %dma_wait3A_482] : memref<2600000x64xf32, #tpu.memory_space<hbm>> -> memref<2600000x64xf32, #tpu.memory_space<hbm>>
      tpu.wait_indirect_dma semaphore(%arg10 : memref<!tpu.dma_semaphore, #tpu.memory_space<semaphore_mem>>) src(%dma_wait3A_483 : memref<2600000x64xf32, #tpu.memory_space<hbm>>) dst(%dma_wait3A_477 : memref<32x64xf32, #tpu.memory_space<vmem>>)
      %dma_wait3A_484 = arith.constant 19 : i32
      %dma_wait3A_485 = arith.constant 608 : i32
      %dma_wait3A_486 = arith.constant 0 : i32
      %dma_wait3A_487 = tpu.memref_slice %arg7[%dma_wait3A_485, %dma_wait3A_486] : memref<832x64xf32, #tpu.memory_space<vmem>> -> memref<32x64xf32, #tpu.memory_space<vmem>>
      %dma_wait3A_488 = arith.constant 0 : i32
      %dma_wait3A_489 = tpu.memref_slice %arg5[%dma_wait3A_484, %dma_wait3A_488] : memref<26x32xi32, #tpu.memory_space<vmem>> -> memref<1x32xi32, #tpu.memory_space<vmem>>
      %dma_wait3A_490 = tpu.memref_squeeze %dma_wait3A_489 : memref<1x32xi32, #tpu.memory_space<vmem>> -> memref<32xi32, #tpu.memory_space<vmem>>
      %dma_wait3A_491 = arith.constant 0 : i32
      %dma_wait3A_492 = arith.constant 0 : i32
      %dma_wait3A_493 = tpu.memref_slice %arg2[%dma_wait3A_491, %dma_wait3A_492] : memref<2600000x64xf32, #tpu.memory_space<hbm>> -> memref<2600000x64xf32, #tpu.memory_space<hbm>>
      tpu.wait_indirect_dma semaphore(%arg10 : memref<!tpu.dma_semaphore, #tpu.memory_space<semaphore_mem>>) src(%dma_wait3A_493 : memref<2600000x64xf32, #tpu.memory_space<hbm>>) dst(%dma_wait3A_487 : memref<32x64xf32, #tpu.memory_space<vmem>>)
      %dma_wait3A_494 = arith.constant 20 : i32
      %dma_wait3A_495 = arith.constant 640 : i32
      %dma_wait3A_496 = arith.constant 0 : i32
      %dma_wait3A_497 = tpu.memref_slice %arg7[%dma_wait3A_495, %dma_wait3A_496] : memref<832x64xf32, #tpu.memory_space<vmem>> -> memref<32x64xf32, #tpu.memory_space<vmem>>
      %dma_wait3A_498 = arith.constant 0 : i32
      %dma_wait3A_499 = tpu.memref_slice %arg5[%dma_wait3A_494, %dma_wait3A_498] : memref<26x32xi32, #tpu.memory_space<vmem>> -> memref<1x32xi32, #tpu.memory_space<vmem>>
      %dma_wait3A_500 = tpu.memref_squeeze %dma_wait3A_499 : memref<1x32xi32, #tpu.memory_space<vmem>> -> memref<32xi32, #tpu.memory_space<vmem>>
      %dma_wait3A_501 = arith.constant 0 : i32
      %dma_wait3A_502 = arith.constant 0 : i32
      %dma_wait3A_503 = tpu.memref_slice %arg2[%dma_wait3A_501, %dma_wait3A_502] : memref<2600000x64xf32, #tpu.memory_space<hbm>> -> memref<2600000x64xf32, #tpu.memory_space<hbm>>
      tpu.wait_indirect_dma semaphore(%arg10 : memref<!tpu.dma_semaphore, #tpu.memory_space<semaphore_mem>>) src(%dma_wait3A_503 : memref<2600000x64xf32, #tpu.memory_space<hbm>>) dst(%dma_wait3A_497 : memref<32x64xf32, #tpu.memory_space<vmem>>)
      %dma_wait3A_504 = arith.constant 21 : i32
      %dma_wait3A_505 = arith.constant 672 : i32
      %dma_wait3A_506 = arith.constant 0 : i32
      %dma_wait3A_507 = tpu.memref_slice %arg7[%dma_wait3A_505, %dma_wait3A_506] : memref<832x64xf32, #tpu.memory_space<vmem>> -> memref<32x64xf32, #tpu.memory_space<vmem>>
      %dma_wait3A_508 = arith.constant 0 : i32
      %dma_wait3A_509 = tpu.memref_slice %arg5[%dma_wait3A_504, %dma_wait3A_508] : memref<26x32xi32, #tpu.memory_space<vmem>> -> memref<1x32xi32, #tpu.memory_space<vmem>>
      %dma_wait3A_510 = tpu.memref_squeeze %dma_wait3A_509 : memref<1x32xi32, #tpu.memory_space<vmem>> -> memref<32xi32, #tpu.memory_space<vmem>>
      %dma_wait3A_511 = arith.constant 0 : i32
      %dma_wait3A_512 = arith.constant 0 : i32
      %dma_wait3A_513 = tpu.memref_slice %arg2[%dma_wait3A_511, %dma_wait3A_512] : memref<2600000x64xf32, #tpu.memory_space<hbm>> -> memref<2600000x64xf32, #tpu.memory_space<hbm>>
      tpu.wait_indirect_dma semaphore(%arg10 : memref<!tpu.dma_semaphore, #tpu.memory_space<semaphore_mem>>) src(%dma_wait3A_513 : memref<2600000x64xf32, #tpu.memory_space<hbm>>) dst(%dma_wait3A_507 : memref<32x64xf32, #tpu.memory_space<vmem>>)
      %dma_wait3A_514 = arith.constant 22 : i32
      %dma_wait3A_515 = arith.constant 704 : i32
      %dma_wait3A_516 = arith.constant 0 : i32
      %dma_wait3A_517 = tpu.memref_slice %arg7[%dma_wait3A_515, %dma_wait3A_516] : memref<832x64xf32, #tpu.memory_space<vmem>> -> memref<32x64xf32, #tpu.memory_space<vmem>>
      %dma_wait3A_518 = arith.constant 0 : i32
      %dma_wait3A_519 = tpu.memref_slice %arg5[%dma_wait3A_514, %dma_wait3A_518] : memref<26x32xi32, #tpu.memory_space<vmem>> -> memref<1x32xi32, #tpu.memory_space<vmem>>
      %dma_wait3A_520 = tpu.memref_squeeze %dma_wait3A_519 : memref<1x32xi32, #tpu.memory_space<vmem>> -> memref<32xi32, #tpu.memory_space<vmem>>
      %dma_wait3A_521 = arith.constant 0 : i32
      %dma_wait3A_522 = arith.constant 0 : i32
      %dma_wait3A_523 = tpu.memref_slice %arg2[%dma_wait3A_521, %dma_wait3A_522] : memref<2600000x64xf32, #tpu.memory_space<hbm>> -> memref<2600000x64xf32, #tpu.memory_space<hbm>>
      tpu.wait_indirect_dma semaphore(%arg10 : memref<!tpu.dma_semaphore, #tpu.memory_space<semaphore_mem>>) src(%dma_wait3A_523 : memref<2600000x64xf32, #tpu.memory_space<hbm>>) dst(%dma_wait3A_517 : memref<32x64xf32, #tpu.memory_space<vmem>>)
      %dma_wait3A_524 = arith.constant 23 : i32
      %dma_wait3A_525 = arith.constant 736 : i32
      %dma_wait3A_526 = arith.constant 0 : i32
      %dma_wait3A_527 = tpu.memref_slice %arg7[%dma_wait3A_525, %dma_wait3A_526] : memref<832x64xf32, #tpu.memory_space<vmem>> -> memref<32x64xf32, #tpu.memory_space<vmem>>
      %dma_wait3A_528 = arith.constant 0 : i32
      %dma_wait3A_529 = tpu.memref_slice %arg5[%dma_wait3A_524, %dma_wait3A_528] : memref<26x32xi32, #tpu.memory_space<vmem>> -> memref<1x32xi32, #tpu.memory_space<vmem>>
      %dma_wait3A_530 = tpu.memref_squeeze %dma_wait3A_529 : memref<1x32xi32, #tpu.memory_space<vmem>> -> memref<32xi32, #tpu.memory_space<vmem>>
      %dma_wait3A_531 = arith.constant 0 : i32
      %dma_wait3A_532 = arith.constant 0 : i32
      %dma_wait3A_533 = tpu.memref_slice %arg2[%dma_wait3A_531, %dma_wait3A_532] : memref<2600000x64xf32, #tpu.memory_space<hbm>> -> memref<2600000x64xf32, #tpu.memory_space<hbm>>
      tpu.wait_indirect_dma semaphore(%arg10 : memref<!tpu.dma_semaphore, #tpu.memory_space<semaphore_mem>>) src(%dma_wait3A_533 : memref<2600000x64xf32, #tpu.memory_space<hbm>>) dst(%dma_wait3A_527 : memref<32x64xf32, #tpu.memory_space<vmem>>)
      %dma_wait3A_534 = arith.constant 24 : i32
      %dma_wait3A_535 = arith.constant 768 : i32
      %dma_wait3A_536 = arith.constant 0 : i32
      %dma_wait3A_537 = tpu.memref_slice %arg7[%dma_wait3A_535, %dma_wait3A_536] : memref<832x64xf32, #tpu.memory_space<vmem>> -> memref<32x64xf32, #tpu.memory_space<vmem>>
      %dma_wait3A_538 = arith.constant 0 : i32
      %dma_wait3A_539 = tpu.memref_slice %arg5[%dma_wait3A_534, %dma_wait3A_538] : memref<26x32xi32, #tpu.memory_space<vmem>> -> memref<1x32xi32, #tpu.memory_space<vmem>>
      %dma_wait3A_540 = tpu.memref_squeeze %dma_wait3A_539 : memref<1x32xi32, #tpu.memory_space<vmem>> -> memref<32xi32, #tpu.memory_space<vmem>>
      %dma_wait3A_541 = arith.constant 0 : i32
      %dma_wait3A_542 = arith.constant 0 : i32
      %dma_wait3A_543 = tpu.memref_slice %arg2[%dma_wait3A_541, %dma_wait3A_542] : memref<2600000x64xf32, #tpu.memory_space<hbm>> -> memref<2600000x64xf32, #tpu.memory_space<hbm>>
      tpu.wait_indirect_dma semaphore(%arg10 : memref<!tpu.dma_semaphore, #tpu.memory_space<semaphore_mem>>) src(%dma_wait3A_543 : memref<2600000x64xf32, #tpu.memory_space<hbm>>) dst(%dma_wait3A_537 : memref<32x64xf32, #tpu.memory_space<vmem>>)
      %dma_wait3A_544 = arith.constant 25 : i32
      %dma_wait3A_545 = arith.constant 800 : i32
      %dma_wait3A_546 = arith.constant 0 : i32
      %dma_wait3A_547 = tpu.memref_slice %arg7[%dma_wait3A_545, %dma_wait3A_546] : memref<832x64xf32, #tpu.memory_space<vmem>> -> memref<32x64xf32, #tpu.memory_space<vmem>>
      %dma_wait3A_548 = arith.constant 0 : i32
      %dma_wait3A_549 = tpu.memref_slice %arg5[%dma_wait3A_544, %dma_wait3A_548] : memref<26x32xi32, #tpu.memory_space<vmem>> -> memref<1x32xi32, #tpu.memory_space<vmem>>
      %dma_wait3A_550 = tpu.memref_squeeze %dma_wait3A_549 : memref<1x32xi32, #tpu.memory_space<vmem>> -> memref<32xi32, #tpu.memory_space<vmem>>
      %dma_wait3A_551 = arith.constant 0 : i32
      %dma_wait3A_552 = arith.constant 0 : i32
      %dma_wait3A_553 = tpu.memref_slice %arg2[%dma_wait3A_551, %dma_wait3A_552] : memref<2600000x64xf32, #tpu.memory_space<hbm>> -> memref<2600000x64xf32, #tpu.memory_space<hbm>>
      tpu.wait_indirect_dma semaphore(%arg10 : memref<!tpu.dma_semaphore, #tpu.memory_space<semaphore_mem>>) src(%dma_wait3A_553 : memref<2600000x64xf32, #tpu.memory_space<hbm>>) dst(%dma_wait3A_547 : memref<32x64xf32, #tpu.memory_space<vmem>>)
      %scan3A_554 = arith.constant 0 : i32
      %scan3A_555 = arith.constant 0 : i32
      %scan3A_556 = arith.constant 32 : i32
      %scan3A_557 = arith.addi %scan3A_555, %scan3A_556 : i32
      %scan3A_558 = arith.constant 1 : i32
      %scan3A_559 = scf.for %scan3A_846 = %scan3A_555 to %scan3A_557 step %scan3A_558 iter_args(%scan3A_847 = %scan3A_554) -> (i32)  : i32 {
        %broadcast_in_dim3A = vector.broadcast %scan3A_846 : i32 to vector<16xi32>
        %add3A_848 = arith.constant 0 : i32
        %add3A_849 = arith.addi %add3A_848, %scan3A_846 : i32
        %get3A = arith.index_cast %add3A_849 : i32 to index
        %get3A_850 = arith.constant 0 : index
        %get3A_851 = tpu.vector_load %arg7[%get3A, %get3A_850] {strides = array<i32>} : memref<832x64xf32, #tpu.memory_space<vmem>>, vector<16xf32>,
        %add3A_852 = arith.constant 32 : i32
        %add3A_853 = arith.addi %add3A_852, %scan3A_846 : i32
        %get3A_854 = arith.index_cast %add3A_853 : i32 to index
        %get3A_855 = arith.constant 0 : index
        %get3A_856 = tpu.vector_load %arg7[%get3A_854, %get3A_855] {strides = array<i32>} : memref<832x64xf32, #tpu.memory_space<vmem>>, vector<16xf32>,
        %add3A_857 = arith.constant 64 : i32
        %add3A_858 = arith.addi %add3A_857, %scan3A_846 : i32
        %get3A_859 = arith.index_cast %add3A_858 : i32 to index
        %get3A_860 = arith.constant 0 : index
        %get3A_861 = tpu.vector_load %arg7[%get3A_859, %get3A_860] {strides = array<i32>} : memref<832x64xf32, #tpu.memory_space<vmem>>, vector<16xf32>,
        %add3A_862 = arith.constant 96 : i32
        %add3A_863 = arith.addi %add3A_862, %scan3A_846 : i32
        %get3A_864 = arith.index_cast %add3A_863 : i32 to index
        %get3A_865 = arith.constant 0 : index
        %get3A_866 = tpu.vector_load %arg7[%get3A_864, %get3A_865] {strides = array<i32>} : memref<832x64xf32, #tpu.memory_space<vmem>>, vector<16xf32>,
        %add3A_867 = arith.constant 128 : i32
        %add3A_868 = arith.addi %add3A_867, %scan3A_846 : i32
        %get3A_869 = arith.index_cast %add3A_868 : i32 to index
        %get3A_870 = arith.constant 0 : index
        %get3A_871 = tpu.vector_load %arg7[%get3A_869, %get3A_870] {strides = array<i32>} : memref<832x64xf32, #tpu.memory_space<vmem>>, vector<16xf32>,
        %add3A_872 = arith.constant 160 : i32
        %add3A_873 = arith.addi %add3A_872, %scan3A_846 : i32
        %get3A_874 = arith.index_cast %add3A_873 : i32 to index
        %get3A_875 = arith.constant 0 : index
        %get3A_876 = tpu.vector_load %arg7[%get3A_874, %get3A_875] {strides = array<i32>} : memref<832x64xf32, #tpu.memory_space<vmem>>, vector<16xf32>,
        %add3A_877 = arith.constant 192 : i32
        %add3A_878 = arith.addi %add3A_877, %scan3A_846 : i32
        %get3A_879 = arith.index_cast %add3A_878 : i32 to index
        %get3A_880 = arith.constant 0 : index
        %get3A_881 = tpu.vector_load %arg7[%get3A_879, %get3A_880] {strides = array<i32>} : memref<832x64xf32, #tpu.memory_space<vmem>>, vector<16xf32>,
        %add3A_882 = arith.constant 224 : i32
        %add3A_883 = arith.addi %add3A_882, %scan3A_846 : i32
        %get3A_884 = arith.index_cast %add3A_883 : i32 to index
        %get3A_885 = arith.constant 0 : index
        %get3A_886 = tpu.vector_load %arg7[%get3A_884, %get3A_885] {strides = array<i32>} : memref<832x64xf32, #tpu.memory_space<vmem>>, vector<16xf32>,
        %add3A_887 = arith.constant 256 : i32
        %add3A_888 = arith.addi %add3A_887, %scan3A_846 : i32
        %get3A_889 = arith.index_cast %add3A_888 : i32 to index
        %get3A_890 = arith.constant 0 : index
        %get3A_891 = tpu.vector_load %arg7[%get3A_889, %get3A_890] {strides = array<i32>} : memref<832x64xf32, #tpu.memory_space<vmem>>, vector<16xf32>,
        %add3A_892 = arith.constant 288 : i32
        %add3A_893 = arith.addi %add3A_892, %scan3A_846 : i32
        %get3A_894 = arith.index_cast %add3A_893 : i32 to index
        %get3A_895 = arith.constant 0 : index
        %get3A_896 = tpu.vector_load %arg7[%get3A_894, %get3A_895] {strides = array<i32>} : memref<832x64xf32, #tpu.memory_space<vmem>>, vector<16xf32>,
        %add3A_897 = arith.constant 320 : i32
        %add3A_898 = arith.addi %add3A_897, %scan3A_846 : i32
        %get3A_899 = arith.index_cast %add3A_898 : i32 to index
        %get3A_900 = arith.constant 0 : index
        %get3A_901 = tpu.vector_load %arg7[%get3A_899, %get3A_900] {strides = array<i32>} : memref<832x64xf32, #tpu.memory_space<vmem>>, vector<16xf32>,
        %add3A_902 = arith.constant 352 : i32
        %add3A_903 = arith.addi %add3A_902, %scan3A_846 : i32
        %get3A_904 = arith.index_cast %add3A_903 : i32 to index
        %get3A_905 = arith.constant 0 : index
        %get3A_906 = tpu.vector_load %arg7[%get3A_904, %get3A_905] {strides = array<i32>} : memref<832x64xf32, #tpu.memory_space<vmem>>, vector<16xf32>,
        %add3A_907 = arith.constant 384 : i32
        %add3A_908 = arith.addi %add3A_907, %scan3A_846 : i32
        %get3A_909 = arith.index_cast %add3A_908 : i32 to index
        %get3A_910 = arith.constant 0 : index
        %get3A_911 = tpu.vector_load %arg7[%get3A_909, %get3A_910] {strides = array<i32>} : memref<832x64xf32, #tpu.memory_space<vmem>>, vector<16xf32>,
        %add3A_912 = arith.constant 416 : i32
        %add3A_913 = arith.addi %add3A_912, %scan3A_846 : i32
        %get3A_914 = arith.index_cast %add3A_913 : i32 to index
        %get3A_915 = arith.constant 0 : index
        %get3A_916 = tpu.vector_load %arg7[%get3A_914, %get3A_915] {strides = array<i32>} : memref<832x64xf32, #tpu.memory_space<vmem>>, vector<16xf32>,
        %add3A_917 = arith.constant 448 : i32
        %add3A_918 = arith.addi %add3A_917, %scan3A_846 : i32
        %get3A_919 = arith.index_cast %add3A_918 : i32 to index
        %get3A_920 = arith.constant 0 : index
        %get3A_921 = tpu.vector_load %arg7[%get3A_919, %get3A_920] {strides = array<i32>} : memref<832x64xf32, #tpu.memory_space<vmem>>, vector<16xf32>,
        %add3A_922 = arith.constant 480 : i32
        %add3A_923 = arith.addi %add3A_922, %scan3A_846 : i32
        %get3A_924 = arith.index_cast %add3A_923 : i32 to index
        %get3A_925 = arith.constant 0 : index
        %get3A_926 = tpu.vector_load %arg7[%get3A_924, %get3A_925] {strides = array<i32>} : memref<832x64xf32, #tpu.memory_space<vmem>>, vector<16xf32>,
        %add3A_927 = arith.constant 512 : i32
        %add3A_928 = arith.addi %add3A_927, %scan3A_846 : i32
        %get3A_929 = arith.index_cast %add3A_928 : i32 to index
        %get3A_930 = arith.constant 0 : index
        %get3A_931 = tpu.vector_load %arg7[%get3A_929, %get3A_930] {strides = array<i32>} : memref<832x64xf32, #tpu.memory_space<vmem>>, vector<16xf32>,
        %add3A_932 = arith.constant 544 : i32
        %add3A_933 = arith.addi %add3A_932, %scan3A_846 : i32
        %get3A_934 = arith.index_cast %add3A_933 : i32 to index
        %get3A_935 = arith.constant 0 : index
        %get3A_936 = tpu.vector_load %arg7[%get3A_934, %get3A_935] {strides = array<i32>} : memref<832x64xf32, #tpu.memory_space<vmem>>, vector<16xf32>,
        %add3A_937 = arith.constant 576 : i32
        %add3A_938 = arith.addi %add3A_937, %scan3A_846 : i32
        %get3A_939 = arith.index_cast %add3A_938 : i32 to index
        %get3A_940 = arith.constant 0 : index
        %get3A_941 = tpu.vector_load %arg7[%get3A_939, %get3A_940] {strides = array<i32>} : memref<832x64xf32, #tpu.memory_space<vmem>>, vector<16xf32>,
        %add3A_942 = arith.constant 608 : i32
        %add3A_943 = arith.addi %add3A_942, %scan3A_846 : i32
        %get3A_944 = arith.index_cast %add3A_943 : i32 to index
        %get3A_945 = arith.constant 0 : index
        %get3A_946 = tpu.vector_load %arg7[%get3A_944, %get3A_945] {strides = array<i32>} : memref<832x64xf32, #tpu.memory_space<vmem>>, vector<16xf32>,
        %add3A_947 = arith.constant 640 : i32
        %add3A_948 = arith.addi %add3A_947, %scan3A_846 : i32
        %get3A_949 = arith.index_cast %add3A_948 : i32 to index
        %get3A_950 = arith.constant 0 : index
        %get3A_951 = tpu.vector_load %arg7[%get3A_949, %get3A_950] {strides = array<i32>} : memref<832x64xf32, #tpu.memory_space<vmem>>, vector<16xf32>,
        %add3A_952 = arith.constant 672 : i32
        %add3A_953 = arith.addi %add3A_952, %scan3A_846 : i32
        %get3A_954 = arith.index_cast %add3A_953 : i32 to index
        %get3A_955 = arith.constant 0 : index
        %get3A_956 = tpu.vector_load %arg7[%get3A_954, %get3A_955] {strides = array<i32>} : memref<832x64xf32, #tpu.memory_space<vmem>>, vector<16xf32>,
        %add3A_957 = arith.constant 704 : i32
        %add3A_958 = arith.addi %add3A_957, %scan3A_846 : i32
        %get3A_959 = arith.index_cast %add3A_958 : i32 to index
        %get3A_960 = arith.constant 0 : index
        %get3A_961 = tpu.vector_load %arg7[%get3A_959, %get3A_960] {strides = array<i32>} : memref<832x64xf32, #tpu.memory_space<vmem>>, vector<16xf32>,
        %add3A_962 = arith.constant 736 : i32
        %add3A_963 = arith.addi %add3A_962, %scan3A_846 : i32
        %get3A_964 = arith.index_cast %add3A_963 : i32 to index
        %get3A_965 = arith.constant 0 : index
        %get3A_966 = tpu.vector_load %arg7[%get3A_964, %get3A_965] {strides = array<i32>} : memref<832x64xf32, #tpu.memory_space<vmem>>, vector<16xf32>,
        %add3A_967 = arith.constant 768 : i32
        %add3A_968 = arith.addi %add3A_967, %scan3A_846 : i32
        %get3A_969 = arith.index_cast %add3A_968 : i32 to index
        %get3A_970 = arith.constant 0 : index
        %get3A_971 = tpu.vector_load %arg7[%get3A_969, %get3A_970] {strides = array<i32>} : memref<832x64xf32, #tpu.memory_space<vmem>>, vector<16xf32>,
        %add3A_972 = arith.constant 800 : i32
        %add3A_973 = arith.addi %add3A_972, %scan3A_846 : i32
        %get3A_974 = arith.index_cast %add3A_973 : i32 to index
        %get3A_975 = arith.constant 0 : index
        %get3A_976 = tpu.vector_load %arg7[%get3A_974, %get3A_975] {strides = array<i32>} : memref<832x64xf32, #tpu.memory_space<vmem>>, vector<16xf32>,
        %add3A_977 = arith.addf %get3A_851, %get3A_856 : vector<16xf32>
        %add3A_978 = arith.addf %get3A_861, %get3A_866 : vector<16xf32>
        %add3A_979 = arith.addf %get3A_871, %get3A_876 : vector<16xf32>
        %add3A_980 = arith.addf %get3A_881, %get3A_886 : vector<16xf32>
        %add3A_981 = arith.addf %get3A_891, %get3A_896 : vector<16xf32>
        %add3A_982 = arith.addf %get3A_901, %get3A_906 : vector<16xf32>
        %add3A_983 = arith.addf %get3A_911, %get3A_916 : vector<16xf32>
        %add3A_984 = arith.addf %get3A_921, %get3A_926 : vector<16xf32>
        %add3A_985 = arith.addf %get3A_931, %get3A_936 : vector<16xf32>
        %add3A_986 = arith.addf %get3A_941, %get3A_946 : vector<16xf32>
        %add3A_987 = arith.addf %get3A_951, %get3A_956 : vector<16xf32>
        %add3A_988 = arith.addf %get3A_961, %get3A_966 : vector<16xf32>
        %add3A_989 = arith.addf %get3A_971, %get3A_976 : vector<16xf32>
        %add3A_990 = arith.addf %add3A_977, %add3A_978 : vector<16xf32>
        %add3A_991 = arith.addf %add3A_979, %add3A_980 : vector<16xf32>
        %add3A_992 = arith.addf %add3A_981, %add3A_982 : vector<16xf32>
        %add3A_993 = arith.addf %add3A_983, %add3A_984 : vector<16xf32>
        %add3A_994 = arith.addf %add3A_985, %add3A_986 : vector<16xf32>
        %add3A_995 = arith.addf %add3A_987, %add3A_988 : vector<16xf32>
        %add3A_996 = arith.addf %add3A_990, %add3A_991 : vector<16xf32>
        %add3A_997 = arith.addf %add3A_992, %add3A_993 : vector<16xf32>
        %add3A_998 = arith.addf %add3A_994, %add3A_995 : vector<16xf32>
        %add3A_999 = arith.addf %add3A_996, %add3A_997 : vector<16xf32>
        %add3A_1000 = arith.addf %add3A_998, %add3A_989 : vector<16xf32>
        %add3A_1001 = arith.addf %add3A_999, %add3A_1000 : vector<16xf32>
        tpu.vector_store_idx %arg9[%add3A_266, %broadcast_in_dim3A], %add3A_1001 : memref<64x32xf32, #tpu.memory_space<vmem>>[vector<16xi32>, vector<16xi32>], vector<16xf32>,
        %add3A_1002 = arith.constant 0 : i32
        %add3A_1003 = arith.addi %add3A_1002, %scan3A_846 : i32
        %get3A_1004 = arith.index_cast %add3A_1003 : i32 to index
        %get3A_1005 = arith.constant 16 : index
        %get3A_1006 = tpu.vector_load %arg7[%get3A_1004, %get3A_1005] {strides = array<i32>} : memref<832x64xf32, #tpu.memory_space<vmem>>, vector<16xf32>,
        %add3A_1007 = arith.constant 32 : i32
        %add3A_1008 = arith.addi %add3A_1007, %scan3A_846 : i32
        %get3A_1009 = arith.index_cast %add3A_1008 : i32 to index
        %get3A_1010 = arith.constant 16 : index
        %get3A_1011 = tpu.vector_load %arg7[%get3A_1009, %get3A_1010] {strides = array<i32>} : memref<832x64xf32, #tpu.memory_space<vmem>>, vector<16xf32>,
        %add3A_1012 = arith.constant 64 : i32
        %add3A_1013 = arith.addi %add3A_1012, %scan3A_846 : i32
        %get3A_1014 = arith.index_cast %add3A_1013 : i32 to index
        %get3A_1015 = arith.constant 16 : index
        %get3A_1016 = tpu.vector_load %arg7[%get3A_1014, %get3A_1015] {strides = array<i32>} : memref<832x64xf32, #tpu.memory_space<vmem>>, vector<16xf32>,
        %add3A_1017 = arith.constant 96 : i32
        %add3A_1018 = arith.addi %add3A_1017, %scan3A_846 : i32
        %get3A_1019 = arith.index_cast %add3A_1018 : i32 to index
        %get3A_1020 = arith.constant 16 : index
        %get3A_1021 = tpu.vector_load %arg7[%get3A_1019, %get3A_1020] {strides = array<i32>} : memref<832x64xf32, #tpu.memory_space<vmem>>, vector<16xf32>,
        %add3A_1022 = arith.constant 128 : i32
        %add3A_1023 = arith.addi %add3A_1022, %scan3A_846 : i32
        %get3A_1024 = arith.index_cast %add3A_1023 : i32 to index
        %get3A_1025 = arith.constant 16 : index
        %get3A_1026 = tpu.vector_load %arg7[%get3A_1024, %get3A_1025] {strides = array<i32>} : memref<832x64xf32, #tpu.memory_space<vmem>>, vector<16xf32>,
        %add3A_1027 = arith.constant 160 : i32
        %add3A_1028 = arith.addi %add3A_1027, %scan3A_846 : i32
        %get3A_1029 = arith.index_cast %add3A_1028 : i32 to index
        %get3A_1030 = arith.constant 16 : index
        %get3A_1031 = tpu.vector_load %arg7[%get3A_1029, %get3A_1030] {strides = array<i32>} : memref<832x64xf32, #tpu.memory_space<vmem>>, vector<16xf32>,
        %add3A_1032 = arith.constant 192 : i32
        %add3A_1033 = arith.addi %add3A_1032, %scan3A_846 : i32
        %get3A_1034 = arith.index_cast %add3A_1033 : i32 to index
        %get3A_1035 = arith.constant 16 : index
        %get3A_1036 = tpu.vector_load %arg7[%get3A_1034, %get3A_1035] {strides = array<i32>} : memref<832x64xf32, #tpu.memory_space<vmem>>, vector<16xf32>,
        %add3A_1037 = arith.constant 224 : i32
        %add3A_1038 = arith.addi %add3A_1037, %scan3A_846 : i32
        %get3A_1039 = arith.index_cast %add3A_1038 : i32 to index
        %get3A_1040 = arith.constant 16 : index
        %get3A_1041 = tpu.vector_load %arg7[%get3A_1039, %get3A_1040] {strides = array<i32>} : memref<832x64xf32, #tpu.memory_space<vmem>>, vector<16xf32>,
        %add3A_1042 = arith.constant 256 : i32
        %add3A_1043 = arith.addi %add3A_1042, %scan3A_846 : i32
        %get3A_1044 = arith.index_cast %add3A_1043 : i32 to index
        %get3A_1045 = arith.constant 16 : index
        %get3A_1046 = tpu.vector_load %arg7[%get3A_1044, %get3A_1045] {strides = array<i32>} : memref<832x64xf32, #tpu.memory_space<vmem>>, vector<16xf32>,
        %add3A_1047 = arith.constant 288 : i32
        %add3A_1048 = arith.addi %add3A_1047, %scan3A_846 : i32
        %get3A_1049 = arith.index_cast %add3A_1048 : i32 to index
        %get3A_1050 = arith.constant 16 : index
        %get3A_1051 = tpu.vector_load %arg7[%get3A_1049, %get3A_1050] {strides = array<i32>} : memref<832x64xf32, #tpu.memory_space<vmem>>, vector<16xf32>,
        %add3A_1052 = arith.constant 320 : i32
        %add3A_1053 = arith.addi %add3A_1052, %scan3A_846 : i32
        %get3A_1054 = arith.index_cast %add3A_1053 : i32 to index
        %get3A_1055 = arith.constant 16 : index
        %get3A_1056 = tpu.vector_load %arg7[%get3A_1054, %get3A_1055] {strides = array<i32>} : memref<832x64xf32, #tpu.memory_space<vmem>>, vector<16xf32>,
        %add3A_1057 = arith.constant 352 : i32
        %add3A_1058 = arith.addi %add3A_1057, %scan3A_846 : i32
        %get3A_1059 = arith.index_cast %add3A_1058 : i32 to index
        %get3A_1060 = arith.constant 16 : index
        %get3A_1061 = tpu.vector_load %arg7[%get3A_1059, %get3A_1060] {strides = array<i32>} : memref<832x64xf32, #tpu.memory_space<vmem>>, vector<16xf32>,
        %add3A_1062 = arith.constant 384 : i32
        %add3A_1063 = arith.addi %add3A_1062, %scan3A_846 : i32
        %get3A_1064 = arith.index_cast %add3A_1063 : i32 to index
        %get3A_1065 = arith.constant 16 : index
        %get3A_1066 = tpu.vector_load %arg7[%get3A_1064, %get3A_1065] {strides = array<i32>} : memref<832x64xf32, #tpu.memory_space<vmem>>, vector<16xf32>,
        %add3A_1067 = arith.constant 416 : i32
        %add3A_1068 = arith.addi %add3A_1067, %scan3A_846 : i32
        %get3A_1069 = arith.index_cast %add3A_1068 : i32 to index
        %get3A_1070 = arith.constant 16 : index
        %get3A_1071 = tpu.vector_load %arg7[%get3A_1069, %get3A_1070] {strides = array<i32>} : memref<832x64xf32, #tpu.memory_space<vmem>>, vector<16xf32>,
        %add3A_1072 = arith.constant 448 : i32
        %add3A_1073 = arith.addi %add3A_1072, %scan3A_846 : i32
        %get3A_1074 = arith.index_cast %add3A_1073 : i32 to index
        %get3A_1075 = arith.constant 16 : index
        %get3A_1076 = tpu.vector_load %arg7[%get3A_1074, %get3A_1075] {strides = array<i32>} : memref<832x64xf32, #tpu.memory_space<vmem>>, vector<16xf32>,
        %add3A_1077 = arith.constant 480 : i32
        %add3A_1078 = arith.addi %add3A_1077, %scan3A_846 : i32
        %get3A_1079 = arith.index_cast %add3A_1078 : i32 to index
        %get3A_1080 = arith.constant 16 : index
        %get3A_1081 = tpu.vector_load %arg7[%get3A_1079, %get3A_1080] {strides = array<i32>} : memref<832x64xf32, #tpu.memory_space<vmem>>, vector<16xf32>,
        %add3A_1082 = arith.constant 512 : i32
        %add3A_1083 = arith.addi %add3A_1082, %scan3A_846 : i32
        %get3A_1084 = arith.index_cast %add3A_1083 : i32 to index
        %get3A_1085 = arith.constant 16 : index
        %get3A_1086 = tpu.vector_load %arg7[%get3A_1084, %get3A_1085] {strides = array<i32>} : memref<832x64xf32, #tpu.memory_space<vmem>>, vector<16xf32>,
        %add3A_1087 = arith.constant 544 : i32
        %add3A_1088 = arith.addi %add3A_1087, %scan3A_846 : i32
        %get3A_1089 = arith.index_cast %add3A_1088 : i32 to index
        %get3A_1090 = arith.constant 16 : index
        %get3A_1091 = tpu.vector_load %arg7[%get3A_1089, %get3A_1090] {strides = array<i32>} : memref<832x64xf32, #tpu.memory_space<vmem>>, vector<16xf32>,
        %add3A_1092 = arith.constant 576 : i32
        %add3A_1093 = arith.addi %add3A_1092, %scan3A_846 : i32
        %get3A_1094 = arith.index_cast %add3A_1093 : i32 to index
        %get3A_1095 = arith.constant 16 : index
        %get3A_1096 = tpu.vector_load %arg7[%get3A_1094, %get3A_1095] {strides = array<i32>} : memref<832x64xf32, #tpu.memory_space<vmem>>, vector<16xf32>,
        %add3A_1097 = arith.constant 608 : i32
        %add3A_1098 = arith.addi %add3A_1097, %scan3A_846 : i32
        %get3A_1099 = arith.index_cast %add3A_1098 : i32 to index
        %get3A_1100 = arith.constant 16 : index
        %get3A_1101 = tpu.vector_load %arg7[%get3A_1099, %get3A_1100] {strides = array<i32>} : memref<832x64xf32, #tpu.memory_space<vmem>>, vector<16xf32>,
        %add3A_1102 = arith.constant 640 : i32
        %add3A_1103 = arith.addi %add3A_1102, %scan3A_846 : i32
        %get3A_1104 = arith.index_cast %add3A_1103 : i32 to index
        %get3A_1105 = arith.constant 16 : index
        %get3A_1106 = tpu.vector_load %arg7[%get3A_1104, %get3A_1105] {strides = array<i32>} : memref<832x64xf32, #tpu.memory_space<vmem>>, vector<16xf32>,
        %add3A_1107 = arith.constant 672 : i32
        %add3A_1108 = arith.addi %add3A_1107, %scan3A_846 : i32
        %get3A_1109 = arith.index_cast %add3A_1108 : i32 to index
        %get3A_1110 = arith.constant 16 : index
        %get3A_1111 = tpu.vector_load %arg7[%get3A_1109, %get3A_1110] {strides = array<i32>} : memref<832x64xf32, #tpu.memory_space<vmem>>, vector<16xf32>,
        %add3A_1112 = arith.constant 704 : i32
        %add3A_1113 = arith.addi %add3A_1112, %scan3A_846 : i32
        %get3A_1114 = arith.index_cast %add3A_1113 : i32 to index
        %get3A_1115 = arith.constant 16 : index
        %get3A_1116 = tpu.vector_load %arg7[%get3A_1114, %get3A_1115] {strides = array<i32>} : memref<832x64xf32, #tpu.memory_space<vmem>>, vector<16xf32>,
        %add3A_1117 = arith.constant 736 : i32
        %add3A_1118 = arith.addi %add3A_1117, %scan3A_846 : i32
        %get3A_1119 = arith.index_cast %add3A_1118 : i32 to index
        %get3A_1120 = arith.constant 16 : index
        %get3A_1121 = tpu.vector_load %arg7[%get3A_1119, %get3A_1120] {strides = array<i32>} : memref<832x64xf32, #tpu.memory_space<vmem>>, vector<16xf32>,
        %add3A_1122 = arith.constant 768 : i32
        %add3A_1123 = arith.addi %add3A_1122, %scan3A_846 : i32
        %get3A_1124 = arith.index_cast %add3A_1123 : i32 to index
        %get3A_1125 = arith.constant 16 : index
        %get3A_1126 = tpu.vector_load %arg7[%get3A_1124, %get3A_1125] {strides = array<i32>} : memref<832x64xf32, #tpu.memory_space<vmem>>, vector<16xf32>,
        %add3A_1127 = arith.constant 800 : i32
        %add3A_1128 = arith.addi %add3A_1127, %scan3A_846 : i32
        %get3A_1129 = arith.index_cast %add3A_1128 : i32 to index
        %get3A_1130 = arith.constant 16 : index
        %get3A_1131 = tpu.vector_load %arg7[%get3A_1129, %get3A_1130] {strides = array<i32>} : memref<832x64xf32, #tpu.memory_space<vmem>>, vector<16xf32>,
        %add3A_1132 = arith.addf %get3A_1006, %get3A_1011 : vector<16xf32>
        %add3A_1133 = arith.addf %get3A_1016, %get3A_1021 : vector<16xf32>
        %add3A_1134 = arith.addf %get3A_1026, %get3A_1031 : vector<16xf32>
        %add3A_1135 = arith.addf %get3A_1036, %get3A_1041 : vector<16xf32>
        %add3A_1136 = arith.addf %get3A_1046, %get3A_1051 : vector<16xf32>
        %add3A_1137 = arith.addf %get3A_1056, %get3A_1061 : vector<16xf32>
        %add3A_1138 = arith.addf %get3A_1066, %get3A_1071 : vector<16xf32>
        %add3A_1139 = arith.addf %get3A_1076, %get3A_1081 : vector<16xf32>
        %add3A_1140 = arith.addf %get3A_1086, %get3A_1091 : vector<16xf32>
        %add3A_1141 = arith.addf %get3A_1096, %get3A_1101 : vector<16xf32>
        %add3A_1142 = arith.addf %get3A_1106, %get3A_1111 : vector<16xf32>
        %add3A_1143 = arith.addf %get3A_1116, %get3A_1121 : vector<16xf32>
        %add3A_1144 = arith.addf %get3A_1126, %get3A_1131 : vector<16xf32>
        %add3A_1145 = arith.addf %add3A_1132, %add3A_1133 : vector<16xf32>
        %add3A_1146 = arith.addf %add3A_1134, %add3A_1135 : vector<16xf32>
        %add3A_1147 = arith.addf %add3A_1136, %add3A_1137 : vector<16xf32>
        %add3A_1148 = arith.addf %add3A_1138, %add3A_1139 : vector<16xf32>
        %add3A_1149 = arith.addf %add3A_1140, %add3A_1141 : vector<16xf32>
        %add3A_1150 = arith.addf %add3A_1142, %add3A_1143 : vector<16xf32>
        %add3A_1151 = arith.addf %add3A_1145, %add3A_1146 : vector<16xf32>
        %add3A_1152 = arith.addf %add3A_1147, %add3A_1148 : vector<16xf32>
        %add3A_1153 = arith.addf %add3A_1149, %add3A_1150 : vector<16xf32>
        %add3A_1154 = arith.addf %add3A_1151, %add3A_1152 : vector<16xf32>
        %add3A_1155 = arith.addf %add3A_1153, %add3A_1144 : vector<16xf32>
        %add3A_1156 = arith.addf %add3A_1154, %add3A_1155 : vector<16xf32>
        tpu.vector_store_idx %arg9[%add3A_270, %broadcast_in_dim3A], %add3A_1156 : memref<64x32xf32, #tpu.memory_space<vmem>>[vector<16xi32>, vector<16xi32>], vector<16xf32>,
        %add3A_1157 = arith.constant 0 : i32
        %add3A_1158 = arith.addi %add3A_1157, %scan3A_846 : i32
        %get3A_1159 = arith.index_cast %add3A_1158 : i32 to index
        %get3A_1160 = arith.constant 32 : index
        %get3A_1161 = tpu.vector_load %arg7[%get3A_1159, %get3A_1160] {strides = array<i32>} : memref<832x64xf32, #tpu.memory_space<vmem>>, vector<16xf32>,
        %add3A_1162 = arith.constant 32 : i32
        %add3A_1163 = arith.addi %add3A_1162, %scan3A_846 : i32
        %get3A_1164 = arith.index_cast %add3A_1163 : i32 to index
        %get3A_1165 = arith.constant 32 : index
        %get3A_1166 = tpu.vector_load %arg7[%get3A_1164, %get3A_1165] {strides = array<i32>} : memref<832x64xf32, #tpu.memory_space<vmem>>, vector<16xf32>,
        %add3A_1167 = arith.constant 64 : i32
        %add3A_1168 = arith.addi %add3A_1167, %scan3A_846 : i32
        %get3A_1169 = arith.index_cast %add3A_1168 : i32 to index
        %get3A_1170 = arith.constant 32 : index
        %get3A_1171 = tpu.vector_load %arg7[%get3A_1169, %get3A_1170] {strides = array<i32>} : memref<832x64xf32, #tpu.memory_space<vmem>>, vector<16xf32>,
        %add3A_1172 = arith.constant 96 : i32
        %add3A_1173 = arith.addi %add3A_1172, %scan3A_846 : i32
        %get3A_1174 = arith.index_cast %add3A_1173 : i32 to index
        %get3A_1175 = arith.constant 32 : index
        %get3A_1176 = tpu.vector_load %arg7[%get3A_1174, %get3A_1175] {strides = array<i32>} : memref<832x64xf32, #tpu.memory_space<vmem>>, vector<16xf32>,
        %add3A_1177 = arith.constant 128 : i32
        %add3A_1178 = arith.addi %add3A_1177, %scan3A_846 : i32
        %get3A_1179 = arith.index_cast %add3A_1178 : i32 to index
        %get3A_1180 = arith.constant 32 : index
        %get3A_1181 = tpu.vector_load %arg7[%get3A_1179, %get3A_1180] {strides = array<i32>} : memref<832x64xf32, #tpu.memory_space<vmem>>, vector<16xf32>,
        %add3A_1182 = arith.constant 160 : i32
        %add3A_1183 = arith.addi %add3A_1182, %scan3A_846 : i32
        %get3A_1184 = arith.index_cast %add3A_1183 : i32 to index
        %get3A_1185 = arith.constant 32 : index
        %get3A_1186 = tpu.vector_load %arg7[%get3A_1184, %get3A_1185] {strides = array<i32>} : memref<832x64xf32, #tpu.memory_space<vmem>>, vector<16xf32>,
        %add3A_1187 = arith.constant 192 : i32
        %add3A_1188 = arith.addi %add3A_1187, %scan3A_846 : i32
        %get3A_1189 = arith.index_cast %add3A_1188 : i32 to index
        %get3A_1190 = arith.constant 32 : index
        %get3A_1191 = tpu.vector_load %arg7[%get3A_1189, %get3A_1190] {strides = array<i32>} : memref<832x64xf32, #tpu.memory_space<vmem>>, vector<16xf32>,
        %add3A_1192 = arith.constant 224 : i32
        %add3A_1193 = arith.addi %add3A_1192, %scan3A_846 : i32
        %get3A_1194 = arith.index_cast %add3A_1193 : i32 to index
        %get3A_1195 = arith.constant 32 : index
        %get3A_1196 = tpu.vector_load %arg7[%get3A_1194, %get3A_1195] {strides = array<i32>} : memref<832x64xf32, #tpu.memory_space<vmem>>, vector<16xf32>,
        %add3A_1197 = arith.constant 256 : i32
        %add3A_1198 = arith.addi %add3A_1197, %scan3A_846 : i32
        %get3A_1199 = arith.index_cast %add3A_1198 : i32 to index
        %get3A_1200 = arith.constant 32 : index
        %get3A_1201 = tpu.vector_load %arg7[%get3A_1199, %get3A_1200] {strides = array<i32>} : memref<832x64xf32, #tpu.memory_space<vmem>>, vector<16xf32>,
        %add3A_1202 = arith.constant 288 : i32
        %add3A_1203 = arith.addi %add3A_1202, %scan3A_846 : i32
        %get3A_1204 = arith.index_cast %add3A_1203 : i32 to index
        %get3A_1205 = arith.constant 32 : index
        %get3A_1206 = tpu.vector_load %arg7[%get3A_1204, %get3A_1205] {strides = array<i32>} : memref<832x64xf32, #tpu.memory_space<vmem>>, vector<16xf32>,
        %add3A_1207 = arith.constant 320 : i32
        %add3A_1208 = arith.addi %add3A_1207, %scan3A_846 : i32
        %get3A_1209 = arith.index_cast %add3A_1208 : i32 to index
        %get3A_1210 = arith.constant 32 : index
        %get3A_1211 = tpu.vector_load %arg7[%get3A_1209, %get3A_1210] {strides = array<i32>} : memref<832x64xf32, #tpu.memory_space<vmem>>, vector<16xf32>,
        %add3A_1212 = arith.constant 352 : i32
        %add3A_1213 = arith.addi %add3A_1212, %scan3A_846 : i32
        %get3A_1214 = arith.index_cast %add3A_1213 : i32 to index
        %get3A_1215 = arith.constant 32 : index
        %get3A_1216 = tpu.vector_load %arg7[%get3A_1214, %get3A_1215] {strides = array<i32>} : memref<832x64xf32, #tpu.memory_space<vmem>>, vector<16xf32>,
        %add3A_1217 = arith.constant 384 : i32
        %add3A_1218 = arith.addi %add3A_1217, %scan3A_846 : i32
        %get3A_1219 = arith.index_cast %add3A_1218 : i32 to index
        %get3A_1220 = arith.constant 32 : index
        %get3A_1221 = tpu.vector_load %arg7[%get3A_1219, %get3A_1220] {strides = array<i32>} : memref<832x64xf32, #tpu.memory_space<vmem>>, vector<16xf32>,
        %add3A_1222 = arith.constant 416 : i32
        %add3A_1223 = arith.addi %add3A_1222, %scan3A_846 : i32
        %get3A_1224 = arith.index_cast %add3A_1223 : i32 to index
        %get3A_1225 = arith.constant 32 : index
        %get3A_1226 = tpu.vector_load %arg7[%get3A_1224, %get3A_1225] {strides = array<i32>} : memref<832x64xf32, #tpu.memory_space<vmem>>, vector<16xf32>,
        %add3A_1227 = arith.constant 448 : i32
        %add3A_1228 = arith.addi %add3A_1227, %scan3A_846 : i32
        %get3A_1229 = arith.index_cast %add3A_1228 : i32 to index
        %get3A_1230 = arith.constant 32 : index
        %get3A_1231 = tpu.vector_load %arg7[%get3A_1229, %get3A_1230] {strides = array<i32>} : memref<832x64xf32, #tpu.memory_space<vmem>>, vector<16xf32>,
        %add3A_1232 = arith.constant 480 : i32
        %add3A_1233 = arith.addi %add3A_1232, %scan3A_846 : i32
        %get3A_1234 = arith.index_cast %add3A_1233 : i32 to index
        %get3A_1235 = arith.constant 32 : index
        %get3A_1236 = tpu.vector_load %arg7[%get3A_1234, %get3A_1235] {strides = array<i32>} : memref<832x64xf32, #tpu.memory_space<vmem>>, vector<16xf32>,
        %add3A_1237 = arith.constant 512 : i32
        %add3A_1238 = arith.addi %add3A_1237, %scan3A_846 : i32
        %get3A_1239 = arith.index_cast %add3A_1238 : i32 to index
        %get3A_1240 = arith.constant 32 : index
        %get3A_1241 = tpu.vector_load %arg7[%get3A_1239, %get3A_1240] {strides = array<i32>} : memref<832x64xf32, #tpu.memory_space<vmem>>, vector<16xf32>,
        %add3A_1242 = arith.constant 544 : i32
        %add3A_1243 = arith.addi %add3A_1242, %scan3A_846 : i32
        %get3A_1244 = arith.index_cast %add3A_1243 : i32 to index
        %get3A_1245 = arith.constant 32 : index
        %get3A_1246 = tpu.vector_load %arg7[%get3A_1244, %get3A_1245] {strides = array<i32>} : memref<832x64xf32, #tpu.memory_space<vmem>>, vector<16xf32>,
        %add3A_1247 = arith.constant 576 : i32
        %add3A_1248 = arith.addi %add3A_1247, %scan3A_846 : i32
        %get3A_1249 = arith.index_cast %add3A_1248 : i32 to index
        %get3A_1250 = arith.constant 32 : index
        %get3A_1251 = tpu.vector_load %arg7[%get3A_1249, %get3A_1250] {strides = array<i32>} : memref<832x64xf32, #tpu.memory_space<vmem>>, vector<16xf32>,
        %add3A_1252 = arith.constant 608 : i32
        %add3A_1253 = arith.addi %add3A_1252, %scan3A_846 : i32
        %get3A_1254 = arith.index_cast %add3A_1253 : i32 to index
        %get3A_1255 = arith.constant 32 : index
        %get3A_1256 = tpu.vector_load %arg7[%get3A_1254, %get3A_1255] {strides = array<i32>} : memref<832x64xf32, #tpu.memory_space<vmem>>, vector<16xf32>,
        %add3A_1257 = arith.constant 640 : i32
        %add3A_1258 = arith.addi %add3A_1257, %scan3A_846 : i32
        %get3A_1259 = arith.index_cast %add3A_1258 : i32 to index
        %get3A_1260 = arith.constant 32 : index
        %get3A_1261 = tpu.vector_load %arg7[%get3A_1259, %get3A_1260] {strides = array<i32>} : memref<832x64xf32, #tpu.memory_space<vmem>>, vector<16xf32>,
        %add3A_1262 = arith.constant 672 : i32
        %add3A_1263 = arith.addi %add3A_1262, %scan3A_846 : i32
        %get3A_1264 = arith.index_cast %add3A_1263 : i32 to index
        %get3A_1265 = arith.constant 32 : index
        %get3A_1266 = tpu.vector_load %arg7[%get3A_1264, %get3A_1265] {strides = array<i32>} : memref<832x64xf32, #tpu.memory_space<vmem>>, vector<16xf32>,
        %add3A_1267 = arith.constant 704 : i32
        %add3A_1268 = arith.addi %add3A_1267, %scan3A_846 : i32
        %get3A_1269 = arith.index_cast %add3A_1268 : i32 to index
        %get3A_1270 = arith.constant 32 : index
        %get3A_1271 = tpu.vector_load %arg7[%get3A_1269, %get3A_1270] {strides = array<i32>} : memref<832x64xf32, #tpu.memory_space<vmem>>, vector<16xf32>,
        %add3A_1272 = arith.constant 736 : i32
        %add3A_1273 = arith.addi %add3A_1272, %scan3A_846 : i32
        %get3A_1274 = arith.index_cast %add3A_1273 : i32 to index
        %get3A_1275 = arith.constant 32 : index
        %get3A_1276 = tpu.vector_load %arg7[%get3A_1274, %get3A_1275] {strides = array<i32>} : memref<832x64xf32, #tpu.memory_space<vmem>>, vector<16xf32>,
        %add3A_1277 = arith.constant 768 : i32
        %add3A_1278 = arith.addi %add3A_1277, %scan3A_846 : i32
        %get3A_1279 = arith.index_cast %add3A_1278 : i32 to index
        %get3A_1280 = arith.constant 32 : index
        %get3A_1281 = tpu.vector_load %arg7[%get3A_1279, %get3A_1280] {strides = array<i32>} : memref<832x64xf32, #tpu.memory_space<vmem>>, vector<16xf32>,
        %add3A_1282 = arith.constant 800 : i32
        %add3A_1283 = arith.addi %add3A_1282, %scan3A_846 : i32
        %get3A_1284 = arith.index_cast %add3A_1283 : i32 to index
        %get3A_1285 = arith.constant 32 : index
        %get3A_1286 = tpu.vector_load %arg7[%get3A_1284, %get3A_1285] {strides = array<i32>} : memref<832x64xf32, #tpu.memory_space<vmem>>, vector<16xf32>,
        %add3A_1287 = arith.addf %get3A_1161, %get3A_1166 : vector<16xf32>
        %add3A_1288 = arith.addf %get3A_1171, %get3A_1176 : vector<16xf32>
        %add3A_1289 = arith.addf %get3A_1181, %get3A_1186 : vector<16xf32>
        %add3A_1290 = arith.addf %get3A_1191, %get3A_1196 : vector<16xf32>
        %add3A_1291 = arith.addf %get3A_1201, %get3A_1206 : vector<16xf32>
        %add3A_1292 = arith.addf %get3A_1211, %get3A_1216 : vector<16xf32>
        %add3A_1293 = arith.addf %get3A_1221, %get3A_1226 : vector<16xf32>
        %add3A_1294 = arith.addf %get3A_1231, %get3A_1236 : vector<16xf32>
        %add3A_1295 = arith.addf %get3A_1241, %get3A_1246 : vector<16xf32>
        %add3A_1296 = arith.addf %get3A_1251, %get3A_1256 : vector<16xf32>
        %add3A_1297 = arith.addf %get3A_1261, %get3A_1266 : vector<16xf32>
        %add3A_1298 = arith.addf %get3A_1271, %get3A_1276 : vector<16xf32>
        %add3A_1299 = arith.addf %get3A_1281, %get3A_1286 : vector<16xf32>
        %add3A_1300 = arith.addf %add3A_1287, %add3A_1288 : vector<16xf32>
        %add3A_1301 = arith.addf %add3A_1289, %add3A_1290 : vector<16xf32>
        %add3A_1302 = arith.addf %add3A_1291, %add3A_1292 : vector<16xf32>
        %add3A_1303 = arith.addf %add3A_1293, %add3A_1294 : vector<16xf32>
        %add3A_1304 = arith.addf %add3A_1295, %add3A_1296 : vector<16xf32>
        %add3A_1305 = arith.addf %add3A_1297, %add3A_1298 : vector<16xf32>
        %add3A_1306 = arith.addf %add3A_1300, %add3A_1301 : vector<16xf32>
        %add3A_1307 = arith.addf %add3A_1302, %add3A_1303 : vector<16xf32>
        %add3A_1308 = arith.addf %add3A_1304, %add3A_1305 : vector<16xf32>
        %add3A_1309 = arith.addf %add3A_1306, %add3A_1307 : vector<16xf32>
        %add3A_1310 = arith.addf %add3A_1308, %add3A_1299 : vector<16xf32>
        %add3A_1311 = arith.addf %add3A_1309, %add3A_1310 : vector<16xf32>
        tpu.vector_store_idx %arg9[%add3A_274, %broadcast_in_dim3A], %add3A_1311 : memref<64x32xf32, #tpu.memory_space<vmem>>[vector<16xi32>, vector<16xi32>], vector<16xf32>,
        %add3A_1312 = arith.constant 0 : i32
        %add3A_1313 = arith.addi %add3A_1312, %scan3A_846 : i32
        %get3A_1314 = arith.index_cast %add3A_1313 : i32 to index
        %get3A_1315 = arith.constant 48 : index
        %get3A_1316 = tpu.vector_load %arg7[%get3A_1314, %get3A_1315] {strides = array<i32>} : memref<832x64xf32, #tpu.memory_space<vmem>>, vector<16xf32>,
        %add3A_1317 = arith.constant 32 : i32
        %add3A_1318 = arith.addi %add3A_1317, %scan3A_846 : i32
        %get3A_1319 = arith.index_cast %add3A_1318 : i32 to index
        %get3A_1320 = arith.constant 48 : index
        %get3A_1321 = tpu.vector_load %arg7[%get3A_1319, %get3A_1320] {strides = array<i32>} : memref<832x64xf32, #tpu.memory_space<vmem>>, vector<16xf32>,
        %add3A_1322 = arith.constant 64 : i32
        %add3A_1323 = arith.addi %add3A_1322, %scan3A_846 : i32
        %get3A_1324 = arith.index_cast %add3A_1323 : i32 to index
        %get3A_1325 = arith.constant 48 : index
        %get3A_1326 = tpu.vector_load %arg7[%get3A_1324, %get3A_1325] {strides = array<i32>} : memref<832x64xf32, #tpu.memory_space<vmem>>, vector<16xf32>,
        %add3A_1327 = arith.constant 96 : i32
        %add3A_1328 = arith.addi %add3A_1327, %scan3A_846 : i32
        %get3A_1329 = arith.index_cast %add3A_1328 : i32 to index
        %get3A_1330 = arith.constant 48 : index
        %get3A_1331 = tpu.vector_load %arg7[%get3A_1329, %get3A_1330] {strides = array<i32>} : memref<832x64xf32, #tpu.memory_space<vmem>>, vector<16xf32>,
        %add3A_1332 = arith.constant 128 : i32
        %add3A_1333 = arith.addi %add3A_1332, %scan3A_846 : i32
        %get3A_1334 = arith.index_cast %add3A_1333 : i32 to index
        %get3A_1335 = arith.constant 48 : index
        %get3A_1336 = tpu.vector_load %arg7[%get3A_1334, %get3A_1335] {strides = array<i32>} : memref<832x64xf32, #tpu.memory_space<vmem>>, vector<16xf32>,
        %add3A_1337 = arith.constant 160 : i32
        %add3A_1338 = arith.addi %add3A_1337, %scan3A_846 : i32
        %get3A_1339 = arith.index_cast %add3A_1338 : i32 to index
        %get3A_1340 = arith.constant 48 : index
        %get3A_1341 = tpu.vector_load %arg7[%get3A_1339, %get3A_1340] {strides = array<i32>} : memref<832x64xf32, #tpu.memory_space<vmem>>, vector<16xf32>,
        %add3A_1342 = arith.constant 192 : i32
        %add3A_1343 = arith.addi %add3A_1342, %scan3A_846 : i32
        %get3A_1344 = arith.index_cast %add3A_1343 : i32 to index
        %get3A_1345 = arith.constant 48 : index
        %get3A_1346 = tpu.vector_load %arg7[%get3A_1344, %get3A_1345] {strides = array<i32>} : memref<832x64xf32, #tpu.memory_space<vmem>>, vector<16xf32>,
        %add3A_1347 = arith.constant 224 : i32
        %add3A_1348 = arith.addi %add3A_1347, %scan3A_846 : i32
        %get3A_1349 = arith.index_cast %add3A_1348 : i32 to index
        %get3A_1350 = arith.constant 48 : index
        %get3A_1351 = tpu.vector_load %arg7[%get3A_1349, %get3A_1350] {strides = array<i32>} : memref<832x64xf32, #tpu.memory_space<vmem>>, vector<16xf32>,
        %add3A_1352 = arith.constant 256 : i32
        %add3A_1353 = arith.addi %add3A_1352, %scan3A_846 : i32
        %get3A_1354 = arith.index_cast %add3A_1353 : i32 to index
        %get3A_1355 = arith.constant 48 : index
        %get3A_1356 = tpu.vector_load %arg7[%get3A_1354, %get3A_1355] {strides = array<i32>} : memref<832x64xf32, #tpu.memory_space<vmem>>, vector<16xf32>,
        %add3A_1357 = arith.constant 288 : i32
        %add3A_1358 = arith.addi %add3A_1357, %scan3A_846 : i32
        %get3A_1359 = arith.index_cast %add3A_1358 : i32 to index
        %get3A_1360 = arith.constant 48 : index
        %get3A_1361 = tpu.vector_load %arg7[%get3A_1359, %get3A_1360] {strides = array<i32>} : memref<832x64xf32, #tpu.memory_space<vmem>>, vector<16xf32>,
        %add3A_1362 = arith.constant 320 : i32
        %add3A_1363 = arith.addi %add3A_1362, %scan3A_846 : i32
        %get3A_1364 = arith.index_cast %add3A_1363 : i32 to index
        %get3A_1365 = arith.constant 48 : index
        %get3A_1366 = tpu.vector_load %arg7[%get3A_1364, %get3A_1365] {strides = array<i32>} : memref<832x64xf32, #tpu.memory_space<vmem>>, vector<16xf32>,
        %add3A_1367 = arith.constant 352 : i32
        %add3A_1368 = arith.addi %add3A_1367, %scan3A_846 : i32
        %get3A_1369 = arith.index_cast %add3A_1368 : i32 to index
        %get3A_1370 = arith.constant 48 : index
        %get3A_1371 = tpu.vector_load %arg7[%get3A_1369, %get3A_1370] {strides = array<i32>} : memref<832x64xf32, #tpu.memory_space<vmem>>, vector<16xf32>,
        %add3A_1372 = arith.constant 384 : i32
        %add3A_1373 = arith.addi %add3A_1372, %scan3A_846 : i32
        %get3A_1374 = arith.index_cast %add3A_1373 : i32 to index
        %get3A_1375 = arith.constant 48 : index
        %get3A_1376 = tpu.vector_load %arg7[%get3A_1374, %get3A_1375] {strides = array<i32>} : memref<832x64xf32, #tpu.memory_space<vmem>>, vector<16xf32>,
        %add3A_1377 = arith.constant 416 : i32
        %add3A_1378 = arith.addi %add3A_1377, %scan3A_846 : i32
        %get3A_1379 = arith.index_cast %add3A_1378 : i32 to index
        %get3A_1380 = arith.constant 48 : index
        %get3A_1381 = tpu.vector_load %arg7[%get3A_1379, %get3A_1380] {strides = array<i32>} : memref<832x64xf32, #tpu.memory_space<vmem>>, vector<16xf32>,
        %add3A_1382 = arith.constant 448 : i32
        %add3A_1383 = arith.addi %add3A_1382, %scan3A_846 : i32
        %get3A_1384 = arith.index_cast %add3A_1383 : i32 to index
        %get3A_1385 = arith.constant 48 : index
        %get3A_1386 = tpu.vector_load %arg7[%get3A_1384, %get3A_1385] {strides = array<i32>} : memref<832x64xf32, #tpu.memory_space<vmem>>, vector<16xf32>,
        %add3A_1387 = arith.constant 480 : i32
        %add3A_1388 = arith.addi %add3A_1387, %scan3A_846 : i32
        %get3A_1389 = arith.index_cast %add3A_1388 : i32 to index
        %get3A_1390 = arith.constant 48 : index
        %get3A_1391 = tpu.vector_load %arg7[%get3A_1389, %get3A_1390] {strides = array<i32>} : memref<832x64xf32, #tpu.memory_space<vmem>>, vector<16xf32>,
        %add3A_1392 = arith.constant 512 : i32
        %add3A_1393 = arith.addi %add3A_1392, %scan3A_846 : i32
        %get3A_1394 = arith.index_cast %add3A_1393 : i32 to index
        %get3A_1395 = arith.constant 48 : index
        %get3A_1396 = tpu.vector_load %arg7[%get3A_1394, %get3A_1395] {strides = array<i32>} : memref<832x64xf32, #tpu.memory_space<vmem>>, vector<16xf32>,
        %add3A_1397 = arith.constant 544 : i32
        %add3A_1398 = arith.addi %add3A_1397, %scan3A_846 : i32
        %get3A_1399 = arith.index_cast %add3A_1398 : i32 to index
        %get3A_1400 = arith.constant 48 : index
        %get3A_1401 = tpu.vector_load %arg7[%get3A_1399, %get3A_1400] {strides = array<i32>} : memref<832x64xf32, #tpu.memory_space<vmem>>, vector<16xf32>,
        %add3A_1402 = arith.constant 576 : i32
        %add3A_1403 = arith.addi %add3A_1402, %scan3A_846 : i32
        %get3A_1404 = arith.index_cast %add3A_1403 : i32 to index
        %get3A_1405 = arith.constant 48 : index
        %get3A_1406 = tpu.vector_load %arg7[%get3A_1404, %get3A_1405] {strides = array<i32>} : memref<832x64xf32, #tpu.memory_space<vmem>>, vector<16xf32>,
        %add3A_1407 = arith.constant 608 : i32
        %add3A_1408 = arith.addi %add3A_1407, %scan3A_846 : i32
        %get3A_1409 = arith.index_cast %add3A_1408 : i32 to index
        %get3A_1410 = arith.constant 48 : index
        %get3A_1411 = tpu.vector_load %arg7[%get3A_1409, %get3A_1410] {strides = array<i32>} : memref<832x64xf32, #tpu.memory_space<vmem>>, vector<16xf32>,
        %add3A_1412 = arith.constant 640 : i32
        %add3A_1413 = arith.addi %add3A_1412, %scan3A_846 : i32
        %get3A_1414 = arith.index_cast %add3A_1413 : i32 to index
        %get3A_1415 = arith.constant 48 : index
        %get3A_1416 = tpu.vector_load %arg7[%get3A_1414, %get3A_1415] {strides = array<i32>} : memref<832x64xf32, #tpu.memory_space<vmem>>, vector<16xf32>,
        %add3A_1417 = arith.constant 672 : i32
        %add3A_1418 = arith.addi %add3A_1417, %scan3A_846 : i32
        %get3A_1419 = arith.index_cast %add3A_1418 : i32 to index
        %get3A_1420 = arith.constant 48 : index
        %get3A_1421 = tpu.vector_load %arg7[%get3A_1419, %get3A_1420] {strides = array<i32>} : memref<832x64xf32, #tpu.memory_space<vmem>>, vector<16xf32>,
        %add3A_1422 = arith.constant 704 : i32
        %add3A_1423 = arith.addi %add3A_1422, %scan3A_846 : i32
        %get3A_1424 = arith.index_cast %add3A_1423 : i32 to index
        %get3A_1425 = arith.constant 48 : index
        %get3A_1426 = tpu.vector_load %arg7[%get3A_1424, %get3A_1425] {strides = array<i32>} : memref<832x64xf32, #tpu.memory_space<vmem>>, vector<16xf32>,
        %add3A_1427 = arith.constant 736 : i32
        %add3A_1428 = arith.addi %add3A_1427, %scan3A_846 : i32
        %get3A_1429 = arith.index_cast %add3A_1428 : i32 to index
        %get3A_1430 = arith.constant 48 : index
        %get3A_1431 = tpu.vector_load %arg7[%get3A_1429, %get3A_1430] {strides = array<i32>} : memref<832x64xf32, #tpu.memory_space<vmem>>, vector<16xf32>,
        %add3A_1432 = arith.constant 768 : i32
        %add3A_1433 = arith.addi %add3A_1432, %scan3A_846 : i32
        %get3A_1434 = arith.index_cast %add3A_1433 : i32 to index
        %get3A_1435 = arith.constant 48 : index
        %get3A_1436 = tpu.vector_load %arg7[%get3A_1434, %get3A_1435] {strides = array<i32>} : memref<832x64xf32, #tpu.memory_space<vmem>>, vector<16xf32>,
        %add3A_1437 = arith.constant 800 : i32
        %add3A_1438 = arith.addi %add3A_1437, %scan3A_846 : i32
        %get3A_1439 = arith.index_cast %add3A_1438 : i32 to index
        %get3A_1440 = arith.constant 48 : index
        %get3A_1441 = tpu.vector_load %arg7[%get3A_1439, %get3A_1440] {strides = array<i32>} : memref<832x64xf32, #tpu.memory_space<vmem>>, vector<16xf32>,
        %add3A_1442 = arith.addf %get3A_1316, %get3A_1321 : vector<16xf32>
        %add3A_1443 = arith.addf %get3A_1326, %get3A_1331 : vector<16xf32>
        %add3A_1444 = arith.addf %get3A_1336, %get3A_1341 : vector<16xf32>
        %add3A_1445 = arith.addf %get3A_1346, %get3A_1351 : vector<16xf32>
        %add3A_1446 = arith.addf %get3A_1356, %get3A_1361 : vector<16xf32>
        %add3A_1447 = arith.addf %get3A_1366, %get3A_1371 : vector<16xf32>
        %add3A_1448 = arith.addf %get3A_1376, %get3A_1381 : vector<16xf32>
        %add3A_1449 = arith.addf %get3A_1386, %get3A_1391 : vector<16xf32>
        %add3A_1450 = arith.addf %get3A_1396, %get3A_1401 : vector<16xf32>
        %add3A_1451 = arith.addf %get3A_1406, %get3A_1411 : vector<16xf32>
        %add3A_1452 = arith.addf %get3A_1416, %get3A_1421 : vector<16xf32>
        %add3A_1453 = arith.addf %get3A_1426, %get3A_1431 : vector<16xf32>
        %add3A_1454 = arith.addf %get3A_1436, %get3A_1441 : vector<16xf32>
        %add3A_1455 = arith.addf %add3A_1442, %add3A_1443 : vector<16xf32>
        %add3A_1456 = arith.addf %add3A_1444, %add3A_1445 : vector<16xf32>
        %add3A_1457 = arith.addf %add3A_1446, %add3A_1447 : vector<16xf32>
        %add3A_1458 = arith.addf %add3A_1448, %add3A_1449 : vector<16xf32>
        %add3A_1459 = arith.addf %add3A_1450, %add3A_1451 : vector<16xf32>
        %add3A_1460 = arith.addf %add3A_1452, %add3A_1453 : vector<16xf32>
        %add3A_1461 = arith.addf %add3A_1455, %add3A_1456 : vector<16xf32>
        %add3A_1462 = arith.addf %add3A_1457, %add3A_1458 : vector<16xf32>
        %add3A_1463 = arith.addf %add3A_1459, %add3A_1460 : vector<16xf32>
        %add3A_1464 = arith.addf %add3A_1461, %add3A_1462 : vector<16xf32>
        %add3A_1465 = arith.addf %add3A_1463, %add3A_1454 : vector<16xf32>
        %add3A_1466 = arith.addf %add3A_1464, %add3A_1465 : vector<16xf32>
        tpu.vector_store_idx %arg9[%add3A_278, %broadcast_in_dim3A], %add3A_1466 : memref<64x32xf32, #tpu.memory_space<vmem>>[vector<16xi32>, vector<16xi32>], vector<16xf32>,
        %scan3A_1467 = arith.constant 0 : i32
        scf.yield %scan3A_1467 : i32
      }
      %scan3A_560 = arith.constant 32 : i32
      %mul3A_561 = arith.constant 32 : i32
      %mul3A_562 = arith.muli %add3A_290, %mul3A_561 : i32
      %add3A_563 = arith.addi %mul3A_2, %mul3A_562 : i32
      "tpu.region"() ({
        %run_scoped3A = tpu.sem_alloc : memref<!tpu.dma_semaphore, #tpu.memory_space<semaphore_mem>>
        %dma_start3A_846 = arith.constant 0 : i32
        %dma_start3A_847 = tpu.memref_slice %arg4[%dma_start3A_846, %add3A_563] : memref<64x16384xf32, #tpu.memory_space<hbm>> -> memref<64x32xf32, #tpu.memory_space<hbm>>
        %dma_start3A_848 = arith.constant 0 : i32
        %dma_start3A_849 = tpu.memref_slice %arg4[%dma_start3A_848, %add3A_563] : memref<64x16384xf32, #tpu.memory_space<hbm>> -> memref<64x32xf32, #tpu.memory_space<hbm>>
        tpu.enqueue_dma source(%arg9 : memref<64x32xf32, #tpu.memory_space<vmem>>) target(%dma_start3A_849 : memref<64x32xf32, #tpu.memory_space<hbm>>) target_semaphore(%run_scoped3A : memref<!tpu.dma_semaphore, #tpu.memory_space<semaphore_mem>>)
        %dma_wait3A_850 = arith.constant 0 : i32
        %dma_wait3A_851 = tpu.memref_slice %arg4[%dma_wait3A_850, %add3A_563] : memref<64x16384xf32, #tpu.memory_space<hbm>> -> memref<64x32xf32, #tpu.memory_space<hbm>>
        %dma_wait3A_852 = arith.constant 0 : i32
        %dma_wait3A_853 = tpu.memref_slice %arg4[%dma_wait3A_852, %add3A_563] : memref<64x16384xf32, #tpu.memory_space<hbm>> -> memref<64x32xf32, #tpu.memory_space<hbm>>
        tpu.wait_dma2 semaphore(%run_scoped3A : memref<!tpu.dma_semaphore, #tpu.memory_space<semaphore_mem>>) src(%arg9 : memref<64x32xf32, #tpu.memory_space<vmem>>) dst(%dma_wait3A_853 : memref<64x32xf32, #tpu.memory_space<hbm>>)
        tpu.yield
      }) : () -> ()
      %mul3A_564 = arith.constant 2 : i32
      %mul3A_565 = arith.muli %mul3A_564, %scan3A_285 : i32
      %add3A_566 = arith.constant 1 : i32
      %add3A_567 = arith.addi %mul3A_565, %add3A_566 : i32
      %add3A_568 = arith.constant 1 : i32
      %add3A_569 = arith.addi %add3A_567, %add3A_568 : i32
      %lt3A_570 = arith.constant 16 : i32
      %lt3A_571 = arith.cmpi slt, %add3A_569, %lt3A_570 : i32
      %convert_element_type3A_572 = arith.extui %lt3A_571 : i1 to i32
      %cond3A_573 = arith.constant 0 : i32
      %cond3A_574 = arith.cmpi ne, %convert_element_type3A_572, %cond3A_573 : i32
      scf.if %cond3A_574 {
        %mul3A_846 = arith.constant 32 : i32
        %mul3A_847 = arith.muli %add3A_569, %mul3A_846 : i32
        %add3A_848 = arith.addi %mul3A_2, %mul3A_847 : i32
        "tpu.region"() ({
          %run_scoped3A = tpu.sem_alloc : memref<!tpu.dma_semaphore, #tpu.memory_space<semaphore_mem>>
          %dma_start3A_1109 = arith.constant 0 : i32
          %dma_start3A_1110 = tpu.memref_slice %arg3[%dma_start3A_1109, %add3A_848] : memref<26x16384xi32, #tpu.memory_space<hbm>> -> memref<26x32xi32, #tpu.memory_space<hbm>>
          %dma_start3A_1111 = arith.constant 0 : i32
          %dma_start3A_1112 = tpu.memref_slice %arg3[%dma_start3A_1111, %add3A_848] : memref<26x16384xi32, #tpu.memory_space<hbm>> -> memref<26x32xi32, #tpu.memory_space<hbm>>
          tpu.enqueue_dma source(%dma_start3A_1112 : memref<26x32xi32, #tpu.memory_space<hbm>>) target(%arg5 : memref<26x32xi32, #tpu.memory_space<vmem>>) target_semaphore(%run_scoped3A : memref<!tpu.dma_semaphore, #tpu.memory_space<semaphore_mem>>)
          %dma_wait3A_1113 = arith.constant 0 : i32
          %dma_wait3A_1114 = tpu.memref_slice %arg3[%dma_wait3A_1113, %add3A_848] : memref<26x16384xi32, #tpu.memory_space<hbm>> -> memref<26x32xi32, #tpu.memory_space<hbm>>
          %dma_wait3A_1115 = arith.constant 0 : i32
          %dma_wait3A_1116 = tpu.memref_slice %arg3[%dma_wait3A_1115, %add3A_848] : memref<26x16384xi32, #tpu.memory_space<hbm>> -> memref<26x32xi32, #tpu.memory_space<hbm>>
          tpu.wait_dma2 semaphore(%run_scoped3A : memref<!tpu.dma_semaphore, #tpu.memory_space<semaphore_mem>>) src(%dma_wait3A_1116 : memref<26x32xi32, #tpu.memory_space<hbm>>) dst(%arg5 : memref<26x32xi32, #tpu.memory_space<vmem>>)
          tpu.yield
        }) : () -> ()
        %dma_start3A_849 = arith.constant 0 : i32
        %dma_start3A_850 = arith.constant 0 : i32
        %dma_start3A_851 = arith.constant 0 : i32
        %dma_start3A_852 = tpu.memref_slice %arg7[%dma_start3A_850, %dma_start3A_851] : memref<832x64xf32, #tpu.memory_space<vmem>> -> memref<32x64xf32, #tpu.memory_space<vmem>>
        %dma_start3A_853 = arith.constant 0 : i32
        %dma_start3A_854 = tpu.memref_slice %arg5[%dma_start3A_849, %dma_start3A_853] : memref<26x32xi32, #tpu.memory_space<vmem>> -> memref<1x32xi32, #tpu.memory_space<vmem>>
        %dma_start3A_855 = tpu.memref_squeeze %dma_start3A_854 : memref<1x32xi32, #tpu.memory_space<vmem>> -> memref<32xi32, #tpu.memory_space<vmem>>
        %dma_start3A_856 = arith.constant 0 : i32
        %dma_start3A_857 = arith.constant 0 : i32
        %dma_start3A_858 = tpu.memref_slice %arg2[%dma_start3A_856, %dma_start3A_857] : memref<2600000x64xf32, #tpu.memory_space<hbm>> -> memref<2600000x64xf32, #tpu.memory_space<hbm>>
        tpu.enqueue_indirect_dma source(%dma_start3A_858 : memref<2600000x64xf32, #tpu.memory_space<hbm>>) target(%dma_start3A_852 : memref<32x64xf32, #tpu.memory_space<vmem>>) offsets(%dma_start3A_855 : memref<32xi32, #tpu.memory_space<vmem>>) semaphore(%arg10 : memref<!tpu.dma_semaphore, #tpu.memory_space<semaphore_mem>>)
        %dma_start3A_859 = arith.constant 1 : i32
        %dma_start3A_860 = arith.constant 32 : i32
        %dma_start3A_861 = arith.constant 0 : i32
        %dma_start3A_862 = tpu.memref_slice %arg7[%dma_start3A_860, %dma_start3A_861] : memref<832x64xf32, #tpu.memory_space<vmem>> -> memref<32x64xf32, #tpu.memory_space<vmem>>
        %dma_start3A_863 = arith.constant 0 : i32
        %dma_start3A_864 = tpu.memref_slice %arg5[%dma_start3A_859, %dma_start3A_863] : memref<26x32xi32, #tpu.memory_space<vmem>> -> memref<1x32xi32, #tpu.memory_space<vmem>>
        %dma_start3A_865 = tpu.memref_squeeze %dma_start3A_864 : memref<1x32xi32, #tpu.memory_space<vmem>> -> memref<32xi32, #tpu.memory_space<vmem>>
        %dma_start3A_866 = arith.constant 0 : i32
        %dma_start3A_867 = arith.constant 0 : i32
        %dma_start3A_868 = tpu.memref_slice %arg2[%dma_start3A_866, %dma_start3A_867] : memref<2600000x64xf32, #tpu.memory_space<hbm>> -> memref<2600000x64xf32, #tpu.memory_space<hbm>>
        tpu.enqueue_indirect_dma source(%dma_start3A_868 : memref<2600000x64xf32, #tpu.memory_space<hbm>>) target(%dma_start3A_862 : memref<32x64xf32, #tpu.memory_space<vmem>>) offsets(%dma_start3A_865 : memref<32xi32, #tpu.memory_space<vmem>>) semaphore(%arg10 : memref<!tpu.dma_semaphore, #tpu.memory_space<semaphore_mem>>)
        %dma_start3A_869 = arith.constant 2 : i32
        %dma_start3A_870 = arith.constant 64 : i32
        %dma_start3A_871 = arith.constant 0 : i32
        %dma_start3A_872 = tpu.memref_slice %arg7[%dma_start3A_870, %dma_start3A_871] : memref<832x64xf32, #tpu.memory_space<vmem>> -> memref<32x64xf32, #tpu.memory_space<vmem>>
        %dma_start3A_873 = arith.constant 0 : i32
        %dma_start3A_874 = tpu.memref_slice %arg5[%dma_start3A_869, %dma_start3A_873] : memref<26x32xi32, #tpu.memory_space<vmem>> -> memref<1x32xi32, #tpu.memory_space<vmem>>
        %dma_start3A_875 = tpu.memref_squeeze %dma_start3A_874 : memref<1x32xi32, #tpu.memory_space<vmem>> -> memref<32xi32, #tpu.memory_space<vmem>>
        %dma_start3A_876 = arith.constant 0 : i32
        %dma_start3A_877 = arith.constant 0 : i32
        %dma_start3A_878 = tpu.memref_slice %arg2[%dma_start3A_876, %dma_start3A_877] : memref<2600000x64xf32, #tpu.memory_space<hbm>> -> memref<2600000x64xf32, #tpu.memory_space<hbm>>
        tpu.enqueue_indirect_dma source(%dma_start3A_878 : memref<2600000x64xf32, #tpu.memory_space<hbm>>) target(%dma_start3A_872 : memref<32x64xf32, #tpu.memory_space<vmem>>) offsets(%dma_start3A_875 : memref<32xi32, #tpu.memory_space<vmem>>) semaphore(%arg10 : memref<!tpu.dma_semaphore, #tpu.memory_space<semaphore_mem>>)
        %dma_start3A_879 = arith.constant 3 : i32
        %dma_start3A_880 = arith.constant 96 : i32
        %dma_start3A_881 = arith.constant 0 : i32
        %dma_start3A_882 = tpu.memref_slice %arg7[%dma_start3A_880, %dma_start3A_881] : memref<832x64xf32, #tpu.memory_space<vmem>> -> memref<32x64xf32, #tpu.memory_space<vmem>>
        %dma_start3A_883 = arith.constant 0 : i32
        %dma_start3A_884 = tpu.memref_slice %arg5[%dma_start3A_879, %dma_start3A_883] : memref<26x32xi32, #tpu.memory_space<vmem>> -> memref<1x32xi32, #tpu.memory_space<vmem>>
        %dma_start3A_885 = tpu.memref_squeeze %dma_start3A_884 : memref<1x32xi32, #tpu.memory_space<vmem>> -> memref<32xi32, #tpu.memory_space<vmem>>
        %dma_start3A_886 = arith.constant 0 : i32
        %dma_start3A_887 = arith.constant 0 : i32
        %dma_start3A_888 = tpu.memref_slice %arg2[%dma_start3A_886, %dma_start3A_887] : memref<2600000x64xf32, #tpu.memory_space<hbm>> -> memref<2600000x64xf32, #tpu.memory_space<hbm>>
        tpu.enqueue_indirect_dma source(%dma_start3A_888 : memref<2600000x64xf32, #tpu.memory_space<hbm>>) target(%dma_start3A_882 : memref<32x64xf32, #tpu.memory_space<vmem>>) offsets(%dma_start3A_885 : memref<32xi32, #tpu.memory_space<vmem>>) semaphore(%arg10 : memref<!tpu.dma_semaphore, #tpu.memory_space<semaphore_mem>>)
        %dma_start3A_889 = arith.constant 4 : i32
        %dma_start3A_890 = arith.constant 128 : i32
        %dma_start3A_891 = arith.constant 0 : i32
        %dma_start3A_892 = tpu.memref_slice %arg7[%dma_start3A_890, %dma_start3A_891] : memref<832x64xf32, #tpu.memory_space<vmem>> -> memref<32x64xf32, #tpu.memory_space<vmem>>
        %dma_start3A_893 = arith.constant 0 : i32
        %dma_start3A_894 = tpu.memref_slice %arg5[%dma_start3A_889, %dma_start3A_893] : memref<26x32xi32, #tpu.memory_space<vmem>> -> memref<1x32xi32, #tpu.memory_space<vmem>>
        %dma_start3A_895 = tpu.memref_squeeze %dma_start3A_894 : memref<1x32xi32, #tpu.memory_space<vmem>> -> memref<32xi32, #tpu.memory_space<vmem>>
        %dma_start3A_896 = arith.constant 0 : i32
        %dma_start3A_897 = arith.constant 0 : i32
        %dma_start3A_898 = tpu.memref_slice %arg2[%dma_start3A_896, %dma_start3A_897] : memref<2600000x64xf32, #tpu.memory_space<hbm>> -> memref<2600000x64xf32, #tpu.memory_space<hbm>>
        tpu.enqueue_indirect_dma source(%dma_start3A_898 : memref<2600000x64xf32, #tpu.memory_space<hbm>>) target(%dma_start3A_892 : memref<32x64xf32, #tpu.memory_space<vmem>>) offsets(%dma_start3A_895 : memref<32xi32, #tpu.memory_space<vmem>>) semaphore(%arg10 : memref<!tpu.dma_semaphore, #tpu.memory_space<semaphore_mem>>)
        %dma_start3A_899 = arith.constant 5 : i32
        %dma_start3A_900 = arith.constant 160 : i32
        %dma_start3A_901 = arith.constant 0 : i32
        %dma_start3A_902 = tpu.memref_slice %arg7[%dma_start3A_900, %dma_start3A_901] : memref<832x64xf32, #tpu.memory_space<vmem>> -> memref<32x64xf32, #tpu.memory_space<vmem>>
        %dma_start3A_903 = arith.constant 0 : i32
        %dma_start3A_904 = tpu.memref_slice %arg5[%dma_start3A_899, %dma_start3A_903] : memref<26x32xi32, #tpu.memory_space<vmem>> -> memref<1x32xi32, #tpu.memory_space<vmem>>
        %dma_start3A_905 = tpu.memref_squeeze %dma_start3A_904 : memref<1x32xi32, #tpu.memory_space<vmem>> -> memref<32xi32, #tpu.memory_space<vmem>>
        %dma_start3A_906 = arith.constant 0 : i32
        %dma_start3A_907 = arith.constant 0 : i32
        %dma_start3A_908 = tpu.memref_slice %arg2[%dma_start3A_906, %dma_start3A_907] : memref<2600000x64xf32, #tpu.memory_space<hbm>> -> memref<2600000x64xf32, #tpu.memory_space<hbm>>
        tpu.enqueue_indirect_dma source(%dma_start3A_908 : memref<2600000x64xf32, #tpu.memory_space<hbm>>) target(%dma_start3A_902 : memref<32x64xf32, #tpu.memory_space<vmem>>) offsets(%dma_start3A_905 : memref<32xi32, #tpu.memory_space<vmem>>) semaphore(%arg10 : memref<!tpu.dma_semaphore, #tpu.memory_space<semaphore_mem>>)
        %dma_start3A_909 = arith.constant 6 : i32
        %dma_start3A_910 = arith.constant 192 : i32
        %dma_start3A_911 = arith.constant 0 : i32
        %dma_start3A_912 = tpu.memref_slice %arg7[%dma_start3A_910, %dma_start3A_911] : memref<832x64xf32, #tpu.memory_space<vmem>> -> memref<32x64xf32, #tpu.memory_space<vmem>>
        %dma_start3A_913 = arith.constant 0 : i32
        %dma_start3A_914 = tpu.memref_slice %arg5[%dma_start3A_909, %dma_start3A_913] : memref<26x32xi32, #tpu.memory_space<vmem>> -> memref<1x32xi32, #tpu.memory_space<vmem>>
        %dma_start3A_915 = tpu.memref_squeeze %dma_start3A_914 : memref<1x32xi32, #tpu.memory_space<vmem>> -> memref<32xi32, #tpu.memory_space<vmem>>
        %dma_start3A_916 = arith.constant 0 : i32
        %dma_start3A_917 = arith.constant 0 : i32
        %dma_start3A_918 = tpu.memref_slice %arg2[%dma_start3A_916, %dma_start3A_917] : memref<2600000x64xf32, #tpu.memory_space<hbm>> -> memref<2600000x64xf32, #tpu.memory_space<hbm>>
        tpu.enqueue_indirect_dma source(%dma_start3A_918 : memref<2600000x64xf32, #tpu.memory_space<hbm>>) target(%dma_start3A_912 : memref<32x64xf32, #tpu.memory_space<vmem>>) offsets(%dma_start3A_915 : memref<32xi32, #tpu.memory_space<vmem>>) semaphore(%arg10 : memref<!tpu.dma_semaphore, #tpu.memory_space<semaphore_mem>>)
        %dma_start3A_919 = arith.constant 7 : i32
        %dma_start3A_920 = arith.constant 224 : i32
        %dma_start3A_921 = arith.constant 0 : i32
        %dma_start3A_922 = tpu.memref_slice %arg7[%dma_start3A_920, %dma_start3A_921] : memref<832x64xf32, #tpu.memory_space<vmem>> -> memref<32x64xf32, #tpu.memory_space<vmem>>
        %dma_start3A_923 = arith.constant 0 : i32
        %dma_start3A_924 = tpu.memref_slice %arg5[%dma_start3A_919, %dma_start3A_923] : memref<26x32xi32, #tpu.memory_space<vmem>> -> memref<1x32xi32, #tpu.memory_space<vmem>>
        %dma_start3A_925 = tpu.memref_squeeze %dma_start3A_924 : memref<1x32xi32, #tpu.memory_space<vmem>> -> memref<32xi32, #tpu.memory_space<vmem>>
        %dma_start3A_926 = arith.constant 0 : i32
        %dma_start3A_927 = arith.constant 0 : i32
        %dma_start3A_928 = tpu.memref_slice %arg2[%dma_start3A_926, %dma_start3A_927] : memref<2600000x64xf32, #tpu.memory_space<hbm>> -> memref<2600000x64xf32, #tpu.memory_space<hbm>>
        tpu.enqueue_indirect_dma source(%dma_start3A_928 : memref<2600000x64xf32, #tpu.memory_space<hbm>>) target(%dma_start3A_922 : memref<32x64xf32, #tpu.memory_space<vmem>>) offsets(%dma_start3A_925 : memref<32xi32, #tpu.memory_space<vmem>>) semaphore(%arg10 : memref<!tpu.dma_semaphore, #tpu.memory_space<semaphore_mem>>)
        %dma_start3A_929 = arith.constant 8 : i32
        %dma_start3A_930 = arith.constant 256 : i32
        %dma_start3A_931 = arith.constant 0 : i32
        %dma_start3A_932 = tpu.memref_slice %arg7[%dma_start3A_930, %dma_start3A_931] : memref<832x64xf32, #tpu.memory_space<vmem>> -> memref<32x64xf32, #tpu.memory_space<vmem>>
        %dma_start3A_933 = arith.constant 0 : i32
        %dma_start3A_934 = tpu.memref_slice %arg5[%dma_start3A_929, %dma_start3A_933] : memref<26x32xi32, #tpu.memory_space<vmem>> -> memref<1x32xi32, #tpu.memory_space<vmem>>
        %dma_start3A_935 = tpu.memref_squeeze %dma_start3A_934 : memref<1x32xi32, #tpu.memory_space<vmem>> -> memref<32xi32, #tpu.memory_space<vmem>>
        %dma_start3A_936 = arith.constant 0 : i32
        %dma_start3A_937 = arith.constant 0 : i32
        %dma_start3A_938 = tpu.memref_slice %arg2[%dma_start3A_936, %dma_start3A_937] : memref<2600000x64xf32, #tpu.memory_space<hbm>> -> memref<2600000x64xf32, #tpu.memory_space<hbm>>
        tpu.enqueue_indirect_dma source(%dma_start3A_938 : memref<2600000x64xf32, #tpu.memory_space<hbm>>) target(%dma_start3A_932 : memref<32x64xf32, #tpu.memory_space<vmem>>) offsets(%dma_start3A_935 : memref<32xi32, #tpu.memory_space<vmem>>) semaphore(%arg10 : memref<!tpu.dma_semaphore, #tpu.memory_space<semaphore_mem>>)
        %dma_start3A_939 = arith.constant 9 : i32
        %dma_start3A_940 = arith.constant 288 : i32
        %dma_start3A_941 = arith.constant 0 : i32
        %dma_start3A_942 = tpu.memref_slice %arg7[%dma_start3A_940, %dma_start3A_941] : memref<832x64xf32, #tpu.memory_space<vmem>> -> memref<32x64xf32, #tpu.memory_space<vmem>>
        %dma_start3A_943 = arith.constant 0 : i32
        %dma_start3A_944 = tpu.memref_slice %arg5[%dma_start3A_939, %dma_start3A_943] : memref<26x32xi32, #tpu.memory_space<vmem>> -> memref<1x32xi32, #tpu.memory_space<vmem>>
        %dma_start3A_945 = tpu.memref_squeeze %dma_start3A_944 : memref<1x32xi32, #tpu.memory_space<vmem>> -> memref<32xi32, #tpu.memory_space<vmem>>
        %dma_start3A_946 = arith.constant 0 : i32
        %dma_start3A_947 = arith.constant 0 : i32
        %dma_start3A_948 = tpu.memref_slice %arg2[%dma_start3A_946, %dma_start3A_947] : memref<2600000x64xf32, #tpu.memory_space<hbm>> -> memref<2600000x64xf32, #tpu.memory_space<hbm>>
        tpu.enqueue_indirect_dma source(%dma_start3A_948 : memref<2600000x64xf32, #tpu.memory_space<hbm>>) target(%dma_start3A_942 : memref<32x64xf32, #tpu.memory_space<vmem>>) offsets(%dma_start3A_945 : memref<32xi32, #tpu.memory_space<vmem>>) semaphore(%arg10 : memref<!tpu.dma_semaphore, #tpu.memory_space<semaphore_mem>>)
        %dma_start3A_949 = arith.constant 10 : i32
        %dma_start3A_950 = arith.constant 320 : i32
        %dma_start3A_951 = arith.constant 0 : i32
        %dma_start3A_952 = tpu.memref_slice %arg7[%dma_start3A_950, %dma_start3A_951] : memref<832x64xf32, #tpu.memory_space<vmem>> -> memref<32x64xf32, #tpu.memory_space<vmem>>
        %dma_start3A_953 = arith.constant 0 : i32
        %dma_start3A_954 = tpu.memref_slice %arg5[%dma_start3A_949, %dma_start3A_953] : memref<26x32xi32, #tpu.memory_space<vmem>> -> memref<1x32xi32, #tpu.memory_space<vmem>>
        %dma_start3A_955 = tpu.memref_squeeze %dma_start3A_954 : memref<1x32xi32, #tpu.memory_space<vmem>> -> memref<32xi32, #tpu.memory_space<vmem>>
        %dma_start3A_956 = arith.constant 0 : i32
        %dma_start3A_957 = arith.constant 0 : i32
        %dma_start3A_958 = tpu.memref_slice %arg2[%dma_start3A_956, %dma_start3A_957] : memref<2600000x64xf32, #tpu.memory_space<hbm>> -> memref<2600000x64xf32, #tpu.memory_space<hbm>>
        tpu.enqueue_indirect_dma source(%dma_start3A_958 : memref<2600000x64xf32, #tpu.memory_space<hbm>>) target(%dma_start3A_952 : memref<32x64xf32, #tpu.memory_space<vmem>>) offsets(%dma_start3A_955 : memref<32xi32, #tpu.memory_space<vmem>>) semaphore(%arg10 : memref<!tpu.dma_semaphore, #tpu.memory_space<semaphore_mem>>)
        %dma_start3A_959 = arith.constant 11 : i32
        %dma_start3A_960 = arith.constant 352 : i32
        %dma_start3A_961 = arith.constant 0 : i32
        %dma_start3A_962 = tpu.memref_slice %arg7[%dma_start3A_960, %dma_start3A_961] : memref<832x64xf32, #tpu.memory_space<vmem>> -> memref<32x64xf32, #tpu.memory_space<vmem>>
        %dma_start3A_963 = arith.constant 0 : i32
        %dma_start3A_964 = tpu.memref_slice %arg5[%dma_start3A_959, %dma_start3A_963] : memref<26x32xi32, #tpu.memory_space<vmem>> -> memref<1x32xi32, #tpu.memory_space<vmem>>
        %dma_start3A_965 = tpu.memref_squeeze %dma_start3A_964 : memref<1x32xi32, #tpu.memory_space<vmem>> -> memref<32xi32, #tpu.memory_space<vmem>>
        %dma_start3A_966 = arith.constant 0 : i32
        %dma_start3A_967 = arith.constant 0 : i32
        %dma_start3A_968 = tpu.memref_slice %arg2[%dma_start3A_966, %dma_start3A_967] : memref<2600000x64xf32, #tpu.memory_space<hbm>> -> memref<2600000x64xf32, #tpu.memory_space<hbm>>
        tpu.enqueue_indirect_dma source(%dma_start3A_968 : memref<2600000x64xf32, #tpu.memory_space<hbm>>) target(%dma_start3A_962 : memref<32x64xf32, #tpu.memory_space<vmem>>) offsets(%dma_start3A_965 : memref<32xi32, #tpu.memory_space<vmem>>) semaphore(%arg10 : memref<!tpu.dma_semaphore, #tpu.memory_space<semaphore_mem>>)
        %dma_start3A_969 = arith.constant 12 : i32
        %dma_start3A_970 = arith.constant 384 : i32
        %dma_start3A_971 = arith.constant 0 : i32
        %dma_start3A_972 = tpu.memref_slice %arg7[%dma_start3A_970, %dma_start3A_971] : memref<832x64xf32, #tpu.memory_space<vmem>> -> memref<32x64xf32, #tpu.memory_space<vmem>>
        %dma_start3A_973 = arith.constant 0 : i32
        %dma_start3A_974 = tpu.memref_slice %arg5[%dma_start3A_969, %dma_start3A_973] : memref<26x32xi32, #tpu.memory_space<vmem>> -> memref<1x32xi32, #tpu.memory_space<vmem>>
        %dma_start3A_975 = tpu.memref_squeeze %dma_start3A_974 : memref<1x32xi32, #tpu.memory_space<vmem>> -> memref<32xi32, #tpu.memory_space<vmem>>
        %dma_start3A_976 = arith.constant 0 : i32
        %dma_start3A_977 = arith.constant 0 : i32
        %dma_start3A_978 = tpu.memref_slice %arg2[%dma_start3A_976, %dma_start3A_977] : memref<2600000x64xf32, #tpu.memory_space<hbm>> -> memref<2600000x64xf32, #tpu.memory_space<hbm>>
        tpu.enqueue_indirect_dma source(%dma_start3A_978 : memref<2600000x64xf32, #tpu.memory_space<hbm>>) target(%dma_start3A_972 : memref<32x64xf32, #tpu.memory_space<vmem>>) offsets(%dma_start3A_975 : memref<32xi32, #tpu.memory_space<vmem>>) semaphore(%arg10 : memref<!tpu.dma_semaphore, #tpu.memory_space<semaphore_mem>>)
        %dma_start3A_979 = arith.constant 13 : i32
        %dma_start3A_980 = arith.constant 416 : i32
        %dma_start3A_981 = arith.constant 0 : i32
        %dma_start3A_982 = tpu.memref_slice %arg7[%dma_start3A_980, %dma_start3A_981] : memref<832x64xf32, #tpu.memory_space<vmem>> -> memref<32x64xf32, #tpu.memory_space<vmem>>
        %dma_start3A_983 = arith.constant 0 : i32
        %dma_start3A_984 = tpu.memref_slice %arg5[%dma_start3A_979, %dma_start3A_983] : memref<26x32xi32, #tpu.memory_space<vmem>> -> memref<1x32xi32, #tpu.memory_space<vmem>>
        %dma_start3A_985 = tpu.memref_squeeze %dma_start3A_984 : memref<1x32xi32, #tpu.memory_space<vmem>> -> memref<32xi32, #tpu.memory_space<vmem>>
        %dma_start3A_986 = arith.constant 0 : i32
        %dma_start3A_987 = arith.constant 0 : i32
        %dma_start3A_988 = tpu.memref_slice %arg2[%dma_start3A_986, %dma_start3A_987] : memref<2600000x64xf32, #tpu.memory_space<hbm>> -> memref<2600000x64xf32, #tpu.memory_space<hbm>>
        tpu.enqueue_indirect_dma source(%dma_start3A_988 : memref<2600000x64xf32, #tpu.memory_space<hbm>>) target(%dma_start3A_982 : memref<32x64xf32, #tpu.memory_space<vmem>>) offsets(%dma_start3A_985 : memref<32xi32, #tpu.memory_space<vmem>>) semaphore(%arg10 : memref<!tpu.dma_semaphore, #tpu.memory_space<semaphore_mem>>)
        %dma_start3A_989 = arith.constant 14 : i32
        %dma_start3A_990 = arith.constant 448 : i32
        %dma_start3A_991 = arith.constant 0 : i32
        %dma_start3A_992 = tpu.memref_slice %arg7[%dma_start3A_990, %dma_start3A_991] : memref<832x64xf32, #tpu.memory_space<vmem>> -> memref<32x64xf32, #tpu.memory_space<vmem>>
        %dma_start3A_993 = arith.constant 0 : i32
        %dma_start3A_994 = tpu.memref_slice %arg5[%dma_start3A_989, %dma_start3A_993] : memref<26x32xi32, #tpu.memory_space<vmem>> -> memref<1x32xi32, #tpu.memory_space<vmem>>
        %dma_start3A_995 = tpu.memref_squeeze %dma_start3A_994 : memref<1x32xi32, #tpu.memory_space<vmem>> -> memref<32xi32, #tpu.memory_space<vmem>>
        %dma_start3A_996 = arith.constant 0 : i32
        %dma_start3A_997 = arith.constant 0 : i32
        %dma_start3A_998 = tpu.memref_slice %arg2[%dma_start3A_996, %dma_start3A_997] : memref<2600000x64xf32, #tpu.memory_space<hbm>> -> memref<2600000x64xf32, #tpu.memory_space<hbm>>
        tpu.enqueue_indirect_dma source(%dma_start3A_998 : memref<2600000x64xf32, #tpu.memory_space<hbm>>) target(%dma_start3A_992 : memref<32x64xf32, #tpu.memory_space<vmem>>) offsets(%dma_start3A_995 : memref<32xi32, #tpu.memory_space<vmem>>) semaphore(%arg10 : memref<!tpu.dma_semaphore, #tpu.memory_space<semaphore_mem>>)
        %dma_start3A_999 = arith.constant 15 : i32
        %dma_start3A_1000 = arith.constant 480 : i32
        %dma_start3A_1001 = arith.constant 0 : i32
        %dma_start3A_1002 = tpu.memref_slice %arg7[%dma_start3A_1000, %dma_start3A_1001] : memref<832x64xf32, #tpu.memory_space<vmem>> -> memref<32x64xf32, #tpu.memory_space<vmem>>
        %dma_start3A_1003 = arith.constant 0 : i32
        %dma_start3A_1004 = tpu.memref_slice %arg5[%dma_start3A_999, %dma_start3A_1003] : memref<26x32xi32, #tpu.memory_space<vmem>> -> memref<1x32xi32, #tpu.memory_space<vmem>>
        %dma_start3A_1005 = tpu.memref_squeeze %dma_start3A_1004 : memref<1x32xi32, #tpu.memory_space<vmem>> -> memref<32xi32, #tpu.memory_space<vmem>>
        %dma_start3A_1006 = arith.constant 0 : i32
        %dma_start3A_1007 = arith.constant 0 : i32
        %dma_start3A_1008 = tpu.memref_slice %arg2[%dma_start3A_1006, %dma_start3A_1007] : memref<2600000x64xf32, #tpu.memory_space<hbm>> -> memref<2600000x64xf32, #tpu.memory_space<hbm>>
        tpu.enqueue_indirect_dma source(%dma_start3A_1008 : memref<2600000x64xf32, #tpu.memory_space<hbm>>) target(%dma_start3A_1002 : memref<32x64xf32, #tpu.memory_space<vmem>>) offsets(%dma_start3A_1005 : memref<32xi32, #tpu.memory_space<vmem>>) semaphore(%arg10 : memref<!tpu.dma_semaphore, #tpu.memory_space<semaphore_mem>>)
        %dma_start3A_1009 = arith.constant 16 : i32
        %dma_start3A_1010 = arith.constant 512 : i32
        %dma_start3A_1011 = arith.constant 0 : i32
        %dma_start3A_1012 = tpu.memref_slice %arg7[%dma_start3A_1010, %dma_start3A_1011] : memref<832x64xf32, #tpu.memory_space<vmem>> -> memref<32x64xf32, #tpu.memory_space<vmem>>
        %dma_start3A_1013 = arith.constant 0 : i32
        %dma_start3A_1014 = tpu.memref_slice %arg5[%dma_start3A_1009, %dma_start3A_1013] : memref<26x32xi32, #tpu.memory_space<vmem>> -> memref<1x32xi32, #tpu.memory_space<vmem>>
        %dma_start3A_1015 = tpu.memref_squeeze %dma_start3A_1014 : memref<1x32xi32, #tpu.memory_space<vmem>> -> memref<32xi32, #tpu.memory_space<vmem>>
        %dma_start3A_1016 = arith.constant 0 : i32
        %dma_start3A_1017 = arith.constant 0 : i32
        %dma_start3A_1018 = tpu.memref_slice %arg2[%dma_start3A_1016, %dma_start3A_1017] : memref<2600000x64xf32, #tpu.memory_space<hbm>> -> memref<2600000x64xf32, #tpu.memory_space<hbm>>
        tpu.enqueue_indirect_dma source(%dma_start3A_1018 : memref<2600000x64xf32, #tpu.memory_space<hbm>>) target(%dma_start3A_1012 : memref<32x64xf32, #tpu.memory_space<vmem>>) offsets(%dma_start3A_1015 : memref<32xi32, #tpu.memory_space<vmem>>) semaphore(%arg10 : memref<!tpu.dma_semaphore, #tpu.memory_space<semaphore_mem>>)
        %dma_start3A_1019 = arith.constant 17 : i32
        %dma_start3A_1020 = arith.constant 544 : i32
        %dma_start3A_1021 = arith.constant 0 : i32
        %dma_start3A_1022 = tpu.memref_slice %arg7[%dma_start3A_1020, %dma_start3A_1021] : memref<832x64xf32, #tpu.memory_space<vmem>> -> memref<32x64xf32, #tpu.memory_space<vmem>>
        %dma_start3A_1023 = arith.constant 0 : i32
        %dma_start3A_1024 = tpu.memref_slice %arg5[%dma_start3A_1019, %dma_start3A_1023] : memref<26x32xi32, #tpu.memory_space<vmem>> -> memref<1x32xi32, #tpu.memory_space<vmem>>
        %dma_start3A_1025 = tpu.memref_squeeze %dma_start3A_1024 : memref<1x32xi32, #tpu.memory_space<vmem>> -> memref<32xi32, #tpu.memory_space<vmem>>
        %dma_start3A_1026 = arith.constant 0 : i32
        %dma_start3A_1027 = arith.constant 0 : i32
        %dma_start3A_1028 = tpu.memref_slice %arg2[%dma_start3A_1026, %dma_start3A_1027] : memref<2600000x64xf32, #tpu.memory_space<hbm>> -> memref<2600000x64xf32, #tpu.memory_space<hbm>>
        tpu.enqueue_indirect_dma source(%dma_start3A_1028 : memref<2600000x64xf32, #tpu.memory_space<hbm>>) target(%dma_start3A_1022 : memref<32x64xf32, #tpu.memory_space<vmem>>) offsets(%dma_start3A_1025 : memref<32xi32, #tpu.memory_space<vmem>>) semaphore(%arg10 : memref<!tpu.dma_semaphore, #tpu.memory_space<semaphore_mem>>)
        %dma_start3A_1029 = arith.constant 18 : i32
        %dma_start3A_1030 = arith.constant 576 : i32
        %dma_start3A_1031 = arith.constant 0 : i32
        %dma_start3A_1032 = tpu.memref_slice %arg7[%dma_start3A_1030, %dma_start3A_1031] : memref<832x64xf32, #tpu.memory_space<vmem>> -> memref<32x64xf32, #tpu.memory_space<vmem>>
        %dma_start3A_1033 = arith.constant 0 : i32
        %dma_start3A_1034 = tpu.memref_slice %arg5[%dma_start3A_1029, %dma_start3A_1033] : memref<26x32xi32, #tpu.memory_space<vmem>> -> memref<1x32xi32, #tpu.memory_space<vmem>>
        %dma_start3A_1035 = tpu.memref_squeeze %dma_start3A_1034 : memref<1x32xi32, #tpu.memory_space<vmem>> -> memref<32xi32, #tpu.memory_space<vmem>>
        %dma_start3A_1036 = arith.constant 0 : i32
        %dma_start3A_1037 = arith.constant 0 : i32
        %dma_start3A_1038 = tpu.memref_slice %arg2[%dma_start3A_1036, %dma_start3A_1037] : memref<2600000x64xf32, #tpu.memory_space<hbm>> -> memref<2600000x64xf32, #tpu.memory_space<hbm>>
        tpu.enqueue_indirect_dma source(%dma_start3A_1038 : memref<2600000x64xf32, #tpu.memory_space<hbm>>) target(%dma_start3A_1032 : memref<32x64xf32, #tpu.memory_space<vmem>>) offsets(%dma_start3A_1035 : memref<32xi32, #tpu.memory_space<vmem>>) semaphore(%arg10 : memref<!tpu.dma_semaphore, #tpu.memory_space<semaphore_mem>>)
        %dma_start3A_1039 = arith.constant 19 : i32
        %dma_start3A_1040 = arith.constant 608 : i32
        %dma_start3A_1041 = arith.constant 0 : i32
        %dma_start3A_1042 = tpu.memref_slice %arg7[%dma_start3A_1040, %dma_start3A_1041] : memref<832x64xf32, #tpu.memory_space<vmem>> -> memref<32x64xf32, #tpu.memory_space<vmem>>
        %dma_start3A_1043 = arith.constant 0 : i32
        %dma_start3A_1044 = tpu.memref_slice %arg5[%dma_start3A_1039, %dma_start3A_1043] : memref<26x32xi32, #tpu.memory_space<vmem>> -> memref<1x32xi32, #tpu.memory_space<vmem>>
        %dma_start3A_1045 = tpu.memref_squeeze %dma_start3A_1044 : memref<1x32xi32, #tpu.memory_space<vmem>> -> memref<32xi32, #tpu.memory_space<vmem>>
        %dma_start3A_1046 = arith.constant 0 : i32
        %dma_start3A_1047 = arith.constant 0 : i32
        %dma_start3A_1048 = tpu.memref_slice %arg2[%dma_start3A_1046, %dma_start3A_1047] : memref<2600000x64xf32, #tpu.memory_space<hbm>> -> memref<2600000x64xf32, #tpu.memory_space<hbm>>
        tpu.enqueue_indirect_dma source(%dma_start3A_1048 : memref<2600000x64xf32, #tpu.memory_space<hbm>>) target(%dma_start3A_1042 : memref<32x64xf32, #tpu.memory_space<vmem>>) offsets(%dma_start3A_1045 : memref<32xi32, #tpu.memory_space<vmem>>) semaphore(%arg10 : memref<!tpu.dma_semaphore, #tpu.memory_space<semaphore_mem>>)
        %dma_start3A_1049 = arith.constant 20 : i32
        %dma_start3A_1050 = arith.constant 640 : i32
        %dma_start3A_1051 = arith.constant 0 : i32
        %dma_start3A_1052 = tpu.memref_slice %arg7[%dma_start3A_1050, %dma_start3A_1051] : memref<832x64xf32, #tpu.memory_space<vmem>> -> memref<32x64xf32, #tpu.memory_space<vmem>>
        %dma_start3A_1053 = arith.constant 0 : i32
        %dma_start3A_1054 = tpu.memref_slice %arg5[%dma_start3A_1049, %dma_start3A_1053] : memref<26x32xi32, #tpu.memory_space<vmem>> -> memref<1x32xi32, #tpu.memory_space<vmem>>
        %dma_start3A_1055 = tpu.memref_squeeze %dma_start3A_1054 : memref<1x32xi32, #tpu.memory_space<vmem>> -> memref<32xi32, #tpu.memory_space<vmem>>
        %dma_start3A_1056 = arith.constant 0 : i32
        %dma_start3A_1057 = arith.constant 0 : i32
        %dma_start3A_1058 = tpu.memref_slice %arg2[%dma_start3A_1056, %dma_start3A_1057] : memref<2600000x64xf32, #tpu.memory_space<hbm>> -> memref<2600000x64xf32, #tpu.memory_space<hbm>>
        tpu.enqueue_indirect_dma source(%dma_start3A_1058 : memref<2600000x64xf32, #tpu.memory_space<hbm>>) target(%dma_start3A_1052 : memref<32x64xf32, #tpu.memory_space<vmem>>) offsets(%dma_start3A_1055 : memref<32xi32, #tpu.memory_space<vmem>>) semaphore(%arg10 : memref<!tpu.dma_semaphore, #tpu.memory_space<semaphore_mem>>)
        %dma_start3A_1059 = arith.constant 21 : i32
        %dma_start3A_1060 = arith.constant 672 : i32
        %dma_start3A_1061 = arith.constant 0 : i32
        %dma_start3A_1062 = tpu.memref_slice %arg7[%dma_start3A_1060, %dma_start3A_1061] : memref<832x64xf32, #tpu.memory_space<vmem>> -> memref<32x64xf32, #tpu.memory_space<vmem>>
        %dma_start3A_1063 = arith.constant 0 : i32
        %dma_start3A_1064 = tpu.memref_slice %arg5[%dma_start3A_1059, %dma_start3A_1063] : memref<26x32xi32, #tpu.memory_space<vmem>> -> memref<1x32xi32, #tpu.memory_space<vmem>>
        %dma_start3A_1065 = tpu.memref_squeeze %dma_start3A_1064 : memref<1x32xi32, #tpu.memory_space<vmem>> -> memref<32xi32, #tpu.memory_space<vmem>>
        %dma_start3A_1066 = arith.constant 0 : i32
        %dma_start3A_1067 = arith.constant 0 : i32
        %dma_start3A_1068 = tpu.memref_slice %arg2[%dma_start3A_1066, %dma_start3A_1067] : memref<2600000x64xf32, #tpu.memory_space<hbm>> -> memref<2600000x64xf32, #tpu.memory_space<hbm>>
        tpu.enqueue_indirect_dma source(%dma_start3A_1068 : memref<2600000x64xf32, #tpu.memory_space<hbm>>) target(%dma_start3A_1062 : memref<32x64xf32, #tpu.memory_space<vmem>>) offsets(%dma_start3A_1065 : memref<32xi32, #tpu.memory_space<vmem>>) semaphore(%arg10 : memref<!tpu.dma_semaphore, #tpu.memory_space<semaphore_mem>>)
        %dma_start3A_1069 = arith.constant 22 : i32
        %dma_start3A_1070 = arith.constant 704 : i32
        %dma_start3A_1071 = arith.constant 0 : i32
        %dma_start3A_1072 = tpu.memref_slice %arg7[%dma_start3A_1070, %dma_start3A_1071] : memref<832x64xf32, #tpu.memory_space<vmem>> -> memref<32x64xf32, #tpu.memory_space<vmem>>
        %dma_start3A_1073 = arith.constant 0 : i32
        %dma_start3A_1074 = tpu.memref_slice %arg5[%dma_start3A_1069, %dma_start3A_1073] : memref<26x32xi32, #tpu.memory_space<vmem>> -> memref<1x32xi32, #tpu.memory_space<vmem>>
        %dma_start3A_1075 = tpu.memref_squeeze %dma_start3A_1074 : memref<1x32xi32, #tpu.memory_space<vmem>> -> memref<32xi32, #tpu.memory_space<vmem>>
        %dma_start3A_1076 = arith.constant 0 : i32
        %dma_start3A_1077 = arith.constant 0 : i32
        %dma_start3A_1078 = tpu.memref_slice %arg2[%dma_start3A_1076, %dma_start3A_1077] : memref<2600000x64xf32, #tpu.memory_space<hbm>> -> memref<2600000x64xf32, #tpu.memory_space<hbm>>
        tpu.enqueue_indirect_dma source(%dma_start3A_1078 : memref<2600000x64xf32, #tpu.memory_space<hbm>>) target(%dma_start3A_1072 : memref<32x64xf32, #tpu.memory_space<vmem>>) offsets(%dma_start3A_1075 : memref<32xi32, #tpu.memory_space<vmem>>) semaphore(%arg10 : memref<!tpu.dma_semaphore, #tpu.memory_space<semaphore_mem>>)
        %dma_start3A_1079 = arith.constant 23 : i32
        %dma_start3A_1080 = arith.constant 736 : i32
        %dma_start3A_1081 = arith.constant 0 : i32
        %dma_start3A_1082 = tpu.memref_slice %arg7[%dma_start3A_1080, %dma_start3A_1081] : memref<832x64xf32, #tpu.memory_space<vmem>> -> memref<32x64xf32, #tpu.memory_space<vmem>>
        %dma_start3A_1083 = arith.constant 0 : i32
        %dma_start3A_1084 = tpu.memref_slice %arg5[%dma_start3A_1079, %dma_start3A_1083] : memref<26x32xi32, #tpu.memory_space<vmem>> -> memref<1x32xi32, #tpu.memory_space<vmem>>
        %dma_start3A_1085 = tpu.memref_squeeze %dma_start3A_1084 : memref<1x32xi32, #tpu.memory_space<vmem>> -> memref<32xi32, #tpu.memory_space<vmem>>
        %dma_start3A_1086 = arith.constant 0 : i32
        %dma_start3A_1087 = arith.constant 0 : i32
        %dma_start3A_1088 = tpu.memref_slice %arg2[%dma_start3A_1086, %dma_start3A_1087] : memref<2600000x64xf32, #tpu.memory_space<hbm>> -> memref<2600000x64xf32, #tpu.memory_space<hbm>>
        tpu.enqueue_indirect_dma source(%dma_start3A_1088 : memref<2600000x64xf32, #tpu.memory_space<hbm>>) target(%dma_start3A_1082 : memref<32x64xf32, #tpu.memory_space<vmem>>) offsets(%dma_start3A_1085 : memref<32xi32, #tpu.memory_space<vmem>>) semaphore(%arg10 : memref<!tpu.dma_semaphore, #tpu.memory_space<semaphore_mem>>)
        %dma_start3A_1089 = arith.constant 24 : i32
        %dma_start3A_1090 = arith.constant 768 : i32
        %dma_start3A_1091 = arith.constant 0 : i32
        %dma_start3A_1092 = tpu.memref_slice %arg7[%dma_start3A_1090, %dma_start3A_1091] : memref<832x64xf32, #tpu.memory_space<vmem>> -> memref<32x64xf32, #tpu.memory_space<vmem>>
        %dma_start3A_1093 = arith.constant 0 : i32
        %dma_start3A_1094 = tpu.memref_slice %arg5[%dma_start3A_1089, %dma_start3A_1093] : memref<26x32xi32, #tpu.memory_space<vmem>> -> memref<1x32xi32, #tpu.memory_space<vmem>>
        %dma_start3A_1095 = tpu.memref_squeeze %dma_start3A_1094 : memref<1x32xi32, #tpu.memory_space<vmem>> -> memref<32xi32, #tpu.memory_space<vmem>>
        %dma_start3A_1096 = arith.constant 0 : i32
        %dma_start3A_1097 = arith.constant 0 : i32
        %dma_start3A_1098 = tpu.memref_slice %arg2[%dma_start3A_1096, %dma_start3A_1097] : memref<2600000x64xf32, #tpu.memory_space<hbm>> -> memref<2600000x64xf32, #tpu.memory_space<hbm>>
        tpu.enqueue_indirect_dma source(%dma_start3A_1098 : memref<2600000x64xf32, #tpu.memory_space<hbm>>) target(%dma_start3A_1092 : memref<32x64xf32, #tpu.memory_space<vmem>>) offsets(%dma_start3A_1095 : memref<32xi32, #tpu.memory_space<vmem>>) semaphore(%arg10 : memref<!tpu.dma_semaphore, #tpu.memory_space<semaphore_mem>>)
        %dma_start3A_1099 = arith.constant 25 : i32
        %dma_start3A_1100 = arith.constant 800 : i32
        %dma_start3A_1101 = arith.constant 0 : i32
        %dma_start3A_1102 = tpu.memref_slice %arg7[%dma_start3A_1100, %dma_start3A_1101] : memref<832x64xf32, #tpu.memory_space<vmem>> -> memref<32x64xf32, #tpu.memory_space<vmem>>
        %dma_start3A_1103 = arith.constant 0 : i32
        %dma_start3A_1104 = tpu.memref_slice %arg5[%dma_start3A_1099, %dma_start3A_1103] : memref<26x32xi32, #tpu.memory_space<vmem>> -> memref<1x32xi32, #tpu.memory_space<vmem>>
        %dma_start3A_1105 = tpu.memref_squeeze %dma_start3A_1104 : memref<1x32xi32, #tpu.memory_space<vmem>> -> memref<32xi32, #tpu.memory_space<vmem>>
        %dma_start3A_1106 = arith.constant 0 : i32
        %dma_start3A_1107 = arith.constant 0 : i32
        %dma_start3A_1108 = tpu.memref_slice %arg2[%dma_start3A_1106, %dma_start3A_1107] : memref<2600000x64xf32, #tpu.memory_space<hbm>> -> memref<2600000x64xf32, #tpu.memory_space<hbm>>
        tpu.enqueue_indirect_dma source(%dma_start3A_1108 : memref<2600000x64xf32, #tpu.memory_space<hbm>>) target(%dma_start3A_1102 : memref<32x64xf32, #tpu.memory_space<vmem>>) offsets(%dma_start3A_1105 : memref<32xi32, #tpu.memory_space<vmem>>) semaphore(%arg10 : memref<!tpu.dma_semaphore, #tpu.memory_space<semaphore_mem>>)
      } else {
      }
      %dma_wait3A_575 = arith.constant 0 : i32
      %dma_wait3A_576 = arith.constant 0 : i32
      %dma_wait3A_577 = arith.constant 0 : i32
      %dma_wait3A_578 = tpu.memref_slice %arg8[%dma_wait3A_576, %dma_wait3A_577] : memref<832x64xf32, #tpu.memory_space<vmem>> -> memref<32x64xf32, #tpu.memory_space<vmem>>
      %dma_wait3A_579 = arith.constant 0 : i32
      %dma_wait3A_580 = tpu.memref_slice %arg6[%dma_wait3A_575, %dma_wait3A_579] : memref<26x32xi32, #tpu.memory_space<vmem>> -> memref<1x32xi32, #tpu.memory_space<vmem>>
      %dma_wait3A_581 = tpu.memref_squeeze %dma_wait3A_580 : memref<1x32xi32, #tpu.memory_space<vmem>> -> memref<32xi32, #tpu.memory_space<vmem>>
      %dma_wait3A_582 = arith.constant 0 : i32
      %dma_wait3A_583 = arith.constant 0 : i32
      %dma_wait3A_584 = tpu.memref_slice %arg2[%dma_wait3A_582, %dma_wait3A_583] : memref<2600000x64xf32, #tpu.memory_space<hbm>> -> memref<2600000x64xf32, #tpu.memory_space<hbm>>
      tpu.wait_indirect_dma semaphore(%arg11 : memref<!tpu.dma_semaphore, #tpu.memory_space<semaphore_mem>>) src(%dma_wait3A_584 : memref<2600000x64xf32, #tpu.memory_space<hbm>>) dst(%dma_wait3A_578 : memref<32x64xf32, #tpu.memory_space<vmem>>)
      %dma_wait3A_585 = arith.constant 1 : i32
      %dma_wait3A_586 = arith.constant 32 : i32
      %dma_wait3A_587 = arith.constant 0 : i32
      %dma_wait3A_588 = tpu.memref_slice %arg8[%dma_wait3A_586, %dma_wait3A_587] : memref<832x64xf32, #tpu.memory_space<vmem>> -> memref<32x64xf32, #tpu.memory_space<vmem>>
      %dma_wait3A_589 = arith.constant 0 : i32
      %dma_wait3A_590 = tpu.memref_slice %arg6[%dma_wait3A_585, %dma_wait3A_589] : memref<26x32xi32, #tpu.memory_space<vmem>> -> memref<1x32xi32, #tpu.memory_space<vmem>>
      %dma_wait3A_591 = tpu.memref_squeeze %dma_wait3A_590 : memref<1x32xi32, #tpu.memory_space<vmem>> -> memref<32xi32, #tpu.memory_space<vmem>>
      %dma_wait3A_592 = arith.constant 0 : i32
      %dma_wait3A_593 = arith.constant 0 : i32
      %dma_wait3A_594 = tpu.memref_slice %arg2[%dma_wait3A_592, %dma_wait3A_593] : memref<2600000x64xf32, #tpu.memory_space<hbm>> -> memref<2600000x64xf32, #tpu.memory_space<hbm>>
      tpu.wait_indirect_dma semaphore(%arg11 : memref<!tpu.dma_semaphore, #tpu.memory_space<semaphore_mem>>) src(%dma_wait3A_594 : memref<2600000x64xf32, #tpu.memory_space<hbm>>) dst(%dma_wait3A_588 : memref<32x64xf32, #tpu.memory_space<vmem>>)
      %dma_wait3A_595 = arith.constant 2 : i32
      %dma_wait3A_596 = arith.constant 64 : i32
      %dma_wait3A_597 = arith.constant 0 : i32
      %dma_wait3A_598 = tpu.memref_slice %arg8[%dma_wait3A_596, %dma_wait3A_597] : memref<832x64xf32, #tpu.memory_space<vmem>> -> memref<32x64xf32, #tpu.memory_space<vmem>>
      %dma_wait3A_599 = arith.constant 0 : i32
      %dma_wait3A_600 = tpu.memref_slice %arg6[%dma_wait3A_595, %dma_wait3A_599] : memref<26x32xi32, #tpu.memory_space<vmem>> -> memref<1x32xi32, #tpu.memory_space<vmem>>
      %dma_wait3A_601 = tpu.memref_squeeze %dma_wait3A_600 : memref<1x32xi32, #tpu.memory_space<vmem>> -> memref<32xi32, #tpu.memory_space<vmem>>
      %dma_wait3A_602 = arith.constant 0 : i32
      %dma_wait3A_603 = arith.constant 0 : i32
      %dma_wait3A_604 = tpu.memref_slice %arg2[%dma_wait3A_602, %dma_wait3A_603] : memref<2600000x64xf32, #tpu.memory_space<hbm>> -> memref<2600000x64xf32, #tpu.memory_space<hbm>>
      tpu.wait_indirect_dma semaphore(%arg11 : memref<!tpu.dma_semaphore, #tpu.memory_space<semaphore_mem>>) src(%dma_wait3A_604 : memref<2600000x64xf32, #tpu.memory_space<hbm>>) dst(%dma_wait3A_598 : memref<32x64xf32, #tpu.memory_space<vmem>>)
      %dma_wait3A_605 = arith.constant 3 : i32
      %dma_wait3A_606 = arith.constant 96 : i32
      %dma_wait3A_607 = arith.constant 0 : i32
      %dma_wait3A_608 = tpu.memref_slice %arg8[%dma_wait3A_606, %dma_wait3A_607] : memref<832x64xf32, #tpu.memory_space<vmem>> -> memref<32x64xf32, #tpu.memory_space<vmem>>
      %dma_wait3A_609 = arith.constant 0 : i32
      %dma_wait3A_610 = tpu.memref_slice %arg6[%dma_wait3A_605, %dma_wait3A_609] : memref<26x32xi32, #tpu.memory_space<vmem>> -> memref<1x32xi32, #tpu.memory_space<vmem>>
      %dma_wait3A_611 = tpu.memref_squeeze %dma_wait3A_610 : memref<1x32xi32, #tpu.memory_space<vmem>> -> memref<32xi32, #tpu.memory_space<vmem>>
      %dma_wait3A_612 = arith.constant 0 : i32
      %dma_wait3A_613 = arith.constant 0 : i32
      %dma_wait3A_614 = tpu.memref_slice %arg2[%dma_wait3A_612, %dma_wait3A_613] : memref<2600000x64xf32, #tpu.memory_space<hbm>> -> memref<2600000x64xf32, #tpu.memory_space<hbm>>
      tpu.wait_indirect_dma semaphore(%arg11 : memref<!tpu.dma_semaphore, #tpu.memory_space<semaphore_mem>>) src(%dma_wait3A_614 : memref<2600000x64xf32, #tpu.memory_space<hbm>>) dst(%dma_wait3A_608 : memref<32x64xf32, #tpu.memory_space<vmem>>)
      %dma_wait3A_615 = arith.constant 4 : i32
      %dma_wait3A_616 = arith.constant 128 : i32
      %dma_wait3A_617 = arith.constant 0 : i32
      %dma_wait3A_618 = tpu.memref_slice %arg8[%dma_wait3A_616, %dma_wait3A_617] : memref<832x64xf32, #tpu.memory_space<vmem>> -> memref<32x64xf32, #tpu.memory_space<vmem>>
      %dma_wait3A_619 = arith.constant 0 : i32
      %dma_wait3A_620 = tpu.memref_slice %arg6[%dma_wait3A_615, %dma_wait3A_619] : memref<26x32xi32, #tpu.memory_space<vmem>> -> memref<1x32xi32, #tpu.memory_space<vmem>>
      %dma_wait3A_621 = tpu.memref_squeeze %dma_wait3A_620 : memref<1x32xi32, #tpu.memory_space<vmem>> -> memref<32xi32, #tpu.memory_space<vmem>>
      %dma_wait3A_622 = arith.constant 0 : i32
      %dma_wait3A_623 = arith.constant 0 : i32
      %dma_wait3A_624 = tpu.memref_slice %arg2[%dma_wait3A_622, %dma_wait3A_623] : memref<2600000x64xf32, #tpu.memory_space<hbm>> -> memref<2600000x64xf32, #tpu.memory_space<hbm>>
      tpu.wait_indirect_dma semaphore(%arg11 : memref<!tpu.dma_semaphore, #tpu.memory_space<semaphore_mem>>) src(%dma_wait3A_624 : memref<2600000x64xf32, #tpu.memory_space<hbm>>) dst(%dma_wait3A_618 : memref<32x64xf32, #tpu.memory_space<vmem>>)
      %dma_wait3A_625 = arith.constant 5 : i32
      %dma_wait3A_626 = arith.constant 160 : i32
      %dma_wait3A_627 = arith.constant 0 : i32
      %dma_wait3A_628 = tpu.memref_slice %arg8[%dma_wait3A_626, %dma_wait3A_627] : memref<832x64xf32, #tpu.memory_space<vmem>> -> memref<32x64xf32, #tpu.memory_space<vmem>>
      %dma_wait3A_629 = arith.constant 0 : i32
      %dma_wait3A_630 = tpu.memref_slice %arg6[%dma_wait3A_625, %dma_wait3A_629] : memref<26x32xi32, #tpu.memory_space<vmem>> -> memref<1x32xi32, #tpu.memory_space<vmem>>
      %dma_wait3A_631 = tpu.memref_squeeze %dma_wait3A_630 : memref<1x32xi32, #tpu.memory_space<vmem>> -> memref<32xi32, #tpu.memory_space<vmem>>
      %dma_wait3A_632 = arith.constant 0 : i32
      %dma_wait3A_633 = arith.constant 0 : i32
      %dma_wait3A_634 = tpu.memref_slice %arg2[%dma_wait3A_632, %dma_wait3A_633] : memref<2600000x64xf32, #tpu.memory_space<hbm>> -> memref<2600000x64xf32, #tpu.memory_space<hbm>>
      tpu.wait_indirect_dma semaphore(%arg11 : memref<!tpu.dma_semaphore, #tpu.memory_space<semaphore_mem>>) src(%dma_wait3A_634 : memref<2600000x64xf32, #tpu.memory_space<hbm>>) dst(%dma_wait3A_628 : memref<32x64xf32, #tpu.memory_space<vmem>>)
      %dma_wait3A_635 = arith.constant 6 : i32
      %dma_wait3A_636 = arith.constant 192 : i32
      %dma_wait3A_637 = arith.constant 0 : i32
      %dma_wait3A_638 = tpu.memref_slice %arg8[%dma_wait3A_636, %dma_wait3A_637] : memref<832x64xf32, #tpu.memory_space<vmem>> -> memref<32x64xf32, #tpu.memory_space<vmem>>
      %dma_wait3A_639 = arith.constant 0 : i32
      %dma_wait3A_640 = tpu.memref_slice %arg6[%dma_wait3A_635, %dma_wait3A_639] : memref<26x32xi32, #tpu.memory_space<vmem>> -> memref<1x32xi32, #tpu.memory_space<vmem>>
      %dma_wait3A_641 = tpu.memref_squeeze %dma_wait3A_640 : memref<1x32xi32, #tpu.memory_space<vmem>> -> memref<32xi32, #tpu.memory_space<vmem>>
      %dma_wait3A_642 = arith.constant 0 : i32
      %dma_wait3A_643 = arith.constant 0 : i32
      %dma_wait3A_644 = tpu.memref_slice %arg2[%dma_wait3A_642, %dma_wait3A_643] : memref<2600000x64xf32, #tpu.memory_space<hbm>> -> memref<2600000x64xf32, #tpu.memory_space<hbm>>
      tpu.wait_indirect_dma semaphore(%arg11 : memref<!tpu.dma_semaphore, #tpu.memory_space<semaphore_mem>>) src(%dma_wait3A_644 : memref<2600000x64xf32, #tpu.memory_space<hbm>>) dst(%dma_wait3A_638 : memref<32x64xf32, #tpu.memory_space<vmem>>)
      %dma_wait3A_645 = arith.constant 7 : i32
      %dma_wait3A_646 = arith.constant 224 : i32
      %dma_wait3A_647 = arith.constant 0 : i32
      %dma_wait3A_648 = tpu.memref_slice %arg8[%dma_wait3A_646, %dma_wait3A_647] : memref<832x64xf32, #tpu.memory_space<vmem>> -> memref<32x64xf32, #tpu.memory_space<vmem>>
      %dma_wait3A_649 = arith.constant 0 : i32
      %dma_wait3A_650 = tpu.memref_slice %arg6[%dma_wait3A_645, %dma_wait3A_649] : memref<26x32xi32, #tpu.memory_space<vmem>> -> memref<1x32xi32, #tpu.memory_space<vmem>>
      %dma_wait3A_651 = tpu.memref_squeeze %dma_wait3A_650 : memref<1x32xi32, #tpu.memory_space<vmem>> -> memref<32xi32, #tpu.memory_space<vmem>>
      %dma_wait3A_652 = arith.constant 0 : i32
      %dma_wait3A_653 = arith.constant 0 : i32
      %dma_wait3A_654 = tpu.memref_slice %arg2[%dma_wait3A_652, %dma_wait3A_653] : memref<2600000x64xf32, #tpu.memory_space<hbm>> -> memref<2600000x64xf32, #tpu.memory_space<hbm>>
      tpu.wait_indirect_dma semaphore(%arg11 : memref<!tpu.dma_semaphore, #tpu.memory_space<semaphore_mem>>) src(%dma_wait3A_654 : memref<2600000x64xf32, #tpu.memory_space<hbm>>) dst(%dma_wait3A_648 : memref<32x64xf32, #tpu.memory_space<vmem>>)
      %dma_wait3A_655 = arith.constant 8 : i32
      %dma_wait3A_656 = arith.constant 256 : i32
      %dma_wait3A_657 = arith.constant 0 : i32
      %dma_wait3A_658 = tpu.memref_slice %arg8[%dma_wait3A_656, %dma_wait3A_657] : memref<832x64xf32, #tpu.memory_space<vmem>> -> memref<32x64xf32, #tpu.memory_space<vmem>>
      %dma_wait3A_659 = arith.constant 0 : i32
      %dma_wait3A_660 = tpu.memref_slice %arg6[%dma_wait3A_655, %dma_wait3A_659] : memref<26x32xi32, #tpu.memory_space<vmem>> -> memref<1x32xi32, #tpu.memory_space<vmem>>
      %dma_wait3A_661 = tpu.memref_squeeze %dma_wait3A_660 : memref<1x32xi32, #tpu.memory_space<vmem>> -> memref<32xi32, #tpu.memory_space<vmem>>
      %dma_wait3A_662 = arith.constant 0 : i32
      %dma_wait3A_663 = arith.constant 0 : i32
      %dma_wait3A_664 = tpu.memref_slice %arg2[%dma_wait3A_662, %dma_wait3A_663] : memref<2600000x64xf32, #tpu.memory_space<hbm>> -> memref<2600000x64xf32, #tpu.memory_space<hbm>>
      tpu.wait_indirect_dma semaphore(%arg11 : memref<!tpu.dma_semaphore, #tpu.memory_space<semaphore_mem>>) src(%dma_wait3A_664 : memref<2600000x64xf32, #tpu.memory_space<hbm>>) dst(%dma_wait3A_658 : memref<32x64xf32, #tpu.memory_space<vmem>>)
      %dma_wait3A_665 = arith.constant 9 : i32
      %dma_wait3A_666 = arith.constant 288 : i32
      %dma_wait3A_667 = arith.constant 0 : i32
      %dma_wait3A_668 = tpu.memref_slice %arg8[%dma_wait3A_666, %dma_wait3A_667] : memref<832x64xf32, #tpu.memory_space<vmem>> -> memref<32x64xf32, #tpu.memory_space<vmem>>
      %dma_wait3A_669 = arith.constant 0 : i32
      %dma_wait3A_670 = tpu.memref_slice %arg6[%dma_wait3A_665, %dma_wait3A_669] : memref<26x32xi32, #tpu.memory_space<vmem>> -> memref<1x32xi32, #tpu.memory_space<vmem>>
      %dma_wait3A_671 = tpu.memref_squeeze %dma_wait3A_670 : memref<1x32xi32, #tpu.memory_space<vmem>> -> memref<32xi32, #tpu.memory_space<vmem>>
      %dma_wait3A_672 = arith.constant 0 : i32
      %dma_wait3A_673 = arith.constant 0 : i32
      %dma_wait3A_674 = tpu.memref_slice %arg2[%dma_wait3A_672, %dma_wait3A_673] : memref<2600000x64xf32, #tpu.memory_space<hbm>> -> memref<2600000x64xf32, #tpu.memory_space<hbm>>
      tpu.wait_indirect_dma semaphore(%arg11 : memref<!tpu.dma_semaphore, #tpu.memory_space<semaphore_mem>>) src(%dma_wait3A_674 : memref<2600000x64xf32, #tpu.memory_space<hbm>>) dst(%dma_wait3A_668 : memref<32x64xf32, #tpu.memory_space<vmem>>)
      %dma_wait3A_675 = arith.constant 10 : i32
      %dma_wait3A_676 = arith.constant 320 : i32
      %dma_wait3A_677 = arith.constant 0 : i32
      %dma_wait3A_678 = tpu.memref_slice %arg8[%dma_wait3A_676, %dma_wait3A_677] : memref<832x64xf32, #tpu.memory_space<vmem>> -> memref<32x64xf32, #tpu.memory_space<vmem>>
      %dma_wait3A_679 = arith.constant 0 : i32
      %dma_wait3A_680 = tpu.memref_slice %arg6[%dma_wait3A_675, %dma_wait3A_679] : memref<26x32xi32, #tpu.memory_space<vmem>> -> memref<1x32xi32, #tpu.memory_space<vmem>>
      %dma_wait3A_681 = tpu.memref_squeeze %dma_wait3A_680 : memref<1x32xi32, #tpu.memory_space<vmem>> -> memref<32xi32, #tpu.memory_space<vmem>>
      %dma_wait3A_682 = arith.constant 0 : i32
      %dma_wait3A_683 = arith.constant 0 : i32
      %dma_wait3A_684 = tpu.memref_slice %arg2[%dma_wait3A_682, %dma_wait3A_683] : memref<2600000x64xf32, #tpu.memory_space<hbm>> -> memref<2600000x64xf32, #tpu.memory_space<hbm>>
      tpu.wait_indirect_dma semaphore(%arg11 : memref<!tpu.dma_semaphore, #tpu.memory_space<semaphore_mem>>) src(%dma_wait3A_684 : memref<2600000x64xf32, #tpu.memory_space<hbm>>) dst(%dma_wait3A_678 : memref<32x64xf32, #tpu.memory_space<vmem>>)
      %dma_wait3A_685 = arith.constant 11 : i32
      %dma_wait3A_686 = arith.constant 352 : i32
      %dma_wait3A_687 = arith.constant 0 : i32
      %dma_wait3A_688 = tpu.memref_slice %arg8[%dma_wait3A_686, %dma_wait3A_687] : memref<832x64xf32, #tpu.memory_space<vmem>> -> memref<32x64xf32, #tpu.memory_space<vmem>>
      %dma_wait3A_689 = arith.constant 0 : i32
      %dma_wait3A_690 = tpu.memref_slice %arg6[%dma_wait3A_685, %dma_wait3A_689] : memref<26x32xi32, #tpu.memory_space<vmem>> -> memref<1x32xi32, #tpu.memory_space<vmem>>
      %dma_wait3A_691 = tpu.memref_squeeze %dma_wait3A_690 : memref<1x32xi32, #tpu.memory_space<vmem>> -> memref<32xi32, #tpu.memory_space<vmem>>
      %dma_wait3A_692 = arith.constant 0 : i32
      %dma_wait3A_693 = arith.constant 0 : i32
      %dma_wait3A_694 = tpu.memref_slice %arg2[%dma_wait3A_692, %dma_wait3A_693] : memref<2600000x64xf32, #tpu.memory_space<hbm>> -> memref<2600000x64xf32, #tpu.memory_space<hbm>>
      tpu.wait_indirect_dma semaphore(%arg11 : memref<!tpu.dma_semaphore, #tpu.memory_space<semaphore_mem>>) src(%dma_wait3A_694 : memref<2600000x64xf32, #tpu.memory_space<hbm>>) dst(%dma_wait3A_688 : memref<32x64xf32, #tpu.memory_space<vmem>>)
      %dma_wait3A_695 = arith.constant 12 : i32
      %dma_wait3A_696 = arith.constant 384 : i32
      %dma_wait3A_697 = arith.constant 0 : i32
      %dma_wait3A_698 = tpu.memref_slice %arg8[%dma_wait3A_696, %dma_wait3A_697] : memref<832x64xf32, #tpu.memory_space<vmem>> -> memref<32x64xf32, #tpu.memory_space<vmem>>
      %dma_wait3A_699 = arith.constant 0 : i32
      %dma_wait3A_700 = tpu.memref_slice %arg6[%dma_wait3A_695, %dma_wait3A_699] : memref<26x32xi32, #tpu.memory_space<vmem>> -> memref<1x32xi32, #tpu.memory_space<vmem>>
      %dma_wait3A_701 = tpu.memref_squeeze %dma_wait3A_700 : memref<1x32xi32, #tpu.memory_space<vmem>> -> memref<32xi32, #tpu.memory_space<vmem>>
      %dma_wait3A_702 = arith.constant 0 : i32
      %dma_wait3A_703 = arith.constant 0 : i32
      %dma_wait3A_704 = tpu.memref_slice %arg2[%dma_wait3A_702, %dma_wait3A_703] : memref<2600000x64xf32, #tpu.memory_space<hbm>> -> memref<2600000x64xf32, #tpu.memory_space<hbm>>
      tpu.wait_indirect_dma semaphore(%arg11 : memref<!tpu.dma_semaphore, #tpu.memory_space<semaphore_mem>>) src(%dma_wait3A_704 : memref<2600000x64xf32, #tpu.memory_space<hbm>>) dst(%dma_wait3A_698 : memref<32x64xf32, #tpu.memory_space<vmem>>)
      %dma_wait3A_705 = arith.constant 13 : i32
      %dma_wait3A_706 = arith.constant 416 : i32
      %dma_wait3A_707 = arith.constant 0 : i32
      %dma_wait3A_708 = tpu.memref_slice %arg8[%dma_wait3A_706, %dma_wait3A_707] : memref<832x64xf32, #tpu.memory_space<vmem>> -> memref<32x64xf32, #tpu.memory_space<vmem>>
      %dma_wait3A_709 = arith.constant 0 : i32
      %dma_wait3A_710 = tpu.memref_slice %arg6[%dma_wait3A_705, %dma_wait3A_709] : memref<26x32xi32, #tpu.memory_space<vmem>> -> memref<1x32xi32, #tpu.memory_space<vmem>>
      %dma_wait3A_711 = tpu.memref_squeeze %dma_wait3A_710 : memref<1x32xi32, #tpu.memory_space<vmem>> -> memref<32xi32, #tpu.memory_space<vmem>>
      %dma_wait3A_712 = arith.constant 0 : i32
      %dma_wait3A_713 = arith.constant 0 : i32
      %dma_wait3A_714 = tpu.memref_slice %arg2[%dma_wait3A_712, %dma_wait3A_713] : memref<2600000x64xf32, #tpu.memory_space<hbm>> -> memref<2600000x64xf32, #tpu.memory_space<hbm>>
      tpu.wait_indirect_dma semaphore(%arg11 : memref<!tpu.dma_semaphore, #tpu.memory_space<semaphore_mem>>) src(%dma_wait3A_714 : memref<2600000x64xf32, #tpu.memory_space<hbm>>) dst(%dma_wait3A_708 : memref<32x64xf32, #tpu.memory_space<vmem>>)
      %dma_wait3A_715 = arith.constant 14 : i32
      %dma_wait3A_716 = arith.constant 448 : i32
      %dma_wait3A_717 = arith.constant 0 : i32
      %dma_wait3A_718 = tpu.memref_slice %arg8[%dma_wait3A_716, %dma_wait3A_717] : memref<832x64xf32, #tpu.memory_space<vmem>> -> memref<32x64xf32, #tpu.memory_space<vmem>>
      %dma_wait3A_719 = arith.constant 0 : i32
      %dma_wait3A_720 = tpu.memref_slice %arg6[%dma_wait3A_715, %dma_wait3A_719] : memref<26x32xi32, #tpu.memory_space<vmem>> -> memref<1x32xi32, #tpu.memory_space<vmem>>
      %dma_wait3A_721 = tpu.memref_squeeze %dma_wait3A_720 : memref<1x32xi32, #tpu.memory_space<vmem>> -> memref<32xi32, #tpu.memory_space<vmem>>
      %dma_wait3A_722 = arith.constant 0 : i32
      %dma_wait3A_723 = arith.constant 0 : i32
      %dma_wait3A_724 = tpu.memref_slice %arg2[%dma_wait3A_722, %dma_wait3A_723] : memref<2600000x64xf32, #tpu.memory_space<hbm>> -> memref<2600000x64xf32, #tpu.memory_space<hbm>>
      tpu.wait_indirect_dma semaphore(%arg11 : memref<!tpu.dma_semaphore, #tpu.memory_space<semaphore_mem>>) src(%dma_wait3A_724 : memref<2600000x64xf32, #tpu.memory_space<hbm>>) dst(%dma_wait3A_718 : memref<32x64xf32, #tpu.memory_space<vmem>>)
      %dma_wait3A_725 = arith.constant 15 : i32
      %dma_wait3A_726 = arith.constant 480 : i32
      %dma_wait3A_727 = arith.constant 0 : i32
      %dma_wait3A_728 = tpu.memref_slice %arg8[%dma_wait3A_726, %dma_wait3A_727] : memref<832x64xf32, #tpu.memory_space<vmem>> -> memref<32x64xf32, #tpu.memory_space<vmem>>
      %dma_wait3A_729 = arith.constant 0 : i32
      %dma_wait3A_730 = tpu.memref_slice %arg6[%dma_wait3A_725, %dma_wait3A_729] : memref<26x32xi32, #tpu.memory_space<vmem>> -> memref<1x32xi32, #tpu.memory_space<vmem>>
      %dma_wait3A_731 = tpu.memref_squeeze %dma_wait3A_730 : memref<1x32xi32, #tpu.memory_space<vmem>> -> memref<32xi32, #tpu.memory_space<vmem>>
      %dma_wait3A_732 = arith.constant 0 : i32
      %dma_wait3A_733 = arith.constant 0 : i32
      %dma_wait3A_734 = tpu.memref_slice %arg2[%dma_wait3A_732, %dma_wait3A_733] : memref<2600000x64xf32, #tpu.memory_space<hbm>> -> memref<2600000x64xf32, #tpu.memory_space<hbm>>
      tpu.wait_indirect_dma semaphore(%arg11 : memref<!tpu.dma_semaphore, #tpu.memory_space<semaphore_mem>>) src(%dma_wait3A_734 : memref<2600000x64xf32, #tpu.memory_space<hbm>>) dst(%dma_wait3A_728 : memref<32x64xf32, #tpu.memory_space<vmem>>)
      %dma_wait3A_735 = arith.constant 16 : i32
      %dma_wait3A_736 = arith.constant 512 : i32
      %dma_wait3A_737 = arith.constant 0 : i32
      %dma_wait3A_738 = tpu.memref_slice %arg8[%dma_wait3A_736, %dma_wait3A_737] : memref<832x64xf32, #tpu.memory_space<vmem>> -> memref<32x64xf32, #tpu.memory_space<vmem>>
      %dma_wait3A_739 = arith.constant 0 : i32
      %dma_wait3A_740 = tpu.memref_slice %arg6[%dma_wait3A_735, %dma_wait3A_739] : memref<26x32xi32, #tpu.memory_space<vmem>> -> memref<1x32xi32, #tpu.memory_space<vmem>>
      %dma_wait3A_741 = tpu.memref_squeeze %dma_wait3A_740 : memref<1x32xi32, #tpu.memory_space<vmem>> -> memref<32xi32, #tpu.memory_space<vmem>>
      %dma_wait3A_742 = arith.constant 0 : i32
      %dma_wait3A_743 = arith.constant 0 : i32
      %dma_wait3A_744 = tpu.memref_slice %arg2[%dma_wait3A_742, %dma_wait3A_743] : memref<2600000x64xf32, #tpu.memory_space<hbm>> -> memref<2600000x64xf32, #tpu.memory_space<hbm>>
      tpu.wait_indirect_dma semaphore(%arg11 : memref<!tpu.dma_semaphore, #tpu.memory_space<semaphore_mem>>) src(%dma_wait3A_744 : memref<2600000x64xf32, #tpu.memory_space<hbm>>) dst(%dma_wait3A_738 : memref<32x64xf32, #tpu.memory_space<vmem>>)
      %dma_wait3A_745 = arith.constant 17 : i32
      %dma_wait3A_746 = arith.constant 544 : i32
      %dma_wait3A_747 = arith.constant 0 : i32
      %dma_wait3A_748 = tpu.memref_slice %arg8[%dma_wait3A_746, %dma_wait3A_747] : memref<832x64xf32, #tpu.memory_space<vmem>> -> memref<32x64xf32, #tpu.memory_space<vmem>>
      %dma_wait3A_749 = arith.constant 0 : i32
      %dma_wait3A_750 = tpu.memref_slice %arg6[%dma_wait3A_745, %dma_wait3A_749] : memref<26x32xi32, #tpu.memory_space<vmem>> -> memref<1x32xi32, #tpu.memory_space<vmem>>
      %dma_wait3A_751 = tpu.memref_squeeze %dma_wait3A_750 : memref<1x32xi32, #tpu.memory_space<vmem>> -> memref<32xi32, #tpu.memory_space<vmem>>
      %dma_wait3A_752 = arith.constant 0 : i32
      %dma_wait3A_753 = arith.constant 0 : i32
      %dma_wait3A_754 = tpu.memref_slice %arg2[%dma_wait3A_752, %dma_wait3A_753] : memref<2600000x64xf32, #tpu.memory_space<hbm>> -> memref<2600000x64xf32, #tpu.memory_space<hbm>>
      tpu.wait_indirect_dma semaphore(%arg11 : memref<!tpu.dma_semaphore, #tpu.memory_space<semaphore_mem>>) src(%dma_wait3A_754 : memref<2600000x64xf32, #tpu.memory_space<hbm>>) dst(%dma_wait3A_748 : memref<32x64xf32, #tpu.memory_space<vmem>>)
      %dma_wait3A_755 = arith.constant 18 : i32
      %dma_wait3A_756 = arith.constant 576 : i32
      %dma_wait3A_757 = arith.constant 0 : i32
      %dma_wait3A_758 = tpu.memref_slice %arg8[%dma_wait3A_756, %dma_wait3A_757] : memref<832x64xf32, #tpu.memory_space<vmem>> -> memref<32x64xf32, #tpu.memory_space<vmem>>
      %dma_wait3A_759 = arith.constant 0 : i32
      %dma_wait3A_760 = tpu.memref_slice %arg6[%dma_wait3A_755, %dma_wait3A_759] : memref<26x32xi32, #tpu.memory_space<vmem>> -> memref<1x32xi32, #tpu.memory_space<vmem>>
      %dma_wait3A_761 = tpu.memref_squeeze %dma_wait3A_760 : memref<1x32xi32, #tpu.memory_space<vmem>> -> memref<32xi32, #tpu.memory_space<vmem>>
      %dma_wait3A_762 = arith.constant 0 : i32
      %dma_wait3A_763 = arith.constant 0 : i32
      %dma_wait3A_764 = tpu.memref_slice %arg2[%dma_wait3A_762, %dma_wait3A_763] : memref<2600000x64xf32, #tpu.memory_space<hbm>> -> memref<2600000x64xf32, #tpu.memory_space<hbm>>
      tpu.wait_indirect_dma semaphore(%arg11 : memref<!tpu.dma_semaphore, #tpu.memory_space<semaphore_mem>>) src(%dma_wait3A_764 : memref<2600000x64xf32, #tpu.memory_space<hbm>>) dst(%dma_wait3A_758 : memref<32x64xf32, #tpu.memory_space<vmem>>)
      %dma_wait3A_765 = arith.constant 19 : i32
      %dma_wait3A_766 = arith.constant 608 : i32
      %dma_wait3A_767 = arith.constant 0 : i32
      %dma_wait3A_768 = tpu.memref_slice %arg8[%dma_wait3A_766, %dma_wait3A_767] : memref<832x64xf32, #tpu.memory_space<vmem>> -> memref<32x64xf32, #tpu.memory_space<vmem>>
      %dma_wait3A_769 = arith.constant 0 : i32
      %dma_wait3A_770 = tpu.memref_slice %arg6[%dma_wait3A_765, %dma_wait3A_769] : memref<26x32xi32, #tpu.memory_space<vmem>> -> memref<1x32xi32, #tpu.memory_space<vmem>>
      %dma_wait3A_771 = tpu.memref_squeeze %dma_wait3A_770 : memref<1x32xi32, #tpu.memory_space<vmem>> -> memref<32xi32, #tpu.memory_space<vmem>>
      %dma_wait3A_772 = arith.constant 0 : i32
      %dma_wait3A_773 = arith.constant 0 : i32
      %dma_wait3A_774 = tpu.memref_slice %arg2[%dma_wait3A_772, %dma_wait3A_773] : memref<2600000x64xf32, #tpu.memory_space<hbm>> -> memref<2600000x64xf32, #tpu.memory_space<hbm>>
      tpu.wait_indirect_dma semaphore(%arg11 : memref<!tpu.dma_semaphore, #tpu.memory_space<semaphore_mem>>) src(%dma_wait3A_774 : memref<2600000x64xf32, #tpu.memory_space<hbm>>) dst(%dma_wait3A_768 : memref<32x64xf32, #tpu.memory_space<vmem>>)
      %dma_wait3A_775 = arith.constant 20 : i32
      %dma_wait3A_776 = arith.constant 640 : i32
      %dma_wait3A_777 = arith.constant 0 : i32
      %dma_wait3A_778 = tpu.memref_slice %arg8[%dma_wait3A_776, %dma_wait3A_777] : memref<832x64xf32, #tpu.memory_space<vmem>> -> memref<32x64xf32, #tpu.memory_space<vmem>>
      %dma_wait3A_779 = arith.constant 0 : i32
      %dma_wait3A_780 = tpu.memref_slice %arg6[%dma_wait3A_775, %dma_wait3A_779] : memref<26x32xi32, #tpu.memory_space<vmem>> -> memref<1x32xi32, #tpu.memory_space<vmem>>
      %dma_wait3A_781 = tpu.memref_squeeze %dma_wait3A_780 : memref<1x32xi32, #tpu.memory_space<vmem>> -> memref<32xi32, #tpu.memory_space<vmem>>
      %dma_wait3A_782 = arith.constant 0 : i32
      %dma_wait3A_783 = arith.constant 0 : i32
      %dma_wait3A_784 = tpu.memref_slice %arg2[%dma_wait3A_782, %dma_wait3A_783] : memref<2600000x64xf32, #tpu.memory_space<hbm>> -> memref<2600000x64xf32, #tpu.memory_space<hbm>>
      tpu.wait_indirect_dma semaphore(%arg11 : memref<!tpu.dma_semaphore, #tpu.memory_space<semaphore_mem>>) src(%dma_wait3A_784 : memref<2600000x64xf32, #tpu.memory_space<hbm>>) dst(%dma_wait3A_778 : memref<32x64xf32, #tpu.memory_space<vmem>>)
      %dma_wait3A_785 = arith.constant 21 : i32
      %dma_wait3A_786 = arith.constant 672 : i32
      %dma_wait3A_787 = arith.constant 0 : i32
      %dma_wait3A_788 = tpu.memref_slice %arg8[%dma_wait3A_786, %dma_wait3A_787] : memref<832x64xf32, #tpu.memory_space<vmem>> -> memref<32x64xf32, #tpu.memory_space<vmem>>
      %dma_wait3A_789 = arith.constant 0 : i32
      %dma_wait3A_790 = tpu.memref_slice %arg6[%dma_wait3A_785, %dma_wait3A_789] : memref<26x32xi32, #tpu.memory_space<vmem>> -> memref<1x32xi32, #tpu.memory_space<vmem>>
      %dma_wait3A_791 = tpu.memref_squeeze %dma_wait3A_790 : memref<1x32xi32, #tpu.memory_space<vmem>> -> memref<32xi32, #tpu.memory_space<vmem>>
      %dma_wait3A_792 = arith.constant 0 : i32
      %dma_wait3A_793 = arith.constant 0 : i32
      %dma_wait3A_794 = tpu.memref_slice %arg2[%dma_wait3A_792, %dma_wait3A_793] : memref<2600000x64xf32, #tpu.memory_space<hbm>> -> memref<2600000x64xf32, #tpu.memory_space<hbm>>
      tpu.wait_indirect_dma semaphore(%arg11 : memref<!tpu.dma_semaphore, #tpu.memory_space<semaphore_mem>>) src(%dma_wait3A_794 : memref<2600000x64xf32, #tpu.memory_space<hbm>>) dst(%dma_wait3A_788 : memref<32x64xf32, #tpu.memory_space<vmem>>)
      %dma_wait3A_795 = arith.constant 22 : i32
      %dma_wait3A_796 = arith.constant 704 : i32
      %dma_wait3A_797 = arith.constant 0 : i32
      %dma_wait3A_798 = tpu.memref_slice %arg8[%dma_wait3A_796, %dma_wait3A_797] : memref<832x64xf32, #tpu.memory_space<vmem>> -> memref<32x64xf32, #tpu.memory_space<vmem>>
      %dma_wait3A_799 = arith.constant 0 : i32
      %dma_wait3A_800 = tpu.memref_slice %arg6[%dma_wait3A_795, %dma_wait3A_799] : memref<26x32xi32, #tpu.memory_space<vmem>> -> memref<1x32xi32, #tpu.memory_space<vmem>>
      %dma_wait3A_801 = tpu.memref_squeeze %dma_wait3A_800 : memref<1x32xi32, #tpu.memory_space<vmem>> -> memref<32xi32, #tpu.memory_space<vmem>>
      %dma_wait3A_802 = arith.constant 0 : i32
      %dma_wait3A_803 = arith.constant 0 : i32
      %dma_wait3A_804 = tpu.memref_slice %arg2[%dma_wait3A_802, %dma_wait3A_803] : memref<2600000x64xf32, #tpu.memory_space<hbm>> -> memref<2600000x64xf32, #tpu.memory_space<hbm>>
      tpu.wait_indirect_dma semaphore(%arg11 : memref<!tpu.dma_semaphore, #tpu.memory_space<semaphore_mem>>) src(%dma_wait3A_804 : memref<2600000x64xf32, #tpu.memory_space<hbm>>) dst(%dma_wait3A_798 : memref<32x64xf32, #tpu.memory_space<vmem>>)
      %dma_wait3A_805 = arith.constant 23 : i32
      %dma_wait3A_806 = arith.constant 736 : i32
      %dma_wait3A_807 = arith.constant 0 : i32
      %dma_wait3A_808 = tpu.memref_slice %arg8[%dma_wait3A_806, %dma_wait3A_807] : memref<832x64xf32, #tpu.memory_space<vmem>> -> memref<32x64xf32, #tpu.memory_space<vmem>>
      %dma_wait3A_809 = arith.constant 0 : i32
      %dma_wait3A_810 = tpu.memref_slice %arg6[%dma_wait3A_805, %dma_wait3A_809] : memref<26x32xi32, #tpu.memory_space<vmem>> -> memref<1x32xi32, #tpu.memory_space<vmem>>
      %dma_wait3A_811 = tpu.memref_squeeze %dma_wait3A_810 : memref<1x32xi32, #tpu.memory_space<vmem>> -> memref<32xi32, #tpu.memory_space<vmem>>
      %dma_wait3A_812 = arith.constant 0 : i32
      %dma_wait3A_813 = arith.constant 0 : i32
      %dma_wait3A_814 = tpu.memref_slice %arg2[%dma_wait3A_812, %dma_wait3A_813] : memref<2600000x64xf32, #tpu.memory_space<hbm>> -> memref<2600000x64xf32, #tpu.memory_space<hbm>>
      tpu.wait_indirect_dma semaphore(%arg11 : memref<!tpu.dma_semaphore, #tpu.memory_space<semaphore_mem>>) src(%dma_wait3A_814 : memref<2600000x64xf32, #tpu.memory_space<hbm>>) dst(%dma_wait3A_808 : memref<32x64xf32, #tpu.memory_space<vmem>>)
      %dma_wait3A_815 = arith.constant 24 : i32
      %dma_wait3A_816 = arith.constant 768 : i32
      %dma_wait3A_817 = arith.constant 0 : i32
      %dma_wait3A_818 = tpu.memref_slice %arg8[%dma_wait3A_816, %dma_wait3A_817] : memref<832x64xf32, #tpu.memory_space<vmem>> -> memref<32x64xf32, #tpu.memory_space<vmem>>
      %dma_wait3A_819 = arith.constant 0 : i32
      %dma_wait3A_820 = tpu.memref_slice %arg6[%dma_wait3A_815, %dma_wait3A_819] : memref<26x32xi32, #tpu.memory_space<vmem>> -> memref<1x32xi32, #tpu.memory_space<vmem>>
      %dma_wait3A_821 = tpu.memref_squeeze %dma_wait3A_820 : memref<1x32xi32, #tpu.memory_space<vmem>> -> memref<32xi32, #tpu.memory_space<vmem>>
      %dma_wait3A_822 = arith.constant 0 : i32
      %dma_wait3A_823 = arith.constant 0 : i32
      %dma_wait3A_824 = tpu.memref_slice %arg2[%dma_wait3A_822, %dma_wait3A_823] : memref<2600000x64xf32, #tpu.memory_space<hbm>> -> memref<2600000x64xf32, #tpu.memory_space<hbm>>
      tpu.wait_indirect_dma semaphore(%arg11 : memref<!tpu.dma_semaphore, #tpu.memory_space<semaphore_mem>>) src(%dma_wait3A_824 : memref<2600000x64xf32, #tpu.memory_space<hbm>>) dst(%dma_wait3A_818 : memref<32x64xf32, #tpu.memory_space<vmem>>)
      %dma_wait3A_825 = arith.constant 25 : i32
      %dma_wait3A_826 = arith.constant 800 : i32
      %dma_wait3A_827 = arith.constant 0 : i32
      %dma_wait3A_828 = tpu.memref_slice %arg8[%dma_wait3A_826, %dma_wait3A_827] : memref<832x64xf32, #tpu.memory_space<vmem>> -> memref<32x64xf32, #tpu.memory_space<vmem>>
      %dma_wait3A_829 = arith.constant 0 : i32
      %dma_wait3A_830 = tpu.memref_slice %arg6[%dma_wait3A_825, %dma_wait3A_829] : memref<26x32xi32, #tpu.memory_space<vmem>> -> memref<1x32xi32, #tpu.memory_space<vmem>>
      %dma_wait3A_831 = tpu.memref_squeeze %dma_wait3A_830 : memref<1x32xi32, #tpu.memory_space<vmem>> -> memref<32xi32, #tpu.memory_space<vmem>>
      %dma_wait3A_832 = arith.constant 0 : i32
      %dma_wait3A_833 = arith.constant 0 : i32
      %dma_wait3A_834 = tpu.memref_slice %arg2[%dma_wait3A_832, %dma_wait3A_833] : memref<2600000x64xf32, #tpu.memory_space<hbm>> -> memref<2600000x64xf32, #tpu.memory_space<hbm>>
      tpu.wait_indirect_dma semaphore(%arg11 : memref<!tpu.dma_semaphore, #tpu.memory_space<semaphore_mem>>) src(%dma_wait3A_834 : memref<2600000x64xf32, #tpu.memory_space<hbm>>) dst(%dma_wait3A_828 : memref<32x64xf32, #tpu.memory_space<vmem>>)
      %scan3A_835 = arith.constant 0 : i32
      %scan3A_836 = arith.constant 0 : i32
      %scan3A_837 = arith.constant 32 : i32
      %scan3A_838 = arith.addi %scan3A_836, %scan3A_837 : i32
      %scan3A_839 = arith.constant 1 : i32
      %scan3A_840 = scf.for %scan3A_846 = %scan3A_836 to %scan3A_838 step %scan3A_839 iter_args(%scan3A_847 = %scan3A_835) -> (i32)  : i32 {
        %broadcast_in_dim3A = vector.broadcast %scan3A_846 : i32 to vector<16xi32>
        %add3A_848 = arith.constant 0 : i32
        %add3A_849 = arith.addi %add3A_848, %scan3A_846 : i32
        %get3A = arith.index_cast %add3A_849 : i32 to index
        %get3A_850 = arith.constant 0 : index
        %get3A_851 = tpu.vector_load %arg8[%get3A, %get3A_850] {strides = array<i32>} : memref<832x64xf32, #tpu.memory_space<vmem>>, vector<16xf32>,
        %add3A_852 = arith.constant 32 : i32
        %add3A_853 = arith.addi %add3A_852, %scan3A_846 : i32
        %get3A_854 = arith.index_cast %add3A_853 : i32 to index
        %get3A_855 = arith.constant 0 : index
        %get3A_856 = tpu.vector_load %arg8[%get3A_854, %get3A_855] {strides = array<i32>} : memref<832x64xf32, #tpu.memory_space<vmem>>, vector<16xf32>,
        %add3A_857 = arith.constant 64 : i32
        %add3A_858 = arith.addi %add3A_857, %scan3A_846 : i32
        %get3A_859 = arith.index_cast %add3A_858 : i32 to index
        %get3A_860 = arith.constant 0 : index
        %get3A_861 = tpu.vector_load %arg8[%get3A_859, %get3A_860] {strides = array<i32>} : memref<832x64xf32, #tpu.memory_space<vmem>>, vector<16xf32>,
        %add3A_862 = arith.constant 96 : i32
        %add3A_863 = arith.addi %add3A_862, %scan3A_846 : i32
        %get3A_864 = arith.index_cast %add3A_863 : i32 to index
        %get3A_865 = arith.constant 0 : index
        %get3A_866 = tpu.vector_load %arg8[%get3A_864, %get3A_865] {strides = array<i32>} : memref<832x64xf32, #tpu.memory_space<vmem>>, vector<16xf32>,
        %add3A_867 = arith.constant 128 : i32
        %add3A_868 = arith.addi %add3A_867, %scan3A_846 : i32
        %get3A_869 = arith.index_cast %add3A_868 : i32 to index
        %get3A_870 = arith.constant 0 : index
        %get3A_871 = tpu.vector_load %arg8[%get3A_869, %get3A_870] {strides = array<i32>} : memref<832x64xf32, #tpu.memory_space<vmem>>, vector<16xf32>,
        %add3A_872 = arith.constant 160 : i32
        %add3A_873 = arith.addi %add3A_872, %scan3A_846 : i32
        %get3A_874 = arith.index_cast %add3A_873 : i32 to index
        %get3A_875 = arith.constant 0 : index
        %get3A_876 = tpu.vector_load %arg8[%get3A_874, %get3A_875] {strides = array<i32>} : memref<832x64xf32, #tpu.memory_space<vmem>>, vector<16xf32>,
        %add3A_877 = arith.constant 192 : i32
        %add3A_878 = arith.addi %add3A_877, %scan3A_846 : i32
        %get3A_879 = arith.index_cast %add3A_878 : i32 to index
        %get3A_880 = arith.constant 0 : index
        %get3A_881 = tpu.vector_load %arg8[%get3A_879, %get3A_880] {strides = array<i32>} : memref<832x64xf32, #tpu.memory_space<vmem>>, vector<16xf32>,
        %add3A_882 = arith.constant 224 : i32
        %add3A_883 = arith.addi %add3A_882, %scan3A_846 : i32
        %get3A_884 = arith.index_cast %add3A_883 : i32 to index
        %get3A_885 = arith.constant 0 : index
        %get3A_886 = tpu.vector_load %arg8[%get3A_884, %get3A_885] {strides = array<i32>} : memref<832x64xf32, #tpu.memory_space<vmem>>, vector<16xf32>,
        %add3A_887 = arith.constant 256 : i32
        %add3A_888 = arith.addi %add3A_887, %scan3A_846 : i32
        %get3A_889 = arith.index_cast %add3A_888 : i32 to index
        %get3A_890 = arith.constant 0 : index
        %get3A_891 = tpu.vector_load %arg8[%get3A_889, %get3A_890] {strides = array<i32>} : memref<832x64xf32, #tpu.memory_space<vmem>>, vector<16xf32>,
        %add3A_892 = arith.constant 288 : i32
        %add3A_893 = arith.addi %add3A_892, %scan3A_846 : i32
        %get3A_894 = arith.index_cast %add3A_893 : i32 to index
        %get3A_895 = arith.constant 0 : index
        %get3A_896 = tpu.vector_load %arg8[%get3A_894, %get3A_895] {strides = array<i32>} : memref<832x64xf32, #tpu.memory_space<vmem>>, vector<16xf32>,
        %add3A_897 = arith.constant 320 : i32
        %add3A_898 = arith.addi %add3A_897, %scan3A_846 : i32
        %get3A_899 = arith.index_cast %add3A_898 : i32 to index
        %get3A_900 = arith.constant 0 : index
        %get3A_901 = tpu.vector_load %arg8[%get3A_899, %get3A_900] {strides = array<i32>} : memref<832x64xf32, #tpu.memory_space<vmem>>, vector<16xf32>,
        %add3A_902 = arith.constant 352 : i32
        %add3A_903 = arith.addi %add3A_902, %scan3A_846 : i32
        %get3A_904 = arith.index_cast %add3A_903 : i32 to index
        %get3A_905 = arith.constant 0 : index
        %get3A_906 = tpu.vector_load %arg8[%get3A_904, %get3A_905] {strides = array<i32>} : memref<832x64xf32, #tpu.memory_space<vmem>>, vector<16xf32>,
        %add3A_907 = arith.constant 384 : i32
        %add3A_908 = arith.addi %add3A_907, %scan3A_846 : i32
        %get3A_909 = arith.index_cast %add3A_908 : i32 to index
        %get3A_910 = arith.constant 0 : index
        %get3A_911 = tpu.vector_load %arg8[%get3A_909, %get3A_910] {strides = array<i32>} : memref<832x64xf32, #tpu.memory_space<vmem>>, vector<16xf32>,
        %add3A_912 = arith.constant 416 : i32
        %add3A_913 = arith.addi %add3A_912, %scan3A_846 : i32
        %get3A_914 = arith.index_cast %add3A_913 : i32 to index
        %get3A_915 = arith.constant 0 : index
        %get3A_916 = tpu.vector_load %arg8[%get3A_914, %get3A_915] {strides = array<i32>} : memref<832x64xf32, #tpu.memory_space<vmem>>, vector<16xf32>,
        %add3A_917 = arith.constant 448 : i32
        %add3A_918 = arith.addi %add3A_917, %scan3A_846 : i32
        %get3A_919 = arith.index_cast %add3A_918 : i32 to index
        %get3A_920 = arith.constant 0 : index
        %get3A_921 = tpu.vector_load %arg8[%get3A_919, %get3A_920] {strides = array<i32>} : memref<832x64xf32, #tpu.memory_space<vmem>>, vector<16xf32>,
        %add3A_922 = arith.constant 480 : i32
        %add3A_923 = arith.addi %add3A_922, %scan3A_846 : i32
        %get3A_924 = arith.index_cast %add3A_923 : i32 to index
        %get3A_925 = arith.constant 0 : index
        %get3A_926 = tpu.vector_load %arg8[%get3A_924, %get3A_925] {strides = array<i32>} : memref<832x64xf32, #tpu.memory_space<vmem>>, vector<16xf32>,
        %add3A_927 = arith.constant 512 : i32
        %add3A_928 = arith.addi %add3A_927, %scan3A_846 : i32
        %get3A_929 = arith.index_cast %add3A_928 : i32 to index
        %get3A_930 = arith.constant 0 : index
        %get3A_931 = tpu.vector_load %arg8[%get3A_929, %get3A_930] {strides = array<i32>} : memref<832x64xf32, #tpu.memory_space<vmem>>, vector<16xf32>,
        %add3A_932 = arith.constant 544 : i32
        %add3A_933 = arith.addi %add3A_932, %scan3A_846 : i32
        %get3A_934 = arith.index_cast %add3A_933 : i32 to index
        %get3A_935 = arith.constant 0 : index
        %get3A_936 = tpu.vector_load %arg8[%get3A_934, %get3A_935] {strides = array<i32>} : memref<832x64xf32, #tpu.memory_space<vmem>>, vector<16xf32>,
        %add3A_937 = arith.constant 576 : i32
        %add3A_938 = arith.addi %add3A_937, %scan3A_846 : i32
        %get3A_939 = arith.index_cast %add3A_938 : i32 to index
        %get3A_940 = arith.constant 0 : index
        %get3A_941 = tpu.vector_load %arg8[%get3A_939, %get3A_940] {strides = array<i32>} : memref<832x64xf32, #tpu.memory_space<vmem>>, vector<16xf32>,
        %add3A_942 = arith.constant 608 : i32
        %add3A_943 = arith.addi %add3A_942, %scan3A_846 : i32
        %get3A_944 = arith.index_cast %add3A_943 : i32 to index
        %get3A_945 = arith.constant 0 : index
        %get3A_946 = tpu.vector_load %arg8[%get3A_944, %get3A_945] {strides = array<i32>} : memref<832x64xf32, #tpu.memory_space<vmem>>, vector<16xf32>,
        %add3A_947 = arith.constant 640 : i32
        %add3A_948 = arith.addi %add3A_947, %scan3A_846 : i32
        %get3A_949 = arith.index_cast %add3A_948 : i32 to index
        %get3A_950 = arith.constant 0 : index
        %get3A_951 = tpu.vector_load %arg8[%get3A_949, %get3A_950] {strides = array<i32>} : memref<832x64xf32, #tpu.memory_space<vmem>>, vector<16xf32>,
        %add3A_952 = arith.constant 672 : i32
        %add3A_953 = arith.addi %add3A_952, %scan3A_846 : i32
        %get3A_954 = arith.index_cast %add3A_953 : i32 to index
        %get3A_955 = arith.constant 0 : index
        %get3A_956 = tpu.vector_load %arg8[%get3A_954, %get3A_955] {strides = array<i32>} : memref<832x64xf32, #tpu.memory_space<vmem>>, vector<16xf32>,
        %add3A_957 = arith.constant 704 : i32
        %add3A_958 = arith.addi %add3A_957, %scan3A_846 : i32
        %get3A_959 = arith.index_cast %add3A_958 : i32 to index
        %get3A_960 = arith.constant 0 : index
        %get3A_961 = tpu.vector_load %arg8[%get3A_959, %get3A_960] {strides = array<i32>} : memref<832x64xf32, #tpu.memory_space<vmem>>, vector<16xf32>,
        %add3A_962 = arith.constant 736 : i32
        %add3A_963 = arith.addi %add3A_962, %scan3A_846 : i32
        %get3A_964 = arith.index_cast %add3A_963 : i32 to index
        %get3A_965 = arith.constant 0 : index
        %get3A_966 = tpu.vector_load %arg8[%get3A_964, %get3A_965] {strides = array<i32>} : memref<832x64xf32, #tpu.memory_space<vmem>>, vector<16xf32>,
        %add3A_967 = arith.constant 768 : i32
        %add3A_968 = arith.addi %add3A_967, %scan3A_846 : i32
        %get3A_969 = arith.index_cast %add3A_968 : i32 to index
        %get3A_970 = arith.constant 0 : index
        %get3A_971 = tpu.vector_load %arg8[%get3A_969, %get3A_970] {strides = array<i32>} : memref<832x64xf32, #tpu.memory_space<vmem>>, vector<16xf32>,
        %add3A_972 = arith.constant 800 : i32
        %add3A_973 = arith.addi %add3A_972, %scan3A_846 : i32
        %get3A_974 = arith.index_cast %add3A_973 : i32 to index
        %get3A_975 = arith.constant 0 : index
        %get3A_976 = tpu.vector_load %arg8[%get3A_974, %get3A_975] {strides = array<i32>} : memref<832x64xf32, #tpu.memory_space<vmem>>, vector<16xf32>,
        %add3A_977 = arith.addf %get3A_851, %get3A_856 : vector<16xf32>
        %add3A_978 = arith.addf %get3A_861, %get3A_866 : vector<16xf32>
        %add3A_979 = arith.addf %get3A_871, %get3A_876 : vector<16xf32>
        %add3A_980 = arith.addf %get3A_881, %get3A_886 : vector<16xf32>
        %add3A_981 = arith.addf %get3A_891, %get3A_896 : vector<16xf32>
        %add3A_982 = arith.addf %get3A_901, %get3A_906 : vector<16xf32>
        %add3A_983 = arith.addf %get3A_911, %get3A_916 : vector<16xf32>
        %add3A_984 = arith.addf %get3A_921, %get3A_926 : vector<16xf32>
        %add3A_985 = arith.addf %get3A_931, %get3A_936 : vector<16xf32>
        %add3A_986 = arith.addf %get3A_941, %get3A_946 : vector<16xf32>
        %add3A_987 = arith.addf %get3A_951, %get3A_956 : vector<16xf32>
        %add3A_988 = arith.addf %get3A_961, %get3A_966 : vector<16xf32>
        %add3A_989 = arith.addf %get3A_971, %get3A_976 : vector<16xf32>
        %add3A_990 = arith.addf %add3A_977, %add3A_978 : vector<16xf32>
        %add3A_991 = arith.addf %add3A_979, %add3A_980 : vector<16xf32>
        %add3A_992 = arith.addf %add3A_981, %add3A_982 : vector<16xf32>
        %add3A_993 = arith.addf %add3A_983, %add3A_984 : vector<16xf32>
        %add3A_994 = arith.addf %add3A_985, %add3A_986 : vector<16xf32>
        %add3A_995 = arith.addf %add3A_987, %add3A_988 : vector<16xf32>
        %add3A_996 = arith.addf %add3A_990, %add3A_991 : vector<16xf32>
        %add3A_997 = arith.addf %add3A_992, %add3A_993 : vector<16xf32>
        %add3A_998 = arith.addf %add3A_994, %add3A_995 : vector<16xf32>
        %add3A_999 = arith.addf %add3A_996, %add3A_997 : vector<16xf32>
        %add3A_1000 = arith.addf %add3A_998, %add3A_989 : vector<16xf32>
        %add3A_1001 = arith.addf %add3A_999, %add3A_1000 : vector<16xf32>
        tpu.vector_store_idx %arg9[%add3A_266, %broadcast_in_dim3A], %add3A_1001 : memref<64x32xf32, #tpu.memory_space<vmem>>[vector<16xi32>, vector<16xi32>], vector<16xf32>,
        %add3A_1002 = arith.constant 0 : i32
        %add3A_1003 = arith.addi %add3A_1002, %scan3A_846 : i32
        %get3A_1004 = arith.index_cast %add3A_1003 : i32 to index
        %get3A_1005 = arith.constant 16 : index
        %get3A_1006 = tpu.vector_load %arg8[%get3A_1004, %get3A_1005] {strides = array<i32>} : memref<832x64xf32, #tpu.memory_space<vmem>>, vector<16xf32>,
        %add3A_1007 = arith.constant 32 : i32
        %add3A_1008 = arith.addi %add3A_1007, %scan3A_846 : i32
        %get3A_1009 = arith.index_cast %add3A_1008 : i32 to index
        %get3A_1010 = arith.constant 16 : index
        %get3A_1011 = tpu.vector_load %arg8[%get3A_1009, %get3A_1010] {strides = array<i32>} : memref<832x64xf32, #tpu.memory_space<vmem>>, vector<16xf32>,
        %add3A_1012 = arith.constant 64 : i32
        %add3A_1013 = arith.addi %add3A_1012, %scan3A_846 : i32
        %get3A_1014 = arith.index_cast %add3A_1013 : i32 to index
        %get3A_1015 = arith.constant 16 : index
        %get3A_1016 = tpu.vector_load %arg8[%get3A_1014, %get3A_1015] {strides = array<i32>} : memref<832x64xf32, #tpu.memory_space<vmem>>, vector<16xf32>,
        %add3A_1017 = arith.constant 96 : i32
        %add3A_1018 = arith.addi %add3A_1017, %scan3A_846 : i32
        %get3A_1019 = arith.index_cast %add3A_1018 : i32 to index
        %get3A_1020 = arith.constant 16 : index
        %get3A_1021 = tpu.vector_load %arg8[%get3A_1019, %get3A_1020] {strides = array<i32>} : memref<832x64xf32, #tpu.memory_space<vmem>>, vector<16xf32>,
        %add3A_1022 = arith.constant 128 : i32
        %add3A_1023 = arith.addi %add3A_1022, %scan3A_846 : i32
        %get3A_1024 = arith.index_cast %add3A_1023 : i32 to index
        %get3A_1025 = arith.constant 16 : index
        %get3A_1026 = tpu.vector_load %arg8[%get3A_1024, %get3A_1025] {strides = array<i32>} : memref<832x64xf32, #tpu.memory_space<vmem>>, vector<16xf32>,
        %add3A_1027 = arith.constant 160 : i32
        %add3A_1028 = arith.addi %add3A_1027, %scan3A_846 : i32
        %get3A_1029 = arith.index_cast %add3A_1028 : i32 to index
        %get3A_1030 = arith.constant 16 : index
        %get3A_1031 = tpu.vector_load %arg8[%get3A_1029, %get3A_1030] {strides = array<i32>} : memref<832x64xf32, #tpu.memory_space<vmem>>, vector<16xf32>,
        %add3A_1032 = arith.constant 192 : i32
        %add3A_1033 = arith.addi %add3A_1032, %scan3A_846 : i32
        %get3A_1034 = arith.index_cast %add3A_1033 : i32 to index
        %get3A_1035 = arith.constant 16 : index
        %get3A_1036 = tpu.vector_load %arg8[%get3A_1034, %get3A_1035] {strides = array<i32>} : memref<832x64xf32, #tpu.memory_space<vmem>>, vector<16xf32>,
        %add3A_1037 = arith.constant 224 : i32
        %add3A_1038 = arith.addi %add3A_1037, %scan3A_846 : i32
        %get3A_1039 = arith.index_cast %add3A_1038 : i32 to index
        %get3A_1040 = arith.constant 16 : index
        %get3A_1041 = tpu.vector_load %arg8[%get3A_1039, %get3A_1040] {strides = array<i32>} : memref<832x64xf32, #tpu.memory_space<vmem>>, vector<16xf32>,
        %add3A_1042 = arith.constant 256 : i32
        %add3A_1043 = arith.addi %add3A_1042, %scan3A_846 : i32
        %get3A_1044 = arith.index_cast %add3A_1043 : i32 to index
        %get3A_1045 = arith.constant 16 : index
        %get3A_1046 = tpu.vector_load %arg8[%get3A_1044, %get3A_1045] {strides = array<i32>} : memref<832x64xf32, #tpu.memory_space<vmem>>, vector<16xf32>,
        %add3A_1047 = arith.constant 288 : i32
        %add3A_1048 = arith.addi %add3A_1047, %scan3A_846 : i32
        %get3A_1049 = arith.index_cast %add3A_1048 : i32 to index
        %get3A_1050 = arith.constant 16 : index
        %get3A_1051 = tpu.vector_load %arg8[%get3A_1049, %get3A_1050] {strides = array<i32>} : memref<832x64xf32, #tpu.memory_space<vmem>>, vector<16xf32>,
        %add3A_1052 = arith.constant 320 : i32
        %add3A_1053 = arith.addi %add3A_1052, %scan3A_846 : i32
        %get3A_1054 = arith.index_cast %add3A_1053 : i32 to index
        %get3A_1055 = arith.constant 16 : index
        %get3A_1056 = tpu.vector_load %arg8[%get3A_1054, %get3A_1055] {strides = array<i32>} : memref<832x64xf32, #tpu.memory_space<vmem>>, vector<16xf32>,
        %add3A_1057 = arith.constant 352 : i32
        %add3A_1058 = arith.addi %add3A_1057, %scan3A_846 : i32
        %get3A_1059 = arith.index_cast %add3A_1058 : i32 to index
        %get3A_1060 = arith.constant 16 : index
        %get3A_1061 = tpu.vector_load %arg8[%get3A_1059, %get3A_1060] {strides = array<i32>} : memref<832x64xf32, #tpu.memory_space<vmem>>, vector<16xf32>,
        %add3A_1062 = arith.constant 384 : i32
        %add3A_1063 = arith.addi %add3A_1062, %scan3A_846 : i32
        %get3A_1064 = arith.index_cast %add3A_1063 : i32 to index
        %get3A_1065 = arith.constant 16 : index
        %get3A_1066 = tpu.vector_load %arg8[%get3A_1064, %get3A_1065] {strides = array<i32>} : memref<832x64xf32, #tpu.memory_space<vmem>>, vector<16xf32>,
        %add3A_1067 = arith.constant 416 : i32
        %add3A_1068 = arith.addi %add3A_1067, %scan3A_846 : i32
        %get3A_1069 = arith.index_cast %add3A_1068 : i32 to index
        %get3A_1070 = arith.constant 16 : index
        %get3A_1071 = tpu.vector_load %arg8[%get3A_1069, %get3A_1070] {strides = array<i32>} : memref<832x64xf32, #tpu.memory_space<vmem>>, vector<16xf32>,
        %add3A_1072 = arith.constant 448 : i32
        %add3A_1073 = arith.addi %add3A_1072, %scan3A_846 : i32
        %get3A_1074 = arith.index_cast %add3A_1073 : i32 to index
        %get3A_1075 = arith.constant 16 : index
        %get3A_1076 = tpu.vector_load %arg8[%get3A_1074, %get3A_1075] {strides = array<i32>} : memref<832x64xf32, #tpu.memory_space<vmem>>, vector<16xf32>,
        %add3A_1077 = arith.constant 480 : i32
        %add3A_1078 = arith.addi %add3A_1077, %scan3A_846 : i32
        %get3A_1079 = arith.index_cast %add3A_1078 : i32 to index
        %get3A_1080 = arith.constant 16 : index
        %get3A_1081 = tpu.vector_load %arg8[%get3A_1079, %get3A_1080] {strides = array<i32>} : memref<832x64xf32, #tpu.memory_space<vmem>>, vector<16xf32>,
        %add3A_1082 = arith.constant 512 : i32
        %add3A_1083 = arith.addi %add3A_1082, %scan3A_846 : i32
        %get3A_1084 = arith.index_cast %add3A_1083 : i32 to index
        %get3A_1085 = arith.constant 16 : index
        %get3A_1086 = tpu.vector_load %arg8[%get3A_1084, %get3A_1085] {strides = array<i32>} : memref<832x64xf32, #tpu.memory_space<vmem>>, vector<16xf32>,
        %add3A_1087 = arith.constant 544 : i32
        %add3A_1088 = arith.addi %add3A_1087, %scan3A_846 : i32
        %get3A_1089 = arith.index_cast %add3A_1088 : i32 to index
        %get3A_1090 = arith.constant 16 : index
        %get3A_1091 = tpu.vector_load %arg8[%get3A_1089, %get3A_1090] {strides = array<i32>} : memref<832x64xf32, #tpu.memory_space<vmem>>, vector<16xf32>,
        %add3A_1092 = arith.constant 576 : i32
        %add3A_1093 = arith.addi %add3A_1092, %scan3A_846 : i32
        %get3A_1094 = arith.index_cast %add3A_1093 : i32 to index
        %get3A_1095 = arith.constant 16 : index
        %get3A_1096 = tpu.vector_load %arg8[%get3A_1094, %get3A_1095] {strides = array<i32>} : memref<832x64xf32, #tpu.memory_space<vmem>>, vector<16xf32>,
        %add3A_1097 = arith.constant 608 : i32
        %add3A_1098 = arith.addi %add3A_1097, %scan3A_846 : i32
        %get3A_1099 = arith.index_cast %add3A_1098 : i32 to index
        %get3A_1100 = arith.constant 16 : index
        %get3A_1101 = tpu.vector_load %arg8[%get3A_1099, %get3A_1100] {strides = array<i32>} : memref<832x64xf32, #tpu.memory_space<vmem>>, vector<16xf32>,
        %add3A_1102 = arith.constant 640 : i32
        %add3A_1103 = arith.addi %add3A_1102, %scan3A_846 : i32
        %get3A_1104 = arith.index_cast %add3A_1103 : i32 to index
        %get3A_1105 = arith.constant 16 : index
        %get3A_1106 = tpu.vector_load %arg8[%get3A_1104, %get3A_1105] {strides = array<i32>} : memref<832x64xf32, #tpu.memory_space<vmem>>, vector<16xf32>,
        %add3A_1107 = arith.constant 672 : i32
        %add3A_1108 = arith.addi %add3A_1107, %scan3A_846 : i32
        %get3A_1109 = arith.index_cast %add3A_1108 : i32 to index
        %get3A_1110 = arith.constant 16 : index
        %get3A_1111 = tpu.vector_load %arg8[%get3A_1109, %get3A_1110] {strides = array<i32>} : memref<832x64xf32, #tpu.memory_space<vmem>>, vector<16xf32>,
        %add3A_1112 = arith.constant 704 : i32
        %add3A_1113 = arith.addi %add3A_1112, %scan3A_846 : i32
        %get3A_1114 = arith.index_cast %add3A_1113 : i32 to index
        %get3A_1115 = arith.constant 16 : index
        %get3A_1116 = tpu.vector_load %arg8[%get3A_1114, %get3A_1115] {strides = array<i32>} : memref<832x64xf32, #tpu.memory_space<vmem>>, vector<16xf32>,
        %add3A_1117 = arith.constant 736 : i32
        %add3A_1118 = arith.addi %add3A_1117, %scan3A_846 : i32
        %get3A_1119 = arith.index_cast %add3A_1118 : i32 to index
        %get3A_1120 = arith.constant 16 : index
        %get3A_1121 = tpu.vector_load %arg8[%get3A_1119, %get3A_1120] {strides = array<i32>} : memref<832x64xf32, #tpu.memory_space<vmem>>, vector<16xf32>,
        %add3A_1122 = arith.constant 768 : i32
        %add3A_1123 = arith.addi %add3A_1122, %scan3A_846 : i32
        %get3A_1124 = arith.index_cast %add3A_1123 : i32 to index
        %get3A_1125 = arith.constant 16 : index
        %get3A_1126 = tpu.vector_load %arg8[%get3A_1124, %get3A_1125] {strides = array<i32>} : memref<832x64xf32, #tpu.memory_space<vmem>>, vector<16xf32>,
        %add3A_1127 = arith.constant 800 : i32
        %add3A_1128 = arith.addi %add3A_1127, %scan3A_846 : i32
        %get3A_1129 = arith.index_cast %add3A_1128 : i32 to index
        %get3A_1130 = arith.constant 16 : index
        %get3A_1131 = tpu.vector_load %arg8[%get3A_1129, %get3A_1130] {strides = array<i32>} : memref<832x64xf32, #tpu.memory_space<vmem>>, vector<16xf32>,
        %add3A_1132 = arith.addf %get3A_1006, %get3A_1011 : vector<16xf32>
        %add3A_1133 = arith.addf %get3A_1016, %get3A_1021 : vector<16xf32>
        %add3A_1134 = arith.addf %get3A_1026, %get3A_1031 : vector<16xf32>
        %add3A_1135 = arith.addf %get3A_1036, %get3A_1041 : vector<16xf32>
        %add3A_1136 = arith.addf %get3A_1046, %get3A_1051 : vector<16xf32>
        %add3A_1137 = arith.addf %get3A_1056, %get3A_1061 : vector<16xf32>
        %add3A_1138 = arith.addf %get3A_1066, %get3A_1071 : vector<16xf32>
        %add3A_1139 = arith.addf %get3A_1076, %get3A_1081 : vector<16xf32>
        %add3A_1140 = arith.addf %get3A_1086, %get3A_1091 : vector<16xf32>
        %add3A_1141 = arith.addf %get3A_1096, %get3A_1101 : vector<16xf32>
        %add3A_1142 = arith.addf %get3A_1106, %get3A_1111 : vector<16xf32>
        %add3A_1143 = arith.addf %get3A_1116, %get3A_1121 : vector<16xf32>
        %add3A_1144 = arith.addf %get3A_1126, %get3A_1131 : vector<16xf32>
        %add3A_1145 = arith.addf %add3A_1132, %add3A_1133 : vector<16xf32>
        %add3A_1146 = arith.addf %add3A_1134, %add3A_1135 : vector<16xf32>
        %add3A_1147 = arith.addf %add3A_1136, %add3A_1137 : vector<16xf32>
        %add3A_1148 = arith.addf %add3A_1138, %add3A_1139 : vector<16xf32>
        %add3A_1149 = arith.addf %add3A_1140, %add3A_1141 : vector<16xf32>
        %add3A_1150 = arith.addf %add3A_1142, %add3A_1143 : vector<16xf32>
        %add3A_1151 = arith.addf %add3A_1145, %add3A_1146 : vector<16xf32>
        %add3A_1152 = arith.addf %add3A_1147, %add3A_1148 : vector<16xf32>
        %add3A_1153 = arith.addf %add3A_1149, %add3A_1150 : vector<16xf32>
        %add3A_1154 = arith.addf %add3A_1151, %add3A_1152 : vector<16xf32>
        %add3A_1155 = arith.addf %add3A_1153, %add3A_1144 : vector<16xf32>
        %add3A_1156 = arith.addf %add3A_1154, %add3A_1155 : vector<16xf32>
        tpu.vector_store_idx %arg9[%add3A_270, %broadcast_in_dim3A], %add3A_1156 : memref<64x32xf32, #tpu.memory_space<vmem>>[vector<16xi32>, vector<16xi32>], vector<16xf32>,
        %add3A_1157 = arith.constant 0 : i32
        %add3A_1158 = arith.addi %add3A_1157, %scan3A_846 : i32
        %get3A_1159 = arith.index_cast %add3A_1158 : i32 to index
        %get3A_1160 = arith.constant 32 : index
        %get3A_1161 = tpu.vector_load %arg8[%get3A_1159, %get3A_1160] {strides = array<i32>} : memref<832x64xf32, #tpu.memory_space<vmem>>, vector<16xf32>,
        %add3A_1162 = arith.constant 32 : i32
        %add3A_1163 = arith.addi %add3A_1162, %scan3A_846 : i32
        %get3A_1164 = arith.index_cast %add3A_1163 : i32 to index
        %get3A_1165 = arith.constant 32 : index
        %get3A_1166 = tpu.vector_load %arg8[%get3A_1164, %get3A_1165] {strides = array<i32>} : memref<832x64xf32, #tpu.memory_space<vmem>>, vector<16xf32>,
        %add3A_1167 = arith.constant 64 : i32
        %add3A_1168 = arith.addi %add3A_1167, %scan3A_846 : i32
        %get3A_1169 = arith.index_cast %add3A_1168 : i32 to index
        %get3A_1170 = arith.constant 32 : index
        %get3A_1171 = tpu.vector_load %arg8[%get3A_1169, %get3A_1170] {strides = array<i32>} : memref<832x64xf32, #tpu.memory_space<vmem>>, vector<16xf32>,
        %add3A_1172 = arith.constant 96 : i32
        %add3A_1173 = arith.addi %add3A_1172, %scan3A_846 : i32
        %get3A_1174 = arith.index_cast %add3A_1173 : i32 to index
        %get3A_1175 = arith.constant 32 : index
        %get3A_1176 = tpu.vector_load %arg8[%get3A_1174, %get3A_1175] {strides = array<i32>} : memref<832x64xf32, #tpu.memory_space<vmem>>, vector<16xf32>,
        %add3A_1177 = arith.constant 128 : i32
        %add3A_1178 = arith.addi %add3A_1177, %scan3A_846 : i32
        %get3A_1179 = arith.index_cast %add3A_1178 : i32 to index
        %get3A_1180 = arith.constant 32 : index
        %get3A_1181 = tpu.vector_load %arg8[%get3A_1179, %get3A_1180] {strides = array<i32>} : memref<832x64xf32, #tpu.memory_space<vmem>>, vector<16xf32>,
        %add3A_1182 = arith.constant 160 : i32
        %add3A_1183 = arith.addi %add3A_1182, %scan3A_846 : i32
        %get3A_1184 = arith.index_cast %add3A_1183 : i32 to index
        %get3A_1185 = arith.constant 32 : index
        %get3A_1186 = tpu.vector_load %arg8[%get3A_1184, %get3A_1185] {strides = array<i32>} : memref<832x64xf32, #tpu.memory_space<vmem>>, vector<16xf32>,
        %add3A_1187 = arith.constant 192 : i32
        %add3A_1188 = arith.addi %add3A_1187, %scan3A_846 : i32
        %get3A_1189 = arith.index_cast %add3A_1188 : i32 to index
        %get3A_1190 = arith.constant 32 : index
        %get3A_1191 = tpu.vector_load %arg8[%get3A_1189, %get3A_1190] {strides = array<i32>} : memref<832x64xf32, #tpu.memory_space<vmem>>, vector<16xf32>,
        %add3A_1192 = arith.constant 224 : i32
        %add3A_1193 = arith.addi %add3A_1192, %scan3A_846 : i32
        %get3A_1194 = arith.index_cast %add3A_1193 : i32 to index
        %get3A_1195 = arith.constant 32 : index
        %get3A_1196 = tpu.vector_load %arg8[%get3A_1194, %get3A_1195] {strides = array<i32>} : memref<832x64xf32, #tpu.memory_space<vmem>>, vector<16xf32>,
        %add3A_1197 = arith.constant 256 : i32
        %add3A_1198 = arith.addi %add3A_1197, %scan3A_846 : i32
        %get3A_1199 = arith.index_cast %add3A_1198 : i32 to index
        %get3A_1200 = arith.constant 32 : index
        %get3A_1201 = tpu.vector_load %arg8[%get3A_1199, %get3A_1200] {strides = array<i32>} : memref<832x64xf32, #tpu.memory_space<vmem>>, vector<16xf32>,
        %add3A_1202 = arith.constant 288 : i32
        %add3A_1203 = arith.addi %add3A_1202, %scan3A_846 : i32
        %get3A_1204 = arith.index_cast %add3A_1203 : i32 to index
        %get3A_1205 = arith.constant 32 : index
        %get3A_1206 = tpu.vector_load %arg8[%get3A_1204, %get3A_1205] {strides = array<i32>} : memref<832x64xf32, #tpu.memory_space<vmem>>, vector<16xf32>,
        %add3A_1207 = arith.constant 320 : i32
        %add3A_1208 = arith.addi %add3A_1207, %scan3A_846 : i32
        %get3A_1209 = arith.index_cast %add3A_1208 : i32 to index
        %get3A_1210 = arith.constant 32 : index
        %get3A_1211 = tpu.vector_load %arg8[%get3A_1209, %get3A_1210] {strides = array<i32>} : memref<832x64xf32, #tpu.memory_space<vmem>>, vector<16xf32>,
        %add3A_1212 = arith.constant 352 : i32
        %add3A_1213 = arith.addi %add3A_1212, %scan3A_846 : i32
        %get3A_1214 = arith.index_cast %add3A_1213 : i32 to index
        %get3A_1215 = arith.constant 32 : index
        %get3A_1216 = tpu.vector_load %arg8[%get3A_1214, %get3A_1215] {strides = array<i32>} : memref<832x64xf32, #tpu.memory_space<vmem>>, vector<16xf32>,
        %add3A_1217 = arith.constant 384 : i32
        %add3A_1218 = arith.addi %add3A_1217, %scan3A_846 : i32
        %get3A_1219 = arith.index_cast %add3A_1218 : i32 to index
        %get3A_1220 = arith.constant 32 : index
        %get3A_1221 = tpu.vector_load %arg8[%get3A_1219, %get3A_1220] {strides = array<i32>} : memref<832x64xf32, #tpu.memory_space<vmem>>, vector<16xf32>,
        %add3A_1222 = arith.constant 416 : i32
        %add3A_1223 = arith.addi %add3A_1222, %scan3A_846 : i32
        %get3A_1224 = arith.index_cast %add3A_1223 : i32 to index
        %get3A_1225 = arith.constant 32 : index
        %get3A_1226 = tpu.vector_load %arg8[%get3A_1224, %get3A_1225] {strides = array<i32>} : memref<832x64xf32, #tpu.memory_space<vmem>>, vector<16xf32>,
        %add3A_1227 = arith.constant 448 : i32
        %add3A_1228 = arith.addi %add3A_1227, %scan3A_846 : i32
        %get3A_1229 = arith.index_cast %add3A_1228 : i32 to index
        %get3A_1230 = arith.constant 32 : index
        %get3A_1231 = tpu.vector_load %arg8[%get3A_1229, %get3A_1230] {strides = array<i32>} : memref<832x64xf32, #tpu.memory_space<vmem>>, vector<16xf32>,
        %add3A_1232 = arith.constant 480 : i32
        %add3A_1233 = arith.addi %add3A_1232, %scan3A_846 : i32
        %get3A_1234 = arith.index_cast %add3A_1233 : i32 to index
        %get3A_1235 = arith.constant 32 : index
        %get3A_1236 = tpu.vector_load %arg8[%get3A_1234, %get3A_1235] {strides = array<i32>} : memref<832x64xf32, #tpu.memory_space<vmem>>, vector<16xf32>,
        %add3A_1237 = arith.constant 512 : i32
        %add3A_1238 = arith.addi %add3A_1237, %scan3A_846 : i32
        %get3A_1239 = arith.index_cast %add3A_1238 : i32 to index
        %get3A_1240 = arith.constant 32 : index
        %get3A_1241 = tpu.vector_load %arg8[%get3A_1239, %get3A_1240] {strides = array<i32>} : memref<832x64xf32, #tpu.memory_space<vmem>>, vector<16xf32>,
        %add3A_1242 = arith.constant 544 : i32
        %add3A_1243 = arith.addi %add3A_1242, %scan3A_846 : i32
        %get3A_1244 = arith.index_cast %add3A_1243 : i32 to index
        %get3A_1245 = arith.constant 32 : index
        %get3A_1246 = tpu.vector_load %arg8[%get3A_1244, %get3A_1245] {strides = array<i32>} : memref<832x64xf32, #tpu.memory_space<vmem>>, vector<16xf32>,
        %add3A_1247 = arith.constant 576 : i32
        %add3A_1248 = arith.addi %add3A_1247, %scan3A_846 : i32
        %get3A_1249 = arith.index_cast %add3A_1248 : i32 to index
        %get3A_1250 = arith.constant 32 : index
        %get3A_1251 = tpu.vector_load %arg8[%get3A_1249, %get3A_1250] {strides = array<i32>} : memref<832x64xf32, #tpu.memory_space<vmem>>, vector<16xf32>,
        %add3A_1252 = arith.constant 608 : i32
        %add3A_1253 = arith.addi %add3A_1252, %scan3A_846 : i32
        %get3A_1254 = arith.index_cast %add3A_1253 : i32 to index
        %get3A_1255 = arith.constant 32 : index
        %get3A_1256 = tpu.vector_load %arg8[%get3A_1254, %get3A_1255] {strides = array<i32>} : memref<832x64xf32, #tpu.memory_space<vmem>>, vector<16xf32>,
        %add3A_1257 = arith.constant 640 : i32
        %add3A_1258 = arith.addi %add3A_1257, %scan3A_846 : i32
        %get3A_1259 = arith.index_cast %add3A_1258 : i32 to index
        %get3A_1260 = arith.constant 32 : index
        %get3A_1261 = tpu.vector_load %arg8[%get3A_1259, %get3A_1260] {strides = array<i32>} : memref<832x64xf32, #tpu.memory_space<vmem>>, vector<16xf32>,
        %add3A_1262 = arith.constant 672 : i32
        %add3A_1263 = arith.addi %add3A_1262, %scan3A_846 : i32
        %get3A_1264 = arith.index_cast %add3A_1263 : i32 to index
        %get3A_1265 = arith.constant 32 : index
        %get3A_1266 = tpu.vector_load %arg8[%get3A_1264, %get3A_1265] {strides = array<i32>} : memref<832x64xf32, #tpu.memory_space<vmem>>, vector<16xf32>,
        %add3A_1267 = arith.constant 704 : i32
        %add3A_1268 = arith.addi %add3A_1267, %scan3A_846 : i32
        %get3A_1269 = arith.index_cast %add3A_1268 : i32 to index
        %get3A_1270 = arith.constant 32 : index
        %get3A_1271 = tpu.vector_load %arg8[%get3A_1269, %get3A_1270] {strides = array<i32>} : memref<832x64xf32, #tpu.memory_space<vmem>>, vector<16xf32>,
        %add3A_1272 = arith.constant 736 : i32
        %add3A_1273 = arith.addi %add3A_1272, %scan3A_846 : i32
        %get3A_1274 = arith.index_cast %add3A_1273 : i32 to index
        %get3A_1275 = arith.constant 32 : index
        %get3A_1276 = tpu.vector_load %arg8[%get3A_1274, %get3A_1275] {strides = array<i32>} : memref<832x64xf32, #tpu.memory_space<vmem>>, vector<16xf32>,
        %add3A_1277 = arith.constant 768 : i32
        %add3A_1278 = arith.addi %add3A_1277, %scan3A_846 : i32
        %get3A_1279 = arith.index_cast %add3A_1278 : i32 to index
        %get3A_1280 = arith.constant 32 : index
        %get3A_1281 = tpu.vector_load %arg8[%get3A_1279, %get3A_1280] {strides = array<i32>} : memref<832x64xf32, #tpu.memory_space<vmem>>, vector<16xf32>,
        %add3A_1282 = arith.constant 800 : i32
        %add3A_1283 = arith.addi %add3A_1282, %scan3A_846 : i32
        %get3A_1284 = arith.index_cast %add3A_1283 : i32 to index
        %get3A_1285 = arith.constant 32 : index
        %get3A_1286 = tpu.vector_load %arg8[%get3A_1284, %get3A_1285] {strides = array<i32>} : memref<832x64xf32, #tpu.memory_space<vmem>>, vector<16xf32>,
        %add3A_1287 = arith.addf %get3A_1161, %get3A_1166 : vector<16xf32>
        %add3A_1288 = arith.addf %get3A_1171, %get3A_1176 : vector<16xf32>
        %add3A_1289 = arith.addf %get3A_1181, %get3A_1186 : vector<16xf32>
        %add3A_1290 = arith.addf %get3A_1191, %get3A_1196 : vector<16xf32>
        %add3A_1291 = arith.addf %get3A_1201, %get3A_1206 : vector<16xf32>
        %add3A_1292 = arith.addf %get3A_1211, %get3A_1216 : vector<16xf32>
        %add3A_1293 = arith.addf %get3A_1221, %get3A_1226 : vector<16xf32>
        %add3A_1294 = arith.addf %get3A_1231, %get3A_1236 : vector<16xf32>
        %add3A_1295 = arith.addf %get3A_1241, %get3A_1246 : vector<16xf32>
        %add3A_1296 = arith.addf %get3A_1251, %get3A_1256 : vector<16xf32>
        %add3A_1297 = arith.addf %get3A_1261, %get3A_1266 : vector<16xf32>
        %add3A_1298 = arith.addf %get3A_1271, %get3A_1276 : vector<16xf32>
        %add3A_1299 = arith.addf %get3A_1281, %get3A_1286 : vector<16xf32>
        %add3A_1300 = arith.addf %add3A_1287, %add3A_1288 : vector<16xf32>
        %add3A_1301 = arith.addf %add3A_1289, %add3A_1290 : vector<16xf32>
        %add3A_1302 = arith.addf %add3A_1291, %add3A_1292 : vector<16xf32>
        %add3A_1303 = arith.addf %add3A_1293, %add3A_1294 : vector<16xf32>
        %add3A_1304 = arith.addf %add3A_1295, %add3A_1296 : vector<16xf32>
        %add3A_1305 = arith.addf %add3A_1297, %add3A_1298 : vector<16xf32>
        %add3A_1306 = arith.addf %add3A_1300, %add3A_1301 : vector<16xf32>
        %add3A_1307 = arith.addf %add3A_1302, %add3A_1303 : vector<16xf32>
        %add3A_1308 = arith.addf %add3A_1304, %add3A_1305 : vector<16xf32>
        %add3A_1309 = arith.addf %add3A_1306, %add3A_1307 : vector<16xf32>
        %add3A_1310 = arith.addf %add3A_1308, %add3A_1299 : vector<16xf32>
        %add3A_1311 = arith.addf %add3A_1309, %add3A_1310 : vector<16xf32>
        tpu.vector_store_idx %arg9[%add3A_274, %broadcast_in_dim3A], %add3A_1311 : memref<64x32xf32, #tpu.memory_space<vmem>>[vector<16xi32>, vector<16xi32>], vector<16xf32>,
        %add3A_1312 = arith.constant 0 : i32
        %add3A_1313 = arith.addi %add3A_1312, %scan3A_846 : i32
        %get3A_1314 = arith.index_cast %add3A_1313 : i32 to index
        %get3A_1315 = arith.constant 48 : index
        %get3A_1316 = tpu.vector_load %arg8[%get3A_1314, %get3A_1315] {strides = array<i32>} : memref<832x64xf32, #tpu.memory_space<vmem>>, vector<16xf32>,
        %add3A_1317 = arith.constant 32 : i32
        %add3A_1318 = arith.addi %add3A_1317, %scan3A_846 : i32
        %get3A_1319 = arith.index_cast %add3A_1318 : i32 to index
        %get3A_1320 = arith.constant 48 : index
        %get3A_1321 = tpu.vector_load %arg8[%get3A_1319, %get3A_1320] {strides = array<i32>} : memref<832x64xf32, #tpu.memory_space<vmem>>, vector<16xf32>,
        %add3A_1322 = arith.constant 64 : i32
        %add3A_1323 = arith.addi %add3A_1322, %scan3A_846 : i32
        %get3A_1324 = arith.index_cast %add3A_1323 : i32 to index
        %get3A_1325 = arith.constant 48 : index
        %get3A_1326 = tpu.vector_load %arg8[%get3A_1324, %get3A_1325] {strides = array<i32>} : memref<832x64xf32, #tpu.memory_space<vmem>>, vector<16xf32>,
        %add3A_1327 = arith.constant 96 : i32
        %add3A_1328 = arith.addi %add3A_1327, %scan3A_846 : i32
        %get3A_1329 = arith.index_cast %add3A_1328 : i32 to index
        %get3A_1330 = arith.constant 48 : index
        %get3A_1331 = tpu.vector_load %arg8[%get3A_1329, %get3A_1330] {strides = array<i32>} : memref<832x64xf32, #tpu.memory_space<vmem>>, vector<16xf32>,
        %add3A_1332 = arith.constant 128 : i32
        %add3A_1333 = arith.addi %add3A_1332, %scan3A_846 : i32
        %get3A_1334 = arith.index_cast %add3A_1333 : i32 to index
        %get3A_1335 = arith.constant 48 : index
        %get3A_1336 = tpu.vector_load %arg8[%get3A_1334, %get3A_1335] {strides = array<i32>} : memref<832x64xf32, #tpu.memory_space<vmem>>, vector<16xf32>,
        %add3A_1337 = arith.constant 160 : i32
        %add3A_1338 = arith.addi %add3A_1337, %scan3A_846 : i32
        %get3A_1339 = arith.index_cast %add3A_1338 : i32 to index
        %get3A_1340 = arith.constant 48 : index
        %get3A_1341 = tpu.vector_load %arg8[%get3A_1339, %get3A_1340] {strides = array<i32>} : memref<832x64xf32, #tpu.memory_space<vmem>>, vector<16xf32>,
        %add3A_1342 = arith.constant 192 : i32
        %add3A_1343 = arith.addi %add3A_1342, %scan3A_846 : i32
        %get3A_1344 = arith.index_cast %add3A_1343 : i32 to index
        %get3A_1345 = arith.constant 48 : index
        %get3A_1346 = tpu.vector_load %arg8[%get3A_1344, %get3A_1345] {strides = array<i32>} : memref<832x64xf32, #tpu.memory_space<vmem>>, vector<16xf32>,
        %add3A_1347 = arith.constant 224 : i32
        %add3A_1348 = arith.addi %add3A_1347, %scan3A_846 : i32
        %get3A_1349 = arith.index_cast %add3A_1348 : i32 to index
        %get3A_1350 = arith.constant 48 : index
        %get3A_1351 = tpu.vector_load %arg8[%get3A_1349, %get3A_1350] {strides = array<i32>} : memref<832x64xf32, #tpu.memory_space<vmem>>, vector<16xf32>,
        %add3A_1352 = arith.constant 256 : i32
        %add3A_1353 = arith.addi %add3A_1352, %scan3A_846 : i32
        %get3A_1354 = arith.index_cast %add3A_1353 : i32 to index
        %get3A_1355 = arith.constant 48 : index
        %get3A_1356 = tpu.vector_load %arg8[%get3A_1354, %get3A_1355] {strides = array<i32>} : memref<832x64xf32, #tpu.memory_space<vmem>>, vector<16xf32>,
        %add3A_1357 = arith.constant 288 : i32
        %add3A_1358 = arith.addi %add3A_1357, %scan3A_846 : i32
        %get3A_1359 = arith.index_cast %add3A_1358 : i32 to index
        %get3A_1360 = arith.constant 48 : index
        %get3A_1361 = tpu.vector_load %arg8[%get3A_1359, %get3A_1360] {strides = array<i32>} : memref<832x64xf32, #tpu.memory_space<vmem>>, vector<16xf32>,
        %add3A_1362 = arith.constant 320 : i32
        %add3A_1363 = arith.addi %add3A_1362, %scan3A_846 : i32
        %get3A_1364 = arith.index_cast %add3A_1363 : i32 to index
        %get3A_1365 = arith.constant 48 : index
        %get3A_1366 = tpu.vector_load %arg8[%get3A_1364, %get3A_1365] {strides = array<i32>} : memref<832x64xf32, #tpu.memory_space<vmem>>, vector<16xf32>,
        %add3A_1367 = arith.constant 352 : i32
        %add3A_1368 = arith.addi %add3A_1367, %scan3A_846 : i32
        %get3A_1369 = arith.index_cast %add3A_1368 : i32 to index
        %get3A_1370 = arith.constant 48 : index
        %get3A_1371 = tpu.vector_load %arg8[%get3A_1369, %get3A_1370] {strides = array<i32>} : memref<832x64xf32, #tpu.memory_space<vmem>>, vector<16xf32>,
        %add3A_1372 = arith.constant 384 : i32
        %add3A_1373 = arith.addi %add3A_1372, %scan3A_846 : i32
        %get3A_1374 = arith.index_cast %add3A_1373 : i32 to index
        %get3A_1375 = arith.constant 48 : index
        %get3A_1376 = tpu.vector_load %arg8[%get3A_1374, %get3A_1375] {strides = array<i32>} : memref<832x64xf32, #tpu.memory_space<vmem>>, vector<16xf32>,
        %add3A_1377 = arith.constant 416 : i32
        %add3A_1378 = arith.addi %add3A_1377, %scan3A_846 : i32
        %get3A_1379 = arith.index_cast %add3A_1378 : i32 to index
        %get3A_1380 = arith.constant 48 : index
        %get3A_1381 = tpu.vector_load %arg8[%get3A_1379, %get3A_1380] {strides = array<i32>} : memref<832x64xf32, #tpu.memory_space<vmem>>, vector<16xf32>,
        %add3A_1382 = arith.constant 448 : i32
        %add3A_1383 = arith.addi %add3A_1382, %scan3A_846 : i32
        %get3A_1384 = arith.index_cast %add3A_1383 : i32 to index
        %get3A_1385 = arith.constant 48 : index
        %get3A_1386 = tpu.vector_load %arg8[%get3A_1384, %get3A_1385] {strides = array<i32>} : memref<832x64xf32, #tpu.memory_space<vmem>>, vector<16xf32>,
        %add3A_1387 = arith.constant 480 : i32
        %add3A_1388 = arith.addi %add3A_1387, %scan3A_846 : i32
        %get3A_1389 = arith.index_cast %add3A_1388 : i32 to index
        %get3A_1390 = arith.constant 48 : index
        %get3A_1391 = tpu.vector_load %arg8[%get3A_1389, %get3A_1390] {strides = array<i32>} : memref<832x64xf32, #tpu.memory_space<vmem>>, vector<16xf32>,
        %add3A_1392 = arith.constant 512 : i32
        %add3A_1393 = arith.addi %add3A_1392, %scan3A_846 : i32
        %get3A_1394 = arith.index_cast %add3A_1393 : i32 to index
        %get3A_1395 = arith.constant 48 : index
        %get3A_1396 = tpu.vector_load %arg8[%get3A_1394, %get3A_1395] {strides = array<i32>} : memref<832x64xf32, #tpu.memory_space<vmem>>, vector<16xf32>,
        %add3A_1397 = arith.constant 544 : i32
        %add3A_1398 = arith.addi %add3A_1397, %scan3A_846 : i32
        %get3A_1399 = arith.index_cast %add3A_1398 : i32 to index
        %get3A_1400 = arith.constant 48 : index
        %get3A_1401 = tpu.vector_load %arg8[%get3A_1399, %get3A_1400] {strides = array<i32>} : memref<832x64xf32, #tpu.memory_space<vmem>>, vector<16xf32>,
        %add3A_1402 = arith.constant 576 : i32
        %add3A_1403 = arith.addi %add3A_1402, %scan3A_846 : i32
        %get3A_1404 = arith.index_cast %add3A_1403 : i32 to index
        %get3A_1405 = arith.constant 48 : index
        %get3A_1406 = tpu.vector_load %arg8[%get3A_1404, %get3A_1405] {strides = array<i32>} : memref<832x64xf32, #tpu.memory_space<vmem>>, vector<16xf32>,
        %add3A_1407 = arith.constant 608 : i32
        %add3A_1408 = arith.addi %add3A_1407, %scan3A_846 : i32
        %get3A_1409 = arith.index_cast %add3A_1408 : i32 to index
        %get3A_1410 = arith.constant 48 : index
        %get3A_1411 = tpu.vector_load %arg8[%get3A_1409, %get3A_1410] {strides = array<i32>} : memref<832x64xf32, #tpu.memory_space<vmem>>, vector<16xf32>,
        %add3A_1412 = arith.constant 640 : i32
        %add3A_1413 = arith.addi %add3A_1412, %scan3A_846 : i32
        %get3A_1414 = arith.index_cast %add3A_1413 : i32 to index
        %get3A_1415 = arith.constant 48 : index
        %get3A_1416 = tpu.vector_load %arg8[%get3A_1414, %get3A_1415] {strides = array<i32>} : memref<832x64xf32, #tpu.memory_space<vmem>>, vector<16xf32>,
        %add3A_1417 = arith.constant 672 : i32
        %add3A_1418 = arith.addi %add3A_1417, %scan3A_846 : i32
        %get3A_1419 = arith.index_cast %add3A_1418 : i32 to index
        %get3A_1420 = arith.constant 48 : index
        %get3A_1421 = tpu.vector_load %arg8[%get3A_1419, %get3A_1420] {strides = array<i32>} : memref<832x64xf32, #tpu.memory_space<vmem>>, vector<16xf32>,
        %add3A_1422 = arith.constant 704 : i32
        %add3A_1423 = arith.addi %add3A_1422, %scan3A_846 : i32
        %get3A_1424 = arith.index_cast %add3A_1423 : i32 to index
        %get3A_1425 = arith.constant 48 : index
        %get3A_1426 = tpu.vector_load %arg8[%get3A_1424, %get3A_1425] {strides = array<i32>} : memref<832x64xf32, #tpu.memory_space<vmem>>, vector<16xf32>,
        %add3A_1427 = arith.constant 736 : i32
        %add3A_1428 = arith.addi %add3A_1427, %scan3A_846 : i32
        %get3A_1429 = arith.index_cast %add3A_1428 : i32 to index
        %get3A_1430 = arith.constant 48 : index
        %get3A_1431 = tpu.vector_load %arg8[%get3A_1429, %get3A_1430] {strides = array<i32>} : memref<832x64xf32, #tpu.memory_space<vmem>>, vector<16xf32>,
        %add3A_1432 = arith.constant 768 : i32
        %add3A_1433 = arith.addi %add3A_1432, %scan3A_846 : i32
        %get3A_1434 = arith.index_cast %add3A_1433 : i32 to index
        %get3A_1435 = arith.constant 48 : index
        %get3A_1436 = tpu.vector_load %arg8[%get3A_1434, %get3A_1435] {strides = array<i32>} : memref<832x64xf32, #tpu.memory_space<vmem>>, vector<16xf32>,
        %add3A_1437 = arith.constant 800 : i32
        %add3A_1438 = arith.addi %add3A_1437, %scan3A_846 : i32
        %get3A_1439 = arith.index_cast %add3A_1438 : i32 to index
        %get3A_1440 = arith.constant 48 : index
        %get3A_1441 = tpu.vector_load %arg8[%get3A_1439, %get3A_1440] {strides = array<i32>} : memref<832x64xf32, #tpu.memory_space<vmem>>, vector<16xf32>,
        %add3A_1442 = arith.addf %get3A_1316, %get3A_1321 : vector<16xf32>
        %add3A_1443 = arith.addf %get3A_1326, %get3A_1331 : vector<16xf32>
        %add3A_1444 = arith.addf %get3A_1336, %get3A_1341 : vector<16xf32>
        %add3A_1445 = arith.addf %get3A_1346, %get3A_1351 : vector<16xf32>
        %add3A_1446 = arith.addf %get3A_1356, %get3A_1361 : vector<16xf32>
        %add3A_1447 = arith.addf %get3A_1366, %get3A_1371 : vector<16xf32>
        %add3A_1448 = arith.addf %get3A_1376, %get3A_1381 : vector<16xf32>
        %add3A_1449 = arith.addf %get3A_1386, %get3A_1391 : vector<16xf32>
        %add3A_1450 = arith.addf %get3A_1396, %get3A_1401 : vector<16xf32>
        %add3A_1451 = arith.addf %get3A_1406, %get3A_1411 : vector<16xf32>
        %add3A_1452 = arith.addf %get3A_1416, %get3A_1421 : vector<16xf32>
        %add3A_1453 = arith.addf %get3A_1426, %get3A_1431 : vector<16xf32>
        %add3A_1454 = arith.addf %get3A_1436, %get3A_1441 : vector<16xf32>
        %add3A_1455 = arith.addf %add3A_1442, %add3A_1443 : vector<16xf32>
        %add3A_1456 = arith.addf %add3A_1444, %add3A_1445 : vector<16xf32>
        %add3A_1457 = arith.addf %add3A_1446, %add3A_1447 : vector<16xf32>
        %add3A_1458 = arith.addf %add3A_1448, %add3A_1449 : vector<16xf32>
        %add3A_1459 = arith.addf %add3A_1450, %add3A_1451 : vector<16xf32>
        %add3A_1460 = arith.addf %add3A_1452, %add3A_1453 : vector<16xf32>
        %add3A_1461 = arith.addf %add3A_1455, %add3A_1456 : vector<16xf32>
        %add3A_1462 = arith.addf %add3A_1457, %add3A_1458 : vector<16xf32>
        %add3A_1463 = arith.addf %add3A_1459, %add3A_1460 : vector<16xf32>
        %add3A_1464 = arith.addf %add3A_1461, %add3A_1462 : vector<16xf32>
        %add3A_1465 = arith.addf %add3A_1463, %add3A_1454 : vector<16xf32>
        %add3A_1466 = arith.addf %add3A_1464, %add3A_1465 : vector<16xf32>
        tpu.vector_store_idx %arg9[%add3A_278, %broadcast_in_dim3A], %add3A_1466 : memref<64x32xf32, #tpu.memory_space<vmem>>[vector<16xi32>, vector<16xi32>], vector<16xf32>,
        %scan3A_1467 = arith.constant 0 : i32
        scf.yield %scan3A_1467 : i32
      }
      %scan3A_841 = arith.constant 32 : i32
      %mul3A_842 = arith.constant 32 : i32
      %mul3A_843 = arith.muli %add3A_567, %mul3A_842 : i32
      %add3A_844 = arith.addi %mul3A_2, %mul3A_843 : i32
      "tpu.region"() ({
        %run_scoped3A = tpu.sem_alloc : memref<!tpu.dma_semaphore, #tpu.memory_space<semaphore_mem>>
        %dma_start3A_846 = arith.constant 0 : i32
        %dma_start3A_847 = tpu.memref_slice %arg4[%dma_start3A_846, %add3A_844] : memref<64x16384xf32, #tpu.memory_space<hbm>> -> memref<64x32xf32, #tpu.memory_space<hbm>>
        %dma_start3A_848 = arith.constant 0 : i32
        %dma_start3A_849 = tpu.memref_slice %arg4[%dma_start3A_848, %add3A_844] : memref<64x16384xf32, #tpu.memory_space<hbm>> -> memref<64x32xf32, #tpu.memory_space<hbm>>
        tpu.enqueue_dma source(%arg9 : memref<64x32xf32, #tpu.memory_space<vmem>>) target(%dma_start3A_849 : memref<64x32xf32, #tpu.memory_space<hbm>>) target_semaphore(%run_scoped3A : memref<!tpu.dma_semaphore, #tpu.memory_space<semaphore_mem>>)
        %dma_wait3A_850 = arith.constant 0 : i32
        %dma_wait3A_851 = tpu.memref_slice %arg4[%dma_wait3A_850, %add3A_844] : memref<64x16384xf32, #tpu.memory_space<hbm>> -> memref<64x32xf32, #tpu.memory_space<hbm>>
        %dma_wait3A_852 = arith.constant 0 : i32
        %dma_wait3A_853 = tpu.memref_slice %arg4[%dma_wait3A_852, %add3A_844] : memref<64x16384xf32, #tpu.memory_space<hbm>> -> memref<64x32xf32, #tpu.memory_space<hbm>>
        tpu.wait_dma2 semaphore(%run_scoped3A : memref<!tpu.dma_semaphore, #tpu.memory_space<semaphore_mem>>) src(%arg9 : memref<64x32xf32, #tpu.memory_space<vmem>>) dst(%dma_wait3A_853 : memref<64x32xf32, #tpu.memory_space<hbm>>)
        tpu.yield
      }) : () -> ()
      %scan3A_845 = arith.constant 0 : i32
      scf.yield %scan3A_845 : i32
    }
    %scan3A_284 = arith.constant 8 : i32
    return
  }
}

module attributes {stable_mosaic.version = 14 : i64} {
  func.func @body(%arg0: memref<13x20x16384xf32, #tpu.memory_space<vmem>>, %arg1: memref<2x13xf32, #tpu.memory_space<vmem>>) attributes {dimension_semantics = [], scalar_prefetch = 0 : i64, scratch_operands = 0 : i64, tpu.core_type = #tpu.core_type<tc>} {
    %get3A = arith.constant 0 : index
    %get3A_0 = arith.constant 0 : index
    %get3A_1 = arith.constant 0 : index
    %get3A_2 = vector.load %arg0[%get3A, %get3A_0, %get3A_1] : memref<13x20x16384xf32, #tpu.memory_space<vmem>>, vector<13x20x16384xf32>
    %reduce_sum3A = arith.constant dense<0.000000e+00> : vector<13x16384xf32>
    %reduce_sum3A_3 = vector.multi_reduction <add>, %get3A_2, %reduce_sum3A [1] : vector<13x20x16384xf32> to vector<13x16384xf32>
    %reduce_sum3A_4 = arith.constant dense<0.000000e+00> : vector<13xf32>
    %reduce_sum3A_5 = vector.multi_reduction <add>, %reduce_sum3A_3, %reduce_sum3A_4 [1] : vector<13x16384xf32> to vector<13xf32>
    %swap3A = arith.constant 0 : index
    %swap3A_6 = arith.constant 0 : index
    %swap3A_7 = vector.load %arg1[%swap3A, %swap3A_6] : memref<2x13xf32, #tpu.memory_space<vmem>>, vector<1x13xf32>
    %swap3A_8 = vector.shape_cast %swap3A_7 : vector<1x13xf32> to vector<13xf32>
    %swap3A_9 = vector.shape_cast %reduce_sum3A_5 : vector<13xf32> to vector<1x13xf32>
    tpu.vector_store %arg1[%swap3A, %swap3A_6], %swap3A_9 {strides = array<i32>} : memref<2x13xf32, #tpu.memory_space<vmem>>, vector<1x13xf32>,
    %mul3A = arith.mulf %get3A_2, %get3A_2 : vector<13x20x16384xf32>
    %reduce_sum3A_10 = arith.constant dense<0.000000e+00> : vector<13x16384xf32>
    %reduce_sum3A_11 = vector.multi_reduction <add>, %mul3A, %reduce_sum3A_10 [1] : vector<13x20x16384xf32> to vector<13x16384xf32>
    %reduce_sum3A_12 = arith.constant dense<0.000000e+00> : vector<13xf32>
    %reduce_sum3A_13 = vector.multi_reduction <add>, %reduce_sum3A_11, %reduce_sum3A_12 [1] : vector<13x16384xf32> to vector<13xf32>
    %swap3A_14 = arith.constant 1 : index
    %swap3A_15 = arith.constant 0 : index
    %swap3A_16 = vector.load %arg1[%swap3A_14, %swap3A_15] : memref<2x13xf32, #tpu.memory_space<vmem>>, vector<1x13xf32>
    %swap3A_17 = vector.shape_cast %swap3A_16 : vector<1x13xf32> to vector<13xf32>
    %swap3A_18 = vector.shape_cast %reduce_sum3A_13 : vector<13xf32> to vector<1x13xf32>
    tpu.vector_store %arg1[%swap3A_14, %swap3A_15], %swap3A_18 {strides = array<i32>} : memref<2x13xf32, #tpu.memory_space<vmem>>, vector<1x13xf32>,
    return
  }
}

module attributes {stable_mosaic.version = 14 : i64} {
  func.func @body(%arg0: i32, %arg1: memref<64x13xf32, #tpu.memory_space<vmem>>, %arg2: memref<64x1xf32, #tpu.memory_space<vmem>>, %arg3: memref<13x20x2048xf32, #tpu.memory_space<vmem>>, %arg4: memref<64x2048xf32, #tpu.memory_space<vmem>>, %arg5: memref<20x64x2048xf32, #tpu.memory_space<vmem>>) attributes {dimension_semantics = [#tpu.dimension_semantics<arbitrary>], iteration_bounds = array<i64: 8>, scalar_prefetch = 0 : i64, scratch_operands = 0 : i64, tpu.core_type = #tpu.core_type<tc>, window_params = [{pipeline_mode = #tpu.pipeline_mode<synchronous>, transform_indices = @transform_0, window_bounds = array<i64: 64, 13>}, {pipeline_mode = #tpu.pipeline_mode<synchronous>, transform_indices = @transform_1, window_bounds = array<i64: 64, 1>}, {transform_indices = @transform_2, window_bounds = array<i64: 13, 20, 2048>}, {transform_indices = @transform_3, window_bounds = array<i64: 64, 2048>}, {transform_indices = @transform_4, window_bounds = array<i64: 20, 64, 2048>}]} {
    %get3A = arith.constant 0 : index
    %get3A_0 = arith.constant 0 : index
    %get3A_1 = vector.load %arg1[%get3A, %get3A_0] : memref<64x13xf32, #tpu.memory_space<vmem>>, vector<64x13xf32>
    %get3A_2 = arith.constant 0 : index
    %get3A_3 = arith.constant 0 : index
    %get3A_4 = vector.load %arg4[%get3A_2, %get3A_3] : memref<64x2048xf32, #tpu.memory_space<vmem>>, vector<64x2048xf32>
    %get3A_5 = arith.constant 0 : index
    %get3A_6 = arith.constant 0 : index
    %get3A_7 = vector.load %arg2[%get3A_5, %get3A_6] : memref<64x1xf32, #tpu.memory_space<vmem>>, vector<64x1xf32>
    %add3A = vector.broadcast %get3A_7 : vector<64x1xf32> to vector<64x2048xf32>
    %add3A_8 = arith.addf %get3A_4, %add3A : vector<64x2048xf32>
    %get3A_9 = arith.constant 0 : index
    %get3A_10 = arith.constant 0 : index
    %get3A_11 = arith.constant 0 : index
    %get3A_12 = vector.load %arg3[%get3A_9, %get3A_10, %get3A_11] : memref<13x20x2048xf32, #tpu.memory_space<vmem>>, vector<13x1x2048xf32>
    %get3A_13 = vector.shape_cast %get3A_12 : vector<13x1x2048xf32> to vector<13x2048xf32>
    %dot_general3A = arith.constant dense<0.000000e+00> : vector<64x2048xf32>
    %dot_general3A_14 = tpu.matmul %get3A_1, %get3A_13, %dot_general3A {dimension_numbers = #tpu.dot_dimension_numbers<[1], [0], [0], [1], [0, 0, 1, 1], [], []>, transpose_lhs_hint = false} : vector<64x13xf32>, vector<13x2048xf32>, vector<64x2048xf32> -> vector<64x2048xf32>
    %add3A_15 = arith.addf %dot_general3A_14, %add3A_8 : vector<64x2048xf32>
    %swap3A = arith.constant 0 : index
    %swap3A_16 = arith.constant 0 : index
    %swap3A_17 = arith.constant 0 : index
    %swap3A_18 = vector.load %arg5[%swap3A, %swap3A_16, %swap3A_17] : memref<20x64x2048xf32, #tpu.memory_space<vmem>>, vector<1x64x2048xf32>
    %swap3A_19 = vector.shape_cast %swap3A_18 : vector<1x64x2048xf32> to vector<64x2048xf32>
    %swap3A_20 = vector.shape_cast %add3A_15 : vector<64x2048xf32> to vector<1x64x2048xf32>
    tpu.vector_store %arg5[%swap3A, %swap3A_16, %swap3A_17], %swap3A_20 {strides = array<i32>} : memref<20x64x2048xf32, #tpu.memory_space<vmem>>, vector<1x64x2048xf32>,
    %get3A_21 = arith.constant 0 : index
    %get3A_22 = arith.constant 1 : index
    %get3A_23 = arith.constant 0 : index
    %get3A_24 = vector.load %arg3[%get3A_21, %get3A_22, %get3A_23] : memref<13x20x2048xf32, #tpu.memory_space<vmem>>, vector<13x1x2048xf32>
    %get3A_25 = vector.shape_cast %get3A_24 : vector<13x1x2048xf32> to vector<13x2048xf32>
    %dot_general3A_26 = arith.constant dense<0.000000e+00> : vector<64x2048xf32>
    %dot_general3A_27 = tpu.matmul %get3A_1, %get3A_25, %dot_general3A_26 {dimension_numbers = #tpu.dot_dimension_numbers<[1], [0], [0], [1], [0, 0, 1, 1], [], []>, transpose_lhs_hint = false} : vector<64x13xf32>, vector<13x2048xf32>, vector<64x2048xf32> -> vector<64x2048xf32>
    %add3A_28 = arith.addf %dot_general3A_27, %add3A_8 : vector<64x2048xf32>
    %swap3A_29 = arith.constant 1 : index
    %swap3A_30 = arith.constant 0 : index
    %swap3A_31 = arith.constant 0 : index
    %swap3A_32 = vector.load %arg5[%swap3A_29, %swap3A_30, %swap3A_31] : memref<20x64x2048xf32, #tpu.memory_space<vmem>>, vector<1x64x2048xf32>
    %swap3A_33 = vector.shape_cast %swap3A_32 : vector<1x64x2048xf32> to vector<64x2048xf32>
    %swap3A_34 = vector.shape_cast %add3A_28 : vector<64x2048xf32> to vector<1x64x2048xf32>
    tpu.vector_store %arg5[%swap3A_29, %swap3A_30, %swap3A_31], %swap3A_34 {strides = array<i32>} : memref<20x64x2048xf32, #tpu.memory_space<vmem>>, vector<1x64x2048xf32>,
    %get3A_35 = arith.constant 0 : index
    %get3A_36 = arith.constant 2 : index
    %get3A_37 = arith.constant 0 : index
    %get3A_38 = vector.load %arg3[%get3A_35, %get3A_36, %get3A_37] : memref<13x20x2048xf32, #tpu.memory_space<vmem>>, vector<13x1x2048xf32>
    %get3A_39 = vector.shape_cast %get3A_38 : vector<13x1x2048xf32> to vector<13x2048xf32>
    %dot_general3A_40 = arith.constant dense<0.000000e+00> : vector<64x2048xf32>
    %dot_general3A_41 = tpu.matmul %get3A_1, %get3A_39, %dot_general3A_40 {dimension_numbers = #tpu.dot_dimension_numbers<[1], [0], [0], [1], [0, 0, 1, 1], [], []>, transpose_lhs_hint = false} : vector<64x13xf32>, vector<13x2048xf32>, vector<64x2048xf32> -> vector<64x2048xf32>
    %add3A_42 = arith.addf %dot_general3A_41, %add3A_8 : vector<64x2048xf32>
    %swap3A_43 = arith.constant 2 : index
    %swap3A_44 = arith.constant 0 : index
    %swap3A_45 = arith.constant 0 : index
    %swap3A_46 = vector.load %arg5[%swap3A_43, %swap3A_44, %swap3A_45] : memref<20x64x2048xf32, #tpu.memory_space<vmem>>, vector<1x64x2048xf32>
    %swap3A_47 = vector.shape_cast %swap3A_46 : vector<1x64x2048xf32> to vector<64x2048xf32>
    %swap3A_48 = vector.shape_cast %add3A_42 : vector<64x2048xf32> to vector<1x64x2048xf32>
    tpu.vector_store %arg5[%swap3A_43, %swap3A_44, %swap3A_45], %swap3A_48 {strides = array<i32>} : memref<20x64x2048xf32, #tpu.memory_space<vmem>>, vector<1x64x2048xf32>,
    %get3A_49 = arith.constant 0 : index
    %get3A_50 = arith.constant 3 : index
    %get3A_51 = arith.constant 0 : index
    %get3A_52 = vector.load %arg3[%get3A_49, %get3A_50, %get3A_51] : memref<13x20x2048xf32, #tpu.memory_space<vmem>>, vector<13x1x2048xf32>
    %get3A_53 = vector.shape_cast %get3A_52 : vector<13x1x2048xf32> to vector<13x2048xf32>
    %dot_general3A_54 = arith.constant dense<0.000000e+00> : vector<64x2048xf32>
    %dot_general3A_55 = tpu.matmul %get3A_1, %get3A_53, %dot_general3A_54 {dimension_numbers = #tpu.dot_dimension_numbers<[1], [0], [0], [1], [0, 0, 1, 1], [], []>, transpose_lhs_hint = false} : vector<64x13xf32>, vector<13x2048xf32>, vector<64x2048xf32> -> vector<64x2048xf32>
    %add3A_56 = arith.addf %dot_general3A_55, %add3A_8 : vector<64x2048xf32>
    %swap3A_57 = arith.constant 3 : index
    %swap3A_58 = arith.constant 0 : index
    %swap3A_59 = arith.constant 0 : index
    %swap3A_60 = vector.load %arg5[%swap3A_57, %swap3A_58, %swap3A_59] : memref<20x64x2048xf32, #tpu.memory_space<vmem>>, vector<1x64x2048xf32>
    %swap3A_61 = vector.shape_cast %swap3A_60 : vector<1x64x2048xf32> to vector<64x2048xf32>
    %swap3A_62 = vector.shape_cast %add3A_56 : vector<64x2048xf32> to vector<1x64x2048xf32>
    tpu.vector_store %arg5[%swap3A_57, %swap3A_58, %swap3A_59], %swap3A_62 {strides = array<i32>} : memref<20x64x2048xf32, #tpu.memory_space<vmem>>, vector<1x64x2048xf32>,
    %get3A_63 = arith.constant 0 : index
    %get3A_64 = arith.constant 4 : index
    %get3A_65 = arith.constant 0 : index
    %get3A_66 = vector.load %arg3[%get3A_63, %get3A_64, %get3A_65] : memref<13x20x2048xf32, #tpu.memory_space<vmem>>, vector<13x1x2048xf32>
    %get3A_67 = vector.shape_cast %get3A_66 : vector<13x1x2048xf32> to vector<13x2048xf32>
    %dot_general3A_68 = arith.constant dense<0.000000e+00> : vector<64x2048xf32>
    %dot_general3A_69 = tpu.matmul %get3A_1, %get3A_67, %dot_general3A_68 {dimension_numbers = #tpu.dot_dimension_numbers<[1], [0], [0], [1], [0, 0, 1, 1], [], []>, transpose_lhs_hint = false} : vector<64x13xf32>, vector<13x2048xf32>, vector<64x2048xf32> -> vector<64x2048xf32>
    %add3A_70 = arith.addf %dot_general3A_69, %add3A_8 : vector<64x2048xf32>
    %swap3A_71 = arith.constant 4 : index
    %swap3A_72 = arith.constant 0 : index
    %swap3A_73 = arith.constant 0 : index
    %swap3A_74 = vector.load %arg5[%swap3A_71, %swap3A_72, %swap3A_73] : memref<20x64x2048xf32, #tpu.memory_space<vmem>>, vector<1x64x2048xf32>
    %swap3A_75 = vector.shape_cast %swap3A_74 : vector<1x64x2048xf32> to vector<64x2048xf32>
    %swap3A_76 = vector.shape_cast %add3A_70 : vector<64x2048xf32> to vector<1x64x2048xf32>
    tpu.vector_store %arg5[%swap3A_71, %swap3A_72, %swap3A_73], %swap3A_76 {strides = array<i32>} : memref<20x64x2048xf32, #tpu.memory_space<vmem>>, vector<1x64x2048xf32>,
    %get3A_77 = arith.constant 0 : index
    %get3A_78 = arith.constant 5 : index
    %get3A_79 = arith.constant 0 : index
    %get3A_80 = vector.load %arg3[%get3A_77, %get3A_78, %get3A_79] : memref<13x20x2048xf32, #tpu.memory_space<vmem>>, vector<13x1x2048xf32>
    %get3A_81 = vector.shape_cast %get3A_80 : vector<13x1x2048xf32> to vector<13x2048xf32>
    %dot_general3A_82 = arith.constant dense<0.000000e+00> : vector<64x2048xf32>
    %dot_general3A_83 = tpu.matmul %get3A_1, %get3A_81, %dot_general3A_82 {dimension_numbers = #tpu.dot_dimension_numbers<[1], [0], [0], [1], [0, 0, 1, 1], [], []>, transpose_lhs_hint = false} : vector<64x13xf32>, vector<13x2048xf32>, vector<64x2048xf32> -> vector<64x2048xf32>
    %add3A_84 = arith.addf %dot_general3A_83, %add3A_8 : vector<64x2048xf32>
    %swap3A_85 = arith.constant 5 : index
    %swap3A_86 = arith.constant 0 : index
    %swap3A_87 = arith.constant 0 : index
    %swap3A_88 = vector.load %arg5[%swap3A_85, %swap3A_86, %swap3A_87] : memref<20x64x2048xf32, #tpu.memory_space<vmem>>, vector<1x64x2048xf32>
    %swap3A_89 = vector.shape_cast %swap3A_88 : vector<1x64x2048xf32> to vector<64x2048xf32>
    %swap3A_90 = vector.shape_cast %add3A_84 : vector<64x2048xf32> to vector<1x64x2048xf32>
    tpu.vector_store %arg5[%swap3A_85, %swap3A_86, %swap3A_87], %swap3A_90 {strides = array<i32>} : memref<20x64x2048xf32, #tpu.memory_space<vmem>>, vector<1x64x2048xf32>,
    %get3A_91 = arith.constant 0 : index
    %get3A_92 = arith.constant 6 : index
    %get3A_93 = arith.constant 0 : index
    %get3A_94 = vector.load %arg3[%get3A_91, %get3A_92, %get3A_93] : memref<13x20x2048xf32, #tpu.memory_space<vmem>>, vector<13x1x2048xf32>
    %get3A_95 = vector.shape_cast %get3A_94 : vector<13x1x2048xf32> to vector<13x2048xf32>
    %dot_general3A_96 = arith.constant dense<0.000000e+00> : vector<64x2048xf32>
    %dot_general3A_97 = tpu.matmul %get3A_1, %get3A_95, %dot_general3A_96 {dimension_numbers = #tpu.dot_dimension_numbers<[1], [0], [0], [1], [0, 0, 1, 1], [], []>, transpose_lhs_hint = false} : vector<64x13xf32>, vector<13x2048xf32>, vector<64x2048xf32> -> vector<64x2048xf32>
    %add3A_98 = arith.addf %dot_general3A_97, %add3A_8 : vector<64x2048xf32>
    %swap3A_99 = arith.constant 6 : index
    %swap3A_100 = arith.constant 0 : index
    %swap3A_101 = arith.constant 0 : index
    %swap3A_102 = vector.load %arg5[%swap3A_99, %swap3A_100, %swap3A_101] : memref<20x64x2048xf32, #tpu.memory_space<vmem>>, vector<1x64x2048xf32>
    %swap3A_103 = vector.shape_cast %swap3A_102 : vector<1x64x2048xf32> to vector<64x2048xf32>
    %swap3A_104 = vector.shape_cast %add3A_98 : vector<64x2048xf32> to vector<1x64x2048xf32>
    tpu.vector_store %arg5[%swap3A_99, %swap3A_100, %swap3A_101], %swap3A_104 {strides = array<i32>} : memref<20x64x2048xf32, #tpu.memory_space<vmem>>, vector<1x64x2048xf32>,
    %get3A_105 = arith.constant 0 : index
    %get3A_106 = arith.constant 7 : index
    %get3A_107 = arith.constant 0 : index
    %get3A_108 = vector.load %arg3[%get3A_105, %get3A_106, %get3A_107] : memref<13x20x2048xf32, #tpu.memory_space<vmem>>, vector<13x1x2048xf32>
    %get3A_109 = vector.shape_cast %get3A_108 : vector<13x1x2048xf32> to vector<13x2048xf32>
    %dot_general3A_110 = arith.constant dense<0.000000e+00> : vector<64x2048xf32>
    %dot_general3A_111 = tpu.matmul %get3A_1, %get3A_109, %dot_general3A_110 {dimension_numbers = #tpu.dot_dimension_numbers<[1], [0], [0], [1], [0, 0, 1, 1], [], []>, transpose_lhs_hint = false} : vector<64x13xf32>, vector<13x2048xf32>, vector<64x2048xf32> -> vector<64x2048xf32>
    %add3A_112 = arith.addf %dot_general3A_111, %add3A_8 : vector<64x2048xf32>
    %swap3A_113 = arith.constant 7 : index
    %swap3A_114 = arith.constant 0 : index
    %swap3A_115 = arith.constant 0 : index
    %swap3A_116 = vector.load %arg5[%swap3A_113, %swap3A_114, %swap3A_115] : memref<20x64x2048xf32, #tpu.memory_space<vmem>>, vector<1x64x2048xf32>
    %swap3A_117 = vector.shape_cast %swap3A_116 : vector<1x64x2048xf32> to vector<64x2048xf32>
    %swap3A_118 = vector.shape_cast %add3A_112 : vector<64x2048xf32> to vector<1x64x2048xf32>
    tpu.vector_store %arg5[%swap3A_113, %swap3A_114, %swap3A_115], %swap3A_118 {strides = array<i32>} : memref<20x64x2048xf32, #tpu.memory_space<vmem>>, vector<1x64x2048xf32>,
    %get3A_119 = arith.constant 0 : index
    %get3A_120 = arith.constant 8 : index
    %get3A_121 = arith.constant 0 : index
    %get3A_122 = vector.load %arg3[%get3A_119, %get3A_120, %get3A_121] : memref<13x20x2048xf32, #tpu.memory_space<vmem>>, vector<13x1x2048xf32>
    %get3A_123 = vector.shape_cast %get3A_122 : vector<13x1x2048xf32> to vector<13x2048xf32>
    %dot_general3A_124 = arith.constant dense<0.000000e+00> : vector<64x2048xf32>
    %dot_general3A_125 = tpu.matmul %get3A_1, %get3A_123, %dot_general3A_124 {dimension_numbers = #tpu.dot_dimension_numbers<[1], [0], [0], [1], [0, 0, 1, 1], [], []>, transpose_lhs_hint = false} : vector<64x13xf32>, vector<13x2048xf32>, vector<64x2048xf32> -> vector<64x2048xf32>
    %add3A_126 = arith.addf %dot_general3A_125, %add3A_8 : vector<64x2048xf32>
    %swap3A_127 = arith.constant 8 : index
    %swap3A_128 = arith.constant 0 : index
    %swap3A_129 = arith.constant 0 : index
    %swap3A_130 = vector.load %arg5[%swap3A_127, %swap3A_128, %swap3A_129] : memref<20x64x2048xf32, #tpu.memory_space<vmem>>, vector<1x64x2048xf32>
    %swap3A_131 = vector.shape_cast %swap3A_130 : vector<1x64x2048xf32> to vector<64x2048xf32>
    %swap3A_132 = vector.shape_cast %add3A_126 : vector<64x2048xf32> to vector<1x64x2048xf32>
    tpu.vector_store %arg5[%swap3A_127, %swap3A_128, %swap3A_129], %swap3A_132 {strides = array<i32>} : memref<20x64x2048xf32, #tpu.memory_space<vmem>>, vector<1x64x2048xf32>,
    %get3A_133 = arith.constant 0 : index
    %get3A_134 = arith.constant 9 : index
    %get3A_135 = arith.constant 0 : index
    %get3A_136 = vector.load %arg3[%get3A_133, %get3A_134, %get3A_135] : memref<13x20x2048xf32, #tpu.memory_space<vmem>>, vector<13x1x2048xf32>
    %get3A_137 = vector.shape_cast %get3A_136 : vector<13x1x2048xf32> to vector<13x2048xf32>
    %dot_general3A_138 = arith.constant dense<0.000000e+00> : vector<64x2048xf32>
    %dot_general3A_139 = tpu.matmul %get3A_1, %get3A_137, %dot_general3A_138 {dimension_numbers = #tpu.dot_dimension_numbers<[1], [0], [0], [1], [0, 0, 1, 1], [], []>, transpose_lhs_hint = false} : vector<64x13xf32>, vector<13x2048xf32>, vector<64x2048xf32> -> vector<64x2048xf32>
    %add3A_140 = arith.addf %dot_general3A_139, %add3A_8 : vector<64x2048xf32>
    %swap3A_141 = arith.constant 9 : index
    %swap3A_142 = arith.constant 0 : index
    %swap3A_143 = arith.constant 0 : index
    %swap3A_144 = vector.load %arg5[%swap3A_141, %swap3A_142, %swap3A_143] : memref<20x64x2048xf32, #tpu.memory_space<vmem>>, vector<1x64x2048xf32>
    %swap3A_145 = vector.shape_cast %swap3A_144 : vector<1x64x2048xf32> to vector<64x2048xf32>
    %swap3A_146 = vector.shape_cast %add3A_140 : vector<64x2048xf32> to vector<1x64x2048xf32>
    tpu.vector_store %arg5[%swap3A_141, %swap3A_142, %swap3A_143], %swap3A_146 {strides = array<i32>} : memref<20x64x2048xf32, #tpu.memory_space<vmem>>, vector<1x64x2048xf32>,
    %get3A_147 = arith.constant 0 : index
    %get3A_148 = arith.constant 10 : index
    %get3A_149 = arith.constant 0 : index
    %get3A_150 = vector.load %arg3[%get3A_147, %get3A_148, %get3A_149] : memref<13x20x2048xf32, #tpu.memory_space<vmem>>, vector<13x1x2048xf32>
    %get3A_151 = vector.shape_cast %get3A_150 : vector<13x1x2048xf32> to vector<13x2048xf32>
    %dot_general3A_152 = arith.constant dense<0.000000e+00> : vector<64x2048xf32>
    %dot_general3A_153 = tpu.matmul %get3A_1, %get3A_151, %dot_general3A_152 {dimension_numbers = #tpu.dot_dimension_numbers<[1], [0], [0], [1], [0, 0, 1, 1], [], []>, transpose_lhs_hint = false} : vector<64x13xf32>, vector<13x2048xf32>, vector<64x2048xf32> -> vector<64x2048xf32>
    %add3A_154 = arith.addf %dot_general3A_153, %add3A_8 : vector<64x2048xf32>
    %swap3A_155 = arith.constant 10 : index
    %swap3A_156 = arith.constant 0 : index
    %swap3A_157 = arith.constant 0 : index
    %swap3A_158 = vector.load %arg5[%swap3A_155, %swap3A_156, %swap3A_157] : memref<20x64x2048xf32, #tpu.memory_space<vmem>>, vector<1x64x2048xf32>
    %swap3A_159 = vector.shape_cast %swap3A_158 : vector<1x64x2048xf32> to vector<64x2048xf32>
    %swap3A_160 = vector.shape_cast %add3A_154 : vector<64x2048xf32> to vector<1x64x2048xf32>
    tpu.vector_store %arg5[%swap3A_155, %swap3A_156, %swap3A_157], %swap3A_160 {strides = array<i32>} : memref<20x64x2048xf32, #tpu.memory_space<vmem>>, vector<1x64x2048xf32>,
    %get3A_161 = arith.constant 0 : index
    %get3A_162 = arith.constant 11 : index
    %get3A_163 = arith.constant 0 : index
    %get3A_164 = vector.load %arg3[%get3A_161, %get3A_162, %get3A_163] : memref<13x20x2048xf32, #tpu.memory_space<vmem>>, vector<13x1x2048xf32>
    %get3A_165 = vector.shape_cast %get3A_164 : vector<13x1x2048xf32> to vector<13x2048xf32>
    %dot_general3A_166 = arith.constant dense<0.000000e+00> : vector<64x2048xf32>
    %dot_general3A_167 = tpu.matmul %get3A_1, %get3A_165, %dot_general3A_166 {dimension_numbers = #tpu.dot_dimension_numbers<[1], [0], [0], [1], [0, 0, 1, 1], [], []>, transpose_lhs_hint = false} : vector<64x13xf32>, vector<13x2048xf32>, vector<64x2048xf32> -> vector<64x2048xf32>
    %add3A_168 = arith.addf %dot_general3A_167, %add3A_8 : vector<64x2048xf32>
    %swap3A_169 = arith.constant 11 : index
    %swap3A_170 = arith.constant 0 : index
    %swap3A_171 = arith.constant 0 : index
    %swap3A_172 = vector.load %arg5[%swap3A_169, %swap3A_170, %swap3A_171] : memref<20x64x2048xf32, #tpu.memory_space<vmem>>, vector<1x64x2048xf32>
    %swap3A_173 = vector.shape_cast %swap3A_172 : vector<1x64x2048xf32> to vector<64x2048xf32>
    %swap3A_174 = vector.shape_cast %add3A_168 : vector<64x2048xf32> to vector<1x64x2048xf32>
    tpu.vector_store %arg5[%swap3A_169, %swap3A_170, %swap3A_171], %swap3A_174 {strides = array<i32>} : memref<20x64x2048xf32, #tpu.memory_space<vmem>>, vector<1x64x2048xf32>,
    %get3A_175 = arith.constant 0 : index
    %get3A_176 = arith.constant 12 : index
    %get3A_177 = arith.constant 0 : index
    %get3A_178 = vector.load %arg3[%get3A_175, %get3A_176, %get3A_177] : memref<13x20x2048xf32, #tpu.memory_space<vmem>>, vector<13x1x2048xf32>
    %get3A_179 = vector.shape_cast %get3A_178 : vector<13x1x2048xf32> to vector<13x2048xf32>
    %dot_general3A_180 = arith.constant dense<0.000000e+00> : vector<64x2048xf32>
    %dot_general3A_181 = tpu.matmul %get3A_1, %get3A_179, %dot_general3A_180 {dimension_numbers = #tpu.dot_dimension_numbers<[1], [0], [0], [1], [0, 0, 1, 1], [], []>, transpose_lhs_hint = false} : vector<64x13xf32>, vector<13x2048xf32>, vector<64x2048xf32> -> vector<64x2048xf32>
    %add3A_182 = arith.addf %dot_general3A_181, %add3A_8 : vector<64x2048xf32>
    %swap3A_183 = arith.constant 12 : index
    %swap3A_184 = arith.constant 0 : index
    %swap3A_185 = arith.constant 0 : index
    %swap3A_186 = vector.load %arg5[%swap3A_183, %swap3A_184, %swap3A_185] : memref<20x64x2048xf32, #tpu.memory_space<vmem>>, vector<1x64x2048xf32>
    %swap3A_187 = vector.shape_cast %swap3A_186 : vector<1x64x2048xf32> to vector<64x2048xf32>
    %swap3A_188 = vector.shape_cast %add3A_182 : vector<64x2048xf32> to vector<1x64x2048xf32>
    tpu.vector_store %arg5[%swap3A_183, %swap3A_184, %swap3A_185], %swap3A_188 {strides = array<i32>} : memref<20x64x2048xf32, #tpu.memory_space<vmem>>, vector<1x64x2048xf32>,
    %get3A_189 = arith.constant 0 : index
    %get3A_190 = arith.constant 13 : index
    %get3A_191 = arith.constant 0 : index
    %get3A_192 = vector.load %arg3[%get3A_189, %get3A_190, %get3A_191] : memref<13x20x2048xf32, #tpu.memory_space<vmem>>, vector<13x1x2048xf32>
    %get3A_193 = vector.shape_cast %get3A_192 : vector<13x1x2048xf32> to vector<13x2048xf32>
    %dot_general3A_194 = arith.constant dense<0.000000e+00> : vector<64x2048xf32>
    %dot_general3A_195 = tpu.matmul %get3A_1, %get3A_193, %dot_general3A_194 {dimension_numbers = #tpu.dot_dimension_numbers<[1], [0], [0], [1], [0, 0, 1, 1], [], []>, transpose_lhs_hint = false} : vector<64x13xf32>, vector<13x2048xf32>, vector<64x2048xf32> -> vector<64x2048xf32>
    %add3A_196 = arith.addf %dot_general3A_195, %add3A_8 : vector<64x2048xf32>
    %swap3A_197 = arith.constant 13 : index
    %swap3A_198 = arith.constant 0 : index
    %swap3A_199 = arith.constant 0 : index
    %swap3A_200 = vector.load %arg5[%swap3A_197, %swap3A_198, %swap3A_199] : memref<20x64x2048xf32, #tpu.memory_space<vmem>>, vector<1x64x2048xf32>
    %swap3A_201 = vector.shape_cast %swap3A_200 : vector<1x64x2048xf32> to vector<64x2048xf32>
    %swap3A_202 = vector.shape_cast %add3A_196 : vector<64x2048xf32> to vector<1x64x2048xf32>
    tpu.vector_store %arg5[%swap3A_197, %swap3A_198, %swap3A_199], %swap3A_202 {strides = array<i32>} : memref<20x64x2048xf32, #tpu.memory_space<vmem>>, vector<1x64x2048xf32>,
    %get3A_203 = arith.constant 0 : index
    %get3A_204 = arith.constant 14 : index
    %get3A_205 = arith.constant 0 : index
    %get3A_206 = vector.load %arg3[%get3A_203, %get3A_204, %get3A_205] : memref<13x20x2048xf32, #tpu.memory_space<vmem>>, vector<13x1x2048xf32>
    %get3A_207 = vector.shape_cast %get3A_206 : vector<13x1x2048xf32> to vector<13x2048xf32>
    %dot_general3A_208 = arith.constant dense<0.000000e+00> : vector<64x2048xf32>
    %dot_general3A_209 = tpu.matmul %get3A_1, %get3A_207, %dot_general3A_208 {dimension_numbers = #tpu.dot_dimension_numbers<[1], [0], [0], [1], [0, 0, 1, 1], [], []>, transpose_lhs_hint = false} : vector<64x13xf32>, vector<13x2048xf32>, vector<64x2048xf32> -> vector<64x2048xf32>
    %add3A_210 = arith.addf %dot_general3A_209, %add3A_8 : vector<64x2048xf32>
    %swap3A_211 = arith.constant 14 : index
    %swap3A_212 = arith.constant 0 : index
    %swap3A_213 = arith.constant 0 : index
    %swap3A_214 = vector.load %arg5[%swap3A_211, %swap3A_212, %swap3A_213] : memref<20x64x2048xf32, #tpu.memory_space<vmem>>, vector<1x64x2048xf32>
    %swap3A_215 = vector.shape_cast %swap3A_214 : vector<1x64x2048xf32> to vector<64x2048xf32>
    %swap3A_216 = vector.shape_cast %add3A_210 : vector<64x2048xf32> to vector<1x64x2048xf32>
    tpu.vector_store %arg5[%swap3A_211, %swap3A_212, %swap3A_213], %swap3A_216 {strides = array<i32>} : memref<20x64x2048xf32, #tpu.memory_space<vmem>>, vector<1x64x2048xf32>,
    %get3A_217 = arith.constant 0 : index
    %get3A_218 = arith.constant 15 : index
    %get3A_219 = arith.constant 0 : index
    %get3A_220 = vector.load %arg3[%get3A_217, %get3A_218, %get3A_219] : memref<13x20x2048xf32, #tpu.memory_space<vmem>>, vector<13x1x2048xf32>
    %get3A_221 = vector.shape_cast %get3A_220 : vector<13x1x2048xf32> to vector<13x2048xf32>
    %dot_general3A_222 = arith.constant dense<0.000000e+00> : vector<64x2048xf32>
    %dot_general3A_223 = tpu.matmul %get3A_1, %get3A_221, %dot_general3A_222 {dimension_numbers = #tpu.dot_dimension_numbers<[1], [0], [0], [1], [0, 0, 1, 1], [], []>, transpose_lhs_hint = false} : vector<64x13xf32>, vector<13x2048xf32>, vector<64x2048xf32> -> vector<64x2048xf32>
    %add3A_224 = arith.addf %dot_general3A_223, %add3A_8 : vector<64x2048xf32>
    %swap3A_225 = arith.constant 15 : index
    %swap3A_226 = arith.constant 0 : index
    %swap3A_227 = arith.constant 0 : index
    %swap3A_228 = vector.load %arg5[%swap3A_225, %swap3A_226, %swap3A_227] : memref<20x64x2048xf32, #tpu.memory_space<vmem>>, vector<1x64x2048xf32>
    %swap3A_229 = vector.shape_cast %swap3A_228 : vector<1x64x2048xf32> to vector<64x2048xf32>
    %swap3A_230 = vector.shape_cast %add3A_224 : vector<64x2048xf32> to vector<1x64x2048xf32>
    tpu.vector_store %arg5[%swap3A_225, %swap3A_226, %swap3A_227], %swap3A_230 {strides = array<i32>} : memref<20x64x2048xf32, #tpu.memory_space<vmem>>, vector<1x64x2048xf32>,
    %get3A_231 = arith.constant 0 : index
    %get3A_232 = arith.constant 16 : index
    %get3A_233 = arith.constant 0 : index
    %get3A_234 = vector.load %arg3[%get3A_231, %get3A_232, %get3A_233] : memref<13x20x2048xf32, #tpu.memory_space<vmem>>, vector<13x1x2048xf32>
    %get3A_235 = vector.shape_cast %get3A_234 : vector<13x1x2048xf32> to vector<13x2048xf32>
    %dot_general3A_236 = arith.constant dense<0.000000e+00> : vector<64x2048xf32>
    %dot_general3A_237 = tpu.matmul %get3A_1, %get3A_235, %dot_general3A_236 {dimension_numbers = #tpu.dot_dimension_numbers<[1], [0], [0], [1], [0, 0, 1, 1], [], []>, transpose_lhs_hint = false} : vector<64x13xf32>, vector<13x2048xf32>, vector<64x2048xf32> -> vector<64x2048xf32>
    %add3A_238 = arith.addf %dot_general3A_237, %add3A_8 : vector<64x2048xf32>
    %swap3A_239 = arith.constant 16 : index
    %swap3A_240 = arith.constant 0 : index
    %swap3A_241 = arith.constant 0 : index
    %swap3A_242 = vector.load %arg5[%swap3A_239, %swap3A_240, %swap3A_241] : memref<20x64x2048xf32, #tpu.memory_space<vmem>>, vector<1x64x2048xf32>
    %swap3A_243 = vector.shape_cast %swap3A_242 : vector<1x64x2048xf32> to vector<64x2048xf32>
    %swap3A_244 = vector.shape_cast %add3A_238 : vector<64x2048xf32> to vector<1x64x2048xf32>
    tpu.vector_store %arg5[%swap3A_239, %swap3A_240, %swap3A_241], %swap3A_244 {strides = array<i32>} : memref<20x64x2048xf32, #tpu.memory_space<vmem>>, vector<1x64x2048xf32>,
    %get3A_245 = arith.constant 0 : index
    %get3A_246 = arith.constant 17 : index
    %get3A_247 = arith.constant 0 : index
    %get3A_248 = vector.load %arg3[%get3A_245, %get3A_246, %get3A_247] : memref<13x20x2048xf32, #tpu.memory_space<vmem>>, vector<13x1x2048xf32>
    %get3A_249 = vector.shape_cast %get3A_248 : vector<13x1x2048xf32> to vector<13x2048xf32>
    %dot_general3A_250 = arith.constant dense<0.000000e+00> : vector<64x2048xf32>
    %dot_general3A_251 = tpu.matmul %get3A_1, %get3A_249, %dot_general3A_250 {dimension_numbers = #tpu.dot_dimension_numbers<[1], [0], [0], [1], [0, 0, 1, 1], [], []>, transpose_lhs_hint = false} : vector<64x13xf32>, vector<13x2048xf32>, vector<64x2048xf32> -> vector<64x2048xf32>
    %add3A_252 = arith.addf %dot_general3A_251, %add3A_8 : vector<64x2048xf32>
    %swap3A_253 = arith.constant 17 : index
    %swap3A_254 = arith.constant 0 : index
    %swap3A_255 = arith.constant 0 : index
    %swap3A_256 = vector.load %arg5[%swap3A_253, %swap3A_254, %swap3A_255] : memref<20x64x2048xf32, #tpu.memory_space<vmem>>, vector<1x64x2048xf32>
    %swap3A_257 = vector.shape_cast %swap3A_256 : vector<1x64x2048xf32> to vector<64x2048xf32>
    %swap3A_258 = vector.shape_cast %add3A_252 : vector<64x2048xf32> to vector<1x64x2048xf32>
    tpu.vector_store %arg5[%swap3A_253, %swap3A_254, %swap3A_255], %swap3A_258 {strides = array<i32>} : memref<20x64x2048xf32, #tpu.memory_space<vmem>>, vector<1x64x2048xf32>,
    %get3A_259 = arith.constant 0 : index
    %get3A_260 = arith.constant 18 : index
    %get3A_261 = arith.constant 0 : index
    %get3A_262 = vector.load %arg3[%get3A_259, %get3A_260, %get3A_261] : memref<13x20x2048xf32, #tpu.memory_space<vmem>>, vector<13x1x2048xf32>
    %get3A_263 = vector.shape_cast %get3A_262 : vector<13x1x2048xf32> to vector<13x2048xf32>
    %dot_general3A_264 = arith.constant dense<0.000000e+00> : vector<64x2048xf32>
    %dot_general3A_265 = tpu.matmul %get3A_1, %get3A_263, %dot_general3A_264 {dimension_numbers = #tpu.dot_dimension_numbers<[1], [0], [0], [1], [0, 0, 1, 1], [], []>, transpose_lhs_hint = false} : vector<64x13xf32>, vector<13x2048xf32>, vector<64x2048xf32> -> vector<64x2048xf32>
    %add3A_266 = arith.addf %dot_general3A_265, %add3A_8 : vector<64x2048xf32>
    %swap3A_267 = arith.constant 18 : index
    %swap3A_268 = arith.constant 0 : index
    %swap3A_269 = arith.constant 0 : index
    %swap3A_270 = vector.load %arg5[%swap3A_267, %swap3A_268, %swap3A_269] : memref<20x64x2048xf32, #tpu.memory_space<vmem>>, vector<1x64x2048xf32>
    %swap3A_271 = vector.shape_cast %swap3A_270 : vector<1x64x2048xf32> to vector<64x2048xf32>
    %swap3A_272 = vector.shape_cast %add3A_266 : vector<64x2048xf32> to vector<1x64x2048xf32>
    tpu.vector_store %arg5[%swap3A_267, %swap3A_268, %swap3A_269], %swap3A_272 {strides = array<i32>} : memref<20x64x2048xf32, #tpu.memory_space<vmem>>, vector<1x64x2048xf32>,
    %get3A_273 = arith.constant 0 : index
    %get3A_274 = arith.constant 19 : index
    %get3A_275 = arith.constant 0 : index
    %get3A_276 = vector.load %arg3[%get3A_273, %get3A_274, %get3A_275] : memref<13x20x2048xf32, #tpu.memory_space<vmem>>, vector<13x1x2048xf32>
    %get3A_277 = vector.shape_cast %get3A_276 : vector<13x1x2048xf32> to vector<13x2048xf32>
    %dot_general3A_278 = arith.constant dense<0.000000e+00> : vector<64x2048xf32>
    %dot_general3A_279 = tpu.matmul %get3A_1, %get3A_277, %dot_general3A_278 {dimension_numbers = #tpu.dot_dimension_numbers<[1], [0], [0], [1], [0, 0, 1, 1], [], []>, transpose_lhs_hint = false} : vector<64x13xf32>, vector<13x2048xf32>, vector<64x2048xf32> -> vector<64x2048xf32>
    %add3A_280 = arith.addf %dot_general3A_279, %add3A_8 : vector<64x2048xf32>
    %swap3A_281 = arith.constant 19 : index
    %swap3A_282 = arith.constant 0 : index
    %swap3A_283 = arith.constant 0 : index
    %swap3A_284 = vector.load %arg5[%swap3A_281, %swap3A_282, %swap3A_283] : memref<20x64x2048xf32, #tpu.memory_space<vmem>>, vector<1x64x2048xf32>
    %swap3A_285 = vector.shape_cast %swap3A_284 : vector<1x64x2048xf32> to vector<64x2048xf32>
    %swap3A_286 = vector.shape_cast %add3A_280 : vector<64x2048xf32> to vector<1x64x2048xf32>
    tpu.vector_store %arg5[%swap3A_281, %swap3A_282, %swap3A_283], %swap3A_286 {strides = array<i32>} : memref<20x64x2048xf32, #tpu.memory_space<vmem>>, vector<1x64x2048xf32>,
    return
  }
  func.func @transform_0(%arg0: i32) -> (i32, i32) {
    %c0_i32 = arith.constant 0 : i32
    %c0_i32_0 = arith.constant 0 : i32
    %c0_i32_1 = arith.constant 0 : i32
    return %c0_i32, %c0_i32_0 : i32, i32
  }
  func.func @transform_1(%arg0: i32) -> (i32, i32) {
    %c0_i32 = arith.constant 0 : i32
    %c0_i32_0 = arith.constant 0 : i32
    %c0_i32_1 = arith.constant 0 : i32
    return %c0_i32, %c0_i32_0 : i32, i32
  }
  func.func @transform_2(%arg0: i32) -> (i32, i32, i32) {
    %c0_i32 = arith.constant 0 : i32
    %c0_i32_0 = arith.constant 0 : i32
    %c0_i32_1 = arith.constant 0 : i32
    return %c0_i32, %c0_i32_0, %arg0 : i32, i32, i32
  }
  func.func @transform_3(%arg0: i32) -> (i32, i32) {
    %c0_i32 = arith.constant 0 : i32
    %c0_i32_0 = arith.constant 0 : i32
    return %c0_i32, %arg0 : i32, i32
  }
  func.func @transform_4(%arg0: i32) -> (i32, i32, i32) {
    %c0_i32 = arith.constant 0 : i32
    %c0_i32_0 = arith.constant 0 : i32
    %c0_i32_1 = arith.constant 0 : i32
    return %c0_i32, %c0_i32_0, %arg0 : i32, i32, i32
  }
}

</mosaic_0001>

<sc_bundles>
// kernel: kernel.5.cloned.1.call-start
scs
__scs_entry_jumppad:
0x0: {  	(pc) =	sbr.rel $0x88, $3  }
0x1: {  	(tag) =	ssettag $0x0;
	lr =	simm.s32 $0x1  }
0x2: {  	[smem:$0x3F9A] =	sst lr;
	_ =	strace $0xD0000000  }
0x3: {  	_ = 	snop  }
0x4: {  	_ = 	snop  }
0x5: {  	_ = 	snop  }
0x6: {  	_ = 	snop  }
0x7: {  	_ = 	snop  }
__scs_overlays_trampoline_lowered:
0x8: {  	[smem:$0x3FA9] =	sst s0  }
0x9: {  	[smem:$0x3FAA] =	sst s1  }
0xa: {  	[smem:$0x3FAB] =	sst s2  }
0xb: {  	[smem:$0x3FAC] =	sst s3  }
0xc: {  	[smem:$0x3FAD] =	sst s4  }
0xd: {  	[smem:$0x3FAE] =	sst s5  }
0xe: {  	[smem:$0x3FAF] =	sst s6  }
0xf: {  	[smem:$0x3FB0] =	sst s7  }
0x10: {  	[smem:$0x3FB1] =	sst s8  }
0x11: {  	[smem:$0x3FB2] =	sst s9;
	s0 =	simm.s32 @!p0 $0x0  }
0x12: {  	s1 =	sld [smem:$0x3F98];
	s0 =	simm.s32 @p0 $0x1  }
0x13: {  	[smem:$0x3FB3] =	sst s0;
	s0 =	simm.s32 @!p1 $0x0  }
0x14: {  	s2 =	sld [smem:$0x3F97];
	s0 =	simm.s32 @p1 $0x1  }
0x15: {  	[smem:$0x3FB4] =	sst s0;
	s0 =	simm.s32 @!p2 $0x0  }
0x16: {  	s3 =	sld [smem:$0x3FDB];
	s0 =	simm.s32 @p2 $0x1  }
0x17: {  	s4 =	simm.s32 $0x1BF5;
	[smem:$0x3FB6] =	sst s0  }
0x18: {  	s0 =	sld [smem:$0x3F99];
	_ =	swait.ge [sflag:s4], $0x0  }
0x19: {  	s7 =	sld [smem:$0x3F9A]  }
0x1a: {  	s8 =	sadd.s32 $0xFFFFE003, lr  }
0x1b: {  	s9 =	sadd.s32 $0xFFFFFEF7, lr;
	s5 =	simm.s32 $0xFFFFFFFF;
	p2 =	slt.u32 s8, $0xFFFFF086  }
0x1c: {  	p1 =	slt.u32 s9, $0xF7A;
	s5 =	simm.s32 @!p2 $0x0  }
0x1d: {  	s5 =	simm.s32 @p1 $0x1;
	p0 =	seq.s32 s7, s2  }
0x1e: {  	s7 =	smul.u32 @!p0 $0xF7A, s2;
	p2 =	seq.s32 @!p0 s5, $0x0  }
0x1f: {  	s9 =	smul.u32 $0xF7A, s1;
	s8 =	simm.s32 @!p0 $0x1BF5;
	p2 =	por !p2, p0  }
0x20: {  	[sflag:s8] =	ssyncset.s32 @!p0 $0xFFFFF086;
	s6 =	sadd.s32 @!p0 s3, s7;
	s7 =	simm.s32 @!p0 $0x108  }
0x21: {  	s3 =	sadd.s32 s3, s9;
	s6 =	sadd.s32 @!p0 $0x88, s6;
	s7 =	simm.s32 @p2 $0x1082  }
0x22: {  	[simem:s7], [sflag:s8] =	dma.local @!p0 [hbm:s6], $0xF7A  }
0x23: {  	s9 =	sor.u32 $0xD0000000, s2;
	s6 =	simm.s32 $0x108;
	_ =	swait.ge @!p0 [sflag:s8], $0x0  }
0x24: {  	s3 =	sadd.s32 $0x88, s3;
	s6 =	simm.s32 @!p1 $0x1082;
	[sflag:s4] =	ssyncset.s32 $0xFFFFF086  }
0x25: {  	[simem:s6], [sflag:s4] =	dma.local [hbm:s3], $0xF7A  }
0x26: {  	[smem:$0x3F9A] =	sst s1;
	(tag) =	ssettag s2;
	_ =	strace s9  }
0x27: {  	s1 =	sld [smem:$0x3FAA]  }
0x28: {  	s2 =	sld [smem:$0x3FAB]  }
0x29: {  	s4 =	sld [smem:$0x3FAD]  }
0x2a: {  	p0 =	seq.s32 s5, $0x0;
	s5 =	sld [smem:$0x3FAE]  }
0x2b: {  	s6 =	sld [smem:$0x3FAF]  }
0x2c: {  	s7 =	sld [smem:$0x3FB0]  }
0x2d: {  	s3 =	simm.s32 $0x108;
	s8 =	sld [smem:$0x3FB1]  }
0x2e: {  	s3 =	simm.s32 @!p0 $0x1082;
	s9 =	sld [smem:$0x3FB2]  }
0x2f: {  	lr =	sadd.s32 s0, s3;
	s0 =	sld [smem:$0x3FA9]  }
0x30: {  	s3 =	sld [smem:$0x3FAC]  }
0x31: {  	[smem:$0x3FB5] =	sst s10  }
0x32: {  	s10 =	sld [smem:$0x3FB3];
	_ =	sdelay $0x3  }
0x33: {  	p0 =	seq.s32 s10, $0x1;
	s10 =	sld [smem:$0x3FB5];
	_ =	sdelay $0x3  }
0x34: {  	[smem:$0x3FB5] =	sst s10  }
0x35: {  	s10 =	sld [smem:$0x3FB4];
	_ =	sdelay $0x3  }
0x36: {  	p1 =	seq.s32 s10, $0x1;
	s10 =	sld [smem:$0x3FB5];
	_ =	sdelay $0x3  }
0x37: {  	[smem:$0x3FB5] =	sst s10  }
0x38: {  	s10 =	sld [smem:$0x3FB6]  }
0x39: {  	_ = 	snop;
	(pc) =	sbr.ind lr, $3  }
0x3a: {  	_ = 	snop  }
0x3b: {  	_ = 	snop  }
0x3c: {  	p2 =	seq.s32 s10, $0x1;
	s10 =	sld [smem:$0x3FB5]  }
0x3d: {  	_ =	shalt  }
0x3e: {  	_ =	shalt  }
0x3f: {  	_ =	shalt  }
0x40: {  	_ =	shalt  }
0x41: {  	_ =	shalt  }
0x42: {  	_ =	shalt  }
0x43: {  	_ =	shalt  }
0x44: {  	_ =	shalt  }
0x45: {  	_ =	shalt  }
0x46: {  	_ =	shalt  }
0x47: {  	_ =	shalt  }
0x48: {  	_ =	shalt  }
0x49: {  	_ =	shalt  }
0x4a: {  	_ =	shalt  }
0x4b: {  	_ =	shalt  }
0x4c: {  	_ =	shalt  }
0x4d: {  	_ =	shalt  }
0x4e: {  	_ =	shalt  }
0x4f: {  	_ =	shalt  }
0x50: {  	_ =	shalt  }
0x51: {  	_ =	shalt  }
0x52: {  	_ =	shalt  }
0x53: {  	_ =	shalt  }
0x54: {  	_ =	shalt  }
0x55: {  	_ =	shalt  }
0x56: {  	_ =	shalt  }
0x57: {  	_ =	shalt  }
0x58: {  	_ =	shalt  }
0x59: {  	_ =	shalt  }
0x5a: {  	_ =	shalt  }
0x5b: {  	_ =	shalt  }
0x5c: {  	_ =	shalt  }
0x5d: {  	_ =	shalt  }
0x5e: {  	_ =	shalt  }
0x5f: {  	_ =	shalt  }
0x60: {  	_ =	shalt  }
0x61: {  	_ =	shalt  }
0x62: {  	_ =	shalt  }
0x63: {  	_ =	shalt  }
0x64: {  	_ =	shalt  }
0x65: {  	_ =	shalt  }
0x66: {  	_ =	shalt  }
0x67: {  	_ =	shalt  }
0x68: {  	_ =	shalt  }
0x69: {  	_ =	shalt  }
0x6a: {  	_ =	shalt  }
0x6b: {  	_ =	shalt  }
0x6c: {  	_ =	shalt  }
0x6d: {  	_ =	shalt  }
0x6e: {  	_ =	shalt  }
0x6f: {  	_ =	shalt  }
0x70: {  	_ =	shalt  }
0x71: {  	_ =	shalt  }
0x72: {  	_ =	shalt  }
0x73: {  	_ =	shalt  }
0x74: {  	_ =	shalt  }
0x75: {  	_ =	shalt  }
0x76: {  	_ =	shalt  }
0x77: {  	_ =	shalt  }
0x78: {  	_ =	shalt  }
0x79: {  	_ =	shalt  }
0x7a: {  	_ =	shalt  }
0x7b: {  	_ =	shalt  }
0x7c: {  	_ =	shalt  }
0x7d: {  	_ =	shalt  }
0x7e: {  	_ =	shalt  }
0x7f: {  	_ =	shalt  }
0x80: {  	_ =	shalt  }
0x81: {  	_ =	shalt  }
0x82: {  	_ =	shalt  }
0x83: {  	_ =	shalt  }
0x84: {  	_ =	shalt  }
0x85: {  	_ =	shalt  }
0x86: {  	_ =	shalt  }
0x87: {  	_ =	shalt  }
.Lfunc_end0:
.L_simem_size_0:
called_computation_lowered:
.L_overlay_start_0:
0x88: {  	s2 =	sld [smem:$0x3FD9]  }
0x89: {  	s3 =	sld [smem:$0x3FFE];
	_ =	sdelay $0x1  }
0x8a: {  	s1 =	srdreg.scid  }
0x8b: {  	s0 =	sand.u32 $0x1, s1  }
0x8c: {  	s17 =	sshll.u32 s0, $0xA;
	s2 =	sadd.s32 s3, s2  }
0x8d: {  	s2 =	sadd.s32 s2, s17  }
0x8e: {  	[smem:$0x3FC1] =	sst s2  }
0x8f: {  	_ = 	snop  }
0x90: {  	s2 =	sld [smem:$0x3FD0];
	(tm) =	ssettm $0x1  }
0x91: {  	s18 =	sld [smem:$0x3FFB];
	_ =	sdelay $0x3  }
0x92: {  	_ =	strace s18  }
0x93: {  	s3 =	sld [smem:$0x3FFC];
	_ =	sdelay $0x3  }
0x94: {  	_ =	strace s3  }
0x95: {  	s3 =	sld [smem:$0x3FFD];
	_ =	sdelay $0x3  }
0x96: {  	_ =	strace s3  }
0x97: {  	_ =	strace $0x8FFFFFFF  }
0x98: {  	s19 =	sld [smem:$0x3FDB];
	_ =	sdelay $0x1  }
0x99: {  	s4 =	simm.s32 $_scs_section_size  }
0x9a: {  	s5 =	simm.s32 $_size__tile_overlayer_lowered;
	s6 =	simm.s32 $_tile_overlayer_lowered  }
0x9b: {  	s22 =	simm.s32 $0x1BFF;
	s21 =	sshll.u32 s6, $0x1;
	s3 =	sadd.s32 s4, s19  }
0x9c: {  	s7 =	simm.s32 $0x0;
	s20 =	sshll.u32 s5, $0x1;
	s5 =	sadd.s32 s21, s3  }
0x9d: {  	[timem:s7], [sflag:s22] =	dma.local [hbm:s5], s20  }
0x9e: {  	_ =	swait.ge [sflag:s22], s20  }
0x9f: {  	s4 =	ssub.s32 $0x0, s20;
	[sflag:s22] =	ssyncset.done $0x0  }
0xa0: {  	[sflag:s22] =	ssyncadd.s32 s4;
	_ =	sdelay $0x1  }
0xa1: {  	s23 =	simm.s32 $0x1B8B  }
0xa2: {  	_ =	swait.ge [sflag:s23], $0x1  }
0xa3: {  	[sflag:s23] =	ssyncset.done $0x0  }
0xa4: {  	s25 =	simm.s32 $0x1B8E;
	s24 =	sld [smem:$0x3FFE];
	[sflag:s23] =	ssyncadd.s32 $0xFFFFFFFF  }
0xa5: {  	s26 =	simm.s32 $execute0_lowered;
	[smem:$0x3FD2] =	sst s25  }
0xa6: {  	s5 =	sshll.u32 s26, $0x1;
	_ =	strace $0x80000046;
	[dreg:$0x1] =	wrdreg $0xFFFFFFFF  }
0xa7: {  	s28 =	simm.s32 $_size_execute0_lowered;
	s3 =	sadd.s32 s3, s5;
	[dreg:$0x0] =	wrdreg $0x0  }
0xa8: {  	s5 =	sshll.u32 s28, $0x1;
	[dreg:$0x2] =	wrdreg s3  }
0xa9: {  	[dreg:$0x3] =	wrdreg s5  }
0xaa: {  	[dreg:$0x4] =	wrdreg $0xC0  }
0xab: {  	_ =	task [dreg:s7], $0x5FFFF  }
0xac: {  	[dreg:$0x1] =	wrdreg $0xFFFFFFFF  }
0xad: {  	[dreg:$0x0] =	wrdreg $0x60  }
0xae: {  	[dreg:$0x2] =	wrdreg s24  }
0xaf: {  	[dreg:$0x3] =	wrdreg s2  }
0xb0: {  	[dreg:$0x4] =	wrdreg $0x9  }
0xb1: {  	_ =	task.clear_ibuf [dreg:s7], $0x5FFFF;
	_ =	strace $0x90000046  }
0xb2: {  	s29 =	simm.s32 $0x9;
	_ =	strace $0x80000048  }
0xb3: {  	_ =	swait.ge [sflag:s29], $0x1  }
0xb4: {  	[sflag:s29] =	ssyncadd.s32 $0xFFFFFFFF  }
0xb5: {  	_ =	strace $0x90000048  }
0xb6: {  	_ =	sfence  }
0xb7: {  	s30 =	sld [smem:$0x0];
	_ =	sdelay $0x2  }
0xb8: {  	s31 =	sshll.u32 s1, $0xD;
	s1 =	sshrl.u32 s1, $0x2  }
0xb9: {  	s3 =	sand.u32 $0x4000, s31;
	s1 =	sadd.s32 s1, s30  }
0xba: {  	s0 =	sor.u32 s3, s0;
	s1 =	sshll.u32 s1, $0x11  }
0xbb: {  	s0 =	sor.u32 s1, s0  }
0xbc: {  	s0 =	sadd.s32 $0x8F2B, s0  }
0xbd: {  	[sflag:s0] =	ssyncadd.remote.s32 $0x1  }
0xbe: {  	_ =	sfence.sel $0xFFFF  }
0xbf: {  	[dreg:$0x0] =	wrdreg $0xFFFFFFFF;
	(pc) =	sbr.abs _section_cstart, $3  }
0xc0: {  	[dreg:$0x1] =	wrdreg $0xFFFFFFFF  }
0xc1: {  	_ =	task.clear_ibuf [dreg:s7], $0x2FFFF;
	_ =	strace $0x9FFFFFFF  }
0xc2: {  	(tm) =	ssettm $0x7FFFFFFF  }
0xc3: {  	_ =	shalt  }
tec
execute0_lowered:
.L_overlay_start_1:
0x0: {  	(tag) =	ssettag $0x1  }
0x1: {  	s0 =	rddreg [dreg:$0x0]  }
0x2: {  	s1 =	rddreg [dreg:$0x1];
	s3 =	simm.s32 $0x0  }
0x3: {  	s2 =	srdreg.scid;
	s23 =	stileid.u32;
	s11 =	simm.s32 $0x20  }
0x4: {  	s12 =	simm.s32 $0x4000;
	s13 =	simm.s32 $0x3;
	s22 =	simm.s32 $0x340  }
0x5: {  	s18 =	simm.s32 $0x16E80;
	s19 =	simm.s32 $0x5C0;
	s20 =	simm.s32 $0x17680  }
0x6: {  	s21 =	simm.s32 $0x5E0;
	s9 =	simm.s32 $0x17E80;
	s28 =	simm.s32 $0x19680  }
0x7: {  	s29 =	simm.s32 $0x660;
	s30 =	simm.s32 $0x19E80;
	s31 =	simm.s32 $0x1  }
0x8: {  	s10 =	simm.s32 $0x0;
	[smem:$0x7FF] =	sst s3;
	s2 =	sand.u32 $0x1, s2  }
0x9: {  	s3 =	sshll.u32 s23, $0xA;
	s4 =	sadd.s32 $0x27AD600, s0;
	s6 =	sadd.s32 $0x1200, s0  }
0xa: {  	s23 =	simm.s32 $0x18680;
	s5 =	sshll.u32 s2, $0x9;
	s2 =	ssub.s32 $0x2, s2  }
0xb: {  	_ =	strace $0x80000047;
	s5 =	sor.u32 s5, s3;
	s24 =	sshrl.u32 s2, $0x1  }
0xc: {  	s3 =	sshrl.u32 s5, $0x3;
	s0 =	ssub.s32 s2, s24;
	s8 =	sor.u32 $0x20, s5  }
0xd: {  	v0 =	vlaneseq.u32;
	s26 =	sor.u32 $0x40, s5;
	s24 =	simm.s32 $0x620;
	s2 =	simm.s32 $0x2  }
0xe: {  	v0 =	vmul.u32 $0x20, v0;
	s25 =	sadd.s32 s6, s3;
	[dreg:$0x4] =	wrdreg s26;
	s0 =	smax.u32 s0, $0x1  }
0xf: {  	s3 =	simm.s32 $0x600;
	s26 =	simm.s32 $0x640;
	[dreg:$0x3] =	wrdreg s25  }
0x10: {  	v1 =	vor.u32 $0x200, v0;
	v2 =	vor.u32 $0x400, v0;
	v3 =	vor.u32 $0x600, v0;
	[dreg:$0x5] =	wrdreg s0;
	s25 =	simm.s32 $0x18E80;
	s0 =	simm.s32 $0x1A680  }
.LBB2_1:
0x11: {  	[dreg:$0x6] =	wrdreg s10  }
0x12: {  	s7 =	simm.s32 $0x0;
	s16 =	rddreg [dreg:$0x3]  }
0x13: {  	[tilespmem:s7], [sflag:$0x3] =	stream.strided.gather [hbm4b:s16+s11], $0x340, s12, s11, $0x38;
	[tilespmem:$0x1AE80] =	vst v63  }
0x14: {  	_ =	swait.ge [sflag:s13], $0x340  }
0x15: {  	[sflag:s13] =	ssyncset.done $0x0  }
0x16: {  	s17 =	simm.s32 $0x680;
	[sflag:s13] =	ssyncadd.s32 $0xFFFFFCC0  }
0x17: {  	[tilespmem:s17], [sflag:$0x1] =	stream.indirect.gather [hbm4b:s4+s11], $0x40, s7, s11, $0xb8;
	[tilespmem:$0x1AE80] =	vst v63  }
0x18: {  	s10 =	simm.s32 $0xE80  }
0x19: {  	[tilespmem:s10], [sflag:$0x1] =	stream.indirect.gather [hbm4b:s4+s11], $0x40, s11, s11, $0xb8;
	[tilespmem:$0x1AE80] =	vst v63  }
0x1a: {  	s14 =	simm.s32 $0x40;
	s15 =	simm.s32 $0x1680  }
0x1b: {  	[tilespmem:s15], [sflag:$0x1] =	stream.indirect.gather [hbm4b:s4+s11], $0x40, s14, s11, $0xb8;
	[tilespmem:$0x1AE80] =	vst v63  }
0x1c: {  	s16 =	simm.s32 $0x60;
	s17 =	simm.s32 $0x1E80  }
0x1d: {  	[tilespmem:s17], [sflag:$0x1] =	stream.indirect.gather [hbm4b:s4+s11], $0x40, s16, s11, $0xb8;
	[tilespmem:$0x1AE80] =	vst v63  }
0x1e: {  	s14 =	simm.s32 $0x80;
	s15 =	simm.s32 $0x2680  }
0x1f: {  	[tilespmem:s15], [sflag:$0x1] =	stream.indirect.gather [hbm4b:s4+s11], $0x40, s14, s11, $0xb8;
	[tilespmem:$0x1AE80] =	vst v63  }
0x20: {  	s16 =	simm.s32 $0xA0;
	s17 =	simm.s32 $0x2E80  }
0x21: {  	[tilespmem:s17], [sflag:$0x1] =	stream.indirect.gather [hbm4b:s4+s11], $0x40, s16, s11, $0xb8;
	[tilespmem:$0x1AE80] =	vst v63  }
0x22: {  	s14 =	simm.s32 $0xC0;
	s15 =	simm.s32 $0x3680  }
0x23: {  	[tilespmem:s15], [sflag:$0x1] =	stream.indirect.gather [hbm4b:s4+s11], $0x40, s14, s11, $0xb8;
	[tilespmem:$0x1AE80] =	vst v63  }
0x24: {  	s16 =	simm.s32 $0xE0;
	s17 =	simm.s32 $0x3E80  }
0x25: {  	[tilespmem:s17], [sflag:$0x1] =	stream.indirect.gather [hbm4b:s4+s11], $0x40, s16, s11, $0xb8;
	[tilespmem:$0x1AE80] =	vst v63  }
0x26: {  	s14 =	simm.s32 $0x100;
	s15 =	simm.s32 $0x4680  }
0x27: {  	[tilespmem:s15], [sflag:$0x1] =	stream.indirect.gather [hbm4b:s4+s11], $0x40, s14, s11, $0xb8;
	[tilespmem:$0x1AE80] =	vst v63  }
0x28: {  	s16 =	simm.s32 $0x120;
	s17 =	simm.s32 $0x4E80  }
0x29: {  	[tilespmem:s17], [sflag:$0x1] =	stream.indirect.gather [hbm4b:s4+s11], $0x40, s16, s11, $0xb8;
	[tilespmem:$0x1AE80] =	vst v63  }
0x2a: {  	s14 =	simm.s32 $0x140;
	s15 =	simm.s32 $0x5680  }
0x2b: {  	[tilespmem:s15], [sflag:$0x1] =	stream.indirect.gather [hbm4b:s4+s11], $0x40, s14, s11, $0xb8;
	[tilespmem:$0x1AE80] =	vst v63  }
0x2c: {  	s16 =	simm.s32 $0x160;
	s17 =	simm.s32 $0x5E80  }
0x2d: {  	[tilespmem:s17], [sflag:$0x1] =	stream.indirect.gather [hbm4b:s4+s11], $0x40, s16, s11, $0xb8;
	[tilespmem:$0x1AE80] =	vst v63  }
0x2e: {  	s14 =	simm.s32 $0x180;
	s15 =	simm.s32 $0x6680  }
0x2f: {  	[tilespmem:s15], [sflag:$0x1] =	stream.indirect.gather [hbm4b:s4+s11], $0x40, s14, s11, $0xb8;
	[tilespmem:$0x1AE80] =	vst v63  }
0x30: {  	s16 =	simm.s32 $0x1A0;
	s17 =	simm.s32 $0x6E80  }
0x31: {  	[tilespmem:s17], [sflag:$0x1] =	stream.indirect.gather [hbm4b:s4+s11], $0x40, s16, s11, $0xb8;
	[tilespmem:$0x1AE80] =	vst v63  }
0x32: {  	s14 =	simm.s32 $0x1C0;
	s15 =	simm.s32 $0x7680  }
0x33: {  	[tilespmem:s15], [sflag:$0x1] =	stream.indirect.gather [hbm4b:s4+s11], $0x40, s14, s11, $0xb8;
	[tilespmem:$0x1AE80] =	vst v63  }
0x34: {  	s16 =	simm.s32 $0x1E0;
	s17 =	simm.s32 $0x7E80  }
0x35: {  	[tilespmem:s17], [sflag:$0x1] =	stream.indirect.gather [hbm4b:s4+s11], $0x40, s16, s11, $0xb8;
	[tilespmem:$0x1AE80] =	vst v63  }
0x36: {  	s14 =	simm.s32 $0x200;
	s15 =	simm.s32 $0x8680  }
0x37: {  	[tilespmem:s15], [sflag:$0x1] =	stream.indirect.gather [hbm4b:s4+s11], $0x40, s14, s11, $0xb8;
	[tilespmem:$0x1AE80] =	vst v63  }
0x38: {  	s16 =	simm.s32 $0x220;
	s17 =	simm.s32 $0x8E80  }
0x39: {  	[tilespmem:s17], [sflag:$0x1] =	stream.indirect.gather [hbm4b:s4+s11], $0x40, s16, s11, $0xb8;
	[tilespmem:$0x1AE80] =	vst v63  }
0x3a: {  	s14 =	simm.s32 $0x240;
	s15 =	simm.s32 $0x9680  }
0x3b: {  	[tilespmem:s15], [sflag:$0x1] =	stream.indirect.gather [hbm4b:s4+s11], $0x40, s14, s11, $0xb8;
	[tilespmem:$0x1AE80] =	vst v63  }
0x3c: {  	s16 =	simm.s32 $0x260;
	s17 =	simm.s32 $0x9E80  }
0x3d: {  	[tilespmem:s17], [sflag:$0x1] =	stream.indirect.gather [hbm4b:s4+s11], $0x40, s16, s11, $0xb8;
	[tilespmem:$0x1AE80] =	vst v63  }
0x3e: {  	s14 =	simm.s32 $0x280;
	s15 =	simm.s32 $0xA680  }
0x3f: {  	[tilespmem:s15], [sflag:$0x1] =	stream.indirect.gather [hbm4b:s4+s11], $0x40, s14, s11, $0xb8;
	[tilespmem:$0x1AE80] =	vst v63  }
0x40: {  	s16 =	simm.s32 $0x2A0;
	s17 =	simm.s32 $0xAE80  }
0x41: {  	[tilespmem:s17], [sflag:$0x1] =	stream.indirect.gather [hbm4b:s4+s11], $0x40, s16, s11, $0xb8;
	[tilespmem:$0x1AE80] =	vst v63  }
0x42: {  	s14 =	simm.s32 $0x2C0;
	s15 =	simm.s32 $0xB680  }
0x43: {  	[tilespmem:s15], [sflag:$0x1] =	stream.indirect.gather [hbm4b:s4+s11], $0x40, s14, s11, $0xb8;
	[tilespmem:$0x1AE80] =	vst v63  }
0x44: {  	s16 =	simm.s32 $0x2E0;
	s17 =	simm.s32 $0xBE80  }
0x45: {  	[tilespmem:s17], [sflag:$0x1] =	stream.indirect.gather [hbm4b:s4+s11], $0x40, s16, s11, $0xb8;
	[tilespmem:$0x1AE80] =	vst v63  }
0x46: {  	s14 =	simm.s32 $0x300;
	s15 =	simm.s32 $0xC680  }
0x47: {  	[tilespmem:s15], [sflag:$0x1] =	stream.indirect.gather [hbm4b:s4+s11], $0x40, s14, s11, $0xb8;
	[tilespmem:$0x1AE80] =	vst v63  }
0x48: {  	s7 =	simm.s32 $0x0;
	s16 =	simm.s32 $0x320;
	s17 =	simm.s32 $0xCE80  }
0x49: {  	[tilespmem:s17], [sflag:$0x1] =	stream.indirect.gather [hbm4b:s4+s11], $0x40, s16, s11, $0xb8;
	[tilespmem:$0x1AE80] =	vst v63  }
.LBB2_2:
0x4a: {  	s14 =	sshll.u32 s7, $0x6  }
0x4b: {  	s10 =	sadd.s32 s8, s14  }
0x4c: {  	s10 =	sshrl.u32 s10, $0x3  }
0x4d: {  	s15 =	sadd.s32 s6, s10  }
0x4e: {  	[tilespmem:s22], [sflag:$0x3] =	stream.strided.gather [hbm4b:s15+s11], $0x340, s12, s11, $0x38;
	[tilespmem:$0x1AE80] =	vst v63  }
0x4f: {  	_ =	swait.ge [sflag:s13], $0x340  }
0x50: {  	[sflag:s13] =	ssyncset.done $0x0  }
0x51: {  	s16 =	simm.s32 $0xD680;
	[sflag:s13] =	ssyncadd.s32 $0xFFFFFCC0  }
0x52: {  	[tilespmem:s16], [sflag:$0x2] =	stream.indirect.gather [hbm4b:s4+s11], $0x40, s22, s11, $0xb8;
	[tilespmem:$0x1AE80] =	vst v63  }
0x53: {  	s17 =	simm.s32 $0x360;
	s16 =	simm.s32 $0xDE80  }
0x54: {  	[tilespmem:s16], [sflag:$0x2] =	stream.indirect.gather [hbm4b:s4+s11], $0x40, s17, s11, $0xb8;
	[tilespmem:$0x1AE80] =	vst v63  }
0x55: {  	s16 =	simm.s32 $0x380;
	s17 =	simm.s32 $0xE680  }
0x56: {  	[tilespmem:s17], [sflag:$0x2] =	stream.indirect.gather [hbm4b:s4+s11], $0x40, s16, s11, $0xb8;
	[tilespmem:$0x1AE80] =	vst v63  }
0x57: {  	s16 =	simm.s32 $0x3A0;
	s17 =	simm.s32 $0xEE80  }
0x58: {  	[tilespmem:s17], [sflag:$0x2] =	stream.indirect.gather [hbm4b:s4+s11], $0x40, s16, s11, $0xb8;
	[tilespmem:$0x1AE80] =	vst v63  }
0x59: {  	s16 =	simm.s32 $0x3C0;
	s17 =	simm.s32 $0xF680  }
0x5a: {  	[tilespmem:s17], [sflag:$0x2] =	stream.indirect.gather [hbm4b:s4+s11], $0x40, s16, s11, $0xb8;
	[tilespmem:$0x1AE80] =	vst v63  }
0x5b: {  	s16 =	simm.s32 $0x3E0;
	s17 =	simm.s32 $0xFE80  }
0x5c: {  	[tilespmem:s17], [sflag:$0x2] =	stream.indirect.gather [hbm4b:s4+s11], $0x40, s16, s11, $0xb8;
	[tilespmem:$0x1AE80] =	vst v63  }
0x5d: {  	s16 =	simm.s32 $0x400;
	s17 =	simm.s32 $0x10680  }
0x5e: {  	[tilespmem:s17], [sflag:$0x2] =	stream.indirect.gather [hbm4b:s4+s11], $0x40, s16, s11, $0xb8;
	[tilespmem:$0x1AE80] =	vst v63  }
0x5f: {  	s16 =	simm.s32 $0x420;
	s17 =	simm.s32 $0x10E80  }
0x60: {  	[tilespmem:s17], [sflag:$0x2] =	stream.indirect.gather [hbm4b:s4+s11], $0x40, s16, s11, $0xb8;
	[tilespmem:$0x1AE80] =	vst v63  }
0x61: {  	s16 =	simm.s32 $0x440;
	s17 =	simm.s32 $0x11680  }
0x62: {  	[tilespmem:s17], [sflag:$0x2] =	stream.indirect.gather [hbm4b:s4+s11], $0x40, s16, s11, $0xb8;
	[tilespmem:$0x1AE80] =	vst v63  }
0x63: {  	s16 =	simm.s32 $0x460;
	s17 =	simm.s32 $0x11E80  }
0x64: {  	[tilespmem:s17], [sflag:$0x2] =	stream.indirect.gather [hbm4b:s4+s11], $0x40, s16, s11, $0xb8;
	[tilespmem:$0x1AE80] =	vst v63  }
0x65: {  	s16 =	simm.s32 $0x480;
	s17 =	simm.s32 $0x12680  }
0x66: {  	[tilespmem:s17], [sflag:$0x2] =	stream.indirect.gather [hbm4b:s4+s11], $0x40, s16, s11, $0xb8;
	[tilespmem:$0x1AE80] =	vst v63  }
0x67: {  	s16 =	simm.s32 $0x4A0;
	s17 =	simm.s32 $0x12E80  }
0x68: {  	[tilespmem:s17], [sflag:$0x2] =	stream.indirect.gather [hbm4b:s4+s11], $0x40, s16, s11, $0xb8;
	[tilespmem:$0x1AE80] =	vst v63  }
0x69: {  	s16 =	simm.s32 $0x4C0;
	s17 =	simm.s32 $0x13680  }
0x6a: {  	[tilespmem:s17], [sflag:$0x2] =	stream.indirect.gather [hbm4b:s4+s11], $0x40, s16, s11, $0xb8;
	[tilespmem:$0x1AE80] =	vst v63  }
0x6b: {  	s16 =	simm.s32 $0x4E0;
	s17 =	simm.s32 $0x13E80  }
0x6c: {  	[tilespmem:s17], [sflag:$0x2] =	stream.indirect.gather [hbm4b:s4+s11], $0x40, s16, s11, $0xb8;
	[tilespmem:$0x1AE80] =	vst v63  }
0x6d: {  	s16 =	simm.s32 $0x500;
	s17 =	simm.s32 $0x14680  }
0x6e: {  	[tilespmem:s17], [sflag:$0x2] =	stream.indirect.gather [hbm4b:s4+s11], $0x40, s16, s11, $0xb8;
	[tilespmem:$0x1AE80] =	vst v63  }
0x6f: {  	s16 =	simm.s32 $0x520;
	s17 =	simm.s32 $0x14E80  }
0x70: {  	[tilespmem:s17], [sflag:$0x2] =	stream.indirect.gather [hbm4b:s4+s11], $0x40, s16, s11, $0xb8;
	[tilespmem:$0x1AE80] =	vst v63  }
0x71: {  	s16 =	simm.s32 $0x540;
	s17 =	simm.s32 $0x15680  }
0x72: {  	[tilespmem:s17], [sflag:$0x2] =	stream.indirect.gather [hbm4b:s4+s11], $0x40, s16, s11, $0xb8;
	[tilespmem:$0x1AE80] =	vst v63  }
0x73: {  	s16 =	simm.s32 $0x560;
	s17 =	simm.s32 $0x15E80  }
0x74: {  	[tilespmem:s17], [sflag:$0x2] =	stream.indirect.gather [hbm4b:s4+s11], $0x40, s16, s11, $0xb8;
	[tilespmem:$0x1AE80] =	vst v63  }
0x75: {  	s16 =	simm.s32 $0x580;
	s17 =	simm.s32 $0x16680  }
0x76: {  	[tilespmem:s17], [sflag:$0x2] =	stream.indirect.gather [hbm4b:s4+s11], $0x40, s16, s11, $0xb8;
	[tilespmem:$0x1AE80] =	vst v63  }
0x77: {  	s17 =	simm.s32 $0x5A0  }
0x78: {  	[tilespmem:s18], [sflag:$0x2] =	stream.indirect.gather [hbm4b:s4+s11], $0x40, s17, s11, $0xb8;
	[tilespmem:$0x1AE80] =	vst v63  }
0x79: {  	_ = 	snop  }
0x7a: {  	[tilespmem:s20], [sflag:$0x2] =	stream.indirect.gather [hbm4b:s4+s11], $0x40, s19, s11, $0xb8;
	[tilespmem:$0x1AE80] =	vst v63  }
0x7b: {  	_ = 	snop  }
0x7c: {  	[tilespmem:s9], [sflag:$0x2] =	stream.indirect.gather [hbm4b:s4+s11], $0x40, s21, s11, $0xb8;
	[tilespmem:$0x1AE80] =	vst v63  }
0x7d: {  	_ = 	snop  }
0x7e: {  	[tilespmem:s23], [sflag:$0x2] =	stream.indirect.gather [hbm4b:s4+s11], $0x40, s3, s11, $0xb8;
	[tilespmem:$0x1AE80] =	vst v63  }
0x7f: {  	_ = 	snop  }
0x80: {  	[tilespmem:s25], [sflag:$0x2] =	stream.indirect.gather [hbm4b:s4+s11], $0x40, s24, s11, $0xb8;
	[tilespmem:$0x1AE80] =	vst v63  }
0x81: {  	_ = 	snop  }
0x82: {  	[tilespmem:s28], [sflag:$0x2] =	stream.indirect.gather [hbm4b:s4+s11], $0x40, s26, s11, $0xb8;
	[tilespmem:$0x1AE80] =	vst v63  }
0x83: {  	_ = 	snop  }
0x84: {  	[tilespmem:s30], [sflag:$0x2] =	stream.indirect.gather [hbm4b:s4+s11], $0x40, s29, s11, $0xb8;
	[tilespmem:$0x1AE80] =	vst v63  }
0x85: {  	_ =	swait.ge [sflag:s31], $0x800  }
0x86: {  	[sflag:s31] =	ssyncset.done $0x0  }
0x87: {  	[sflag:s31] =	ssyncadd.s32 $0xFFFFF800  }
0x88: {  	_ =	swait.ge [sflag:s31], $0x800  }
0x89: {  	[sflag:s31] =	ssyncset.done $0x0  }
0x8a: {  	[sflag:s31] =	ssyncadd.s32 $0xFFFFF800  }
0x8b: {  	_ =	swait.ge [sflag:s31], $0x800  }
0x8c: {  	[sflag:s31] =	ssyncset.done $0x0  }
0x8d: {  	[sflag:s31] =	ssyncadd.s32 $0xFFFFF800  }
0x8e: {  	_ =	swait.ge [sflag:s31], $0x800  }
0x8f: {  	[sflag:s31] =	ssyncset.done $0x0  }
0x90: {  	[sflag:s31] =	ssyncadd.s32 $0xFFFFF800  }
0x91: {  	_ =	swait.ge [sflag:s31], $0x800  }
0x92: {  	[sflag:s31] =	ssyncset.done $0x0  }
0x93: {  	[sflag:s31] =	ssyncadd.s32 $0xFFFFF800  }
0x94: {  	_ =	swait.ge [sflag:s31], $0x800  }
0x95: {  	[sflag:s31] =	ssyncset.done $0x0  }
0x96: {  	[sflag:s31] =	ssyncadd.s32 $0xFFFFF800  }
0x97: {  	_ =	swait.ge [sflag:s31], $0x800  }
0x98: {  	[sflag:s31] =	ssyncset.done $0x0  }
0x99: {  	[sflag:s31] =	ssyncadd.s32 $0xFFFFF800  }
0x9a: {  	_ =	swait.ge [sflag:s31], $0x800  }
0x9b: {  	[sflag:s31] =	ssyncset.done $0x0  }
0x9c: {  	[sflag:s31] =	ssyncadd.s32 $0xFFFFF800  }
0x9d: {  	_ =	swait.ge [sflag:s31], $0x800  }
0x9e: {  	[sflag:s31] =	ssyncset.done $0x0  }
0x9f: {  	[sflag:s31] =	ssyncadd.s32 $0xFFFFF800  }
0xa0: {  	_ =	swait.ge [sflag:s31], $0x800  }
0xa1: {  	[sflag:s31] =	ssyncset.done $0x0  }
0xa2: {  	[sflag:s31] =	ssyncadd.s32 $0xFFFFF800  }
0xa3: {  	_ =	swait.ge [sflag:s31], $0x800  }
0xa4: {  	[sflag:s31] =	ssyncset.done $0x0  }
0xa5: {  	[sflag:s31] =	ssyncadd.s32 $0xFFFFF800  }
0xa6: {  	_ =	swait.ge [sflag:s31], $0x800  }
0xa7: {  	[sflag:s31] =	ssyncset.done $0x0  }
0xa8: {  	[sflag:s31] =	ssyncadd.s32 $0xFFFFF800  }
0xa9: {  	_ =	swait.ge [sflag:s31], $0x800  }
0xaa: {  	[sflag:s31] =	ssyncset.done $0x0  }
0xab: {  	[sflag:s31] =	ssyncadd.s32 $0xFFFFF800  }
0xac: {  	_ =	swait.ge [sflag:s31], $0x800  }
0xad: {  	[sflag:s31] =	ssyncset.done $0x0  }
0xae: {  	[sflag:s31] =	ssyncadd.s32 $0xFFFFF800  }
0xaf: {  	_ =	swait.ge [sflag:s31], $0x800  }
0xb0: {  	[sflag:s31] =	ssyncset.done $0x0  }
0xb1: {  	[sflag:s31] =	ssyncadd.s32 $0xFFFFF800  }
0xb2: {  	_ =	swait.ge [sflag:s31], $0x800  }
0xb3: {  	[sflag:s31] =	ssyncset.done $0x0  }
0xb4: {  	[sflag:s31] =	ssyncadd.s32 $0xFFFFF800  }
0xb5: {  	_ =	swait.ge [sflag:s31], $0x800  }
0xb6: {  	[sflag:s31] =	ssyncset.done $0x0  }
0xb7: {  	[sflag:s31] =	ssyncadd.s32 $0xFFFFF800  }
0xb8: {  	_ =	swait.ge [sflag:s31], $0x800  }
0xb9: {  	[sflag:s31] =	ssyncset.done $0x0  }
0xba: {  	[sflag:s31] =	ssyncadd.s32 $0xFFFFF800  }
0xbb: {  	_ =	swait.ge [sflag:s31], $0x800  }
0xbc: {  	[sflag:s31] =	ssyncset.done $0x0  }
0xbd: {  	[sflag:s31] =	ssyncadd.s32 $0xFFFFF800  }
0xbe: {  	_ =	swait.ge [sflag:s31], $0x800  }
0xbf: {  	[sflag:s31] =	ssyncset.done $0x0  }
0xc0: {  	[sflag:s31] =	ssyncadd.s32 $0xFFFFF800  }
0xc1: {  	_ =	swait.ge [sflag:s31], $0x800  }
0xc2: {  	[sflag:s31] =	ssyncset.done $0x0  }
0xc3: {  	[sflag:s31] =	ssyncadd.s32 $0xFFFFF800  }
0xc4: {  	_ =	swait.ge [sflag:s31], $0x800  }
0xc5: {  	[sflag:s31] =	ssyncset.done $0x0  }
0xc6: {  	[sflag:s31] =	ssyncadd.s32 $0xFFFFF800  }
0xc7: {  	_ =	swait.ge [sflag:s31], $0x800  }
0xc8: {  	[sflag:s31] =	ssyncset.done $0x0  }
0xc9: {  	[sflag:s31] =	ssyncadd.s32 $0xFFFFF800  }
0xca: {  	_ =	swait.ge [sflag:s31], $0x800  }
0xcb: {  	[sflag:s31] =	ssyncset.done $0x0  }
0xcc: {  	[sflag:s31] =	ssyncadd.s32 $0xFFFFF800  }
0xcd: {  	_ =	swait.ge [sflag:s31], $0x800  }
0xce: {  	[sflag:s31] =	ssyncset.done $0x0  }
0xcf: {  	[sflag:s31] =	ssyncadd.s32 $0xFFFFF800  }
0xd0: {  	_ =	swait.ge [sflag:s31], $0x800  }
0xd1: {  	[sflag:s31] =	ssyncset.done $0x0  }
0xd2: {  	s15 =	simm.s32 $0x0;
	s16 =	simm.s32 $0x0;
	[sflag:s31] =	ssyncadd.s32 $0xFFFFF800  }
.LBB2_3:
0xd3: {  	s17 =	sshra.s32 s15, $0x2  }
0xd4: {  	v4 =	vld [tilespmem:s17+$0x680]  }
0xd5: {  	v5 =	vld [tilespmem:s17+$0xE80]  }
0xd6: {  	v6 =	vld [tilespmem:s17+$0x1680]  }
0xd7: {  	v7 =	vld [tilespmem:s17+$0x1E80]  }
0xd8: {  	v8 =	vld [tilespmem:s17+$0x2680]  }
0xd9: {  	v9 =	vld [tilespmem:s17+$0x2E80]  }
0xda: {  	v10 =	vld [tilespmem:s17+$0x3680]  }
0xdb: {  	v11 =	vld [tilespmem:s17+$0x3E80]  }
0xdc: {  	v12 =	vld [tilespmem:s17+$0x4680]  }
0xdd: {  	v13 =	vld [tilespmem:s17+$0x4E80]  }
0xde: {  	v14 =	vld [tilespmem:s17+$0x5680]  }
0xdf: {  	v15 =	vld [tilespmem:s17+$0x5E80]  }
0xe0: {  	v16 =	vld [tilespmem:s17+$0x6680]  }
0xe1: {  	v17 =	vld [tilespmem:s17+$0x6E80]  }
0xe2: {  	v18 =	vld [tilespmem:s17+$0x7680]  }
0xe3: {  	v19 =	vld [tilespmem:s17+$0x7E80]  }
0xe4: {  	v20 =	vld [tilespmem:s17+$0x8680]  }
0xe5: {  	v21 =	vld [tilespmem:s17+$0x8E80]  }
0xe6: {  	v22 =	vld [tilespmem:s17+$0x9680]  }
0xe7: {  	v23 =	vld [tilespmem:s17+$0x9E80]  }
0xe8: {  	v24 =	vld [tilespmem:s17+$0xA680]  }
0xe9: {  	v25 =	vld [tilespmem:s17+$0xAE80]  }
0xea: {  	v26 =	vld [tilespmem:s17+$0xB680]  }
0xeb: {  	v27 =	vld [tilespmem:s17+$0xBE80];
	v4 =	vadd.f32 v5, v4;
	v5 =	vadd.f32 v7, v6  }
0xec: {  	v56 =	vadd.f32 v9, v8;
	v57 =	vadd.f32 v11, v10  }
0xed: {  	v58 =	vadd.f32 v13, v12;
	v59 =	vadd.f32 v15, v14  }
0xee: {  	v60 =	vld [tilespmem:s17+$0xC680];
	v61 =	vadd.f32 v17, v16;
	v62 =	vadd.f32 v19, v18  }
0xef: {  	v63 =	vld [tilespmem:s17+$0xCE80];
	v21 =	vadd.f32 v21, v20;
	v22 =	vadd.f32 v23, v22  }
0xf0: {  	v23 =	vadd.f32 v25, v24;
	v24 =	vadd.f32 v27, v26  }
0xf1: {  	v4 =	vadd.f32 v5, v4;
	v5 =	vadd.f32 v57, v56  }
0xf2: {  	v25 =	vmov s16;
	v26 =	vadd.f32 v59, v58;
	v27 =	vadd.f32 v62, v61  }
0xf3: {  	v6 =	vand.u32 $0x1F, v25;
	v28 =	vadd.f32 v22, v21;
	v29 =	vadd.f32 v24, v23  }
0xf4: {  	v10 =	vadd.f32 v63, v60;
	v5 =	vadd.f32 v5, v4;
	v4 =	vbroadcast v6, $0x0  }
0xf5: {  	v30 =	vadd.f32 v27, v26;
	v31 =	vadd.f32 v29, v28  }
0xf6: {  	v32 =	vor.u32 v0, v4  }
0xf7: {  	v5 =	vadd.f32 v30, v5;
	v33 =	vadd.f32 v10, v31;
	_ =	sdelay $0x1  }
0xf8: {  	v5 =	vadd.f32 v33, v5;
	_ =	sdelay $0x1  }
0xf9: {  	[tilespmem:v32+s0+$0x0] =	vst.idx.msk $0xffff, v5  }
0xfa: {  	v5 =	vld [tilespmem:s17+$0x690]  }
0xfb: {  	v34 =	vld [tilespmem:s17+$0xE90]  }
0xfc: {  	v35 =	vld [tilespmem:s17+$0x1690]  }
0xfd: {  	v8 =	vld [tilespmem:s17+$0x1E90]  }
0xfe: {  	v36 =	vld [tilespmem:s17+$0x2690]  }
0xff: {  	v37 =	vld [tilespmem:s17+$0x2E90]  }
0x100: {  	v38 =	vld [tilespmem:s17+$0x3690]  }
0x101: {  	v39 =	vld [tilespmem:s17+$0x3E90]  }
0x102: {  	v40 =	vld [tilespmem:s17+$0x4690]  }
0x103: {  	v41 =	vld [tilespmem:s17+$0x4E90]  }
0x104: {  	v42 =	vld [tilespmem:s17+$0x5690]  }
0x105: {  	v43 =	vld [tilespmem:s17+$0x5E90]  }
0x106: {  	v44 =	vld [tilespmem:s17+$0x6690]  }
0x107: {  	v45 =	vld [tilespmem:s17+$0x6E90]  }
0x108: {  	v46 =	vld [tilespmem:s17+$0x7690]  }
0x109: {  	v47 =	vld [tilespmem:s17+$0x7E90]  }
0x10a: {  	v48 =	vld [tilespmem:s17+$0x8690]  }
0x10b: {  	v49 =	vld [tilespmem:s17+$0x8E90]  }
0x10c: {  	v50 =	vld [tilespmem:s17+$0x9690]  }
0x10d: {  	v51 =	vld [tilespmem:s17+$0x9E90]  }
0x10e: {  	v52 =	vld [tilespmem:s17+$0xA690]  }
0x10f: {  	v53 =	vld [tilespmem:s17+$0xAE90]  }
0x110: {  	v54 =	vld [tilespmem:s17+$0xB690]  }
0x111: {  	v28 =	vld [tilespmem:s17+$0xBE90];
	v5 =	vadd.f32 v34, v5;
	v55 =	vadd.f32 v8, v35  }
0x112: {  	v56 =	vadd.f32 v37, v36;
	v57 =	vadd.f32 v39, v38  }
0x113: {  	v58 =	vadd.f32 v41, v40;
	v59 =	vadd.f32 v43, v42  }
0x114: {  	v60 =	vld [tilespmem:s17+$0xC690];
	v61 =	vadd.f32 v45, v44;
	v62 =	vadd.f32 v47, v46  }
0x115: {  	v63 =	vld [tilespmem:s17+$0xCE90];
	v29 =	vadd.f32 v49, v48;
	v30 =	vadd.f32 v51, v50  }
0x116: {  	v31 =	vadd.f32 v53, v52;
	v32 =	vadd.f32 v28, v54  }
0x117: {  	v5 =	vadd.f32 v55, v5;
	v33 =	vadd.f32 v57, v56  }
0x118: {  	v34 =	vadd.f32 v59, v58;
	v35 =	vadd.f32 v62, v61  }
0x119: {  	v36 =	vadd.f32 v30, v29;
	v37 =	vadd.f32 v32, v31  }
0x11a: {  	v11 =	vadd.f32 v63, v60;
	v5 =	vadd.f32 v33, v5  }
0x11b: {  	v38 =	vadd.f32 v35, v34;
	v39 =	vadd.f32 v37, v36  }
0x11c: {  	v40 =	vor.u32 v1, v4  }
0x11d: {  	v5 =	vadd.f32 v38, v5;
	v41 =	vadd.f32 v11, v39;
	_ =	sdelay $0x1  }
0x11e: {  	v5 =	vadd.f32 v41, v5;
	_ =	sdelay $0x1  }
0x11f: {  	[tilespmem:v40+s0+$0x0] =	vst.idx.msk $0xffff, v5  }
0x120: {  	v5 =	vld [tilespmem:s17+$0x6A0]  }
0x121: {  	v42 =	vld [tilespmem:s17+$0xEA0]  }
0x122: {  	v43 =	vld [tilespmem:s17+$0x16A0]  }
0x123: {  	v8 =	vld [tilespmem:s17+$0x1EA0]  }
0x124: {  	v44 =	vld [tilespmem:s17+$0x26A0]  }
0x125: {  	v45 =	vld [tilespmem:s17+$0x2EA0]  }
0x126: {  	v46 =	vld [tilespmem:s17+$0x36A0]  }
0x127: {  	v47 =	vld [tilespmem:s17+$0x3EA0]  }
0x128: {  	v48 =	vld [tilespmem:s17+$0x46A0]  }
0x129: {  	v49 =	vld [tilespmem:s17+$0x4EA0]  }
0x12a: {  	v50 =	vld [tilespmem:s17+$0x56A0]  }
0x12b: {  	v51 =	vld [tilespmem:s17+$0x5EA0]  }
0x12c: {  	v52 =	vld [tilespmem:s17+$0x66A0]  }
0x12d: {  	v53 =	vld [tilespmem:s17+$0x6EA0]  }
0x12e: {  	v54 =	vld [tilespmem:s17+$0x76A0]  }
0x12f: {  	v55 =	vld [tilespmem:s17+$0x7EA0]  }
0x130: {  	v56 =	vld [tilespmem:s17+$0x86A0]  }
0x131: {  	v57 =	vld [tilespmem:s17+$0x8EA0]  }
0x132: {  	v58 =	vld [tilespmem:s17+$0x96A0]  }
0x133: {  	v59 =	vld [tilespmem:s17+$0x9EA0]  }
0x134: {  	v60 =	vld [tilespmem:s17+$0xA6A0]  }
0x135: {  	v61 =	vld [tilespmem:s17+$0xAEA0]  }
0x136: {  	v62 =	vld [tilespmem:s17+$0xB6A0]  }
0x137: {  	v63 =	vld [tilespmem:s17+$0xBEA0];
	v5 =	vadd.f32 v42, v5;
	v31 =	vadd.f32 v8, v43  }
0x138: {  	v32 =	vadd.f32 v45, v44;
	v33 =	vadd.f32 v47, v46  }
0x139: {  	v34 =	vadd.f32 v49, v48;
	v35 =	vadd.f32 v51, v50  }
0x13a: {  	v36 =	vld [tilespmem:s17+$0xC6A0];
	v37 =	vadd.f32 v53, v52;
	v38 =	vadd.f32 v55, v54  }
0x13b: {  	v39 =	vld [tilespmem:s17+$0xCEA0];
	v40 =	vadd.f32 v57, v56;
	v41 =	vadd.f32 v59, v58  }
0x13c: {  	v42 =	vadd.f32 v61, v60;
	v43 =	vadd.f32 v63, v62  }
0x13d: {  	v5 =	vadd.f32 v31, v5;
	v44 =	vadd.f32 v33, v32  }
0x13e: {  	v45 =	vadd.f32 v35, v34;
	v46 =	vadd.f32 v38, v37  }
0x13f: {  	v47 =	vadd.f32 v41, v40;
	v48 =	vadd.f32 v43, v42  }
0x140: {  	v11 =	vadd.f32 v39, v36;
	v5 =	vadd.f32 v44, v5  }
0x141: {  	v49 =	vadd.f32 v46, v45;
	v50 =	vadd.f32 v48, v47  }
0x142: {  	v51 =	vor.u32 v2, v4  }
0x143: {  	v5 =	vadd.f32 v49, v5;
	v52 =	vadd.f32 v11, v50;
	_ =	sdelay $0x1  }
0x144: {  	v5 =	vadd.f32 v52, v5;
	_ =	sdelay $0x1  }
0x145: {  	[tilespmem:v51+s0+$0x0] =	vst.idx.msk $0xffff, v5  }
0x146: {  	v5 =	vld [tilespmem:s17+$0x6B0]  }
0x147: {  	v53 =	vld [tilespmem:s17+$0xEB0]  }
0x148: {  	v54 =	vld [tilespmem:s17+$0x16B0]  }
0x149: {  	v8 =	vld [tilespmem:s17+$0x1EB0]  }
0x14a: {  	v55 =	vld [tilespmem:s17+$0x26B0]  }
0x14b: {  	v56 =	vld [tilespmem:s17+$0x2EB0]  }
0x14c: {  	v57 =	vld [tilespmem:s17+$0x36B0]  }
0x14d: {  	v58 =	vld [tilespmem:s17+$0x3EB0]  }
0x14e: {  	v59 =	vld [tilespmem:s17+$0x46B0]  }
0x14f: {  	v60 =	vld [tilespmem:s17+$0x4EB0]  }
0x150: {  	v61 =	vld [tilespmem:s17+$0x56B0]  }
0x151: {  	v62 =	vld [tilespmem:s17+$0x5EB0]  }
0x152: {  	v63 =	vld [tilespmem:s17+$0x66B0]  }
0x153: {  	v32 =	vld [tilespmem:s17+$0x6EB0]  }
0x154: {  	v33 =	vld [tilespmem:s17+$0x76B0]  }
0x155: {  	v34 =	vld [tilespmem:s17+$0x7EB0]  }
0x156: {  	v35 =	vld [tilespmem:s17+$0x86B0]  }
0x157: {  	v36 =	vld [tilespmem:s17+$0x8EB0]  }
0x158: {  	v37 =	vld [tilespmem:s17+$0x96B0]  }
0x159: {  	v38 =	vld [tilespmem:s17+$0x9EB0]  }
0x15a: {  	v39 =	vld [tilespmem:s17+$0xA6B0]  }
0x15b: {  	v40 =	vld [tilespmem:s17+$0xAEB0]  }
0x15c: {  	v41 =	vld [tilespmem:s17+$0xB6B0]  }
0x15d: {  	v42 =	vld [tilespmem:s17+$0xBEB0];
	v5 =	vadd.f32 v53, v5;
	v43 =	vadd.f32 v8, v54  }
0x15e: {  	v44 =	vadd.f32 v56, v55;
	v45 =	vadd.f32 v58, v57  }
0x15f: {  	v46 =	vadd.f32 v60, v59;
	v47 =	vadd.f32 v62, v61  }
0x160: {  	v48 =	vld [tilespmem:s17+$0xC6B0];
	v49 =	vadd.f32 v32, v63;
	v50 =	vadd.f32 v34, v33  }
0x161: {  	v51 =	vld [tilespmem:s17+$0xCEB0];
	v52 =	vadd.f32 v36, v35;
	v53 =	vadd.f32 v38, v37  }
0x162: {  	v54 =	vadd.f32 v40, v39;
	v55 =	vadd.f32 v42, v41  }
0x163: {  	v5 =	vadd.f32 v43, v5;
	v56 =	vadd.f32 v45, v44  }
0x164: {  	v57 =	vadd.f32 v47, v46;
	v58 =	vadd.f32 v50, v49  }
0x165: {  	v59 =	vadd.f32 v53, v52;
	v60 =	vadd.f32 v55, v54  }
0x166: {  	v11 =	vadd.f32 v51, v48;
	v5 =	vadd.f32 v56, v5  }
0x167: {  	v61 =	vadd.f32 v58, v57;
	v62 =	vadd.f32 v60, v59  }
0x168: {  	p0 =	sne.s32 s15, $0x1F00;
	v4 =	vor.u32 v3, v4  }
.Ltmp0:
0x169: {  	v5 =	vadd.f32 v61, v5;
	v63 =	vadd.f32 v11, v62;
	(pc) =	sbr.rel @p0 .LBB2_3-.Ltmp0, $3  }
0x16a: {  	_ = 	snop  }
0x16b: {  	v5 =	vadd.f32 v63, v5;
	_ =	sdelay $0x1  }
0x16c: {  	s15 =	sadd.s32 $0x100, s15;
	s16 =	sadd.s32 $0x1, s16;
	[tilespmem:v4+s0+$0x0] =	vst.idx.msk $0xffff, v5  }
0x16d: {  	s15 =	sor.u32 s5, s14  }
0x16e: {  	p0 =	seq.s32 s7, $0x7;
	s15 =	sshrl.u32 s15, $0x3  }
.Ltmp1:
0x16f: {  	s15 =	sadd.s32 s1, s15;
	(pc) =	sbr.rel @p0 .LBB2_6-.Ltmp1, $4  }
0x170: {  	[hbm4b:s15+s11] =	stream.strided.scatter [tilespmem:s0], [sflag:$0x3], $0x800, s12, s11, $0x38;
	[tilespmem:$0x1AE80] =	vst v63  }
0x171: {  	_ =	swait.ge [sflag:s13], $0x800  }
0x172: {  	[sflag:s13] =	ssyncset.done $0x0  }
0x173: {  	[sflag:s13] =	ssyncadd.s32 $0xFFFFF800  }
0x174: {  	s15 =	rddreg [dreg:$0x4]  }
0x175: {  	s14 =	sadd.s32 s14, s15  }
0x176: {  	s14 =	sshrl.u32 s14, $0x3  }
0x177: {  	s16 =	simm.s32 $0x0;
	s14 =	sadd.s32 s6, s14  }
0x178: {  	[tilespmem:s16], [sflag:$0x3] =	stream.strided.gather [hbm4b:s14+s11], $0x340, s12, s11, $0x38;
	[tilespmem:$0x1AE80] =	vst v63  }
0x179: {  	_ =	swait.ge [sflag:s13], $0x340  }
0x17a: {  	[sflag:s13] =	ssyncset.done $0x0  }
0x17b: {  	s17 =	simm.s32 $0x680;
	[sflag:s13] =	ssyncadd.s32 $0xFFFFFCC0  }
0x17c: {  	[tilespmem:s17], [sflag:$0x1] =	stream.indirect.gather [hbm4b:s4+s11], $0x40, s16, s11, $0xb8;
	[tilespmem:$0x1AE80] =	vst v63  }
0x17d: {  	s15 =	simm.s32 $0xE80  }
0x17e: {  	[tilespmem:s15], [sflag:$0x1] =	stream.indirect.gather [hbm4b:s4+s11], $0x40, s11, s11, $0xb8;
	[tilespmem:$0x1AE80] =	vst v63  }
0x17f: {  	s16 =	simm.s32 $0x40;
	s17 =	simm.s32 $0x1680  }
0x180: {  	[tilespmem:s17], [sflag:$0x1] =	stream.indirect.gather [hbm4b:s4+s11], $0x40, s16, s11, $0xb8;
	[tilespmem:$0x1AE80] =	vst v63  }
0x181: {  	s16 =	simm.s32 $0x60;
	s17 =	simm.s32 $0x1E80  }
0x182: {  	[tilespmem:s17], [sflag:$0x1] =	stream.indirect.gather [hbm4b:s4+s11], $0x40, s16, s11, $0xb8;
	[tilespmem:$0x1AE80] =	vst v63  }
0x183: {  	s16 =	simm.s32 $0x80;
	s17 =	simm.s32 $0x2680  }
0x184: {  	[tilespmem:s17], [sflag:$0x1] =	stream.indirect.gather [hbm4b:s4+s11], $0x40, s16, s11, $0xb8;
	[tilespmem:$0x1AE80] =	vst v63  }
0x185: {  	s16 =	simm.s32 $0xA0;
	s17 =	simm.s32 $0x2E80  }
0x186: {  	[tilespmem:s17], [sflag:$0x1] =	stream.indirect.gather [hbm4b:s4+s11], $0x40, s16, s11, $0xb8;
	[tilespmem:$0x1AE80] =	vst v63  }
0x187: {  	s16 =	simm.s32 $0xC0;
	s17 =	simm.s32 $0x3680  }
0x188: {  	[tilespmem:s17], [sflag:$0x1] =	stream.indirect.gather [hbm4b:s4+s11], $0x40, s16, s11, $0xb8;
	[tilespmem:$0x1AE80] =	vst v63  }
0x189: {  	s16 =	simm.s32 $0xE0;
	s17 =	simm.s32 $0x3E80  }
0x18a: {  	[tilespmem:s17], [sflag:$0x1] =	stream.indirect.gather [hbm4b:s4+s11], $0x40, s16, s11, $0xb8;
	[tilespmem:$0x1AE80] =	vst v63  }
0x18b: {  	s16 =	simm.s32 $0x100;
	s17 =	simm.s32 $0x4680  }
0x18c: {  	[tilespmem:s17], [sflag:$0x1] =	stream.indirect.gather [hbm4b:s4+s11], $0x40, s16, s11, $0xb8;
	[tilespmem:$0x1AE80] =	vst v63  }
0x18d: {  	s16 =	simm.s32 $0x120;
	s17 =	simm.s32 $0x4E80  }
0x18e: {  	[tilespmem:s17], [sflag:$0x1] =	stream.indirect.gather [hbm4b:s4+s11], $0x40, s16, s11, $0xb8;
	[tilespmem:$0x1AE80] =	vst v63  }
0x18f: {  	s16 =	simm.s32 $0x140;
	s17 =	simm.s32 $0x5680  }
0x190: {  	[tilespmem:s17], [sflag:$0x1] =	stream.indirect.gather [hbm4b:s4+s11], $0x40, s16, s11, $0xb8;
	[tilespmem:$0x1AE80] =	vst v63  }
0x191: {  	s16 =	simm.s32 $0x160;
	s17 =	simm.s32 $0x5E80  }
0x192: {  	[tilespmem:s17], [sflag:$0x1] =	stream.indirect.gather [hbm4b:s4+s11], $0x40, s16, s11, $0xb8;
	[tilespmem:$0x1AE80] =	vst v63  }
0x193: {  	s16 =	simm.s32 $0x180;
	s17 =	simm.s32 $0x6680  }
0x194: {  	[tilespmem:s17], [sflag:$0x1] =	stream.indirect.gather [hbm4b:s4+s11], $0x40, s16, s11, $0xb8;
	[tilespmem:$0x1AE80] =	vst v63  }
0x195: {  	s16 =	simm.s32 $0x1A0;
	s17 =	simm.s32 $0x6E80  }
0x196: {  	[tilespmem:s17], [sflag:$0x1] =	stream.indirect.gather [hbm4b:s4+s11], $0x40, s16, s11, $0xb8;
	[tilespmem:$0x1AE80] =	vst v63  }
0x197: {  	s16 =	simm.s32 $0x1C0;
	s17 =	simm.s32 $0x7680  }
0x198: {  	[tilespmem:s17], [sflag:$0x1] =	stream.indirect.gather [hbm4b:s4+s11], $0x40, s16, s11, $0xb8;
	[tilespmem:$0x1AE80] =	vst v63  }
0x199: {  	s16 =	simm.s32 $0x1E0;
	s17 =	simm.s32 $0x7E80  }
0x19a: {  	[tilespmem:s17], [sflag:$0x1] =	stream.indirect.gather [hbm4b:s4+s11], $0x40, s16, s11, $0xb8;
	[tilespmem:$0x1AE80] =	vst v63  }
0x19b: {  	s16 =	simm.s32 $0x200;
	s17 =	simm.s32 $0x8680  }
0x19c: {  	[tilespmem:s17], [sflag:$0x1] =	stream.indirect.gather [hbm4b:s4+s11], $0x40, s16, s11, $0xb8;
	[tilespmem:$0x1AE80] =	vst v63  }
0x19d: {  	s16 =	simm.s32 $0x220;
	s17 =	simm.s32 $0x8E80  }
0x19e: {  	[tilespmem:s17], [sflag:$0x1] =	stream.indirect.gather [hbm4b:s4+s11], $0x40, s16, s11, $0xb8;
	[tilespmem:$0x1AE80] =	vst v63  }
0x19f: {  	s16 =	simm.s32 $0x240;
	s17 =	simm.s32 $0x9680  }
0x1a0: {  	[tilespmem:s17], [sflag:$0x1] =	stream.indirect.gather [hbm4b:s4+s11], $0x40, s16, s11, $0xb8;
	[tilespmem:$0x1AE80] =	vst v63  }
0x1a1: {  	s16 =	simm.s32 $0x260;
	s17 =	simm.s32 $0x9E80  }
0x1a2: {  	[tilespmem:s17], [sflag:$0x1] =	stream.indirect.gather [hbm4b:s4+s11], $0x40, s16, s11, $0xb8;
	[tilespmem:$0x1AE80] =	vst v63  }
0x1a3: {  	s16 =	simm.s32 $0x280;
	s17 =	simm.s32 $0xA680  }
0x1a4: {  	[tilespmem:s17], [sflag:$0x1] =	stream.indirect.gather [hbm4b:s4+s11], $0x40, s16, s11, $0xb8;
	[tilespmem:$0x1AE80] =	vst v63  }
0x1a5: {  	s16 =	simm.s32 $0x2A0;
	s17 =	simm.s32 $0xAE80  }
0x1a6: {  	[tilespmem:s17], [sflag:$0x1] =	stream.indirect.gather [hbm4b:s4+s11], $0x40, s16, s11, $0xb8;
	[tilespmem:$0x1AE80] =	vst v63  }
0x1a7: {  	s16 =	simm.s32 $0x2C0;
	s17 =	simm.s32 $0xB680  }
0x1a8: {  	[tilespmem:s17], [sflag:$0x1] =	stream.indirect.gather [hbm4b:s4+s11], $0x40, s16, s11, $0xb8;
	[tilespmem:$0x1AE80] =	vst v63  }
0x1a9: {  	s16 =	simm.s32 $0x2E0;
	s17 =	simm.s32 $0xBE80  }
0x1aa: {  	[tilespmem:s17], [sflag:$0x1] =	stream.indirect.gather [hbm4b:s4+s11], $0x40, s16, s11, $0xb8;
	[tilespmem:$0x1AE80] =	vst v63  }
0x1ab: {  	s16 =	simm.s32 $0x300;
	s17 =	simm.s32 $0xC680  }
0x1ac: {  	[tilespmem:s17], [sflag:$0x1] =	stream.indirect.gather [hbm4b:s4+s11], $0x40, s16, s11, $0xb8;
	[tilespmem:$0x1AE80] =	vst v63  }
0x1ad: {  	s16 =	simm.s32 $0x320;
	s17 =	simm.s32 $0xCE80  }
0x1ae: {  	[tilespmem:s17], [sflag:$0x1] =	stream.indirect.gather [hbm4b:s4+s11], $0x40, s16, s11, $0xb8;
	[tilespmem:$0x1AE80] =	vst v63  }
.LBB2_6:
0x1af: {  	_ =	swait.ge [sflag:s2], $0x800  }
0x1b0: {  	[sflag:s2] =	ssyncset.done $0x0  }
0x1b1: {  	[sflag:s2] =	ssyncadd.s32 $0xFFFFF800  }
0x1b2: {  	_ =	swait.ge [sflag:s2], $0x800  }
0x1b3: {  	[sflag:s2] =	ssyncset.done $0x0  }
0x1b4: {  	[sflag:s2] =	ssyncadd.s32 $0xFFFFF800  }
0x1b5: {  	_ =	swait.ge [sflag:s2], $0x800  }
0x1b6: {  	[sflag:s2] =	ssyncset.done $0x0  }
0x1b7: {  	[sflag:s2] =	ssyncadd.s32 $0xFFFFF800  }
0x1b8: {  	_ =	swait.ge [sflag:s2], $0x800  }
0x1b9: {  	[sflag:s2] =	ssyncset.done $0x0  }
0x1ba: {  	[sflag:s2] =	ssyncadd.s32 $0xFFFFF800  }
0x1bb: {  	_ =	swait.ge [sflag:s2], $0x800  }
0x1bc: {  	[sflag:s2] =	ssyncset.done $0x0  }
0x1bd: {  	[sflag:s2] =	ssyncadd.s32 $0xFFFFF800  }
0x1be: {  	_ =	swait.ge [sflag:s2], $0x800  }
0x1bf: {  	[sflag:s2] =	ssyncset.done $0x0  }
0x1c0: {  	[sflag:s2] =	ssyncadd.s32 $0xFFFFF800  }
0x1c1: {  	_ =	swait.ge [sflag:s2], $0x800  }
0x1c2: {  	[sflag:s2] =	ssyncset.done $0x0  }
0x1c3: {  	[sflag:s2] =	ssyncadd.s32 $0xFFFFF800  }
0x1c4: {  	_ =	swait.ge [sflag:s2], $0x800  }
0x1c5: {  	[sflag:s2] =	ssyncset.done $0x0  }
0x1c6: {  	[sflag:s2] =	ssyncadd.s32 $0xFFFFF800  }
0x1c7: {  	_ =	swait.ge [sflag:s2], $0x800  }
0x1c8: {  	[sflag:s2] =	ssyncset.done $0x0  }
0x1c9: {  	[sflag:s2] =	ssyncadd.s32 $0xFFFFF800  }
0x1ca: {  	_ =	swait.ge [sflag:s2], $0x800  }
0x1cb: {  	[sflag:s2] =	ssyncset.done $0x0  }
0x1cc: {  	[sflag:s2] =	ssyncadd.s32 $0xFFFFF800  }
0x1cd: {  	_ =	swait.ge [sflag:s2], $0x800  }
0x1ce: {  	[sflag:s2] =	ssyncset.done $0x0  }
0x1cf: {  	[sflag:s2] =	ssyncadd.s32 $0xFFFFF800  }
0x1d0: {  	_ =	swait.ge [sflag:s2], $0x800  }
0x1d1: {  	[sflag:s2] =	ssyncset.done $0x0  }
0x1d2: {  	[sflag:s2] =	ssyncadd.s32 $0xFFFFF800  }
0x1d3: {  	_ =	swait.ge [sflag:s2], $0x800  }
0x1d4: {  	[sflag:s2] =	ssyncset.done $0x0  }
0x1d5: {  	[sflag:s2] =	ssyncadd.s32 $0xFFFFF800  }
0x1d6: {  	_ =	swait.ge [sflag:s2], $0x800  }
0x1d7: {  	[sflag:s2] =	ssyncset.done $0x0  }
0x1d8: {  	[sflag:s2] =	ssyncadd.s32 $0xFFFFF800  }
0x1d9: {  	_ =	swait.ge [sflag:s2], $0x800  }
0x1da: {  	[sflag:s2] =	ssyncset.done $0x0  }
0x1db: {  	[sflag:s2] =	ssyncadd.s32 $0xFFFFF800  }
0x1dc: {  	_ =	swait.ge [sflag:s2], $0x800  }
0x1dd: {  	[sflag:s2] =	ssyncset.done $0x0  }
0x1de: {  	[sflag:s2] =	ssyncadd.s32 $0xFFFFF800  }
0x1df: {  	_ =	swait.ge [sflag:s2], $0x800  }
0x1e0: {  	[sflag:s2] =	ssyncset.done $0x0  }
0x1e1: {  	[sflag:s2] =	ssyncadd.s32 $0xFFFFF800  }
0x1e2: {  	_ =	swait.ge [sflag:s2], $0x800  }
0x1e3: {  	[sflag:s2] =	ssyncset.done $0x0  }
0x1e4: {  	[sflag:s2] =	ssyncadd.s32 $0xFFFFF800  }
0x1e5: {  	_ =	swait.ge [sflag:s2], $0x800  }
0x1e6: {  	[sflag:s2] =	ssyncset.done $0x0  }
0x1e7: {  	[sflag:s2] =	ssyncadd.s32 $0xFFFFF800  }
0x1e8: {  	_ =	swait.ge [sflag:s2], $0x800  }
0x1e9: {  	[sflag:s2] =	ssyncset.done $0x0  }
0x1ea: {  	[sflag:s2] =	ssyncadd.s32 $0xFFFFF800  }
0x1eb: {  	_ =	swait.ge [sflag:s2], $0x800  }
0x1ec: {  	[sflag:s2] =	ssyncset.done $0x0  }
0x1ed: {  	[sflag:s2] =	ssyncadd.s32 $0xFFFFF800  }
0x1ee: {  	_ =	swait.ge [sflag:s2], $0x800  }
0x1ef: {  	[sflag:s2] =	ssyncset.done $0x0  }
0x1f0: {  	[sflag:s2] =	ssyncadd.s32 $0xFFFFF800  }
0x1f1: {  	_ =	swait.ge [sflag:s2], $0x800  }
0x1f2: {  	[sflag:s2] =	ssyncset.done $0x0  }
0x1f3: {  	[sflag:s2] =	ssyncadd.s32 $0xFFFFF800  }
0x1f4: {  	_ =	swait.ge [sflag:s2], $0x800  }
0x1f5: {  	[sflag:s2] =	ssyncset.done $0x0  }
0x1f6: {  	[sflag:s2] =	ssyncadd.s32 $0xFFFFF800  }
0x1f7: {  	_ =	swait.ge [sflag:s2], $0x800  }
0x1f8: {  	[sflag:s2] =	ssyncset.done $0x0  }
0x1f9: {  	[sflag:s2] =	ssyncadd.s32 $0xFFFFF800  }
0x1fa: {  	_ =	swait.ge [sflag:s2], $0x800  }
0x1fb: {  	[sflag:s2] =	ssyncset.done $0x0  }
0x1fc: {  	s14 =	simm.s32 $0x0;
	s15 =	simm.s32 $0x0;
	[sflag:s2] =	ssyncadd.s32 $0xFFFFF800  }
.LBB2_7:
0x1fd: {  	s16 =	sshra.s32 s14, $0x2  }
0x1fe: {  	v4 =	vld [tilespmem:s16+$0xD680]  }
0x1ff: {  	v5 =	vld [tilespmem:s16+$0xDE80]  }
0x200: {  	v6 =	vld [tilespmem:s16+$0xE680]  }
0x201: {  	v7 =	vld [tilespmem:s16+$0xEE80]  }
0x202: {  	v8 =	vld [tilespmem:s16+$0xF680]  }
0x203: {  	v9 =	vld [tilespmem:s16+$0xFE80]  }
0x204: {  	v10 =	vld [tilespmem:s16+$0x10680]  }
0x205: {  	v11 =	vld [tilespmem:s16+$0x10E80]  }
0x206: {  	v12 =	vld [tilespmem:s16+$0x11680]  }
0x207: {  	v13 =	vld [tilespmem:s16+$0x11E80]  }
0x208: {  	v14 =	vld [tilespmem:s16+$0x12680]  }
0x209: {  	v15 =	vld [tilespmem:s16+$0x12E80]  }
0x20a: {  	v16 =	vld [tilespmem:s16+$0x13680]  }
0x20b: {  	v17 =	vld [tilespmem:s16+$0x13E80]  }
0x20c: {  	v18 =	vld [tilespmem:s16+$0x14680]  }
0x20d: {  	v19 =	vld [tilespmem:s16+$0x14E80]  }
0x20e: {  	v20 =	vld [tilespmem:s16+$0x15680]  }
0x20f: {  	v21 =	vld [tilespmem:s16+$0x15E80]  }
0x210: {  	v22 =	vld [tilespmem:s16+$0x16680]  }
0x211: {  	v23 =	vld [tilespmem:s16+$0x16E80]  }
0x212: {  	v24 =	vld [tilespmem:s16+$0x17680]  }
0x213: {  	v25 =	vld [tilespmem:s16+$0x17E80]  }
0x214: {  	v26 =	vld [tilespmem:s16+$0x18680]  }
0x215: {  	v27 =	vld [tilespmem:s16+$0x18E80];
	v4 =	vadd.f32 v5, v4;
	v5 =	vadd.f32 v7, v6  }
0x216: {  	v56 =	vadd.f32 v9, v8;
	v57 =	vadd.f32 v11, v10  }
0x217: {  	v58 =	vadd.f32 v13, v12;
	v59 =	vadd.f32 v15, v14  }
0x218: {  	v60 =	vld [tilespmem:s16+$0x19680];
	v61 =	vadd.f32 v17, v16;
	v62 =	vadd.f32 v19, v18  }
0x219: {  	v63 =	vld [tilespmem:s16+$0x19E80];
	v21 =	vadd.f32 v21, v20;
	v22 =	vadd.f32 v23, v22  }
0x21a: {  	v23 =	vadd.f32 v25, v24;
	v24 =	vadd.f32 v27, v26  }
0x21b: {  	v4 =	vadd.f32 v5, v4;
	v5 =	vadd.f32 v57, v56  }
0x21c: {  	v25 =	vmov s15;
	v26 =	vadd.f32 v59, v58;
	v27 =	vadd.f32 v62, v61  }
0x21d: {  	v6 =	vand.u32 $0x1F, v25;
	v28 =	vadd.f32 v22, v21;
	v29 =	vadd.f32 v24, v23  }
0x21e: {  	v10 =	vadd.f32 v63, v60;
	v5 =	vadd.f32 v5, v4;
	v4 =	vbroadcast v6, $0x0  }
0x21f: {  	v30 =	vadd.f32 v27, v26;
	v31 =	vadd.f32 v29, v28  }
0x220: {  	v32 =	vor.u32 v0, v4  }
0x221: {  	v5 =	vadd.f32 v30, v5;
	v33 =	vadd.f32 v10, v31;
	_ =	sdelay $0x1  }
0x222: {  	v5 =	vadd.f32 v33, v5;
	_ =	sdelay $0x1  }
0x223: {  	[tilespmem:v32+s0+$0x0] =	vst.idx.msk $0xffff, v5  }
0x224: {  	v5 =	vld [tilespmem:s16+$0xD690]  }
0x225: {  	v34 =	vld [tilespmem:s16+$0xDE90]  }
0x226: {  	v35 =	vld [tilespmem:s16+$0xE690]  }
0x227: {  	v8 =	vld [tilespmem:s16+$0xEE90]  }
0x228: {  	v36 =	vld [tilespmem:s16+$0xF690]  }
0x229: {  	v37 =	vld [tilespmem:s16+$0xFE90]  }
0x22a: {  	v38 =	vld [tilespmem:s16+$0x10690]  }
0x22b: {  	v39 =	vld [tilespmem:s16+$0x10E90]  }
0x22c: {  	v40 =	vld [tilespmem:s16+$0x11690]  }
0x22d: {  	v41 =	vld [tilespmem:s16+$0x11E90]  }
0x22e: {  	v42 =	vld [tilespmem:s16+$0x12690]  }
0x22f: {  	v43 =	vld [tilespmem:s16+$0x12E90]  }
0x230: {  	v44 =	vld [tilespmem:s16+$0x13690]  }
0x231: {  	v45 =	vld [tilespmem:s16+$0x13E90]  }
0x232: {  	v46 =	vld [tilespmem:s16+$0x14690]  }
0x233: {  	v47 =	vld [tilespmem:s16+$0x14E90]  }
0x234: {  	v48 =	vld [tilespmem:s16+$0x15690]  }
0x235: {  	v49 =	vld [tilespmem:s16+$0x15E90]  }
0x236: {  	v50 =	vld [tilespmem:s16+$0x16690]  }
0x237: {  	v51 =	vld [tilespmem:s16+$0x16E90]  }
0x238: {  	v52 =	vld [tilespmem:s16+$0x17690]  }
0x239: {  	v53 =	vld [tilespmem:s16+$0x17E90]  }
0x23a: {  	v54 =	vld [tilespmem:s16+$0x18690]  }
0x23b: {  	v28 =	vld [tilespmem:s16+$0x18E90];
	v5 =	vadd.f32 v34, v5;
	v55 =	vadd.f32 v8, v35  }
0x23c: {  	v56 =	vadd.f32 v37, v36;
	v57 =	vadd.f32 v39, v38  }
0x23d: {  	v58 =	vadd.f32 v41, v40;
	v59 =	vadd.f32 v43, v42  }
0x23e: {  	v60 =	vld [tilespmem:s16+$0x19690];
	v61 =	vadd.f32 v45, v44;
	v62 =	vadd.f32 v47, v46  }
0x23f: {  	v63 =	vld [tilespmem:s16+$0x19E90];
	v29 =	vadd.f32 v49, v48;
	v30 =	vadd.f32 v51, v50  }
0x240: {  	v31 =	vadd.f32 v53, v52;
	v32 =	vadd.f32 v28, v54  }
0x241: {  	v5 =	vadd.f32 v55, v5;
	v33 =	vadd.f32 v57, v56  }
0x242: {  	v34 =	vadd.f32 v59, v58;
	v35 =	vadd.f32 v62, v61  }
0x243: {  	v36 =	vadd.f32 v30, v29;
	v37 =	vadd.f32 v32, v31  }
0x244: {  	v11 =	vadd.f32 v63, v60;
	v5 =	vadd.f32 v33, v5  }
0x245: {  	v38 =	vadd.f32 v35, v34;
	v39 =	vadd.f32 v37, v36  }
0x246: {  	v40 =	vor.u32 v1, v4  }
0x247: {  	v5 =	vadd.f32 v38, v5;
	v41 =	vadd.f32 v11, v39;
	_ =	sdelay $0x1  }
0x248: {  	v5 =	vadd.f32 v41, v5;
	_ =	sdelay $0x1  }
0x249: {  	[tilespmem:v40+s0+$0x0] =	vst.idx.msk $0xffff, v5  }
0x24a: {  	v5 =	vld [tilespmem:s16+$0xD6A0]  }
0x24b: {  	v42 =	vld [tilespmem:s16+$0xDEA0]  }
0x24c: {  	v43 =	vld [tilespmem:s16+$0xE6A0]  }
0x24d: {  	v8 =	vld [tilespmem:s16+$0xEEA0]  }
0x24e: {  	v44 =	vld [tilespmem:s16+$0xF6A0]  }
0x24f: {  	v45 =	vld [tilespmem:s16+$0xFEA0]  }
0x250: {  	v46 =	vld [tilespmem:s16+$0x106A0]  }
0x251: {  	v47 =	vld [tilespmem:s16+$0x10EA0]  }
0x252: {  	v48 =	vld [tilespmem:s16+$0x116A0]  }
0x253: {  	v49 =	vld [tilespmem:s16+$0x11EA0]  }
0x254: {  	v50 =	vld [tilespmem:s16+$0x126A0]  }
0x255: {  	v51 =	vld [tilespmem:s16+$0x12EA0]  }
0x256: {  	v52 =	vld [tilespmem:s16+$0x136A0]  }
0x257: {  	v53 =	vld [tilespmem:s16+$0x13EA0]  }
0x258: {  	v54 =	vld [tilespmem:s16+$0x146A0]  }
0x259: {  	v55 =	vld [tilespmem:s16+$0x14EA0]  }
0x25a: {  	v56 =	vld [tilespmem:s16+$0x156A0]  }
0x25b: {  	v57 =	vld [tilespmem:s16+$0x15EA0]  }
0x25c: {  	v58 =	vld [tilespmem:s16+$0x166A0]  }
0x25d: {  	v59 =	vld [tilespmem:s16+$0x16EA0]  }
0x25e: {  	v60 =	vld [tilespmem:s16+$0x176A0]  }
0x25f: {  	v61 =	vld [tilespmem:s16+$0x17EA0]  }
0x260: {  	v62 =	vld [tilespmem:s16+$0x186A0]  }
0x261: {  	v63 =	vld [tilespmem:s16+$0x18EA0];
	v5 =	vadd.f32 v42, v5;
	v31 =	vadd.f32 v8, v43  }
0x262: {  	v32 =	vadd.f32 v45, v44;
	v33 =	vadd.f32 v47, v46  }
0x263: {  	v34 =	vadd.f32 v49, v48;
	v35 =	vadd.f32 v51, v50  }
0x264: {  	v36 =	vld [tilespmem:s16+$0x196A0];
	v37 =	vadd.f32 v53, v52;
	v38 =	vadd.f32 v55, v54  }
0x265: {  	v39 =	vld [tilespmem:s16+$0x19EA0];
	v40 =	vadd.f32 v57, v56;
	v41 =	vadd.f32 v59, v58  }
0x266: {  	v42 =	vadd.f32 v61, v60;
	v43 =	vadd.f32 v63, v62  }
0x267: {  	v5 =	vadd.f32 v31, v5;
	v44 =	vadd.f32 v33, v32  }
0x268: {  	v45 =	vadd.f32 v35, v34;
	v46 =	vadd.f32 v38, v37  }
0x269: {  	v47 =	vadd.f32 v41, v40;
	v48 =	vadd.f32 v43, v42  }
0x26a: {  	v11 =	vadd.f32 v39, v36;
	v5 =	vadd.f32 v44, v5  }
0x26b: {  	v49 =	vadd.f32 v46, v45;
	v50 =	vadd.f32 v48, v47  }
0x26c: {  	v51 =	vor.u32 v2, v4  }
0x26d: {  	v5 =	vadd.f32 v49, v5;
	v52 =	vadd.f32 v11, v50;
	_ =	sdelay $0x1  }
0x26e: {  	v5 =	vadd.f32 v52, v5;
	_ =	sdelay $0x1  }
0x26f: {  	[tilespmem:v51+s0+$0x0] =	vst.idx.msk $0xffff, v5  }
0x270: {  	v5 =	vld [tilespmem:s16+$0xD6B0]  }
0x271: {  	v53 =	vld [tilespmem:s16+$0xDEB0]  }
0x272: {  	v54 =	vld [tilespmem:s16+$0xE6B0]  }
0x273: {  	v8 =	vld [tilespmem:s16+$0xEEB0]  }
0x274: {  	v55 =	vld [tilespmem:s16+$0xF6B0]  }
0x275: {  	v56 =	vld [tilespmem:s16+$0xFEB0]  }
0x276: {  	v57 =	vld [tilespmem:s16+$0x106B0]  }
0x277: {  	v58 =	vld [tilespmem:s16+$0x10EB0]  }
0x278: {  	v59 =	vld [tilespmem:s16+$0x116B0]  }
0x279: {  	v60 =	vld [tilespmem:s16+$0x11EB0]  }
0x27a: {  	v61 =	vld [tilespmem:s16+$0x126B0]  }
0x27b: {  	v62 =	vld [tilespmem:s16+$0x12EB0]  }
0x27c: {  	v63 =	vld [tilespmem:s16+$0x136B0]  }
0x27d: {  	v32 =	vld [tilespmem:s16+$0x13EB0]  }
0x27e: {  	v33 =	vld [tilespmem:s16+$0x146B0]  }
0x27f: {  	v34 =	vld [tilespmem:s16+$0x14EB0]  }
0x280: {  	v35 =	vld [tilespmem:s16+$0x156B0]  }
0x281: {  	v36 =	vld [tilespmem:s16+$0x15EB0]  }
0x282: {  	v37 =	vld [tilespmem:s16+$0x166B0]  }
0x283: {  	v38 =	vld [tilespmem:s16+$0x16EB0]  }
0x284: {  	v39 =	vld [tilespmem:s16+$0x176B0]  }
0x285: {  	v40 =	vld [tilespmem:s16+$0x17EB0]  }
0x286: {  	v41 =	vld [tilespmem:s16+$0x186B0]  }
0x287: {  	v42 =	vld [tilespmem:s16+$0x18EB0];
	v5 =	vadd.f32 v53, v5;
	v43 =	vadd.f32 v8, v54  }
0x288: {  	v44 =	vadd.f32 v56, v55;
	v45 =	vadd.f32 v58, v57  }
0x289: {  	v46 =	vadd.f32 v60, v59;
	v47 =	vadd.f32 v62, v61  }
0x28a: {  	v48 =	vld [tilespmem:s16+$0x196B0];
	v49 =	vadd.f32 v32, v63;
	v50 =	vadd.f32 v34, v33  }
0x28b: {  	v51 =	vld [tilespmem:s16+$0x19EB0];
	v52 =	vadd.f32 v36, v35;
	v53 =	vadd.f32 v38, v37  }
0x28c: {  	v54 =	vadd.f32 v40, v39;
	v55 =	vadd.f32 v42, v41  }
0x28d: {  	v5 =	vadd.f32 v43, v5;
	v56 =	vadd.f32 v45, v44  }
0x28e: {  	v57 =	vadd.f32 v47, v46;
	v58 =	vadd.f32 v50, v49  }
0x28f: {  	v59 =	vadd.f32 v53, v52;
	v60 =	vadd.f32 v55, v54  }
0x290: {  	v11 =	vadd.f32 v51, v48;
	v5 =	vadd.f32 v56, v5  }
0x291: {  	v61 =	vadd.f32 v58, v57;
	v62 =	vadd.f32 v60, v59  }
0x292: {  	p0 =	sne.s32 s14, $0x1F00;
	v4 =	vor.u32 v3, v4  }
.Ltmp2:
0x293: {  	v5 =	vadd.f32 v61, v5;
	v63 =	vadd.f32 v11, v62;
	(pc) =	sbr.rel @p0 .LBB2_7-.Ltmp2, $3  }
0x294: {  	_ = 	snop  }
0x295: {  	v5 =	vadd.f32 v63, v5;
	_ =	sdelay $0x1  }
0x296: {  	s14 =	sadd.s32 $0x100, s14;
	s15 =	sadd.s32 $0x1, s15;
	[tilespmem:v4+s0+$0x0] =	vst.idx.msk $0xffff, v5  }
0x297: {  	s7 =	sadd.s32 $0x1, s7  }
0x298: {  	p0 =	sne.s32 s7, $0x8  }
.Ltmp3:
0x299: {  	s10 =	sadd.s32 s1, s10;
	(pc) =	sbr.rel @p0 .LBB2_2-.Ltmp3, $4  }
0x29a: {  	[hbm4b:s10+s11] =	stream.strided.scatter [tilespmem:s0], [sflag:$0x3], $0x800, s12, s11, $0x38;
	[tilespmem:$0x1AE80] =	vst v63  }
0x29b: {  	_ =	swait.ge [sflag:s13], $0x800  }
0x29c: {  	[sflag:s13] =	ssyncset.done $0x0  }
0x29d: {  	[sflag:s13] =	ssyncadd.s32 $0xFFFFF800  }
0x29e: {  	s10 =	rddreg [dreg:$0x6]  }
0x29f: {  	s7 =	rddreg [dreg:$0x5];
	s10 =	sadd.s32 $0x1, s10  }
0x2a0: {  	p0 =	sne.s32 s10, s7  }
.Ltmp4:
0x2a1: {  	_ = 	snop;
	(pc) =	sbr.rel @p0 .LBB2_1-.Ltmp4, $1  }
0x2a2: {  	_ =	sdelay $0x3  }
0x2a3: {  	_ =	sfence.sel $0x180000  }
0x2a4: {  	[bflag:$0x0] =	sbarrier.arrive $0xFFFF  }
0x2a5: {  	_ =	strace $0x90000047  }
0x2a6: {  	s0 =	stileid.u32;
	[bflag:$0x2] =	sbarrier.arrive $0xFFFF  }
0x2a7: {  	p0 =	sne.s32 s0, $0x0;
	s0 =	rddreg [dreg:$0x2]  }
0x2a8: {  	s0 =	sadd.s32 @!p0 $0x100000, s0  }
0x2a9: {  	[sflag:s0] =	ssyncadd.tile.s32 @!p0 $0x1;
	_ =	shalt  }
.Lfunc_end2:
_tile_overlayer_lowered:
.L_overlay_start_2:
0x2aa: {  	(tag) =	ssettag $0x2  }
0x2ab: {  	s0 =	rddreg [dreg:$0x0];
	s2 =	stileid.u32  }
0x2ac: {  	s1 =	rddreg [dreg:$0x1];
	p0 =	sne.s32 s2, $0x0  }
0x2ad: {  	s3 =	rddreg [dreg:$0x2];
	[bflag:$0x3] =	sbarrier.arrive $0xFFFF;
	s2 =	simm.s32 @!p0 $0x1C03  }
0x2ae: {  	[timem:s3], [sflag:s2] =	dma.local @!p0 [hbm:s0], s1  }
0x2af: {  	s0 =	simm.s32 @!p0 $0x3  }
0x2b0: {  	_ =	swait.ge @!p0 [sflag:s0], s1  }
0x2b1: {  	s1 =	ssub.s32 @!p0 $0x0, s1;
	[sflag:s0] =	ssyncset.done @!p0 $0x0  }
0x2b2: {  	[sflag:s0] =	ssyncadd.s32 @!p0 s1  }
0x2b3: {  	[bflag:$0x3] =	sbarrier.arrive $0xFFFF  }
0x2b4: {  	_ =	shalt  }

</sc_bundles>
